<compile_context>
chip_gen: v7x
topology: tpu7x:2x2x1
jax: 0.10.2.dev20260603
libtpu: 0.0.44.dev20260713+nightly
codegen_flags: <defaults>
</compile_context>

<pallas_src>
import functools

import jax
import jax.numpy as jnp
from jax import lax
from jax.experimental import pallas as pl
from jax.experimental.pallas import tpu as pltpu
from jax.experimental.pallas import tpu_sc as plsc

N_NODES = 100000
N_EDGES = 1600000
N_LABEL = 100000
D = 16
NC = 2
NS = 16
NW = NC * NS
SUB = 128
KMAC = 8
NMAC = 49
SPW = KMAC * NMAC
SROWS = NW * SPW
E_PAD = SROWS * SUB
TRASH = N_NODES
ZR = 6264
N_ACC = NS * ZR
CC = 1000
NCH = N_NODES // CC
CC8 = CC + 16
RB = 4
ZCH = 232
ZC1 = 2088
SSUB = 25
SEPW = SSUB * SUB
EL_PAD = NW * SEPW

f32 = jnp.float32
i32 = jnp.int32

_mesh = plsc.VectorSubcoreMesh(core_axis_name="c", subcore_axis_name="s")
_params = pltpu.CompilerParams(use_tc_tiling_on_sc=False,
                               needs_layout_passes=False)


def _make_conv(with_counts):
    out_type = [jax.ShapeDtypeStruct((NC, N_NODES, D), f32)]
    scratch = [
        pltpu.VMEM_SHARED((N_ACC, D), f32),
        pltpu.VMEM((KMAC, SUB), i32),
        pltpu.VMEM((KMAC, SUB), i32),
        pltpu.VMEM((RB, SUB, D), f32),
        pltpu.VMEM((ZCH, D), f32),
        pltpu.SemaphoreType.DMA,
    ]
    if with_counts:
        out_type.append(jax.ShapeDtypeStruct((NC * N_NODES,), f32))
        scratch.append(pltpu.VMEM_SHARED((N_ACC,), f32))
        scratch.append(pltpu.VMEM((ZC1 + 8,), f32))
        scratch.append(pltpu.VMEM((SUB,), f32))

    @functools.partial(pl.kernel, out_type=tuple(out_type), mesh=_mesh,
                       scratch_types=scratch, compiler_params=_params)
    def conv(*refs):
        if with_counts:
            (x_hbm, src_hbm, dst_hbm, part_hbm, cpart_hbm,
             accum, srci, dsti, rows, zbuf2, sem, counts, zbuf1, ones) = refs
        else:
            (x_hbm, src_hbm, dst_hbm, part_hbm,
             accum, srci, dsti, rows, zbuf2, sem) = refs
        c = lax.axis_index("c")
        s = lax.axis_index("s")
        wid = c * NS + s

        def zrow(i, carry):
            zbuf2[i] = jnp.zeros((D,), f32)
            return carry

        lax.fori_loop(0, ZCH, zrow, 0)

        def zcp(t, carry):
            pltpu.sync_copy(zbuf2, accum.at[pl.ds(s * ZR + t * ZCH, ZCH)])
            return carry

        lax.fori_loop(0, ZR // ZCH, zcp, 0)
        if with_counts:
            def zrow1(i, carry):
                zbuf1[pl.ds(i * 16, 16)] = jnp.zeros((16,), f32)
                return carry

            lax.fori_loop(0, (ZC1 + 8) // 16, zrow1, 0)
            for t in range(ZR // ZC1):
                pltpu.sync_copy(zbuf1.at[pl.ds(0, ZC1)],
                                counts.at[pl.ds(s * ZR + t * ZC1, ZC1)])
            for i in range(SUB // 16):
                ones[pl.ds(i * 16, 16)] = jnp.ones((16,), f32)
        plsc.subcore_barrier()

        def macro(m, carry):
            row0 = wid * SPW + m * KMAC
            pltpu.sync_copy(src_hbm.at[pl.ds(row0, KMAC)], srci)
            pltpu.sync_copy(dst_hbm.at[pl.ds(row0, KMAC)], dsti)
            for h in range(KMAC // RB):
                cps = [pltpu.async_copy(x_hbm.at[srci.at[h * RB + j]],
                                        rows.at[j], sem)
                       for j in range(RB)]
                for cp in cps:
                    cp.wait()
                for j in range(RB):
                    pltpu.sync_copy(rows.at[j],
                                    accum.at[dsti.at[h * RB + j]], add=True)
                    if with_counts:
                        pltpu.sync_copy(ones,
                                        counts.at[dsti.at[h * RB + j]],
                                        add=True)
            return carry

        lax.fori_loop(0, NMAC, macro, 0)
        plsc.subcore_barrier()

        for k in range(NCH // NS + 1):
            cid = k * NS + s

            @pl.when(cid < NCH)
            def _():
                off = cid * CC
                pltpu.sync_copy(accum.at[pl.ds(off, CC)],
                                part_hbm.at[c, pl.ds(off, CC)])
                if with_counts:
                    pltpu.sync_copy(counts.at[pl.ds(off, CC)],
                                    cpart_hbm.at[pl.ds(c * N_NODES + off, CC)])

    return conv


_conv_counts = _make_conv(True)
_conv = _make_conv(False)


@functools.partial(
    pl.kernel,
    out_type=(jax.ShapeDtypeStruct((N_NODES, D), f32),
              jax.ShapeDtypeStruct((N_NODES,), f32)),
    mesh=_mesh,
    compiler_params=_params,
    scratch_types=[
        pltpu.VMEM((CC, D), f32), pltpu.VMEM((CC, D), f32),
        pltpu.VMEM((CC8,), f32), pltpu.VMEM((CC8,), f32),
        pltpu.VMEM((CC8,), f32), pltpu.VMEM((CC, D), f32),
    ])
def _combine_mid(part_hbm, cpart_hbm, x_out, inv_out,
                 p0c, p1c, c0c, c1c, invs, outc):
    c = lax.axis_index("c")
    s = lax.axis_index("s")
    wid = c * NS + s
    for k in range(NCH // NW + 1):
        cid = wid + NW * k

        @pl.when(cid < NCH)
        def _():
            off = cid * CC
            pltpu.sync_copy(part_hbm.at[0, pl.ds(off, CC)], p0c)
            pltpu.sync_copy(part_hbm.at[1, pl.ds(off, CC)], p1c)
            pltpu.sync_copy(cpart_hbm.at[pl.ds(off, CC)],
                            c0c.at[pl.ds(0, CC)])
            pltpu.sync_copy(cpart_hbm.at[pl.ds(N_NODES + off, CC)],
                            c1c.at[pl.ds(0, CC)])

            def vinv(v, carry):
                cv = c0c[pl.ds(v * 16, 16)] + c1c[pl.ds(v * 16, 16)]
                invs[pl.ds(v * 16, 16)] = 1.0 / jnp.maximum(cv, 1.0)
                return carry

            lax.fori_loop(0, CC8 // 16, vinv, 0)

            def rowf(i, carry):
                iv = invs[pl.ds(i, 16)][0]
                outc[i] = (p0c[i] + p1c[i]) * iv
                return carry

            lax.fori_loop(0, CC, rowf, 0)
            pltpu.sync_copy(outc, x_out.at[pl.ds(off, CC)])
            pltpu.sync_copy(invs.at[pl.ds(0, CC)], inv_out.at[pl.ds(off, CC)])


@functools.partial(
    pl.kernel,
    out_type=jax.ShapeDtypeStruct((N_NODES, D), f32),
    mesh=_mesh,
    compiler_params=_params,
    scratch_types=[
        pltpu.VMEM((CC, D), f32), pltpu.VMEM((CC, D), f32),
        pltpu.VMEM((CC8,), f32),
        pltpu.VMEM((CC, D), f32), pltpu.VMEM((CC, D), f32),
        pltpu.VMEM((CC, D), f32),
    ])
def _combine_final(part_hbm, inv_hbm, x0_hbm, x1_hbm, fin_out,
                   p0c, p1c, invs, x0c, x1c, outc):
    c = lax.axis_index("c")
    s = lax.axis_index("s")
    wid = c * NS + s
    for k in range(NCH // NW + 1):
        cid = wid + NW * k

        @pl.when(cid < NCH)
        def _():
            off = cid * CC
            pltpu.sync_copy(part_hbm.at[0, pl.ds(off, CC)], p0c)
            pltpu.sync_copy(part_hbm.at[1, pl.ds(off, CC)], p1c)
            pltpu.sync_copy(inv_hbm.at[pl.ds(off, CC)], invs.at[pl.ds(0, CC)])
            pltpu.sync_copy(x0_hbm.at[pl.ds(off, CC)], x0c)
            pltpu.sync_copy(x1_hbm.at[pl.ds(off, CC)], x1c)

            def rowf(i, carry):
                iv = invs[pl.ds(i, 16)][0]
                x2 = (p0c[i] + p1c[i]) * iv
                outc[i] = (x0c[i] + x1c[i] + x2) * 0.5
                return carry

            lax.fori_loop(0, CC, rowf, 0)
            pltpu.sync_copy(outc, fin_out.at[pl.ds(off, CC)])


@functools.partial(
    pl.kernel,
    out_type=jax.ShapeDtypeStruct((EL_PAD,), f32),
    mesh=_mesh,
    compiler_params=_params,
    scratch_types=[
        pltpu.VMEM((SEPW,), i32), pltpu.VMEM((SEPW,), i32),
        pltpu.VMEM((SUB, D), f32), pltpu.VMEM((SUB, D), f32),
        pltpu.VMEM((SEPW,), f32), pltpu.SemaphoreType.DMA,
    ])
def _score(fin_hbm, a_hbm, b_hbm, out_hbm, ai, bi, n1, n2, outv, sem):
    c = lax.axis_index("c")
    s = lax.axis_index("s")
    wid = c * NS + s
    base = wid * SEPW
    pltpu.sync_copy(a_hbm.at[pl.ds(base, SEPW)], ai)
    pltpu.sync_copy(b_hbm.at[pl.ds(base, SEPW)], bi)

    def body(m, carry):
        cp1 = pltpu.async_copy(fin_hbm.at[ai.at[pl.ds(m * SUB, SUB)]], n1, sem)
        cp2 = pltpu.async_copy(fin_hbm.at[bi.at[pl.ds(m * SUB, SUB)]], n2, sem)
        cp1.wait()
        cp2.wait()

        def grp(g, carry2):
            ridx = g * 16 + lax.iota(i32, 16)
            acc = jnp.zeros((16,), f32)
            for d in range(D):
                cidx = jnp.full((16,), d, i32)
                v1 = plsc.load_gather(n1, [ridx, cidx])
                v2 = plsc.load_gather(n2, [ridx, cidx])
                acc = acc + v1 * v2
            outv[pl.ds(m * SUB + g * 16, 16)] = 1.0 / (1.0 + jnp.exp(-acc))
            return carry2

        lax.fori_loop(0, SUB // 16, grp, 0)
        return carry

    lax.fori_loop(0, SSUB, body, 0)
    pltpu.sync_copy(outv, out_hbm.at[pl.ds(base, SEPW)])


def kernel(edge_index, edge_label_index, node_label_index, emb_table):
    del node_label_index
    epad = E_PAD - N_EDGES
    src_p = jnp.concatenate(
        [edge_index[0], jnp.zeros((epad,), i32)]).reshape(SROWS, SUB)
    dst_p = jnp.concatenate(
        [edge_index[1], jnp.full((epad,), TRASH, i32)]).reshape(SROWS, SUB)
    lpad = EL_PAD - N_LABEL
    a_p = jnp.concatenate([edge_label_index[0], jnp.zeros((lpad,), i32)])
    b_p = jnp.concatenate([edge_label_index[1], jnp.zeros((lpad,), i32)])
    x0 = emb_table
    part1, cpart = _conv_counts(x0, src_p, dst_p)
    x1, inv = _combine_mid(part1, cpart)
    (part2,) = _conv(x1, src_p, dst_p)
    fin = _combine_final(part2, inv, x0, x1)
    out = _score(fin, a_p, b_p)
    return out[:N_LABEL]

# --- scband reference (transcript-rebuilt; emitter-appended) ---
"""Pipeline reference for scband-light-gcn-35845797053213 (READ-ONLY COPY).

The authoritative reference and input builder live on the scoring server;
editing this copy changes nothing except your own understanding.
"""

import jax, jax.numpy as jnp
import numpy as np

N_NODES = 100000
N_EDGES = 1600000
N_LABEL_EDGES = 100000
EMB_SIZE = 16
NUM_LAYERS = 2


def setup_inputs(seed: int = 0) -> dict:
    key = jax.random.key(seed)
    k1, k2, k3 = jax.random.split(key, 3)
    edge_index = jax.random.randint(k1, (2, N_EDGES), 0, N_NODES, dtype=jnp.int32)
    edge_label_index = jax.random.randint(k2, (2, N_LABEL_EDGES), 0, N_NODES, dtype=jnp.int32)
    node_label_index = jnp.arange(N_NODES, dtype=jnp.int32)
    emb_table = jax.random.normal(k3, (N_NODES, EMB_SIZE), dtype=jnp.float32) * 0.1
    return {
        "edge_index": edge_index,
        "edge_label_index": edge_label_index,
        "node_label_index": node_label_index,
        "emb_table": emb_table,
    }


def _lgcn_conv(x, edge_index, num_nodes):
    # message: x_j = x[src]; aggregate: scatter-mean over dst index
    src = edge_index[0]
    dst = edge_index[1]
    msgs = jnp.take(x, src, axis=0)
    summed = jax.ops.segment_sum(msgs, dst, num_segments=num_nodes)
    counts = jax.ops.segment_sum(jnp.ones((msgs.shape[0],), dtype=x.dtype), dst, num_segments=num_nodes)
    counts = jnp.clip(counts, 1.0, None)
    return summed / counts[:, None]


def reference(edge_index, edge_label_index, node_label_index, emb_table):
    # x = embeddings(node_label_index)
    x = jnp.take(emb_table, node_label_index, axis=0)
    final_emb = x
    for _ in range(NUM_LAYERS):
        x = _lgcn_conv(x, edge_index, N_NODES)
        final_emb = final_emb + x
    final_emb = final_emb / NUM_LAYERS
    n1 = jnp.take(final_emb, edge_label_index[0].astype(jnp.int32), axis=0)
    n2 = jnp.take(final_emb, edge_label_index[1].astype(jnp.int32), axis=0)
    out = jnp.sum(n1 * n2, axis=-1)
    pred = jax.nn.sigmoid(out)
    return pred.reshape(-1)

if __name__ == "__main__":
    import jax
    _d = setup_inputs()
    print(jax.jit(kernel)(*tuple(_d.values())))

</pallas_src>

<mosaic_0001>
#map = affine_map<(d0, d1) -> (0, 0, 0)>
#map1 = affine_map<(d0, d1) -> (0)>
#map2 = affine_map<(d0, d1) -> (0, 0)>
module attributes {stable_mosaic.version = 14 : i64} {
  func.func @_combine_mid(%arg0: i32, %arg1: i32, %arg2: memref<2x100000x16xf32, #tpu.memory_space<hbm>>, %arg3: memref<200000xf32, #tpu.memory_space<hbm>>, %arg4: memref<100000x16xf32, #tpu.memory_space<hbm>>, %arg5: memref<100000xf32, #tpu.memory_space<hbm>>, %arg6: memref<1000x16xf32, #tpu.memory_space<vmem>>, %arg7: memref<1000x16xf32, #tpu.memory_space<vmem>>, %arg8: memref<1016xf32, #tpu.memory_space<vmem>>, %arg9: memref<1016xf32, #tpu.memory_space<vmem>>, %arg10: memref<1016xf32, #tpu.memory_space<vmem>>, %arg11: memref<1000x16xf32, #tpu.memory_space<vmem>>) attributes {dimension_semantics = [#tpu.dimension_semantics<core_parallel>, #tpu.dimension_semantics<subcore_parallel>], iteration_bounds = array<i64: 2, 16>, scalar_prefetch = 0 : i64, scratch_operands = 6 : i64, tpu.core_type = #tpu.core_type<sc_vector_subcore>, window_params = [{transform_indices = #map}, {transform_indices = #map1}, {transform_indices = #map2}, {transform_indices = #map1}]} {
    %mul3A = arith.constant 16 : i32
    %mul3A_0 = arith.muli %arg0, %mul3A : i32
    %add3A = arith.addi %mul3A_0, %arg1 : i32
    %add3A_1 = arith.constant 0 : i32
    %add3A_2 = arith.addi %add3A, %add3A_1 : i32
    %lt3A = arith.constant 100 : i32
    %lt3A_3 = arith.cmpi slt, %add3A_2, %lt3A : i32
    %convert_element_type3A = arith.extui %lt3A_3 : i1 to i32
    %cond3A = arith.constant 0 : i32
    %cond3A_4 = arith.cmpi ne, %convert_element_type3A, %cond3A : i32
    scf.if %cond3A_4 {
      %mul3A_26 = arith.constant 1000 : i32
      %mul3A_27 = arith.muli %add3A_2, %mul3A_26 : i32
      %run_scoped3A = arith.constant 0 : i32
      "tpu.region"() ({
        %run_scoped3A_42 = tpu.sem_alloc : memref<!tpu.dma_semaphore, #tpu.memory_space<semaphore_mem>>
        %dma_start3A = arith.constant 0 : i32
        %dma_start3A_43 = tpu.memref_slice %arg2[%run_scoped3A, %mul3A_27, %dma_start3A] : memref<2x100000x16xf32, #tpu.memory_space<hbm>> -> memref<1x1000x16xf32, #tpu.memory_space<hbm>>
        %dma_start3A_44 = tpu.memref_squeeze %dma_start3A_43 : memref<1x1000x16xf32, #tpu.memory_space<hbm>> -> memref<1000x16xf32, #tpu.memory_space<hbm>>
        %dma_start3A_45 = arith.constant 0 : i32
        %dma_start3A_46 = tpu.memref_slice %arg2[%run_scoped3A, %mul3A_27, %dma_start3A_45] : memref<2x100000x16xf32, #tpu.memory_space<hbm>> -> memref<1x1000x16xf32, #tpu.memory_space<hbm>>
        %dma_start3A_47 = tpu.memref_squeeze %dma_start3A_46 : memref<1x1000x16xf32, #tpu.memory_space<hbm>> -> memref<1000x16xf32, #tpu.memory_space<hbm>>
        tpu.enqueue_dma source(%dma_start3A_47 : memref<1000x16xf32, #tpu.memory_space<hbm>>) target(%arg6 : memref<1000x16xf32, #tpu.memory_space<vmem>>) target_semaphore(%run_scoped3A_42 : memref<!tpu.dma_semaphore, #tpu.memory_space<semaphore_mem>>)
        %dma_wait3A = arith.constant 0 : i32
        %dma_wait3A_48 = tpu.memref_slice %arg2[%run_scoped3A, %mul3A_27, %dma_wait3A] : memref<2x100000x16xf32, #tpu.memory_space<hbm>> -> memref<1x1000x16xf32, #tpu.memory_space<hbm>>
        %dma_wait3A_49 = tpu.memref_squeeze %dma_wait3A_48 : memref<1x1000x16xf32, #tpu.memory_space<hbm>> -> memref<1000x16xf32, #tpu.memory_space<hbm>>
        %dma_wait3A_50 = arith.constant 0 : i32
        %dma_wait3A_51 = tpu.memref_slice %arg2[%run_scoped3A, %mul3A_27, %dma_wait3A_50] : memref<2x100000x16xf32, #tpu.memory_space<hbm>> -> memref<1x1000x16xf32, #tpu.memory_space<hbm>>
        %dma_wait3A_52 = tpu.memref_squeeze %dma_wait3A_51 : memref<1x1000x16xf32, #tpu.memory_space<hbm>> -> memref<1000x16xf32, #tpu.memory_space<hbm>>
        tpu.wait_dma2 semaphore(%run_scoped3A_42 : memref<!tpu.dma_semaphore, #tpu.memory_space<semaphore_mem>>) src(%dma_wait3A_52 : memref<1000x16xf32, #tpu.memory_space<hbm>>) dst(%arg6 : memref<1000x16xf32, #tpu.memory_space<vmem>>)
        tpu.yield
      }) : () -> ()
      %run_scoped3A_28 = arith.constant 1 : i32
      "tpu.region"() ({
        %run_scoped3A_42 = tpu.sem_alloc : memref<!tpu.dma_semaphore, #tpu.memory_space<semaphore_mem>>
        %dma_start3A = arith.constant 0 : i32
        %dma_start3A_43 = tpu.memref_slice %arg2[%run_scoped3A_28, %mul3A_27, %dma_start3A] : memref<2x100000x16xf32, #tpu.memory_space<hbm>> -> memref<1x1000x16xf32, #tpu.memory_space<hbm>>
        %dma_start3A_44 = tpu.memref_squeeze %dma_start3A_43 : memref<1x1000x16xf32, #tpu.memory_space<hbm>> -> memref<1000x16xf32, #tpu.memory_space<hbm>>
        %dma_start3A_45 = arith.constant 0 : i32
        %dma_start3A_46 = tpu.memref_slice %arg2[%run_scoped3A_28, %mul3A_27, %dma_start3A_45] : memref<2x100000x16xf32, #tpu.memory_space<hbm>> -> memref<1x1000x16xf32, #tpu.memory_space<hbm>>
        %dma_start3A_47 = tpu.memref_squeeze %dma_start3A_46 : memref<1x1000x16xf32, #tpu.memory_space<hbm>> -> memref<1000x16xf32, #tpu.memory_space<hbm>>
        tpu.enqueue_dma source(%dma_start3A_47 : memref<1000x16xf32, #tpu.memory_space<hbm>>) target(%arg7 : memref<1000x16xf32, #tpu.memory_space<vmem>>) target_semaphore(%run_scoped3A_42 : memref<!tpu.dma_semaphore, #tpu.memory_space<semaphore_mem>>)
        %dma_wait3A = arith.constant 0 : i32
        %dma_wait3A_48 = tpu.memref_slice %arg2[%run_scoped3A_28, %mul3A_27, %dma_wait3A] : memref<2x100000x16xf32, #tpu.memory_space<hbm>> -> memref<1x1000x16xf32, #tpu.memory_space<hbm>>
        %dma_wait3A_49 = tpu.memref_squeeze %dma_wait3A_48 : memref<1x1000x16xf32, #tpu.memory_space<hbm>> -> memref<1000x16xf32, #tpu.memory_space<hbm>>
        %dma_wait3A_50 = arith.constant 0 : i32
        %dma_wait3A_51 = tpu.memref_slice %arg2[%run_scoped3A_28, %mul3A_27, %dma_wait3A_50] : memref<2x100000x16xf32, #tpu.memory_space<hbm>> -> memref<1x1000x16xf32, #tpu.memory_space<hbm>>
        %dma_wait3A_52 = tpu.memref_squeeze %dma_wait3A_51 : memref<1x1000x16xf32, #tpu.memory_space<hbm>> -> memref<1000x16xf32, #tpu.memory_space<hbm>>
        tpu.wait_dma2 semaphore(%run_scoped3A_42 : memref<!tpu.dma_semaphore, #tpu.memory_space<semaphore_mem>>) src(%dma_wait3A_52 : memref<1000x16xf32, #tpu.memory_space<hbm>>) dst(%arg7 : memref<1000x16xf32, #tpu.memory_space<vmem>>)
        tpu.yield
      }) : () -> ()
      "tpu.region"() ({
        %run_scoped3A_42 = tpu.sem_alloc : memref<!tpu.dma_semaphore, #tpu.memory_space<semaphore_mem>>
        %dma_start3A = arith.constant 0 : i32
        %dma_start3A_43 = tpu.memref_slice %arg8[%dma_start3A] : memref<1016xf32, #tpu.memory_space<vmem>> -> memref<1000xf32, #tpu.memory_space<vmem>>
        %dma_start3A_44 = tpu.memref_slice %arg3[%mul3A_27] : memref<200000xf32, #tpu.memory_space<hbm>> -> memref<1000xf32, #tpu.memory_space<hbm>>
        %dma_start3A_45 = arith.constant 0 : i32
        %dma_start3A_46 = tpu.memref_slice %arg8[%dma_start3A_45] : memref<1016xf32, #tpu.memory_space<vmem>> -> memref<1000xf32, #tpu.memory_space<vmem>>
        %dma_start3A_47 = tpu.memref_slice %arg3[%mul3A_27] : memref<200000xf32, #tpu.memory_space<hbm>> -> memref<1000xf32, #tpu.memory_space<hbm>>
        tpu.enqueue_dma source(%dma_start3A_47 : memref<1000xf32, #tpu.memory_space<hbm>>) target(%dma_start3A_46 : memref<1000xf32, #tpu.memory_space<vmem>>) target_semaphore(%run_scoped3A_42 : memref<!tpu.dma_semaphore, #tpu.memory_space<semaphore_mem>>)
        %dma_wait3A = arith.constant 0 : i32
        %dma_wait3A_48 = tpu.memref_slice %arg8[%dma_wait3A] : memref<1016xf32, #tpu.memory_space<vmem>> -> memref<1000xf32, #tpu.memory_space<vmem>>
        %dma_wait3A_49 = tpu.memref_slice %arg3[%mul3A_27] : memref<200000xf32, #tpu.memory_space<hbm>> -> memref<1000xf32, #tpu.memory_space<hbm>>
        %dma_wait3A_50 = arith.constant 0 : i32
        %dma_wait3A_51 = tpu.memref_slice %arg8[%dma_wait3A_50] : memref<1016xf32, #tpu.memory_space<vmem>> -> memref<1000xf32, #tpu.memory_space<vmem>>
        %dma_wait3A_52 = tpu.memref_slice %arg3[%mul3A_27] : memref<200000xf32, #tpu.memory_space<hbm>> -> memref<1000xf32, #tpu.memory_space<hbm>>
        tpu.wait_dma2 semaphore(%run_scoped3A_42 : memref<!tpu.dma_semaphore, #tpu.memory_space<semaphore_mem>>) src(%dma_wait3A_52 : memref<1000xf32, #tpu.memory_space<hbm>>) dst(%dma_wait3A_51 : memref<1000xf32, #tpu.memory_space<vmem>>)
        tpu.yield
      }) : () -> ()
      %add3A_29 = arith.constant 100000 : i32
      %add3A_30 = arith.addi %add3A_29, %mul3A_27 : i32
      "tpu.region"() ({
        %run_scoped3A_42 = tpu.sem_alloc : memref<!tpu.dma_semaphore, #tpu.memory_space<semaphore_mem>>
        %dma_start3A = arith.constant 0 : i32
        %dma_start3A_43 = tpu.memref_slice %arg9[%dma_start3A] : memref<1016xf32, #tpu.memory_space<vmem>> -> memref<1000xf32, #tpu.memory_space<vmem>>
        %dma_start3A_44 = tpu.memref_slice %arg3[%add3A_30] : memref<200000xf32, #tpu.memory_space<hbm>> -> memref<1000xf32, #tpu.memory_space<hbm>>
        %dma_start3A_45 = arith.constant 0 : i32
        %dma_start3A_46 = tpu.memref_slice %arg9[%dma_start3A_45] : memref<1016xf32, #tpu.memory_space<vmem>> -> memref<1000xf32, #tpu.memory_space<vmem>>
        %dma_start3A_47 = tpu.memref_slice %arg3[%add3A_30] : memref<200000xf32, #tpu.memory_space<hbm>> -> memref<1000xf32, #tpu.memory_space<hbm>>
        tpu.enqueue_dma source(%dma_start3A_47 : memref<1000xf32, #tpu.memory_space<hbm>>) target(%dma_start3A_46 : memref<1000xf32, #tpu.memory_space<vmem>>) target_semaphore(%run_scoped3A_42 : memref<!tpu.dma_semaphore, #tpu.memory_space<semaphore_mem>>)
        %dma_wait3A = arith.constant 0 : i32
        %dma_wait3A_48 = tpu.memref_slice %arg9[%dma_wait3A] : memref<1016xf32, #tpu.memory_space<vmem>> -> memref<1000xf32, #tpu.memory_space<vmem>>
        %dma_wait3A_49 = tpu.memref_slice %arg3[%add3A_30] : memref<200000xf32, #tpu.memory_space<hbm>> -> memref<1000xf32, #tpu.memory_space<hbm>>
        %dma_wait3A_50 = arith.constant 0 : i32
        %dma_wait3A_51 = tpu.memref_slice %arg9[%dma_wait3A_50] : memref<1016xf32, #tpu.memory_space<vmem>> -> memref<1000xf32, #tpu.memory_space<vmem>>
        %dma_wait3A_52 = tpu.memref_slice %arg3[%add3A_30] : memref<200000xf32, #tpu.memory_space<hbm>> -> memref<1000xf32, #tpu.memory_space<hbm>>
        tpu.wait_dma2 semaphore(%run_scoped3A_42 : memref<!tpu.dma_semaphore, #tpu.memory_space<semaphore_mem>>) src(%dma_wait3A_52 : memref<1000xf32, #tpu.memory_space<hbm>>) dst(%dma_wait3A_51 : memref<1000xf32, #tpu.memory_space<vmem>>)
        tpu.yield
      }) : () -> ()
      %scan3A = arith.constant 0 : i32
      %scan3A_31 = arith.constant 0 : i32
      %scan3A_32 = arith.constant 63 : i32
      %scan3A_33 = arith.addi %scan3A_31, %scan3A_32 : i32
      %scan3A_34 = arith.constant 1 : i32
      scf.for %scan3A_42 = %scan3A_31 to %scan3A_33 step %scan3A_34  : i32 {
        %mul3A_43 = arith.constant 16 : i32
        %mul3A_44 = arith.muli %scan3A_42, %mul3A_43 : i32
        %get3A = arith.index_cast %mul3A_44 : i32 to index
        %get3A_45 = tpu.vector_load %arg8[%get3A] {strides = array<i32>} : memref<1016xf32, #tpu.memory_space<vmem>>, vector<16xf32>,
        %mul3A_46 = arith.constant 16 : i32
        %mul3A_47 = arith.muli %scan3A_42, %mul3A_46 : i32
        %get3A_48 = arith.index_cast %mul3A_47 : i32 to index
        %get3A_49 = tpu.vector_load %arg9[%get3A_48] {strides = array<i32>} : memref<1016xf32, #tpu.memory_space<vmem>>, vector<16xf32>,
        %add3A_50 = arith.addf %get3A_45, %get3A_49 : vector<16xf32>
        %max3A = arith.constant 1.000000e+00 : f32
        %max3A_51 = vector.broadcast %max3A : f32 to vector<16xf32>
        %max3A_52 = arith.maximumf %add3A_50, %max3A_51 : vector<16xf32>
        %div3A = arith.constant 1.000000e+00 : f32
        %div3A_53 = vector.broadcast %div3A : f32 to vector<16xf32>
        %div3A_54 = arith.divf %div3A_53, %max3A_52 : vector<16xf32>
        %mul3A_55 = arith.constant 16 : i32
        %mul3A_56 = arith.muli %scan3A_42, %mul3A_55 : i32
        %swap3A = arith.index_cast %mul3A_56 : i32 to index
        %swap3A_57 = tpu.vector_load %arg10[%swap3A] {strides = array<i32>} : memref<1016xf32, #tpu.memory_space<vmem>>, vector<16xf32>,
        tpu.vector_store %arg10[%swap3A], %div3A_54 {strides = array<i32>} : memref<1016xf32, #tpu.memory_space<vmem>>, vector<16xf32>,
      }
      %scan3A_35 = arith.constant 63 : i32
      %scan3A_36 = arith.constant 0 : i32
      %scan3A_37 = arith.constant 0 : i32
      %scan3A_38 = arith.constant 1000 : i32
      %scan3A_39 = arith.addi %scan3A_37, %scan3A_38 : i32
      %scan3A_40 = arith.constant 1 : i32
      scf.for %scan3A_42 = %scan3A_37 to %scan3A_39 step %scan3A_40  : i32 {
        %get3A = arith.index_cast %scan3A_42 : i32 to index
        %get3A_43 = tpu.vector_load %arg10[%get3A] {strides = array<i32>} : memref<1016xf32, #tpu.memory_space<vmem>>, vector<16xf32>,
        %slice3A = vector.extract_strided_slice %get3A_43 {offsets = [0], sizes = [1], strides = [1]} : vector<16xf32> to vector<1xf32>
        %squeeze3A = vector.extract %slice3A[0] : f32 from vector<1xf32>
        %get3A_44 = arith.index_cast %scan3A_42 : i32 to index
        %get3A_45 = arith.constant 0 : index
        %get3A_46 = tpu.vector_load %arg6[%get3A_44, %get3A_45] {strides = array<i32>} : memref<1000x16xf32, #tpu.memory_space<vmem>>, vector<16xf32>,
        %get3A_47 = arith.index_cast %scan3A_42 : i32 to index
        %get3A_48 = arith.constant 0 : index
        %get3A_49 = tpu.vector_load %arg7[%get3A_47, %get3A_48] {strides = array<i32>} : memref<1000x16xf32, #tpu.memory_space<vmem>>, vector<16xf32>,
        %add3A_50 = arith.addf %get3A_46, %get3A_49 : vector<16xf32>
        %mul3A_51 = vector.broadcast %squeeze3A : f32 to vector<16xf32>
        %mul3A_52 = arith.mulf %add3A_50, %mul3A_51 : vector<16xf32>
        %swap3A = arith.index_cast %scan3A_42 : i32 to index
        %swap3A_53 = arith.constant 0 : index
        %swap3A_54 = tpu.vector_load %arg11[%swap3A, %swap3A_53] {strides = array<i32>} : memref<1000x16xf32, #tpu.memory_space<vmem>>, vector<16xf32>,
        tpu.vector_store %arg11[%swap3A, %swap3A_53], %mul3A_52 {strides = array<i32>} : memref<1000x16xf32, #tpu.memory_space<vmem>>, vector<16xf32>,
      }
      %scan3A_41 = arith.constant 1000 : i32
      "tpu.region"() ({
        %run_scoped3A_42 = tpu.sem_alloc : memref<!tpu.dma_semaphore, #tpu.memory_space<semaphore_mem>>
        %dma_start3A = arith.constant 0 : i32
        %dma_start3A_43 = tpu.memref_slice %arg4[%mul3A_27, %dma_start3A] : memref<100000x16xf32, #tpu.memory_space<hbm>> -> memref<1000x16xf32, #tpu.memory_space<hbm>>
        %dma_start3A_44 = arith.constant 0 : i32
        %dma_start3A_45 = tpu.memref_slice %arg4[%mul3A_27, %dma_start3A_44] : memref<100000x16xf32, #tpu.memory_space<hbm>> -> memref<1000x16xf32, #tpu.memory_space<hbm>>
        tpu.enqueue_dma source(%arg11 : memref<1000x16xf32, #tpu.memory_space<vmem>>) target(%dma_start3A_45 : memref<1000x16xf32, #tpu.memory_space<hbm>>) target_semaphore(%run_scoped3A_42 : memref<!tpu.dma_semaphore, #tpu.memory_space<semaphore_mem>>)
        %dma_wait3A = arith.constant 0 : i32
        %dma_wait3A_46 = tpu.memref_slice %arg4[%mul3A_27, %dma_wait3A] : memref<100000x16xf32, #tpu.memory_space<hbm>> -> memref<1000x16xf32, #tpu.memory_space<hbm>>
        %dma_wait3A_47 = arith.constant 0 : i32
        %dma_wait3A_48 = tpu.memref_slice %arg4[%mul3A_27, %dma_wait3A_47] : memref<100000x16xf32, #tpu.memory_space<hbm>> -> memref<1000x16xf32, #tpu.memory_space<hbm>>
        tpu.wait_dma2 semaphore(%run_scoped3A_42 : memref<!tpu.dma_semaphore, #tpu.memory_space<semaphore_mem>>) src(%arg11 : memref<1000x16xf32, #tpu.memory_space<vmem>>) dst(%dma_wait3A_48 : memref<1000x16xf32, #tpu.memory_space<hbm>>)
        tpu.yield
      }) : () -> ()
      "tpu.region"() ({
        %run_scoped3A_42 = tpu.sem_alloc : memref<!tpu.dma_semaphore, #tpu.memory_space<semaphore_mem>>
        %dma_start3A = arith.constant 0 : i32
        %dma_start3A_43 = tpu.memref_slice %arg10[%dma_start3A] : memref<1016xf32, #tpu.memory_space<vmem>> -> memref<1000xf32, #tpu.memory_space<vmem>>
        %dma_start3A_44 = tpu.memref_slice %arg5[%mul3A_27] : memref<100000xf32, #tpu.memory_space<hbm>> -> memref<1000xf32, #tpu.memory_space<hbm>>
        %dma_start3A_45 = tpu.memref_slice %arg5[%mul3A_27] : memref<100000xf32, #tpu.memory_space<hbm>> -> memref<1000xf32, #tpu.memory_space<hbm>>
        %dma_start3A_46 = arith.constant 0 : i32
        %dma_start3A_47 = tpu.memref_slice %arg10[%dma_start3A_46] : memref<1016xf32, #tpu.memory_space<vmem>> -> memref<1000xf32, #tpu.memory_space<vmem>>
        tpu.enqueue_dma source(%dma_start3A_47 : memref<1000xf32, #tpu.memory_space<vmem>>) target(%dma_start3A_45 : memref<1000xf32, #tpu.memory_space<hbm>>) target_semaphore(%run_scoped3A_42 : memref<!tpu.dma_semaphore, #tpu.memory_space<semaphore_mem>>)
        %dma_wait3A = arith.constant 0 : i32
        %dma_wait3A_48 = tpu.memref_slice %arg10[%dma_wait3A] : memref<1016xf32, #tpu.memory_space<vmem>> -> memref<1000xf32, #tpu.memory_space<vmem>>
        %dma_wait3A_49 = tpu.memref_slice %arg5[%mul3A_27] : memref<100000xf32, #tpu.memory_space<hbm>> -> memref<1000xf32, #tpu.memory_space<hbm>>
        %dma_wait3A_50 = tpu.memref_slice %arg5[%mul3A_27] : memref<100000xf32, #tpu.memory_space<hbm>> -> memref<1000xf32, #tpu.memory_space<hbm>>
        %dma_wait3A_51 = arith.constant 0 : i32
        %dma_wait3A_52 = tpu.memref_slice %arg10[%dma_wait3A_51] : memref<1016xf32, #tpu.memory_space<vmem>> -> memref<1000xf32, #tpu.memory_space<vmem>>
        tpu.wait_dma2 semaphore(%run_scoped3A_42 : memref<!tpu.dma_semaphore, #tpu.memory_space<semaphore_mem>>) src(%dma_wait3A_52 : memref<1000xf32, #tpu.memory_space<vmem>>) dst(%dma_wait3A_50 : memref<1000xf32, #tpu.memory_space<hbm>>)
        tpu.yield
      }) : () -> ()
    } else {
    }
    %add3A_5 = arith.constant 32 : i32
    %add3A_6 = arith.addi %add3A, %add3A_5 : i32
    %lt3A_7 = arith.constant 100 : i32
    %lt3A_8 = arith.cmpi slt, %add3A_6, %lt3A_7 : i32
    %convert_element_type3A_9 = arith.extui %lt3A_8 : i1 to i32
    %cond3A_10 = arith.constant 0 : i32
    %cond3A_11 = arith.cmpi ne, %convert_element_type3A_9, %cond3A_10 : i32
    scf.if %cond3A_11 {
      %mul3A_26 = arith.constant 1000 : i32
      %mul3A_27 = arith.muli %add3A_6, %mul3A_26 : i32
      %run_scoped3A = arith.constant 0 : i32
      "tpu.region"() ({
        %run_scoped3A_42 = tpu.sem_alloc : memref<!tpu.dma_semaphore, #tpu.memory_space<semaphore_mem>>
        %dma_start3A = arith.constant 0 : i32
        %dma_start3A_43 = tpu.memref_slice %arg2[%run_scoped3A, %mul3A_27, %dma_start3A] : memref<2x100000x16xf32, #tpu.memory_space<hbm>> -> memref<1x1000x16xf32, #tpu.memory_space<hbm>>
        %dma_start3A_44 = tpu.memref_squeeze %dma_start3A_43 : memref<1x1000x16xf32, #tpu.memory_space<hbm>> -> memref<1000x16xf32, #tpu.memory_space<hbm>>
        %dma_start3A_45 = arith.constant 0 : i32
        %dma_start3A_46 = tpu.memref_slice %arg2[%run_scoped3A, %mul3A_27, %dma_start3A_45] : memref<2x100000x16xf32, #tpu.memory_space<hbm>> -> memref<1x1000x16xf32, #tpu.memory_space<hbm>>
        %dma_start3A_47 = tpu.memref_squeeze %dma_start3A_46 : memref<1x1000x16xf32, #tpu.memory_space<hbm>> -> memref<1000x16xf32, #tpu.memory_space<hbm>>
        tpu.enqueue_dma source(%dma_start3A_47 : memref<1000x16xf32, #tpu.memory_space<hbm>>) target(%arg6 : memref<1000x16xf32, #tpu.memory_space<vmem>>) target_semaphore(%run_scoped3A_42 : memref<!tpu.dma_semaphore, #tpu.memory_space<semaphore_mem>>)
        %dma_wait3A = arith.constant 0 : i32
        %dma_wait3A_48 = tpu.memref_slice %arg2[%run_scoped3A, %mul3A_27, %dma_wait3A] : memref<2x100000x16xf32, #tpu.memory_space<hbm>> -> memref<1x1000x16xf32, #tpu.memory_space<hbm>>
        %dma_wait3A_49 = tpu.memref_squeeze %dma_wait3A_48 : memref<1x1000x16xf32, #tpu.memory_space<hbm>> -> memref<1000x16xf32, #tpu.memory_space<hbm>>
        %dma_wait3A_50 = arith.constant 0 : i32
        %dma_wait3A_51 = tpu.memref_slice %arg2[%run_scoped3A, %mul3A_27, %dma_wait3A_50] : memref<2x100000x16xf32, #tpu.memory_space<hbm>> -> memref<1x1000x16xf32, #tpu.memory_space<hbm>>
        %dma_wait3A_52 = tpu.memref_squeeze %dma_wait3A_51 : memref<1x1000x16xf32, #tpu.memory_space<hbm>> -> memref<1000x16xf32, #tpu.memory_space<hbm>>
        tpu.wait_dma2 semaphore(%run_scoped3A_42 : memref<!tpu.dma_semaphore, #tpu.memory_space<semaphore_mem>>) src(%dma_wait3A_52 : memref<1000x16xf32, #tpu.memory_space<hbm>>) dst(%arg6 : memref<1000x16xf32, #tpu.memory_space<vmem>>)
        tpu.yield
      }) : () -> ()
      %run_scoped3A_28 = arith.constant 1 : i32
      "tpu.region"() ({
        %run_scoped3A_42 = tpu.sem_alloc : memref<!tpu.dma_semaphore, #tpu.memory_space<semaphore_mem>>
        %dma_start3A = arith.constant 0 : i32
        %dma_start3A_43 = tpu.memref_slice %arg2[%run_scoped3A_28, %mul3A_27, %dma_start3A] : memref<2x100000x16xf32, #tpu.memory_space<hbm>> -> memref<1x1000x16xf32, #tpu.memory_space<hbm>>
        %dma_start3A_44 = tpu.memref_squeeze %dma_start3A_43 : memref<1x1000x16xf32, #tpu.memory_space<hbm>> -> memref<1000x16xf32, #tpu.memory_space<hbm>>
        %dma_start3A_45 = arith.constant 0 : i32
        %dma_start3A_46 = tpu.memref_slice %arg2[%run_scoped3A_28, %mul3A_27, %dma_start3A_45] : memref<2x100000x16xf32, #tpu.memory_space<hbm>> -> memref<1x1000x16xf32, #tpu.memory_space<hbm>>
        %dma_start3A_47 = tpu.memref_squeeze %dma_start3A_46 : memref<1x1000x16xf32, #tpu.memory_space<hbm>> -> memref<1000x16xf32, #tpu.memory_space<hbm>>
        tpu.enqueue_dma source(%dma_start3A_47 : memref<1000x16xf32, #tpu.memory_space<hbm>>) target(%arg7 : memref<1000x16xf32, #tpu.memory_space<vmem>>) target_semaphore(%run_scoped3A_42 : memref<!tpu.dma_semaphore, #tpu.memory_space<semaphore_mem>>)
        %dma_wait3A = arith.constant 0 : i32
        %dma_wait3A_48 = tpu.memref_slice %arg2[%run_scoped3A_28, %mul3A_27, %dma_wait3A] : memref<2x100000x16xf32, #tpu.memory_space<hbm>> -> memref<1x1000x16xf32, #tpu.memory_space<hbm>>
        %dma_wait3A_49 = tpu.memref_squeeze %dma_wait3A_48 : memref<1x1000x16xf32, #tpu.memory_space<hbm>> -> memref<1000x16xf32, #tpu.memory_space<hbm>>
        %dma_wait3A_50 = arith.constant 0 : i32
        %dma_wait3A_51 = tpu.memref_slice %arg2[%run_scoped3A_28, %mul3A_27, %dma_wait3A_50] : memref<2x100000x16xf32, #tpu.memory_space<hbm>> -> memref<1x1000x16xf32, #tpu.memory_space<hbm>>
        %dma_wait3A_52 = tpu.memref_squeeze %dma_wait3A_51 : memref<1x1000x16xf32, #tpu.memory_space<hbm>> -> memref<1000x16xf32, #tpu.memory_space<hbm>>
        tpu.wait_dma2 semaphore(%run_scoped3A_42 : memref<!tpu.dma_semaphore, #tpu.memory_space<semaphore_mem>>) src(%dma_wait3A_52 : memref<1000x16xf32, #tpu.memory_space<hbm>>) dst(%arg7 : memref<1000x16xf32, #tpu.memory_space<vmem>>)
        tpu.yield
      }) : () -> ()
      "tpu.region"() ({
        %run_scoped3A_42 = tpu.sem_alloc : memref<!tpu.dma_semaphore, #tpu.memory_space<semaphore_mem>>
        %dma_start3A = arith.constant 0 : i32
        %dma_start3A_43 = tpu.memref_slice %arg8[%dma_start3A] : memref<1016xf32, #tpu.memory_space<vmem>> -> memref<1000xf32, #tpu.memory_space<vmem>>
        %dma_start3A_44 = tpu.memref_slice %arg3[%mul3A_27] : memref<200000xf32, #tpu.memory_space<hbm>> -> memref<1000xf32, #tpu.memory_space<hbm>>
        %dma_start3A_45 = arith.constant 0 : i32
        %dma_start3A_46 = tpu.memref_slice %arg8[%dma_start3A_45] : memref<1016xf32, #tpu.memory_space<vmem>> -> memref<1000xf32, #tpu.memory_space<vmem>>
        %dma_start3A_47 = tpu.memref_slice %arg3[%mul3A_27] : memref<200000xf32, #tpu.memory_space<hbm>> -> memref<1000xf32, #tpu.memory_space<hbm>>
        tpu.enqueue_dma source(%dma_start3A_47 : memref<1000xf32, #tpu.memory_space<hbm>>) target(%dma_start3A_46 : memref<1000xf32, #tpu.memory_space<vmem>>) target_semaphore(%run_scoped3A_42 : memref<!tpu.dma_semaphore, #tpu.memory_space<semaphore_mem>>)
        %dma_wait3A = arith.constant 0 : i32
        %dma_wait3A_48 = tpu.memref_slice %arg8[%dma_wait3A] : memref<1016xf32, #tpu.memory_space<vmem>> -> memref<1000xf32, #tpu.memory_space<vmem>>
        %dma_wait3A_49 = tpu.memref_slice %arg3[%mul3A_27] : memref<200000xf32, #tpu.memory_space<hbm>> -> memref<1000xf32, #tpu.memory_space<hbm>>
        %dma_wait3A_50 = arith.constant 0 : i32
        %dma_wait3A_51 = tpu.memref_slice %arg8[%dma_wait3A_50] : memref<1016xf32, #tpu.memory_space<vmem>> -> memref<1000xf32, #tpu.memory_space<vmem>>
        %dma_wait3A_52 = tpu.memref_slice %arg3[%mul3A_27] : memref<200000xf32, #tpu.memory_space<hbm>> -> memref<1000xf32, #tpu.memory_space<hbm>>
        tpu.wait_dma2 semaphore(%run_scoped3A_42 : memref<!tpu.dma_semaphore, #tpu.memory_space<semaphore_mem>>) src(%dma_wait3A_52 : memref<1000xf32, #tpu.memory_space<hbm>>) dst(%dma_wait3A_51 : memref<1000xf32, #tpu.memory_space<vmem>>)
        tpu.yield
      }) : () -> ()
      %add3A_29 = arith.constant 100000 : i32
      %add3A_30 = arith.addi %add3A_29, %mul3A_27 : i32
      "tpu.region"() ({
        %run_scoped3A_42 = tpu.sem_alloc : memref<!tpu.dma_semaphore, #tpu.memory_space<semaphore_mem>>
        %dma_start3A = arith.constant 0 : i32
        %dma_start3A_43 = tpu.memref_slice %arg9[%dma_start3A] : memref<1016xf32, #tpu.memory_space<vmem>> -> memref<1000xf32, #tpu.memory_space<vmem>>
        %dma_start3A_44 = tpu.memref_slice %arg3[%add3A_30] : memref<200000xf32, #tpu.memory_space<hbm>> -> memref<1000xf32, #tpu.memory_space<hbm>>
        %dma_start3A_45 = arith.constant 0 : i32
        %dma_start3A_46 = tpu.memref_slice %arg9[%dma_start3A_45] : memref<1016xf32, #tpu.memory_space<vmem>> -> memref<1000xf32, #tpu.memory_space<vmem>>
        %dma_start3A_47 = tpu.memref_slice %arg3[%add3A_30] : memref<200000xf32, #tpu.memory_space<hbm>> -> memref<1000xf32, #tpu.memory_space<hbm>>
        tpu.enqueue_dma source(%dma_start3A_47 : memref<1000xf32, #tpu.memory_space<hbm>>) target(%dma_start3A_46 : memref<1000xf32, #tpu.memory_space<vmem>>) target_semaphore(%run_scoped3A_42 : memref<!tpu.dma_semaphore, #tpu.memory_space<semaphore_mem>>)
        %dma_wait3A = arith.constant 0 : i32
        %dma_wait3A_48 = tpu.memref_slice %arg9[%dma_wait3A] : memref<1016xf32, #tpu.memory_space<vmem>> -> memref<1000xf32, #tpu.memory_space<vmem>>
        %dma_wait3A_49 = tpu.memref_slice %arg3[%add3A_30] : memref<200000xf32, #tpu.memory_space<hbm>> -> memref<1000xf32, #tpu.memory_space<hbm>>
        %dma_wait3A_50 = arith.constant 0 : i32
        %dma_wait3A_51 = tpu.memref_slice %arg9[%dma_wait3A_50] : memref<1016xf32, #tpu.memory_space<vmem>> -> memref<1000xf32, #tpu.memory_space<vmem>>
        %dma_wait3A_52 = tpu.memref_slice %arg3[%add3A_30] : memref<200000xf32, #tpu.memory_space<hbm>> -> memref<1000xf32, #tpu.memory_space<hbm>>
        tpu.wait_dma2 semaphore(%run_scoped3A_42 : memref<!tpu.dma_semaphore, #tpu.memory_space<semaphore_mem>>) src(%dma_wait3A_52 : memref<1000xf32, #tpu.memory_space<hbm>>) dst(%dma_wait3A_51 : memref<1000xf32, #tpu.memory_space<vmem>>)
        tpu.yield
      }) : () -> ()
      %scan3A = arith.constant 0 : i32
      %scan3A_31 = arith.constant 0 : i32
      %scan3A_32 = arith.constant 63 : i32
      %scan3A_33 = arith.addi %scan3A_31, %scan3A_32 : i32
      %scan3A_34 = arith.constant 1 : i32
      scf.for %scan3A_42 = %scan3A_31 to %scan3A_33 step %scan3A_34  : i32 {
        %mul3A_43 = arith.constant 16 : i32
        %mul3A_44 = arith.muli %scan3A_42, %mul3A_43 : i32
        %get3A = arith.index_cast %mul3A_44 : i32 to index
        %get3A_45 = tpu.vector_load %arg8[%get3A] {strides = array<i32>} : memref<1016xf32, #tpu.memory_space<vmem>>, vector<16xf32>,
        %mul3A_46 = arith.constant 16 : i32
        %mul3A_47 = arith.muli %scan3A_42, %mul3A_46 : i32
        %get3A_48 = arith.index_cast %mul3A_47 : i32 to index
        %get3A_49 = tpu.vector_load %arg9[%get3A_48] {strides = array<i32>} : memref<1016xf32, #tpu.memory_space<vmem>>, vector<16xf32>,
        %add3A_50 = arith.addf %get3A_45, %get3A_49 : vector<16xf32>
        %max3A = arith.constant 1.000000e+00 : f32
        %max3A_51 = vector.broadcast %max3A : f32 to vector<16xf32>
        %max3A_52 = arith.maximumf %add3A_50, %max3A_51 : vector<16xf32>
        %div3A = arith.constant 1.000000e+00 : f32
        %div3A_53 = vector.broadcast %div3A : f32 to vector<16xf32>
        %div3A_54 = arith.divf %div3A_53, %max3A_52 : vector<16xf32>
        %mul3A_55 = arith.constant 16 : i32
        %mul3A_56 = arith.muli %scan3A_42, %mul3A_55 : i32
        %swap3A = arith.index_cast %mul3A_56 : i32 to index
        %swap3A_57 = tpu.vector_load %arg10[%swap3A] {strides = array<i32>} : memref<1016xf32, #tpu.memory_space<vmem>>, vector<16xf32>,
        tpu.vector_store %arg10[%swap3A], %div3A_54 {strides = array<i32>} : memref<1016xf32, #tpu.memory_space<vmem>>, vector<16xf32>,
      }
      %scan3A_35 = arith.constant 63 : i32
      %scan3A_36 = arith.constant 0 : i32
      %scan3A_37 = arith.constant 0 : i32
      %scan3A_38 = arith.constant 1000 : i32
      %scan3A_39 = arith.addi %scan3A_37, %scan3A_38 : i32
      %scan3A_40 = arith.constant 1 : i32
      scf.for %scan3A_42 = %scan3A_37 to %scan3A_39 step %scan3A_40  : i32 {
        %get3A = arith.index_cast %scan3A_42 : i32 to index
        %get3A_43 = tpu.vector_load %arg10[%get3A] {strides = array<i32>} : memref<1016xf32, #tpu.memory_space<vmem>>, vector<16xf32>,
        %slice3A = vector.extract_strided_slice %get3A_43 {offsets = [0], sizes = [1], strides = [1]} : vector<16xf32> to vector<1xf32>
        %squeeze3A = vector.extract %slice3A[0] : f32 from vector<1xf32>
        %get3A_44 = arith.index_cast %scan3A_42 : i32 to index
        %get3A_45 = arith.constant 0 : index
        %get3A_46 = tpu.vector_load %arg6[%get3A_44, %get3A_45] {strides = array<i32>} : memref<1000x16xf32, #tpu.memory_space<vmem>>, vector<16xf32>,
        %get3A_47 = arith.index_cast %scan3A_42 : i32 to index
        %get3A_48 = arith.constant 0 : index
        %get3A_49 = tpu.vector_load %arg7[%get3A_47, %get3A_48] {strides = array<i32>} : memref<1000x16xf32, #tpu.memory_space<vmem>>, vector<16xf32>,
        %add3A_50 = arith.addf %get3A_46, %get3A_49 : vector<16xf32>
        %mul3A_51 = vector.broadcast %squeeze3A : f32 to vector<16xf32>
        %mul3A_52 = arith.mulf %add3A_50, %mul3A_51 : vector<16xf32>
        %swap3A = arith.index_cast %scan3A_42 : i32 to index
        %swap3A_53 = arith.constant 0 : index
        %swap3A_54 = tpu.vector_load %arg11[%swap3A, %swap3A_53] {strides = array<i32>} : memref<1000x16xf32, #tpu.memory_space<vmem>>, vector<16xf32>,
        tpu.vector_store %arg11[%swap3A, %swap3A_53], %mul3A_52 {strides = array<i32>} : memref<1000x16xf32, #tpu.memory_space<vmem>>, vector<16xf32>,
      }
      %scan3A_41 = arith.constant 1000 : i32
      "tpu.region"() ({
        %run_scoped3A_42 = tpu.sem_alloc : memref<!tpu.dma_semaphore, #tpu.memory_space<semaphore_mem>>
        %dma_start3A = arith.constant 0 : i32
        %dma_start3A_43 = tpu.memref_slice %arg4[%mul3A_27, %dma_start3A] : memref<100000x16xf32, #tpu.memory_space<hbm>> -> memref<1000x16xf32, #tpu.memory_space<hbm>>
        %dma_start3A_44 = arith.constant 0 : i32
        %dma_start3A_45 = tpu.memref_slice %arg4[%mul3A_27, %dma_start3A_44] : memref<100000x16xf32, #tpu.memory_space<hbm>> -> memref<1000x16xf32, #tpu.memory_space<hbm>>
        tpu.enqueue_dma source(%arg11 : memref<1000x16xf32, #tpu.memory_space<vmem>>) target(%dma_start3A_45 : memref<1000x16xf32, #tpu.memory_space<hbm>>) target_semaphore(%run_scoped3A_42 : memref<!tpu.dma_semaphore, #tpu.memory_space<semaphore_mem>>)
        %dma_wait3A = arith.constant 0 : i32
        %dma_wait3A_46 = tpu.memref_slice %arg4[%mul3A_27, %dma_wait3A] : memref<100000x16xf32, #tpu.memory_space<hbm>> -> memref<1000x16xf32, #tpu.memory_space<hbm>>
        %dma_wait3A_47 = arith.constant 0 : i32
        %dma_wait3A_48 = tpu.memref_slice %arg4[%mul3A_27, %dma_wait3A_47] : memref<100000x16xf32, #tpu.memory_space<hbm>> -> memref<1000x16xf32, #tpu.memory_space<hbm>>
        tpu.wait_dma2 semaphore(%run_scoped3A_42 : memref<!tpu.dma_semaphore, #tpu.memory_space<semaphore_mem>>) src(%arg11 : memref<1000x16xf32, #tpu.memory_space<vmem>>) dst(%dma_wait3A_48 : memref<1000x16xf32, #tpu.memory_space<hbm>>)
        tpu.yield
      }) : () -> ()
      "tpu.region"() ({
        %run_scoped3A_42 = tpu.sem_alloc : memref<!tpu.dma_semaphore, #tpu.memory_space<semaphore_mem>>
        %dma_start3A = arith.constant 0 : i32
        %dma_start3A_43 = tpu.memref_slice %arg10[%dma_start3A] : memref<1016xf32, #tpu.memory_space<vmem>> -> memref<1000xf32, #tpu.memory_space<vmem>>
        %dma_start3A_44 = tpu.memref_slice %arg5[%mul3A_27] : memref<100000xf32, #tpu.memory_space<hbm>> -> memref<1000xf32, #tpu.memory_space<hbm>>
        %dma_start3A_45 = tpu.memref_slice %arg5[%mul3A_27] : memref<100000xf32, #tpu.memory_space<hbm>> -> memref<1000xf32, #tpu.memory_space<hbm>>
        %dma_start3A_46 = arith.constant 0 : i32
        %dma_start3A_47 = tpu.memref_slice %arg10[%dma_start3A_46] : memref<1016xf32, #tpu.memory_space<vmem>> -> memref<1000xf32, #tpu.memory_space<vmem>>
        tpu.enqueue_dma source(%dma_start3A_47 : memref<1000xf32, #tpu.memory_space<vmem>>) target(%dma_start3A_45 : memref<1000xf32, #tpu.memory_space<hbm>>) target_semaphore(%run_scoped3A_42 : memref<!tpu.dma_semaphore, #tpu.memory_space<semaphore_mem>>)
        %dma_wait3A = arith.constant 0 : i32
        %dma_wait3A_48 = tpu.memref_slice %arg10[%dma_wait3A] : memref<1016xf32, #tpu.memory_space<vmem>> -> memref<1000xf32, #tpu.memory_space<vmem>>
        %dma_wait3A_49 = tpu.memref_slice %arg5[%mul3A_27] : memref<100000xf32, #tpu.memory_space<hbm>> -> memref<1000xf32, #tpu.memory_space<hbm>>
        %dma_wait3A_50 = tpu.memref_slice %arg5[%mul3A_27] : memref<100000xf32, #tpu.memory_space<hbm>> -> memref<1000xf32, #tpu.memory_space<hbm>>
        %dma_wait3A_51 = arith.constant 0 : i32
        %dma_wait3A_52 = tpu.memref_slice %arg10[%dma_wait3A_51] : memref<1016xf32, #tpu.memory_space<vmem>> -> memref<1000xf32, #tpu.memory_space<vmem>>
        tpu.wait_dma2 semaphore(%run_scoped3A_42 : memref<!tpu.dma_semaphore, #tpu.memory_space<semaphore_mem>>) src(%dma_wait3A_52 : memref<1000xf32, #tpu.memory_space<vmem>>) dst(%dma_wait3A_50 : memref<1000xf32, #tpu.memory_space<hbm>>)
        tpu.yield
      }) : () -> ()
    } else {
    }
    %add3A_12 = arith.constant 64 : i32
    %add3A_13 = arith.addi %add3A, %add3A_12 : i32
    %lt3A_14 = arith.constant 100 : i32
    %lt3A_15 = arith.cmpi slt, %add3A_13, %lt3A_14 : i32
    %convert_element_type3A_16 = arith.extui %lt3A_15 : i1 to i32
    %cond3A_17 = arith.constant 0 : i32
    %cond3A_18 = arith.cmpi ne, %convert_element_type3A_16, %cond3A_17 : i32
    scf.if %cond3A_18 {
      %mul3A_26 = arith.constant 1000 : i32
      %mul3A_27 = arith.muli %add3A_13, %mul3A_26 : i32
      %run_scoped3A = arith.constant 0 : i32
      "tpu.region"() ({
        %run_scoped3A_42 = tpu.sem_alloc : memref<!tpu.dma_semaphore, #tpu.memory_space<semaphore_mem>>
        %dma_start3A = arith.constant 0 : i32
        %dma_start3A_43 = tpu.memref_slice %arg2[%run_scoped3A, %mul3A_27, %dma_start3A] : memref<2x100000x16xf32, #tpu.memory_space<hbm>> -> memref<1x1000x16xf32, #tpu.memory_space<hbm>>
        %dma_start3A_44 = tpu.memref_squeeze %dma_start3A_43 : memref<1x1000x16xf32, #tpu.memory_space<hbm>> -> memref<1000x16xf32, #tpu.memory_space<hbm>>
        %dma_start3A_45 = arith.constant 0 : i32
        %dma_start3A_46 = tpu.memref_slice %arg2[%run_scoped3A, %mul3A_27, %dma_start3A_45] : memref<2x100000x16xf32, #tpu.memory_space<hbm>> -> memref<1x1000x16xf32, #tpu.memory_space<hbm>>
        %dma_start3A_47 = tpu.memref_squeeze %dma_start3A_46 : memref<1x1000x16xf32, #tpu.memory_space<hbm>> -> memref<1000x16xf32, #tpu.memory_space<hbm>>
        tpu.enqueue_dma source(%dma_start3A_47 : memref<1000x16xf32, #tpu.memory_space<hbm>>) target(%arg6 : memref<1000x16xf32, #tpu.memory_space<vmem>>) target_semaphore(%run_scoped3A_42 : memref<!tpu.dma_semaphore, #tpu.memory_space<semaphore_mem>>)
        %dma_wait3A = arith.constant 0 : i32
        %dma_wait3A_48 = tpu.memref_slice %arg2[%run_scoped3A, %mul3A_27, %dma_wait3A] : memref<2x100000x16xf32, #tpu.memory_space<hbm>> -> memref<1x1000x16xf32, #tpu.memory_space<hbm>>
        %dma_wait3A_49 = tpu.memref_squeeze %dma_wait3A_48 : memref<1x1000x16xf32, #tpu.memory_space<hbm>> -> memref<1000x16xf32, #tpu.memory_space<hbm>>
        %dma_wait3A_50 = arith.constant 0 : i32
        %dma_wait3A_51 = tpu.memref_slice %arg2[%run_scoped3A, %mul3A_27, %dma_wait3A_50] : memref<2x100000x16xf32, #tpu.memory_space<hbm>> -> memref<1x1000x16xf32, #tpu.memory_space<hbm>>
        %dma_wait3A_52 = tpu.memref_squeeze %dma_wait3A_51 : memref<1x1000x16xf32, #tpu.memory_space<hbm>> -> memref<1000x16xf32, #tpu.memory_space<hbm>>
        tpu.wait_dma2 semaphore(%run_scoped3A_42 : memref<!tpu.dma_semaphore, #tpu.memory_space<semaphore_mem>>) src(%dma_wait3A_52 : memref<1000x16xf32, #tpu.memory_space<hbm>>) dst(%arg6 : memref<1000x16xf32, #tpu.memory_space<vmem>>)
        tpu.yield
      }) : () -> ()
      %run_scoped3A_28 = arith.constant 1 : i32
      "tpu.region"() ({
        %run_scoped3A_42 = tpu.sem_alloc : memref<!tpu.dma_semaphore, #tpu.memory_space<semaphore_mem>>
        %dma_start3A = arith.constant 0 : i32
        %dma_start3A_43 = tpu.memref_slice %arg2[%run_scoped3A_28, %mul3A_27, %dma_start3A] : memref<2x100000x16xf32, #tpu.memory_space<hbm>> -> memref<1x1000x16xf32, #tpu.memory_space<hbm>>
        %dma_start3A_44 = tpu.memref_squeeze %dma_start3A_43 : memref<1x1000x16xf32, #tpu.memory_space<hbm>> -> memref<1000x16xf32, #tpu.memory_space<hbm>>
        %dma_start3A_45 = arith.constant 0 : i32
        %dma_start3A_46 = tpu.memref_slice %arg2[%run_scoped3A_28, %mul3A_27, %dma_start3A_45] : memref<2x100000x16xf32, #tpu.memory_space<hbm>> -> memref<1x1000x16xf32, #tpu.memory_space<hbm>>
        %dma_start3A_47 = tpu.memref_squeeze %dma_start3A_46 : memref<1x1000x16xf32, #tpu.memory_space<hbm>> -> memref<1000x16xf32, #tpu.memory_space<hbm>>
        tpu.enqueue_dma source(%dma_start3A_47 : memref<1000x16xf32, #tpu.memory_space<hbm>>) target(%arg7 : memref<1000x16xf32, #tpu.memory_space<vmem>>) target_semaphore(%run_scoped3A_42 : memref<!tpu.dma_semaphore, #tpu.memory_space<semaphore_mem>>)
        %dma_wait3A = arith.constant 0 : i32
        %dma_wait3A_48 = tpu.memref_slice %arg2[%run_scoped3A_28, %mul3A_27, %dma_wait3A] : memref<2x100000x16xf32, #tpu.memory_space<hbm>> -> memref<1x1000x16xf32, #tpu.memory_space<hbm>>
        %dma_wait3A_49 = tpu.memref_squeeze %dma_wait3A_48 : memref<1x1000x16xf32, #tpu.memory_space<hbm>> -> memref<1000x16xf32, #tpu.memory_space<hbm>>
        %dma_wait3A_50 = arith.constant 0 : i32
        %dma_wait3A_51 = tpu.memref_slice %arg2[%run_scoped3A_28, %mul3A_27, %dma_wait3A_50] : memref<2x100000x16xf32, #tpu.memory_space<hbm>> -> memref<1x1000x16xf32, #tpu.memory_space<hbm>>
        %dma_wait3A_52 = tpu.memref_squeeze %dma_wait3A_51 : memref<1x1000x16xf32, #tpu.memory_space<hbm>> -> memref<1000x16xf32, #tpu.memory_space<hbm>>
        tpu.wait_dma2 semaphore(%run_scoped3A_42 : memref<!tpu.dma_semaphore, #tpu.memory_space<semaphore_mem>>) src(%dma_wait3A_52 : memref<1000x16xf32, #tpu.memory_space<hbm>>) dst(%arg7 : memref<1000x16xf32, #tpu.memory_space<vmem>>)
        tpu.yield
      }) : () -> ()
      "tpu.region"() ({
        %run_scoped3A_42 = tpu.sem_alloc : memref<!tpu.dma_semaphore, #tpu.memory_space<semaphore_mem>>
        %dma_start3A = arith.constant 0 : i32
        %dma_start3A_43 = tpu.memref_slice %arg8[%dma_start3A] : memref<1016xf32, #tpu.memory_space<vmem>> -> memref<1000xf32, #tpu.memory_space<vmem>>
        %dma_start3A_44 = tpu.memref_slice %arg3[%mul3A_27] : memref<200000xf32, #tpu.memory_space<hbm>> -> memref<1000xf32, #tpu.memory_space<hbm>>
        %dma_start3A_45 = arith.constant 0 : i32
        %dma_start3A_46 = tpu.memref_slice %arg8[%dma_start3A_45] : memref<1016xf32, #tpu.memory_space<vmem>> -> memref<1000xf32, #tpu.memory_space<vmem>>
        %dma_start3A_47 = tpu.memref_slice %arg3[%mul3A_27] : memref<200000xf32, #tpu.memory_space<hbm>> -> memref<1000xf32, #tpu.memory_space<hbm>>
        tpu.enqueue_dma source(%dma_start3A_47 : memref<1000xf32, #tpu.memory_space<hbm>>) target(%dma_start3A_46 : memref<1000xf32, #tpu.memory_space<vmem>>) target_semaphore(%run_scoped3A_42 : memref<!tpu.dma_semaphore, #tpu.memory_space<semaphore_mem>>)
        %dma_wait3A = arith.constant 0 : i32
        %dma_wait3A_48 = tpu.memref_slice %arg8[%dma_wait3A] : memref<1016xf32, #tpu.memory_space<vmem>> -> memref<1000xf32, #tpu.memory_space<vmem>>
        %dma_wait3A_49 = tpu.memref_slice %arg3[%mul3A_27] : memref<200000xf32, #tpu.memory_space<hbm>> -> memref<1000xf32, #tpu.memory_space<hbm>>
        %dma_wait3A_50 = arith.constant 0 : i32
        %dma_wait3A_51 = tpu.memref_slice %arg8[%dma_wait3A_50] : memref<1016xf32, #tpu.memory_space<vmem>> -> memref<1000xf32, #tpu.memory_space<vmem>>
        %dma_wait3A_52 = tpu.memref_slice %arg3[%mul3A_27] : memref<200000xf32, #tpu.memory_space<hbm>> -> memref<1000xf32, #tpu.memory_space<hbm>>
        tpu.wait_dma2 semaphore(%run_scoped3A_42 : memref<!tpu.dma_semaphore, #tpu.memory_space<semaphore_mem>>) src(%dma_wait3A_52 : memref<1000xf32, #tpu.memory_space<hbm>>) dst(%dma_wait3A_51 : memref<1000xf32, #tpu.memory_space<vmem>>)
        tpu.yield
      }) : () -> ()
      %add3A_29 = arith.constant 100000 : i32
      %add3A_30 = arith.addi %add3A_29, %mul3A_27 : i32
      "tpu.region"() ({
        %run_scoped3A_42 = tpu.sem_alloc : memref<!tpu.dma_semaphore, #tpu.memory_space<semaphore_mem>>
        %dma_start3A = arith.constant 0 : i32
        %dma_start3A_43 = tpu.memref_slice %arg9[%dma_start3A] : memref<1016xf32, #tpu.memory_space<vmem>> -> memref<1000xf32, #tpu.memory_space<vmem>>
        %dma_start3A_44 = tpu.memref_slice %arg3[%add3A_30] : memref<200000xf32, #tpu.memory_space<hbm>> -> memref<1000xf32, #tpu.memory_space<hbm>>
        %dma_start3A_45 = arith.constant 0 : i32
        %dma_start3A_46 = tpu.memref_slice %arg9[%dma_start3A_45] : memref<1016xf32, #tpu.memory_space<vmem>> -> memref<1000xf32, #tpu.memory_space<vmem>>
        %dma_start3A_47 = tpu.memref_slice %arg3[%add3A_30] : memref<200000xf32, #tpu.memory_space<hbm>> -> memref<1000xf32, #tpu.memory_space<hbm>>
        tpu.enqueue_dma source(%dma_start3A_47 : memref<1000xf32, #tpu.memory_space<hbm>>) target(%dma_start3A_46 : memref<1000xf32, #tpu.memory_space<vmem>>) target_semaphore(%run_scoped3A_42 : memref<!tpu.dma_semaphore, #tpu.memory_space<semaphore_mem>>)
        %dma_wait3A = arith.constant 0 : i32
        %dma_wait3A_48 = tpu.memref_slice %arg9[%dma_wait3A] : memref<1016xf32, #tpu.memory_space<vmem>> -> memref<1000xf32, #tpu.memory_space<vmem>>
        %dma_wait3A_49 = tpu.memref_slice %arg3[%add3A_30] : memref<200000xf32, #tpu.memory_space<hbm>> -> memref<1000xf32, #tpu.memory_space<hbm>>
        %dma_wait3A_50 = arith.constant 0 : i32
        %dma_wait3A_51 = tpu.memref_slice %arg9[%dma_wait3A_50] : memref<1016xf32, #tpu.memory_space<vmem>> -> memref<1000xf32, #tpu.memory_space<vmem>>
        %dma_wait3A_52 = tpu.memref_slice %arg3[%add3A_30] : memref<200000xf32, #tpu.memory_space<hbm>> -> memref<1000xf32, #tpu.memory_space<hbm>>
        tpu.wait_dma2 semaphore(%run_scoped3A_42 : memref<!tpu.dma_semaphore, #tpu.memory_space<semaphore_mem>>) src(%dma_wait3A_52 : memref<1000xf32, #tpu.memory_space<hbm>>) dst(%dma_wait3A_51 : memref<1000xf32, #tpu.memory_space<vmem>>)
        tpu.yield
      }) : () -> ()
      %scan3A = arith.constant 0 : i32
      %scan3A_31 = arith.constant 0 : i32
      %scan3A_32 = arith.constant 63 : i32
      %scan3A_33 = arith.addi %scan3A_31, %scan3A_32 : i32
      %scan3A_34 = arith.constant 1 : i32
      scf.for %scan3A_42 = %scan3A_31 to %scan3A_33 step %scan3A_34  : i32 {
        %mul3A_43 = arith.constant 16 : i32
        %mul3A_44 = arith.muli %scan3A_42, %mul3A_43 : i32
        %get3A = arith.index_cast %mul3A_44 : i32 to index
        %get3A_45 = tpu.vector_load %arg8[%get3A] {strides = array<i32>} : memref<1016xf32, #tpu.memory_space<vmem>>, vector<16xf32>,
        %mul3A_46 = arith.constant 16 : i32
        %mul3A_47 = arith.muli %scan3A_42, %mul3A_46 : i32
        %get3A_48 = arith.index_cast %mul3A_47 : i32 to index
        %get3A_49 = tpu.vector_load %arg9[%get3A_48] {strides = array<i32>} : memref<1016xf32, #tpu.memory_space<vmem>>, vector<16xf32>,
        %add3A_50 = arith.addf %get3A_45, %get3A_49 : vector<16xf32>
        %max3A = arith.constant 1.000000e+00 : f32
        %max3A_51 = vector.broadcast %max3A : f32 to vector<16xf32>
        %max3A_52 = arith.maximumf %add3A_50, %max3A_51 : vector<16xf32>
        %div3A = arith.constant 1.000000e+00 : f32
        %div3A_53 = vector.broadcast %div3A : f32 to vector<16xf32>
        %div3A_54 = arith.divf %div3A_53, %max3A_52 : vector<16xf32>
        %mul3A_55 = arith.constant 16 : i32
        %mul3A_56 = arith.muli %scan3A_42, %mul3A_55 : i32
        %swap3A = arith.index_cast %mul3A_56 : i32 to index
        %swap3A_57 = tpu.vector_load %arg10[%swap3A] {strides = array<i32>} : memref<1016xf32, #tpu.memory_space<vmem>>, vector<16xf32>,
        tpu.vector_store %arg10[%swap3A], %div3A_54 {strides = array<i32>} : memref<1016xf32, #tpu.memory_space<vmem>>, vector<16xf32>,
      }
      %scan3A_35 = arith.constant 63 : i32
      %scan3A_36 = arith.constant 0 : i32
      %scan3A_37 = arith.constant 0 : i32
      %scan3A_38 = arith.constant 1000 : i32
      %scan3A_39 = arith.addi %scan3A_37, %scan3A_38 : i32
      %scan3A_40 = arith.constant 1 : i32
      scf.for %scan3A_42 = %scan3A_37 to %scan3A_39 step %scan3A_40  : i32 {
        %get3A = arith.index_cast %scan3A_42 : i32 to index
        %get3A_43 = tpu.vector_load %arg10[%get3A] {strides = array<i32>} : memref<1016xf32, #tpu.memory_space<vmem>>, vector<16xf32>,
        %slice3A = vector.extract_strided_slice %get3A_43 {offsets = [0], sizes = [1], strides = [1]} : vector<16xf32> to vector<1xf32>
        %squeeze3A = vector.extract %slice3A[0] : f32 from vector<1xf32>
        %get3A_44 = arith.index_cast %scan3A_42 : i32 to index
        %get3A_45 = arith.constant 0 : index
        %get3A_46 = tpu.vector_load %arg6[%get3A_44, %get3A_45] {strides = array<i32>} : memref<1000x16xf32, #tpu.memory_space<vmem>>, vector<16xf32>,
        %get3A_47 = arith.index_cast %scan3A_42 : i32 to index
        %get3A_48 = arith.constant 0 : index
        %get3A_49 = tpu.vector_load %arg7[%get3A_47, %get3A_48] {strides = array<i32>} : memref<1000x16xf32, #tpu.memory_space<vmem>>, vector<16xf32>,
        %add3A_50 = arith.addf %get3A_46, %get3A_49 : vector<16xf32>
        %mul3A_51 = vector.broadcast %squeeze3A : f32 to vector<16xf32>
        %mul3A_52 = arith.mulf %add3A_50, %mul3A_51 : vector<16xf32>
        %swap3A = arith.index_cast %scan3A_42 : i32 to index
        %swap3A_53 = arith.constant 0 : index
        %swap3A_54 = tpu.vector_load %arg11[%swap3A, %swap3A_53] {strides = array<i32>} : memref<1000x16xf32, #tpu.memory_space<vmem>>, vector<16xf32>,
        tpu.vector_store %arg11[%swap3A, %swap3A_53], %mul3A_52 {strides = array<i32>} : memref<1000x16xf32, #tpu.memory_space<vmem>>, vector<16xf32>,
      }
      %scan3A_41 = arith.constant 1000 : i32
      "tpu.region"() ({
        %run_scoped3A_42 = tpu.sem_alloc : memref<!tpu.dma_semaphore, #tpu.memory_space<semaphore_mem>>
        %dma_start3A = arith.constant 0 : i32
        %dma_start3A_43 = tpu.memref_slice %arg4[%mul3A_27, %dma_start3A] : memref<100000x16xf32, #tpu.memory_space<hbm>> -> memref<1000x16xf32, #tpu.memory_space<hbm>>
        %dma_start3A_44 = arith.constant 0 : i32
        %dma_start3A_45 = tpu.memref_slice %arg4[%mul3A_27, %dma_start3A_44] : memref<100000x16xf32, #tpu.memory_space<hbm>> -> memref<1000x16xf32, #tpu.memory_space<hbm>>
        tpu.enqueue_dma source(%arg11 : memref<1000x16xf32, #tpu.memory_space<vmem>>) target(%dma_start3A_45 : memref<1000x16xf32, #tpu.memory_space<hbm>>) target_semaphore(%run_scoped3A_42 : memref<!tpu.dma_semaphore, #tpu.memory_space<semaphore_mem>>)
        %dma_wait3A = arith.constant 0 : i32
        %dma_wait3A_46 = tpu.memref_slice %arg4[%mul3A_27, %dma_wait3A] : memref<100000x16xf32, #tpu.memory_space<hbm>> -> memref<1000x16xf32, #tpu.memory_space<hbm>>
        %dma_wait3A_47 = arith.constant 0 : i32
        %dma_wait3A_48 = tpu.memref_slice %arg4[%mul3A_27, %dma_wait3A_47] : memref<100000x16xf32, #tpu.memory_space<hbm>> -> memref<1000x16xf32, #tpu.memory_space<hbm>>
        tpu.wait_dma2 semaphore(%run_scoped3A_42 : memref<!tpu.dma_semaphore, #tpu.memory_space<semaphore_mem>>) src(%arg11 : memref<1000x16xf32, #tpu.memory_space<vmem>>) dst(%dma_wait3A_48 : memref<1000x16xf32, #tpu.memory_space<hbm>>)
        tpu.yield
      }) : () -> ()
      "tpu.region"() ({
        %run_scoped3A_42 = tpu.sem_alloc : memref<!tpu.dma_semaphore, #tpu.memory_space<semaphore_mem>>
        %dma_start3A = arith.constant 0 : i32
        %dma_start3A_43 = tpu.memref_slice %arg10[%dma_start3A] : memref<1016xf32, #tpu.memory_space<vmem>> -> memref<1000xf32, #tpu.memory_space<vmem>>
        %dma_start3A_44 = tpu.memref_slice %arg5[%mul3A_27] : memref<100000xf32, #tpu.memory_space<hbm>> -> memref<1000xf32, #tpu.memory_space<hbm>>
        %dma_start3A_45 = tpu.memref_slice %arg5[%mul3A_27] : memref<100000xf32, #tpu.memory_space<hbm>> -> memref<1000xf32, #tpu.memory_space<hbm>>
        %dma_start3A_46 = arith.constant 0 : i32
        %dma_start3A_47 = tpu.memref_slice %arg10[%dma_start3A_46] : memref<1016xf32, #tpu.memory_space<vmem>> -> memref<1000xf32, #tpu.memory_space<vmem>>
        tpu.enqueue_dma source(%dma_start3A_47 : memref<1000xf32, #tpu.memory_space<vmem>>) target(%dma_start3A_45 : memref<1000xf32, #tpu.memory_space<hbm>>) target_semaphore(%run_scoped3A_42 : memref<!tpu.dma_semaphore, #tpu.memory_space<semaphore_mem>>)
        %dma_wait3A = arith.constant 0 : i32
        %dma_wait3A_48 = tpu.memref_slice %arg10[%dma_wait3A] : memref<1016xf32, #tpu.memory_space<vmem>> -> memref<1000xf32, #tpu.memory_space<vmem>>
        %dma_wait3A_49 = tpu.memref_slice %arg5[%mul3A_27] : memref<100000xf32, #tpu.memory_space<hbm>> -> memref<1000xf32, #tpu.memory_space<hbm>>
        %dma_wait3A_50 = tpu.memref_slice %arg5[%mul3A_27] : memref<100000xf32, #tpu.memory_space<hbm>> -> memref<1000xf32, #tpu.memory_space<hbm>>
        %dma_wait3A_51 = arith.constant 0 : i32
        %dma_wait3A_52 = tpu.memref_slice %arg10[%dma_wait3A_51] : memref<1016xf32, #tpu.memory_space<vmem>> -> memref<1000xf32, #tpu.memory_space<vmem>>
        tpu.wait_dma2 semaphore(%run_scoped3A_42 : memref<!tpu.dma_semaphore, #tpu.memory_space<semaphore_mem>>) src(%dma_wait3A_52 : memref<1000xf32, #tpu.memory_space<vmem>>) dst(%dma_wait3A_50 : memref<1000xf32, #tpu.memory_space<hbm>>)
        tpu.yield
      }) : () -> ()
    } else {
    }
    %add3A_19 = arith.constant 96 : i32
    %add3A_20 = arith.addi %add3A, %add3A_19 : i32
    %lt3A_21 = arith.constant 100 : i32
    %lt3A_22 = arith.cmpi slt, %add3A_20, %lt3A_21 : i32
    %convert_element_type3A_23 = arith.extui %lt3A_22 : i1 to i32
    %cond3A_24 = arith.constant 0 : i32
    %cond3A_25 = arith.cmpi ne, %convert_element_type3A_23, %cond3A_24 : i32
    scf.if %cond3A_25 {
      %mul3A_26 = arith.constant 1000 : i32
      %mul3A_27 = arith.muli %add3A_20, %mul3A_26 : i32
      %run_scoped3A = arith.constant 0 : i32
      "tpu.region"() ({
        %run_scoped3A_42 = tpu.sem_alloc : memref<!tpu.dma_semaphore, #tpu.memory_space<semaphore_mem>>
        %dma_start3A = arith.constant 0 : i32
        %dma_start3A_43 = tpu.memref_slice %arg2[%run_scoped3A, %mul3A_27, %dma_start3A] : memref<2x100000x16xf32, #tpu.memory_space<hbm>> -> memref<1x1000x16xf32, #tpu.memory_space<hbm>>
        %dma_start3A_44 = tpu.memref_squeeze %dma_start3A_43 : memref<1x1000x16xf32, #tpu.memory_space<hbm>> -> memref<1000x16xf32, #tpu.memory_space<hbm>>
        %dma_start3A_45 = arith.constant 0 : i32
        %dma_start3A_46 = tpu.memref_slice %arg2[%run_scoped3A, %mul3A_27, %dma_start3A_45] : memref<2x100000x16xf32, #tpu.memory_space<hbm>> -> memref<1x1000x16xf32, #tpu.memory_space<hbm>>
        %dma_start3A_47 = tpu.memref_squeeze %dma_start3A_46 : memref<1x1000x16xf32, #tpu.memory_space<hbm>> -> memref<1000x16xf32, #tpu.memory_space<hbm>>
        tpu.enqueue_dma source(%dma_start3A_47 : memref<1000x16xf32, #tpu.memory_space<hbm>>) target(%arg6 : memref<1000x16xf32, #tpu.memory_space<vmem>>) target_semaphore(%run_scoped3A_42 : memref<!tpu.dma_semaphore, #tpu.memory_space<semaphore_mem>>)
        %dma_wait3A = arith.constant 0 : i32
        %dma_wait3A_48 = tpu.memref_slice %arg2[%run_scoped3A, %mul3A_27, %dma_wait3A] : memref<2x100000x16xf32, #tpu.memory_space<hbm>> -> memref<1x1000x16xf32, #tpu.memory_space<hbm>>
        %dma_wait3A_49 = tpu.memref_squeeze %dma_wait3A_48 : memref<1x1000x16xf32, #tpu.memory_space<hbm>> -> memref<1000x16xf32, #tpu.memory_space<hbm>>
        %dma_wait3A_50 = arith.constant 0 : i32
        %dma_wait3A_51 = tpu.memref_slice %arg2[%run_scoped3A, %mul3A_27, %dma_wait3A_50] : memref<2x100000x16xf32, #tpu.memory_space<hbm>> -> memref<1x1000x16xf32, #tpu.memory_space<hbm>>
        %dma_wait3A_52 = tpu.memref_squeeze %dma_wait3A_51 : memref<1x1000x16xf32, #tpu.memory_space<hbm>> -> memref<1000x16xf32, #tpu.memory_space<hbm>>
        tpu.wait_dma2 semaphore(%run_scoped3A_42 : memref<!tpu.dma_semaphore, #tpu.memory_space<semaphore_mem>>) src(%dma_wait3A_52 : memref<1000x16xf32, #tpu.memory_space<hbm>>) dst(%arg6 : memref<1000x16xf32, #tpu.memory_space<vmem>>)
        tpu.yield
      }) : () -> ()
      %run_scoped3A_28 = arith.constant 1 : i32
      "tpu.region"() ({
        %run_scoped3A_42 = tpu.sem_alloc : memref<!tpu.dma_semaphore, #tpu.memory_space<semaphore_mem>>
        %dma_start3A = arith.constant 0 : i32
        %dma_start3A_43 = tpu.memref_slice %arg2[%run_scoped3A_28, %mul3A_27, %dma_start3A] : memref<2x100000x16xf32, #tpu.memory_space<hbm>> -> memref<1x1000x16xf32, #tpu.memory_space<hbm>>
        %dma_start3A_44 = tpu.memref_squeeze %dma_start3A_43 : memref<1x1000x16xf32, #tpu.memory_space<hbm>> -> memref<1000x16xf32, #tpu.memory_space<hbm>>
        %dma_start3A_45 = arith.constant 0 : i32
        %dma_start3A_46 = tpu.memref_slice %arg2[%run_scoped3A_28, %mul3A_27, %dma_start3A_45] : memref<2x100000x16xf32, #tpu.memory_space<hbm>> -> memref<1x1000x16xf32, #tpu.memory_space<hbm>>
        %dma_start3A_47 = tpu.memref_squeeze %dma_start3A_46 : memref<1x1000x16xf32, #tpu.memory_space<hbm>> -> memref<1000x16xf32, #tpu.memory_space<hbm>>
        tpu.enqueue_dma source(%dma_start3A_47 : memref<1000x16xf32, #tpu.memory_space<hbm>>) target(%arg7 : memref<1000x16xf32, #tpu.memory_space<vmem>>) target_semaphore(%run_scoped3A_42 : memref<!tpu.dma_semaphore, #tpu.memory_space<semaphore_mem>>)
        %dma_wait3A = arith.constant 0 : i32
        %dma_wait3A_48 = tpu.memref_slice %arg2[%run_scoped3A_28, %mul3A_27, %dma_wait3A] : memref<2x100000x16xf32, #tpu.memory_space<hbm>> -> memref<1x1000x16xf32, #tpu.memory_space<hbm>>
        %dma_wait3A_49 = tpu.memref_squeeze %dma_wait3A_48 : memref<1x1000x16xf32, #tpu.memory_space<hbm>> -> memref<1000x16xf32, #tpu.memory_space<hbm>>
        %dma_wait3A_50 = arith.constant 0 : i32
        %dma_wait3A_51 = tpu.memref_slice %arg2[%run_scoped3A_28, %mul3A_27, %dma_wait3A_50] : memref<2x100000x16xf32, #tpu.memory_space<hbm>> -> memref<1x1000x16xf32, #tpu.memory_space<hbm>>
        %dma_wait3A_52 = tpu.memref_squeeze %dma_wait3A_51 : memref<1x1000x16xf32, #tpu.memory_space<hbm>> -> memref<1000x16xf32, #tpu.memory_space<hbm>>
        tpu.wait_dma2 semaphore(%run_scoped3A_42 : memref<!tpu.dma_semaphore, #tpu.memory_space<semaphore_mem>>) src(%dma_wait3A_52 : memref<1000x16xf32, #tpu.memory_space<hbm>>) dst(%arg7 : memref<1000x16xf32, #tpu.memory_space<vmem>>)
        tpu.yield
      }) : () -> ()
      "tpu.region"() ({
        %run_scoped3A_42 = tpu.sem_alloc : memref<!tpu.dma_semaphore, #tpu.memory_space<semaphore_mem>>
        %dma_start3A = arith.constant 0 : i32
        %dma_start3A_43 = tpu.memref_slice %arg8[%dma_start3A] : memref<1016xf32, #tpu.memory_space<vmem>> -> memref<1000xf32, #tpu.memory_space<vmem>>
        %dma_start3A_44 = tpu.memref_slice %arg3[%mul3A_27] : memref<200000xf32, #tpu.memory_space<hbm>> -> memref<1000xf32, #tpu.memory_space<hbm>>
        %dma_start3A_45 = arith.constant 0 : i32
        %dma_start3A_46 = tpu.memref_slice %arg8[%dma_start3A_45] : memref<1016xf32, #tpu.memory_space<vmem>> -> memref<1000xf32, #tpu.memory_space<vmem>>
        %dma_start3A_47 = tpu.memref_slice %arg3[%mul3A_27] : memref<200000xf32, #tpu.memory_space<hbm>> -> memref<1000xf32, #tpu.memory_space<hbm>>
        tpu.enqueue_dma source(%dma_start3A_47 : memref<1000xf32, #tpu.memory_space<hbm>>) target(%dma_start3A_46 : memref<1000xf32, #tpu.memory_space<vmem>>) target_semaphore(%run_scoped3A_42 : memref<!tpu.dma_semaphore, #tpu.memory_space<semaphore_mem>>)
        %dma_wait3A = arith.constant 0 : i32
        %dma_wait3A_48 = tpu.memref_slice %arg8[%dma_wait3A] : memref<1016xf32, #tpu.memory_space<vmem>> -> memref<1000xf32, #tpu.memory_space<vmem>>
        %dma_wait3A_49 = tpu.memref_slice %arg3[%mul3A_27] : memref<200000xf32, #tpu.memory_space<hbm>> -> memref<1000xf32, #tpu.memory_space<hbm>>
        %dma_wait3A_50 = arith.constant 0 : i32
        %dma_wait3A_51 = tpu.memref_slice %arg8[%dma_wait3A_50] : memref<1016xf32, #tpu.memory_space<vmem>> -> memref<1000xf32, #tpu.memory_space<vmem>>
        %dma_wait3A_52 = tpu.memref_slice %arg3[%mul3A_27] : memref<200000xf32, #tpu.memory_space<hbm>> -> memref<1000xf32, #tpu.memory_space<hbm>>
        tpu.wait_dma2 semaphore(%run_scoped3A_42 : memref<!tpu.dma_semaphore, #tpu.memory_space<semaphore_mem>>) src(%dma_wait3A_52 : memref<1000xf32, #tpu.memory_space<hbm>>) dst(%dma_wait3A_51 : memref<1000xf32, #tpu.memory_space<vmem>>)
        tpu.yield
      }) : () -> ()
      %add3A_29 = arith.constant 100000 : i32
      %add3A_30 = arith.addi %add3A_29, %mul3A_27 : i32
      "tpu.region"() ({
        %run_scoped3A_42 = tpu.sem_alloc : memref<!tpu.dma_semaphore, #tpu.memory_space<semaphore_mem>>
        %dma_start3A = arith.constant 0 : i32
        %dma_start3A_43 = tpu.memref_slice %arg9[%dma_start3A] : memref<1016xf32, #tpu.memory_space<vmem>> -> memref<1000xf32, #tpu.memory_space<vmem>>
        %dma_start3A_44 = tpu.memref_slice %arg3[%add3A_30] : memref<200000xf32, #tpu.memory_space<hbm>> -> memref<1000xf32, #tpu.memory_space<hbm>>
        %dma_start3A_45 = arith.constant 0 : i32
        %dma_start3A_46 = tpu.memref_slice %arg9[%dma_start3A_45] : memref<1016xf32, #tpu.memory_space<vmem>> -> memref<1000xf32, #tpu.memory_space<vmem>>
        %dma_start3A_47 = tpu.memref_slice %arg3[%add3A_30] : memref<200000xf32, #tpu.memory_space<hbm>> -> memref<1000xf32, #tpu.memory_space<hbm>>
        tpu.enqueue_dma source(%dma_start3A_47 : memref<1000xf32, #tpu.memory_space<hbm>>) target(%dma_start3A_46 : memref<1000xf32, #tpu.memory_space<vmem>>) target_semaphore(%run_scoped3A_42 : memref<!tpu.dma_semaphore, #tpu.memory_space<semaphore_mem>>)
        %dma_wait3A = arith.constant 0 : i32
        %dma_wait3A_48 = tpu.memref_slice %arg9[%dma_wait3A] : memref<1016xf32, #tpu.memory_space<vmem>> -> memref<1000xf32, #tpu.memory_space<vmem>>
        %dma_wait3A_49 = tpu.memref_slice %arg3[%add3A_30] : memref<200000xf32, #tpu.memory_space<hbm>> -> memref<1000xf32, #tpu.memory_space<hbm>>
        %dma_wait3A_50 = arith.constant 0 : i32
        %dma_wait3A_51 = tpu.memref_slice %arg9[%dma_wait3A_50] : memref<1016xf32, #tpu.memory_space<vmem>> -> memref<1000xf32, #tpu.memory_space<vmem>>
        %dma_wait3A_52 = tpu.memref_slice %arg3[%add3A_30] : memref<200000xf32, #tpu.memory_space<hbm>> -> memref<1000xf32, #tpu.memory_space<hbm>>
        tpu.wait_dma2 semaphore(%run_scoped3A_42 : memref<!tpu.dma_semaphore, #tpu.memory_space<semaphore_mem>>) src(%dma_wait3A_52 : memref<1000xf32, #tpu.memory_space<hbm>>) dst(%dma_wait3A_51 : memref<1000xf32, #tpu.memory_space<vmem>>)
        tpu.yield
      }) : () -> ()
      %scan3A = arith.constant 0 : i32
      %scan3A_31 = arith.constant 0 : i32
      %scan3A_32 = arith.constant 63 : i32
      %scan3A_33 = arith.addi %scan3A_31, %scan3A_32 : i32
      %scan3A_34 = arith.constant 1 : i32
      scf.for %scan3A_42 = %scan3A_31 to %scan3A_33 step %scan3A_34  : i32 {
        %mul3A_43 = arith.constant 16 : i32
        %mul3A_44 = arith.muli %scan3A_42, %mul3A_43 : i32
        %get3A = arith.index_cast %mul3A_44 : i32 to index
        %get3A_45 = tpu.vector_load %arg8[%get3A] {strides = array<i32>} : memref<1016xf32, #tpu.memory_space<vmem>>, vector<16xf32>,
        %mul3A_46 = arith.constant 16 : i32
        %mul3A_47 = arith.muli %scan3A_42, %mul3A_46 : i32
        %get3A_48 = arith.index_cast %mul3A_47 : i32 to index
        %get3A_49 = tpu.vector_load %arg9[%get3A_48] {strides = array<i32>} : memref<1016xf32, #tpu.memory_space<vmem>>, vector<16xf32>,
        %add3A_50 = arith.addf %get3A_45, %get3A_49 : vector<16xf32>
        %max3A = arith.constant 1.000000e+00 : f32
        %max3A_51 = vector.broadcast %max3A : f32 to vector<16xf32>
        %max3A_52 = arith.maximumf %add3A_50, %max3A_51 : vector<16xf32>
        %div3A = arith.constant 1.000000e+00 : f32
        %div3A_53 = vector.broadcast %div3A : f32 to vector<16xf32>
        %div3A_54 = arith.divf %div3A_53, %max3A_52 : vector<16xf32>
        %mul3A_55 = arith.constant 16 : i32
        %mul3A_56 = arith.muli %scan3A_42, %mul3A_55 : i32
        %swap3A = arith.index_cast %mul3A_56 : i32 to index
        %swap3A_57 = tpu.vector_load %arg10[%swap3A] {strides = array<i32>} : memref<1016xf32, #tpu.memory_space<vmem>>, vector<16xf32>,
        tpu.vector_store %arg10[%swap3A], %div3A_54 {strides = array<i32>} : memref<1016xf32, #tpu.memory_space<vmem>>, vector<16xf32>,
      }
      %scan3A_35 = arith.constant 63 : i32
      %scan3A_36 = arith.constant 0 : i32
      %scan3A_37 = arith.constant 0 : i32
      %scan3A_38 = arith.constant 1000 : i32
      %scan3A_39 = arith.addi %scan3A_37, %scan3A_38 : i32
      %scan3A_40 = arith.constant 1 : i32
      scf.for %scan3A_42 = %scan3A_37 to %scan3A_39 step %scan3A_40  : i32 {
        %get3A = arith.index_cast %scan3A_42 : i32 to index
        %get3A_43 = tpu.vector_load %arg10[%get3A] {strides = array<i32>} : memref<1016xf32, #tpu.memory_space<vmem>>, vector<16xf32>,
        %slice3A = vector.extract_strided_slice %get3A_43 {offsets = [0], sizes = [1], strides = [1]} : vector<16xf32> to vector<1xf32>
        %squeeze3A = vector.extract %slice3A[0] : f32 from vector<1xf32>
        %get3A_44 = arith.index_cast %scan3A_42 : i32 to index
        %get3A_45 = arith.constant 0 : index
        %get3A_46 = tpu.vector_load %arg6[%get3A_44, %get3A_45] {strides = array<i32>} : memref<1000x16xf32, #tpu.memory_space<vmem>>, vector<16xf32>,
        %get3A_47 = arith.index_cast %scan3A_42 : i32 to index
        %get3A_48 = arith.constant 0 : index
        %get3A_49 = tpu.vector_load %arg7[%get3A_47, %get3A_48] {strides = array<i32>} : memref<1000x16xf32, #tpu.memory_space<vmem>>, vector<16xf32>,
        %add3A_50 = arith.addf %get3A_46, %get3A_49 : vector<16xf32>
        %mul3A_51 = vector.broadcast %squeeze3A : f32 to vector<16xf32>
        %mul3A_52 = arith.mulf %add3A_50, %mul3A_51 : vector<16xf32>
        %swap3A = arith.index_cast %scan3A_42 : i32 to index
        %swap3A_53 = arith.constant 0 : index
        %swap3A_54 = tpu.vector_load %arg11[%swap3A, %swap3A_53] {strides = array<i32>} : memref<1000x16xf32, #tpu.memory_space<vmem>>, vector<16xf32>,
        tpu.vector_store %arg11[%swap3A, %swap3A_53], %mul3A_52 {strides = array<i32>} : memref<1000x16xf32, #tpu.memory_space<vmem>>, vector<16xf32>,
      }
      %scan3A_41 = arith.constant 1000 : i32
      "tpu.region"() ({
        %run_scoped3A_42 = tpu.sem_alloc : memref<!tpu.dma_semaphore, #tpu.memory_space<semaphore_mem>>
        %dma_start3A = arith.constant 0 : i32
        %dma_start3A_43 = tpu.memref_slice %arg4[%mul3A_27, %dma_start3A] : memref<100000x16xf32, #tpu.memory_space<hbm>> -> memref<1000x16xf32, #tpu.memory_space<hbm>>
        %dma_start3A_44 = arith.constant 0 : i32
        %dma_start3A_45 = tpu.memref_slice %arg4[%mul3A_27, %dma_start3A_44] : memref<100000x16xf32, #tpu.memory_space<hbm>> -> memref<1000x16xf32, #tpu.memory_space<hbm>>
        tpu.enqueue_dma source(%arg11 : memref<1000x16xf32, #tpu.memory_space<vmem>>) target(%dma_start3A_45 : memref<1000x16xf32, #tpu.memory_space<hbm>>) target_semaphore(%run_scoped3A_42 : memref<!tpu.dma_semaphore, #tpu.memory_space<semaphore_mem>>)
        %dma_wait3A = arith.constant 0 : i32
        %dma_wait3A_46 = tpu.memref_slice %arg4[%mul3A_27, %dma_wait3A] : memref<100000x16xf32, #tpu.memory_space<hbm>> -> memref<1000x16xf32, #tpu.memory_space<hbm>>
        %dma_wait3A_47 = arith.constant 0 : i32
        %dma_wait3A_48 = tpu.memref_slice %arg4[%mul3A_27, %dma_wait3A_47] : memref<100000x16xf32, #tpu.memory_space<hbm>> -> memref<1000x16xf32, #tpu.memory_space<hbm>>
        tpu.wait_dma2 semaphore(%run_scoped3A_42 : memref<!tpu.dma_semaphore, #tpu.memory_space<semaphore_mem>>) src(%arg11 : memref<1000x16xf32, #tpu.memory_space<vmem>>) dst(%dma_wait3A_48 : memref<1000x16xf32, #tpu.memory_space<hbm>>)
        tpu.yield
      }) : () -> ()
      "tpu.region"() ({
        %run_scoped3A_42 = tpu.sem_alloc : memref<!tpu.dma_semaphore, #tpu.memory_space<semaphore_mem>>
        %dma_start3A = arith.constant 0 : i32
        %dma_start3A_43 = tpu.memref_slice %arg10[%dma_start3A] : memref<1016xf32, #tpu.memory_space<vmem>> -> memref<1000xf32, #tpu.memory_space<vmem>>
        %dma_start3A_44 = tpu.memref_slice %arg5[%mul3A_27] : memref<100000xf32, #tpu.memory_space<hbm>> -> memref<1000xf32, #tpu.memory_space<hbm>>
        %dma_start3A_45 = tpu.memref_slice %arg5[%mul3A_27] : memref<100000xf32, #tpu.memory_space<hbm>> -> memref<1000xf32, #tpu.memory_space<hbm>>
        %dma_start3A_46 = arith.constant 0 : i32
        %dma_start3A_47 = tpu.memref_slice %arg10[%dma_start3A_46] : memref<1016xf32, #tpu.memory_space<vmem>> -> memref<1000xf32, #tpu.memory_space<vmem>>
        tpu.enqueue_dma source(%dma_start3A_47 : memref<1000xf32, #tpu.memory_space<vmem>>) target(%dma_start3A_45 : memref<1000xf32, #tpu.memory_space<hbm>>) target_semaphore(%run_scoped3A_42 : memref<!tpu.dma_semaphore, #tpu.memory_space<semaphore_mem>>)
        %dma_wait3A = arith.constant 0 : i32
        %dma_wait3A_48 = tpu.memref_slice %arg10[%dma_wait3A] : memref<1016xf32, #tpu.memory_space<vmem>> -> memref<1000xf32, #tpu.memory_space<vmem>>
        %dma_wait3A_49 = tpu.memref_slice %arg5[%mul3A_27] : memref<100000xf32, #tpu.memory_space<hbm>> -> memref<1000xf32, #tpu.memory_space<hbm>>
        %dma_wait3A_50 = tpu.memref_slice %arg5[%mul3A_27] : memref<100000xf32, #tpu.memory_space<hbm>> -> memref<1000xf32, #tpu.memory_space<hbm>>
        %dma_wait3A_51 = arith.constant 0 : i32
        %dma_wait3A_52 = tpu.memref_slice %arg10[%dma_wait3A_51] : memref<1016xf32, #tpu.memory_space<vmem>> -> memref<1000xf32, #tpu.memory_space<vmem>>
        tpu.wait_dma2 semaphore(%run_scoped3A_42 : memref<!tpu.dma_semaphore, #tpu.memory_space<semaphore_mem>>) src(%dma_wait3A_52 : memref<1000xf32, #tpu.memory_space<vmem>>) dst(%dma_wait3A_50 : memref<1000xf32, #tpu.memory_space<hbm>>)
        tpu.yield
      }) : () -> ()
    } else {
    }
    return
  }
}

#map = affine_map<(d0, d1) -> (0, 0)>
#map1 = affine_map<(d0, d1) -> (0, 0, 0)>
module attributes {stable_mosaic.version = 14 : i64} {
  func.func @conv(%arg0: i32, %arg1: i32, %arg2: memref<100000x16xf32, #tpu.memory_space<hbm>>, %arg3: memref<12544x128xi32, #tpu.memory_space<hbm>>, %arg4: memref<12544x128xi32, #tpu.memory_space<hbm>>, %arg5: memref<2x100000x16xf32, #tpu.memory_space<hbm>>, %arg6: memref<100224x16xf32, #tpu.memory_space<vmem_shared>>, %arg7: memref<8x128xi32, #tpu.memory_space<vmem>>, %arg8: memref<8x128xi32, #tpu.memory_space<vmem>>, %arg9: memref<4x128x16xf32, #tpu.memory_space<vmem>>, %arg10: memref<232x16xf32, #tpu.memory_space<vmem>>, %arg11: memref<!tpu.dma_semaphore, #tpu.memory_space<semaphore_mem>>) attributes {dimension_semantics = [#tpu.dimension_semantics<core_parallel>, #tpu.dimension_semantics<subcore_parallel>], iteration_bounds = array<i64: 2, 16>, scalar_prefetch = 0 : i64, scratch_operands = 6 : i64, tpu.core_type = #tpu.core_type<sc_vector_subcore>, window_params = [{transform_indices = #map}, {transform_indices = #map}, {transform_indices = #map}, {transform_indices = #map1}]} {
    %mul3A = arith.constant 16 : i32
    %mul3A_0 = arith.muli %arg0, %mul3A : i32
    %add3A = arith.addi %mul3A_0, %arg1 : i32
    %scan3A = arith.constant 0 : i32
    %scan3A_1 = arith.constant 0 : i32
    %scan3A_2 = arith.constant 232 : i32
    %scan3A_3 = arith.addi %scan3A_1, %scan3A_2 : i32
    %scan3A_4 = arith.constant 1 : i32
    scf.for %scan3A_65 = %scan3A_1 to %scan3A_3 step %scan3A_4  : i32 {
      %broadcast_in_dim3A = arith.constant 0.000000e+00 : f32
      %broadcast_in_dim3A_66 = vector.broadcast %broadcast_in_dim3A : f32 to vector<16xf32>
      %swap3A = arith.index_cast %scan3A_65 : i32 to index
      %swap3A_67 = arith.constant 0 : index
      %swap3A_68 = tpu.vector_load %arg10[%swap3A, %swap3A_67] {strides = array<i32>} : memref<232x16xf32, #tpu.memory_space<vmem>>, vector<16xf32>,
      tpu.vector_store %arg10[%swap3A, %swap3A_67], %broadcast_in_dim3A_66 {strides = array<i32>} : memref<232x16xf32, #tpu.memory_space<vmem>>, vector<16xf32>,
    }
    %scan3A_5 = arith.constant 232 : i32
    %scan3A_6 = arith.constant 0 : i32
    %scan3A_7 = arith.constant 0 : i32
    %scan3A_8 = arith.constant 27 : i32
    %scan3A_9 = arith.addi %scan3A_7, %scan3A_8 : i32
    %scan3A_10 = arith.constant 1 : i32
    scf.for %scan3A_65 = %scan3A_7 to %scan3A_9 step %scan3A_10  : i32 {
      %mul3A_66 = arith.constant 6264 : i32
      %mul3A_67 = arith.muli %arg1, %mul3A_66 : i32
      %mul3A_68 = arith.constant 232 : i32
      %mul3A_69 = arith.muli %scan3A_65, %mul3A_68 : i32
      %add3A_70 = arith.addi %mul3A_67, %mul3A_69 : i32
      "tpu.region"() ({
        %run_scoped3A = tpu.sem_alloc : memref<!tpu.dma_semaphore, #tpu.memory_space<semaphore_mem>>
        %dma_start3A = arith.constant 0 : i32
        %dma_start3A_71 = tpu.memref_slice %arg6[%add3A_70, %dma_start3A] : memref<100224x16xf32, #tpu.memory_space<vmem_shared>> -> memref<232x16xf32, #tpu.memory_space<vmem_shared>>
        %dma_start3A_72 = arith.constant 0 : i32
        %dma_start3A_73 = tpu.memref_slice %arg6[%add3A_70, %dma_start3A_72] : memref<100224x16xf32, #tpu.memory_space<vmem_shared>> -> memref<232x16xf32, #tpu.memory_space<vmem_shared>>
        tpu.enqueue_dma source(%arg10 : memref<232x16xf32, #tpu.memory_space<vmem>>) target(%dma_start3A_73 : memref<232x16xf32, #tpu.memory_space<vmem_shared>>) target_semaphore(%run_scoped3A : memref<!tpu.dma_semaphore, #tpu.memory_space<semaphore_mem>>)
        %dma_wait3A = arith.constant 0 : i32
        %dma_wait3A_74 = tpu.memref_slice %arg6[%add3A_70, %dma_wait3A] : memref<100224x16xf32, #tpu.memory_space<vmem_shared>> -> memref<232x16xf32, #tpu.memory_space<vmem_shared>>
        %dma_wait3A_75 = arith.constant 0 : i32
        %dma_wait3A_76 = tpu.memref_slice %arg6[%add3A_70, %dma_wait3A_75] : memref<100224x16xf32, #tpu.memory_space<vmem_shared>> -> memref<232x16xf32, #tpu.memory_space<vmem_shared>>
        tpu.wait_dma2 semaphore(%run_scoped3A : memref<!tpu.dma_semaphore, #tpu.memory_space<semaphore_mem>>) src(%arg10 : memref<232x16xf32, #tpu.memory_space<vmem>>) dst(%dma_wait3A_76 : memref<232x16xf32, #tpu.memory_space<vmem_shared>>)
        tpu.yield
      }) : () -> ()
    }
    %scan3A_11 = arith.constant 27 : i32
    %barrier3A = arith.constant 0 : index
    tpu.barrier barrier_id(%barrier3A)
    %scan3A_12 = arith.constant 0 : i32
    %scan3A_13 = arith.constant 0 : i32
    %scan3A_14 = arith.constant 49 : i32
    %scan3A_15 = arith.addi %scan3A_13, %scan3A_14 : i32
    %scan3A_16 = arith.constant 1 : i32
    scf.for %scan3A_65 = %scan3A_13 to %scan3A_15 step %scan3A_16  : i32 {
      %mul3A_66 = arith.constant 392 : i32
      %mul3A_67 = arith.muli %add3A, %mul3A_66 : i32
      %mul3A_68 = arith.constant 8 : i32
      %mul3A_69 = arith.muli %scan3A_65, %mul3A_68 : i32
      %add3A_70 = arith.addi %mul3A_67, %mul3A_69 : i32
      "tpu.region"() ({
        %run_scoped3A_276 = tpu.sem_alloc : memref<!tpu.dma_semaphore, #tpu.memory_space<semaphore_mem>>
        %dma_start3A_277 = arith.constant 0 : i32
        %dma_start3A_278 = tpu.memref_slice %arg3[%add3A_70, %dma_start3A_277] : memref<12544x128xi32, #tpu.memory_space<hbm>> -> memref<8x128xi32, #tpu.memory_space<hbm>>
        %dma_start3A_279 = arith.constant 0 : i32
        %dma_start3A_280 = tpu.memref_slice %arg3[%add3A_70, %dma_start3A_279] : memref<12544x128xi32, #tpu.memory_space<hbm>> -> memref<8x128xi32, #tpu.memory_space<hbm>>
        tpu.enqueue_dma source(%dma_start3A_280 : memref<8x128xi32, #tpu.memory_space<hbm>>) target(%arg7 : memref<8x128xi32, #tpu.memory_space<vmem>>) target_semaphore(%run_scoped3A_276 : memref<!tpu.dma_semaphore, #tpu.memory_space<semaphore_mem>>)
        %dma_wait3A_281 = arith.constant 0 : i32
        %dma_wait3A_282 = tpu.memref_slice %arg3[%add3A_70, %dma_wait3A_281] : memref<12544x128xi32, #tpu.memory_space<hbm>> -> memref<8x128xi32, #tpu.memory_space<hbm>>
        %dma_wait3A_283 = arith.constant 0 : i32
        %dma_wait3A_284 = tpu.memref_slice %arg3[%add3A_70, %dma_wait3A_283] : memref<12544x128xi32, #tpu.memory_space<hbm>> -> memref<8x128xi32, #tpu.memory_space<hbm>>
        tpu.wait_dma2 semaphore(%run_scoped3A_276 : memref<!tpu.dma_semaphore, #tpu.memory_space<semaphore_mem>>) src(%dma_wait3A_284 : memref<8x128xi32, #tpu.memory_space<hbm>>) dst(%arg7 : memref<8x128xi32, #tpu.memory_space<vmem>>)
        tpu.yield
      }) : () -> ()
      "tpu.region"() ({
        %run_scoped3A_276 = tpu.sem_alloc : memref<!tpu.dma_semaphore, #tpu.memory_space<semaphore_mem>>
        %dma_start3A_277 = arith.constant 0 : i32
        %dma_start3A_278 = tpu.memref_slice %arg4[%add3A_70, %dma_start3A_277] : memref<12544x128xi32, #tpu.memory_space<hbm>> -> memref<8x128xi32, #tpu.memory_space<hbm>>
        %dma_start3A_279 = arith.constant 0 : i32
        %dma_start3A_280 = tpu.memref_slice %arg4[%add3A_70, %dma_start3A_279] : memref<12544x128xi32, #tpu.memory_space<hbm>> -> memref<8x128xi32, #tpu.memory_space<hbm>>
        tpu.enqueue_dma source(%dma_start3A_280 : memref<8x128xi32, #tpu.memory_space<hbm>>) target(%arg8 : memref<8x128xi32, #tpu.memory_space<vmem>>) target_semaphore(%run_scoped3A_276 : memref<!tpu.dma_semaphore, #tpu.memory_space<semaphore_mem>>)
        %dma_wait3A_281 = arith.constant 0 : i32
        %dma_wait3A_282 = tpu.memref_slice %arg4[%add3A_70, %dma_wait3A_281] : memref<12544x128xi32, #tpu.memory_space<hbm>> -> memref<8x128xi32, #tpu.memory_space<hbm>>
        %dma_wait3A_283 = arith.constant 0 : i32
        %dma_wait3A_284 = tpu.memref_slice %arg4[%add3A_70, %dma_wait3A_283] : memref<12544x128xi32, #tpu.memory_space<hbm>> -> memref<8x128xi32, #tpu.memory_space<hbm>>
        tpu.wait_dma2 semaphore(%run_scoped3A_276 : memref<!tpu.dma_semaphore, #tpu.memory_space<semaphore_mem>>) src(%dma_wait3A_284 : memref<8x128xi32, #tpu.memory_space<hbm>>) dst(%arg8 : memref<8x128xi32, #tpu.memory_space<vmem>>)
        tpu.yield
      }) : () -> ()
      %dma_start3A = arith.constant 0 : i32
      %dma_start3A_71 = arith.constant 0 : i32
      %dma_start3A_72 = arith.constant 0 : i32
      %dma_start3A_73 = arith.constant 0 : i32
      %dma_start3A_74 = tpu.memref_slice %arg9[%dma_start3A_71, %dma_start3A_72, %dma_start3A_73] : memref<4x128x16xf32, #tpu.memory_space<vmem>> -> memref<1x128x16xf32, #tpu.memory_space<vmem>>
      %dma_start3A_75 = tpu.memref_squeeze %dma_start3A_74 : memref<1x128x16xf32, #tpu.memory_space<vmem>> -> memref<128x16xf32, #tpu.memory_space<vmem>>
      %dma_start3A_76 = arith.constant 0 : i32
      %dma_start3A_77 = tpu.memref_slice %arg7[%dma_start3A, %dma_start3A_76] : memref<8x128xi32, #tpu.memory_space<vmem>> -> memref<1x128xi32, #tpu.memory_space<vmem>>
      %dma_start3A_78 = tpu.memref_squeeze %dma_start3A_77 : memref<1x128xi32, #tpu.memory_space<vmem>> -> memref<128xi32, #tpu.memory_space<vmem>>
      %dma_start3A_79 = arith.constant 0 : i32
      %dma_start3A_80 = arith.constant 0 : i32
      %dma_start3A_81 = tpu.memref_slice %arg2[%dma_start3A_79, %dma_start3A_80] : memref<100000x16xf32, #tpu.memory_space<hbm>> -> memref<100000x16xf32, #tpu.memory_space<hbm>>
      tpu.enqueue_indirect_dma source(%dma_start3A_81 : memref<100000x16xf32, #tpu.memory_space<hbm>>) target(%dma_start3A_75 : memref<128x16xf32, #tpu.memory_space<vmem>>) offsets(%dma_start3A_78 : memref<128xi32, #tpu.memory_space<vmem>>) semaphore(%arg11 : memref<!tpu.dma_semaphore, #tpu.memory_space<semaphore_mem>>)
      %dma_start3A_82 = arith.constant 1 : i32
      %dma_start3A_83 = arith.constant 1 : i32
      %dma_start3A_84 = arith.constant 0 : i32
      %dma_start3A_85 = arith.constant 0 : i32
      %dma_start3A_86 = tpu.memref_slice %arg9[%dma_start3A_83, %dma_start3A_84, %dma_start3A_85] : memref<4x128x16xf32, #tpu.memory_space<vmem>> -> memref<1x128x16xf32, #tpu.memory_space<vmem>>
      %dma_start3A_87 = tpu.memref_squeeze %dma_start3A_86 : memref<1x128x16xf32, #tpu.memory_space<vmem>> -> memref<128x16xf32, #tpu.memory_space<vmem>>
      %dma_start3A_88 = arith.constant 0 : i32
      %dma_start3A_89 = tpu.memref_slice %arg7[%dma_start3A_82, %dma_start3A_88] : memref<8x128xi32, #tpu.memory_space<vmem>> -> memref<1x128xi32, #tpu.memory_space<vmem>>
      %dma_start3A_90 = tpu.memref_squeeze %dma_start3A_89 : memref<1x128xi32, #tpu.memory_space<vmem>> -> memref<128xi32, #tpu.memory_space<vmem>>
      %dma_start3A_91 = arith.constant 0 : i32
      %dma_start3A_92 = arith.constant 0 : i32
      %dma_start3A_93 = tpu.memref_slice %arg2[%dma_start3A_91, %dma_start3A_92] : memref<100000x16xf32, #tpu.memory_space<hbm>> -> memref<100000x16xf32, #tpu.memory_space<hbm>>
      tpu.enqueue_indirect_dma source(%dma_start3A_93 : memref<100000x16xf32, #tpu.memory_space<hbm>>) target(%dma_start3A_87 : memref<128x16xf32, #tpu.memory_space<vmem>>) offsets(%dma_start3A_90 : memref<128xi32, #tpu.memory_space<vmem>>) semaphore(%arg11 : memref<!tpu.dma_semaphore, #tpu.memory_space<semaphore_mem>>)
      %dma_start3A_94 = arith.constant 2 : i32
      %dma_start3A_95 = arith.constant 2 : i32
      %dma_start3A_96 = arith.constant 0 : i32
      %dma_start3A_97 = arith.constant 0 : i32
      %dma_start3A_98 = tpu.memref_slice %arg9[%dma_start3A_95, %dma_start3A_96, %dma_start3A_97] : memref<4x128x16xf32, #tpu.memory_space<vmem>> -> memref<1x128x16xf32, #tpu.memory_space<vmem>>
      %dma_start3A_99 = tpu.memref_squeeze %dma_start3A_98 : memref<1x128x16xf32, #tpu.memory_space<vmem>> -> memref<128x16xf32, #tpu.memory_space<vmem>>
      %dma_start3A_100 = arith.constant 0 : i32
      %dma_start3A_101 = tpu.memref_slice %arg7[%dma_start3A_94, %dma_start3A_100] : memref<8x128xi32, #tpu.memory_space<vmem>> -> memref<1x128xi32, #tpu.memory_space<vmem>>
      %dma_start3A_102 = tpu.memref_squeeze %dma_start3A_101 : memref<1x128xi32, #tpu.memory_space<vmem>> -> memref<128xi32, #tpu.memory_space<vmem>>
      %dma_start3A_103 = arith.constant 0 : i32
      %dma_start3A_104 = arith.constant 0 : i32
      %dma_start3A_105 = tpu.memref_slice %arg2[%dma_start3A_103, %dma_start3A_104] : memref<100000x16xf32, #tpu.memory_space<hbm>> -> memref<100000x16xf32, #tpu.memory_space<hbm>>
      tpu.enqueue_indirect_dma source(%dma_start3A_105 : memref<100000x16xf32, #tpu.memory_space<hbm>>) target(%dma_start3A_99 : memref<128x16xf32, #tpu.memory_space<vmem>>) offsets(%dma_start3A_102 : memref<128xi32, #tpu.memory_space<vmem>>) semaphore(%arg11 : memref<!tpu.dma_semaphore, #tpu.memory_space<semaphore_mem>>)
      %dma_start3A_106 = arith.constant 3 : i32
      %dma_start3A_107 = arith.constant 3 : i32
      %dma_start3A_108 = arith.constant 0 : i32
      %dma_start3A_109 = arith.constant 0 : i32
      %dma_start3A_110 = tpu.memref_slice %arg9[%dma_start3A_107, %dma_start3A_108, %dma_start3A_109] : memref<4x128x16xf32, #tpu.memory_space<vmem>> -> memref<1x128x16xf32, #tpu.memory_space<vmem>>
      %dma_start3A_111 = tpu.memref_squeeze %dma_start3A_110 : memref<1x128x16xf32, #tpu.memory_space<vmem>> -> memref<128x16xf32, #tpu.memory_space<vmem>>
      %dma_start3A_112 = arith.constant 0 : i32
      %dma_start3A_113 = tpu.memref_slice %arg7[%dma_start3A_106, %dma_start3A_112] : memref<8x128xi32, #tpu.memory_space<vmem>> -> memref<1x128xi32, #tpu.memory_space<vmem>>
      %dma_start3A_114 = tpu.memref_squeeze %dma_start3A_113 : memref<1x128xi32, #tpu.memory_space<vmem>> -> memref<128xi32, #tpu.memory_space<vmem>>
      %dma_start3A_115 = arith.constant 0 : i32
      %dma_start3A_116 = arith.constant 0 : i32
      %dma_start3A_117 = tpu.memref_slice %arg2[%dma_start3A_115, %dma_start3A_116] : memref<100000x16xf32, #tpu.memory_space<hbm>> -> memref<100000x16xf32, #tpu.memory_space<hbm>>
      tpu.enqueue_indirect_dma source(%dma_start3A_117 : memref<100000x16xf32, #tpu.memory_space<hbm>>) target(%dma_start3A_111 : memref<128x16xf32, #tpu.memory_space<vmem>>) offsets(%dma_start3A_114 : memref<128xi32, #tpu.memory_space<vmem>>) semaphore(%arg11 : memref<!tpu.dma_semaphore, #tpu.memory_space<semaphore_mem>>)
      %dma_wait3A = arith.constant 0 : i32
      %dma_wait3A_118 = arith.constant 0 : i32
      %dma_wait3A_119 = arith.constant 0 : i32
      %dma_wait3A_120 = arith.constant 0 : i32
      %dma_wait3A_121 = tpu.memref_slice %arg9[%dma_wait3A_118, %dma_wait3A_119, %dma_wait3A_120] : memref<4x128x16xf32, #tpu.memory_space<vmem>> -> memref<1x128x16xf32, #tpu.memory_space<vmem>>
      %dma_wait3A_122 = tpu.memref_squeeze %dma_wait3A_121 : memref<1x128x16xf32, #tpu.memory_space<vmem>> -> memref<128x16xf32, #tpu.memory_space<vmem>>
      %dma_wait3A_123 = arith.constant 0 : i32
      %dma_wait3A_124 = tpu.memref_slice %arg7[%dma_wait3A, %dma_wait3A_123] : memref<8x128xi32, #tpu.memory_space<vmem>> -> memref<1x128xi32, #tpu.memory_space<vmem>>
      %dma_wait3A_125 = tpu.memref_squeeze %dma_wait3A_124 : memref<1x128xi32, #tpu.memory_space<vmem>> -> memref<128xi32, #tpu.memory_space<vmem>>
      %dma_wait3A_126 = arith.constant 0 : i32
      %dma_wait3A_127 = arith.constant 0 : i32
      %dma_wait3A_128 = tpu.memref_slice %arg2[%dma_wait3A_126, %dma_wait3A_127] : memref<100000x16xf32, #tpu.memory_space<hbm>> -> memref<100000x16xf32, #tpu.memory_space<hbm>>
      tpu.wait_indirect_dma semaphore(%arg11 : memref<!tpu.dma_semaphore, #tpu.memory_space<semaphore_mem>>) src(%dma_wait3A_128 : memref<100000x16xf32, #tpu.memory_space<hbm>>) dst(%dma_wait3A_122 : memref<128x16xf32, #tpu.memory_space<vmem>>)
      %dma_wait3A_129 = arith.constant 1 : i32
      %dma_wait3A_130 = arith.constant 1 : i32
      %dma_wait3A_131 = arith.constant 0 : i32
      %dma_wait3A_132 = arith.constant 0 : i32
      %dma_wait3A_133 = tpu.memref_slice %arg9[%dma_wait3A_130, %dma_wait3A_131, %dma_wait3A_132] : memref<4x128x16xf32, #tpu.memory_space<vmem>> -> memref<1x128x16xf32, #tpu.memory_space<vmem>>
      %dma_wait3A_134 = tpu.memref_squeeze %dma_wait3A_133 : memref<1x128x16xf32, #tpu.memory_space<vmem>> -> memref<128x16xf32, #tpu.memory_space<vmem>>
      %dma_wait3A_135 = arith.constant 0 : i32
      %dma_wait3A_136 = tpu.memref_slice %arg7[%dma_wait3A_129, %dma_wait3A_135] : memref<8x128xi32, #tpu.memory_space<vmem>> -> memref<1x128xi32, #tpu.memory_space<vmem>>
      %dma_wait3A_137 = tpu.memref_squeeze %dma_wait3A_136 : memref<1x128xi32, #tpu.memory_space<vmem>> -> memref<128xi32, #tpu.memory_space<vmem>>
      %dma_wait3A_138 = arith.constant 0 : i32
      %dma_wait3A_139 = arith.constant 0 : i32
      %dma_wait3A_140 = tpu.memref_slice %arg2[%dma_wait3A_138, %dma_wait3A_139] : memref<100000x16xf32, #tpu.memory_space<hbm>> -> memref<100000x16xf32, #tpu.memory_space<hbm>>
      tpu.wait_indirect_dma semaphore(%arg11 : memref<!tpu.dma_semaphore, #tpu.memory_space<semaphore_mem>>) src(%dma_wait3A_140 : memref<100000x16xf32, #tpu.memory_space<hbm>>) dst(%dma_wait3A_134 : memref<128x16xf32, #tpu.memory_space<vmem>>)
      %dma_wait3A_141 = arith.constant 2 : i32
      %dma_wait3A_142 = arith.constant 2 : i32
      %dma_wait3A_143 = arith.constant 0 : i32
      %dma_wait3A_144 = arith.constant 0 : i32
      %dma_wait3A_145 = tpu.memref_slice %arg9[%dma_wait3A_142, %dma_wait3A_143, %dma_wait3A_144] : memref<4x128x16xf32, #tpu.memory_space<vmem>> -> memref<1x128x16xf32, #tpu.memory_space<vmem>>
      %dma_wait3A_146 = tpu.memref_squeeze %dma_wait3A_145 : memref<1x128x16xf32, #tpu.memory_space<vmem>> -> memref<128x16xf32, #tpu.memory_space<vmem>>
      %dma_wait3A_147 = arith.constant 0 : i32
      %dma_wait3A_148 = tpu.memref_slice %arg7[%dma_wait3A_141, %dma_wait3A_147] : memref<8x128xi32, #tpu.memory_space<vmem>> -> memref<1x128xi32, #tpu.memory_space<vmem>>
      %dma_wait3A_149 = tpu.memref_squeeze %dma_wait3A_148 : memref<1x128xi32, #tpu.memory_space<vmem>> -> memref<128xi32, #tpu.memory_space<vmem>>
      %dma_wait3A_150 = arith.constant 0 : i32
      %dma_wait3A_151 = arith.constant 0 : i32
      %dma_wait3A_152 = tpu.memref_slice %arg2[%dma_wait3A_150, %dma_wait3A_151] : memref<100000x16xf32, #tpu.memory_space<hbm>> -> memref<100000x16xf32, #tpu.memory_space<hbm>>
      tpu.wait_indirect_dma semaphore(%arg11 : memref<!tpu.dma_semaphore, #tpu.memory_space<semaphore_mem>>) src(%dma_wait3A_152 : memref<100000x16xf32, #tpu.memory_space<hbm>>) dst(%dma_wait3A_146 : memref<128x16xf32, #tpu.memory_space<vmem>>)
      %dma_wait3A_153 = arith.constant 3 : i32
      %dma_wait3A_154 = arith.constant 3 : i32
      %dma_wait3A_155 = arith.constant 0 : i32
      %dma_wait3A_156 = arith.constant 0 : i32
      %dma_wait3A_157 = tpu.memref_slice %arg9[%dma_wait3A_154, %dma_wait3A_155, %dma_wait3A_156] : memref<4x128x16xf32, #tpu.memory_space<vmem>> -> memref<1x128x16xf32, #tpu.memory_space<vmem>>
      %dma_wait3A_158 = tpu.memref_squeeze %dma_wait3A_157 : memref<1x128x16xf32, #tpu.memory_space<vmem>> -> memref<128x16xf32, #tpu.memory_space<vmem>>
      %dma_wait3A_159 = arith.constant 0 : i32
      %dma_wait3A_160 = tpu.memref_slice %arg7[%dma_wait3A_153, %dma_wait3A_159] : memref<8x128xi32, #tpu.memory_space<vmem>> -> memref<1x128xi32, #tpu.memory_space<vmem>>
      %dma_wait3A_161 = tpu.memref_squeeze %dma_wait3A_160 : memref<1x128xi32, #tpu.memory_space<vmem>> -> memref<128xi32, #tpu.memory_space<vmem>>
      %dma_wait3A_162 = arith.constant 0 : i32
      %dma_wait3A_163 = arith.constant 0 : i32
      %dma_wait3A_164 = tpu.memref_slice %arg2[%dma_wait3A_162, %dma_wait3A_163] : memref<100000x16xf32, #tpu.memory_space<hbm>> -> memref<100000x16xf32, #tpu.memory_space<hbm>>
      tpu.wait_indirect_dma semaphore(%arg11 : memref<!tpu.dma_semaphore, #tpu.memory_space<semaphore_mem>>) src(%dma_wait3A_164 : memref<100000x16xf32, #tpu.memory_space<hbm>>) dst(%dma_wait3A_158 : memref<128x16xf32, #tpu.memory_space<vmem>>)
      %run_scoped3A = arith.constant 0 : i32
      %run_scoped3A_165 = arith.constant 0 : i32
      "tpu.region"() ({
        %run_scoped3A_276 = tpu.sem_alloc : memref<!tpu.dma_semaphore, #tpu.memory_space<semaphore_mem>>
        %dma_start3A_277 = arith.constant 0 : i32
        %dma_start3A_278 = arith.constant 0 : i32
        %dma_start3A_279 = tpu.memref_slice %arg9[%run_scoped3A, %dma_start3A_277, %dma_start3A_278] : memref<4x128x16xf32, #tpu.memory_space<vmem>> -> memref<1x128x16xf32, #tpu.memory_space<vmem>>
        %dma_start3A_280 = tpu.memref_squeeze %dma_start3A_279 : memref<1x128x16xf32, #tpu.memory_space<vmem>> -> memref<128x16xf32, #tpu.memory_space<vmem>>
        %dma_start3A_281 = arith.constant 0 : i32
        %dma_start3A_282 = tpu.memref_slice %arg8[%run_scoped3A_165, %dma_start3A_281] : memref<8x128xi32, #tpu.memory_space<vmem>> -> memref<1x128xi32, #tpu.memory_space<vmem>>
        %dma_start3A_283 = tpu.memref_squeeze %dma_start3A_282 : memref<1x128xi32, #tpu.memory_space<vmem>> -> memref<128xi32, #tpu.memory_space<vmem>>
        %dma_start3A_284 = arith.constant 0 : i32
        %dma_start3A_285 = arith.constant 0 : i32
        %dma_start3A_286 = tpu.memref_slice %arg6[%dma_start3A_284, %dma_start3A_285] : memref<100224x16xf32, #tpu.memory_space<vmem_shared>> -> memref<100224x16xf32, #tpu.memory_space<vmem_shared>>
        tpu.enqueue_indirect_dma source(%dma_start3A_280 : memref<128x16xf32, #tpu.memory_space<vmem>>) target(%dma_start3A_286 : memref<100224x16xf32, #tpu.memory_space<vmem_shared>>) offsets(%dma_start3A_283 : memref<128xi32, #tpu.memory_space<vmem>>) semaphore(%run_scoped3A_276 : memref<!tpu.dma_semaphore, #tpu.memory_space<semaphore_mem>>) {add = true}
        %dma_wait3A_287 = arith.constant 0 : i32
        %dma_wait3A_288 = arith.constant 0 : i32
        %dma_wait3A_289 = tpu.memref_slice %arg9[%run_scoped3A, %dma_wait3A_287, %dma_wait3A_288] : memref<4x128x16xf32, #tpu.memory_space<vmem>> -> memref<1x128x16xf32, #tpu.memory_space<vmem>>
        %dma_wait3A_290 = tpu.memref_squeeze %dma_wait3A_289 : memref<1x128x16xf32, #tpu.memory_space<vmem>> -> memref<128x16xf32, #tpu.memory_space<vmem>>
        %dma_wait3A_291 = arith.constant 0 : i32
        %dma_wait3A_292 = tpu.memref_slice %arg8[%run_scoped3A_165, %dma_wait3A_291] : memref<8x128xi32, #tpu.memory_space<vmem>> -> memref<1x128xi32, #tpu.memory_space<vmem>>
        %dma_wait3A_293 = tpu.memref_squeeze %dma_wait3A_292 : memref<1x128xi32, #tpu.memory_space<vmem>> -> memref<128xi32, #tpu.memory_space<vmem>>
        %dma_wait3A_294 = arith.constant 0 : i32
        %dma_wait3A_295 = arith.constant 0 : i32
        %dma_wait3A_296 = tpu.memref_slice %arg6[%dma_wait3A_294, %dma_wait3A_295] : memref<100224x16xf32, #tpu.memory_space<vmem_shared>> -> memref<100224x16xf32, #tpu.memory_space<vmem_shared>>
        tpu.wait_indirect_dma semaphore(%run_scoped3A_276 : memref<!tpu.dma_semaphore, #tpu.memory_space<semaphore_mem>>) src(%dma_wait3A_290 : memref<128x16xf32, #tpu.memory_space<vmem>>) dst(%dma_wait3A_296 : memref<100224x16xf32, #tpu.memory_space<vmem_shared>>)
        tpu.yield
      }) : () -> ()
      %run_scoped3A_166 = arith.constant 1 : i32
      %run_scoped3A_167 = arith.constant 1 : i32
      "tpu.region"() ({
        %run_scoped3A_276 = tpu.sem_alloc : memref<!tpu.dma_semaphore, #tpu.memory_space<semaphore_mem>>
        %dma_start3A_277 = arith.constant 0 : i32
        %dma_start3A_278 = arith.constant 0 : i32
        %dma_start3A_279 = tpu.memref_slice %arg9[%run_scoped3A_166, %dma_start3A_277, %dma_start3A_278] : memref<4x128x16xf32, #tpu.memory_space<vmem>> -> memref<1x128x16xf32, #tpu.memory_space<vmem>>
        %dma_start3A_280 = tpu.memref_squeeze %dma_start3A_279 : memref<1x128x16xf32, #tpu.memory_space<vmem>> -> memref<128x16xf32, #tpu.memory_space<vmem>>
        %dma_start3A_281 = arith.constant 0 : i32
        %dma_start3A_282 = tpu.memref_slice %arg8[%run_scoped3A_167, %dma_start3A_281] : memref<8x128xi32, #tpu.memory_space<vmem>> -> memref<1x128xi32, #tpu.memory_space<vmem>>
        %dma_start3A_283 = tpu.memref_squeeze %dma_start3A_282 : memref<1x128xi32, #tpu.memory_space<vmem>> -> memref<128xi32, #tpu.memory_space<vmem>>
        %dma_start3A_284 = arith.constant 0 : i32
        %dma_start3A_285 = arith.constant 0 : i32
        %dma_start3A_286 = tpu.memref_slice %arg6[%dma_start3A_284, %dma_start3A_285] : memref<100224x16xf32, #tpu.memory_space<vmem_shared>> -> memref<100224x16xf32, #tpu.memory_space<vmem_shared>>
        tpu.enqueue_indirect_dma source(%dma_start3A_280 : memref<128x16xf32, #tpu.memory_space<vmem>>) target(%dma_start3A_286 : memref<100224x16xf32, #tpu.memory_space<vmem_shared>>) offsets(%dma_start3A_283 : memref<128xi32, #tpu.memory_space<vmem>>) semaphore(%run_scoped3A_276 : memref<!tpu.dma_semaphore, #tpu.memory_space<semaphore_mem>>) {add = true}
        %dma_wait3A_287 = arith.constant 0 : i32
        %dma_wait3A_288 = arith.constant 0 : i32
        %dma_wait3A_289 = tpu.memref_slice %arg9[%run_scoped3A_166, %dma_wait3A_287, %dma_wait3A_288] : memref<4x128x16xf32, #tpu.memory_space<vmem>> -> memref<1x128x16xf32, #tpu.memory_space<vmem>>
        %dma_wait3A_290 = tpu.memref_squeeze %dma_wait3A_289 : memref<1x128x16xf32, #tpu.memory_space<vmem>> -> memref<128x16xf32, #tpu.memory_space<vmem>>
        %dma_wait3A_291 = arith.constant 0 : i32
        %dma_wait3A_292 = tpu.memref_slice %arg8[%run_scoped3A_167, %dma_wait3A_291] : memref<8x128xi32, #tpu.memory_space<vmem>> -> memref<1x128xi32, #tpu.memory_space<vmem>>
        %dma_wait3A_293 = tpu.memref_squeeze %dma_wait3A_292 : memref<1x128xi32, #tpu.memory_space<vmem>> -> memref<128xi32, #tpu.memory_space<vmem>>
        %dma_wait3A_294 = arith.constant 0 : i32
        %dma_wait3A_295 = arith.constant 0 : i32
        %dma_wait3A_296 = tpu.memref_slice %arg6[%dma_wait3A_294, %dma_wait3A_295] : memref<100224x16xf32, #tpu.memory_space<vmem_shared>> -> memref<100224x16xf32, #tpu.memory_space<vmem_shared>>
        tpu.wait_indirect_dma semaphore(%run_scoped3A_276 : memref<!tpu.dma_semaphore, #tpu.memory_space<semaphore_mem>>) src(%dma_wait3A_290 : memref<128x16xf32, #tpu.memory_space<vmem>>) dst(%dma_wait3A_296 : memref<100224x16xf32, #tpu.memory_space<vmem_shared>>)
        tpu.yield
      }) : () -> ()
      %run_scoped3A_168 = arith.constant 2 : i32
      %run_scoped3A_169 = arith.constant 2 : i32
      "tpu.region"() ({
        %run_scoped3A_276 = tpu.sem_alloc : memref<!tpu.dma_semaphore, #tpu.memory_space<semaphore_mem>>
        %dma_start3A_277 = arith.constant 0 : i32
        %dma_start3A_278 = arith.constant 0 : i32
        %dma_start3A_279 = tpu.memref_slice %arg9[%run_scoped3A_168, %dma_start3A_277, %dma_start3A_278] : memref<4x128x16xf32, #tpu.memory_space<vmem>> -> memref<1x128x16xf32, #tpu.memory_space<vmem>>
        %dma_start3A_280 = tpu.memref_squeeze %dma_start3A_279 : memref<1x128x16xf32, #tpu.memory_space<vmem>> -> memref<128x16xf32, #tpu.memory_space<vmem>>
        %dma_start3A_281 = arith.constant 0 : i32
        %dma_start3A_282 = tpu.memref_slice %arg8[%run_scoped3A_169, %dma_start3A_281] : memref<8x128xi32, #tpu.memory_space<vmem>> -> memref<1x128xi32, #tpu.memory_space<vmem>>
        %dma_start3A_283 = tpu.memref_squeeze %dma_start3A_282 : memref<1x128xi32, #tpu.memory_space<vmem>> -> memref<128xi32, #tpu.memory_space<vmem>>
        %dma_start3A_284 = arith.constant 0 : i32
        %dma_start3A_285 = arith.constant 0 : i32
        %dma_start3A_286 = tpu.memref_slice %arg6[%dma_start3A_284, %dma_start3A_285] : memref<100224x16xf32, #tpu.memory_space<vmem_shared>> -> memref<100224x16xf32, #tpu.memory_space<vmem_shared>>
        tpu.enqueue_indirect_dma source(%dma_start3A_280 : memref<128x16xf32, #tpu.memory_space<vmem>>) target(%dma_start3A_286 : memref<100224x16xf32, #tpu.memory_space<vmem_shared>>) offsets(%dma_start3A_283 : memref<128xi32, #tpu.memory_space<vmem>>) semaphore(%run_scoped3A_276 : memref<!tpu.dma_semaphore, #tpu.memory_space<semaphore_mem>>) {add = true}
        %dma_wait3A_287 = arith.constant 0 : i32
        %dma_wait3A_288 = arith.constant 0 : i32
        %dma_wait3A_289 = tpu.memref_slice %arg9[%run_scoped3A_168, %dma_wait3A_287, %dma_wait3A_288] : memref<4x128x16xf32, #tpu.memory_space<vmem>> -> memref<1x128x16xf32, #tpu.memory_space<vmem>>
        %dma_wait3A_290 = tpu.memref_squeeze %dma_wait3A_289 : memref<1x128x16xf32, #tpu.memory_space<vmem>> -> memref<128x16xf32, #tpu.memory_space<vmem>>
        %dma_wait3A_291 = arith.constant 0 : i32
        %dma_wait3A_292 = tpu.memref_slice %arg8[%run_scoped3A_169, %dma_wait3A_291] : memref<8x128xi32, #tpu.memory_space<vmem>> -> memref<1x128xi32, #tpu.memory_space<vmem>>
        %dma_wait3A_293 = tpu.memref_squeeze %dma_wait3A_292 : memref<1x128xi32, #tpu.memory_space<vmem>> -> memref<128xi32, #tpu.memory_space<vmem>>
        %dma_wait3A_294 = arith.constant 0 : i32
        %dma_wait3A_295 = arith.constant 0 : i32
        %dma_wait3A_296 = tpu.memref_slice %arg6[%dma_wait3A_294, %dma_wait3A_295] : memref<100224x16xf32, #tpu.memory_space<vmem_shared>> -> memref<100224x16xf32, #tpu.memory_space<vmem_shared>>
        tpu.wait_indirect_dma semaphore(%run_scoped3A_276 : memref<!tpu.dma_semaphore, #tpu.memory_space<semaphore_mem>>) src(%dma_wait3A_290 : memref<128x16xf32, #tpu.memory_space<vmem>>) dst(%dma_wait3A_296 : memref<100224x16xf32, #tpu.memory_space<vmem_shared>>)
        tpu.yield
      }) : () -> ()
      %run_scoped3A_170 = arith.constant 3 : i32
      %run_scoped3A_171 = arith.constant 3 : i32
      "tpu.region"() ({
        %run_scoped3A_276 = tpu.sem_alloc : memref<!tpu.dma_semaphore, #tpu.memory_space<semaphore_mem>>
        %dma_start3A_277 = arith.constant 0 : i32
        %dma_start3A_278 = arith.constant 0 : i32
        %dma_start3A_279 = tpu.memref_slice %arg9[%run_scoped3A_170, %dma_start3A_277, %dma_start3A_278] : memref<4x128x16xf32, #tpu.memory_space<vmem>> -> memref<1x128x16xf32, #tpu.memory_space<vmem>>
        %dma_start3A_280 = tpu.memref_squeeze %dma_start3A_279 : memref<1x128x16xf32, #tpu.memory_space<vmem>> -> memref<128x16xf32, #tpu.memory_space<vmem>>
        %dma_start3A_281 = arith.constant 0 : i32
        %dma_start3A_282 = tpu.memref_slice %arg8[%run_scoped3A_171, %dma_start3A_281] : memref<8x128xi32, #tpu.memory_space<vmem>> -> memref<1x128xi32, #tpu.memory_space<vmem>>
        %dma_start3A_283 = tpu.memref_squeeze %dma_start3A_282 : memref<1x128xi32, #tpu.memory_space<vmem>> -> memref<128xi32, #tpu.memory_space<vmem>>
        %dma_start3A_284 = arith.constant 0 : i32
        %dma_start3A_285 = arith.constant 0 : i32
        %dma_start3A_286 = tpu.memref_slice %arg6[%dma_start3A_284, %dma_start3A_285] : memref<100224x16xf32, #tpu.memory_space<vmem_shared>> -> memref<100224x16xf32, #tpu.memory_space<vmem_shared>>
        tpu.enqueue_indirect_dma source(%dma_start3A_280 : memref<128x16xf32, #tpu.memory_space<vmem>>) target(%dma_start3A_286 : memref<100224x16xf32, #tpu.memory_space<vmem_shared>>) offsets(%dma_start3A_283 : memref<128xi32, #tpu.memory_space<vmem>>) semaphore(%run_scoped3A_276 : memref<!tpu.dma_semaphore, #tpu.memory_space<semaphore_mem>>) {add = true}
        %dma_wait3A_287 = arith.constant 0 : i32
        %dma_wait3A_288 = arith.constant 0 : i32
        %dma_wait3A_289 = tpu.memref_slice %arg9[%run_scoped3A_170, %dma_wait3A_287, %dma_wait3A_288] : memref<4x128x16xf32, #tpu.memory_space<vmem>> -> memref<1x128x16xf32, #tpu.memory_space<vmem>>
        %dma_wait3A_290 = tpu.memref_squeeze %dma_wait3A_289 : memref<1x128x16xf32, #tpu.memory_space<vmem>> -> memref<128x16xf32, #tpu.memory_space<vmem>>
        %dma_wait3A_291 = arith.constant 0 : i32
        %dma_wait3A_292 = tpu.memref_slice %arg8[%run_scoped3A_171, %dma_wait3A_291] : memref<8x128xi32, #tpu.memory_space<vmem>> -> memref<1x128xi32, #tpu.memory_space<vmem>>
        %dma_wait3A_293 = tpu.memref_squeeze %dma_wait3A_292 : memref<1x128xi32, #tpu.memory_space<vmem>> -> memref<128xi32, #tpu.memory_space<vmem>>
        %dma_wait3A_294 = arith.constant 0 : i32
        %dma_wait3A_295 = arith.constant 0 : i32
        %dma_wait3A_296 = tpu.memref_slice %arg6[%dma_wait3A_294, %dma_wait3A_295] : memref<100224x16xf32, #tpu.memory_space<vmem_shared>> -> memref<100224x16xf32, #tpu.memory_space<vmem_shared>>
        tpu.wait_indirect_dma semaphore(%run_scoped3A_276 : memref<!tpu.dma_semaphore, #tpu.memory_space<semaphore_mem>>) src(%dma_wait3A_290 : memref<128x16xf32, #tpu.memory_space<vmem>>) dst(%dma_wait3A_296 : memref<100224x16xf32, #tpu.memory_space<vmem_shared>>)
        tpu.yield
      }) : () -> ()
      %dma_start3A_172 = arith.constant 4 : i32
      %dma_start3A_173 = arith.constant 0 : i32
      %dma_start3A_174 = arith.constant 0 : i32
      %dma_start3A_175 = arith.constant 0 : i32
      %dma_start3A_176 = tpu.memref_slice %arg9[%dma_start3A_173, %dma_start3A_174, %dma_start3A_175] : memref<4x128x16xf32, #tpu.memory_space<vmem>> -> memref<1x128x16xf32, #tpu.memory_space<vmem>>
      %dma_start3A_177 = tpu.memref_squeeze %dma_start3A_176 : memref<1x128x16xf32, #tpu.memory_space<vmem>> -> memref<128x16xf32, #tpu.memory_space<vmem>>
      %dma_start3A_178 = arith.constant 0 : i32
      %dma_start3A_179 = tpu.memref_slice %arg7[%dma_start3A_172, %dma_start3A_178] : memref<8x128xi32, #tpu.memory_space<vmem>> -> memref<1x128xi32, #tpu.memory_space<vmem>>
      %dma_start3A_180 = tpu.memref_squeeze %dma_start3A_179 : memref<1x128xi32, #tpu.memory_space<vmem>> -> memref<128xi32, #tpu.memory_space<vmem>>
      %dma_start3A_181 = arith.constant 0 : i32
      %dma_start3A_182 = arith.constant 0 : i32
      %dma_start3A_183 = tpu.memref_slice %arg2[%dma_start3A_181, %dma_start3A_182] : memref<100000x16xf32, #tpu.memory_space<hbm>> -> memref<100000x16xf32, #tpu.memory_space<hbm>>
      tpu.enqueue_indirect_dma source(%dma_start3A_183 : memref<100000x16xf32, #tpu.memory_space<hbm>>) target(%dma_start3A_177 : memref<128x16xf32, #tpu.memory_space<vmem>>) offsets(%dma_start3A_180 : memref<128xi32, #tpu.memory_space<vmem>>) semaphore(%arg11 : memref<!tpu.dma_semaphore, #tpu.memory_space<semaphore_mem>>)
      %dma_start3A_184 = arith.constant 5 : i32
      %dma_start3A_185 = arith.constant 1 : i32
      %dma_start3A_186 = arith.constant 0 : i32
      %dma_start3A_187 = arith.constant 0 : i32
      %dma_start3A_188 = tpu.memref_slice %arg9[%dma_start3A_185, %dma_start3A_186, %dma_start3A_187] : memref<4x128x16xf32, #tpu.memory_space<vmem>> -> memref<1x128x16xf32, #tpu.memory_space<vmem>>
      %dma_start3A_189 = tpu.memref_squeeze %dma_start3A_188 : memref<1x128x16xf32, #tpu.memory_space<vmem>> -> memref<128x16xf32, #tpu.memory_space<vmem>>
      %dma_start3A_190 = arith.constant 0 : i32
      %dma_start3A_191 = tpu.memref_slice %arg7[%dma_start3A_184, %dma_start3A_190] : memref<8x128xi32, #tpu.memory_space<vmem>> -> memref<1x128xi32, #tpu.memory_space<vmem>>
      %dma_start3A_192 = tpu.memref_squeeze %dma_start3A_191 : memref<1x128xi32, #tpu.memory_space<vmem>> -> memref<128xi32, #tpu.memory_space<vmem>>
      %dma_start3A_193 = arith.constant 0 : i32
      %dma_start3A_194 = arith.constant 0 : i32
      %dma_start3A_195 = tpu.memref_slice %arg2[%dma_start3A_193, %dma_start3A_194] : memref<100000x16xf32, #tpu.memory_space<hbm>> -> memref<100000x16xf32, #tpu.memory_space<hbm>>
      tpu.enqueue_indirect_dma source(%dma_start3A_195 : memref<100000x16xf32, #tpu.memory_space<hbm>>) target(%dma_start3A_189 : memref<128x16xf32, #tpu.memory_space<vmem>>) offsets(%dma_start3A_192 : memref<128xi32, #tpu.memory_space<vmem>>) semaphore(%arg11 : memref<!tpu.dma_semaphore, #tpu.memory_space<semaphore_mem>>)
      %dma_start3A_196 = arith.constant 6 : i32
      %dma_start3A_197 = arith.constant 2 : i32
      %dma_start3A_198 = arith.constant 0 : i32
      %dma_start3A_199 = arith.constant 0 : i32
      %dma_start3A_200 = tpu.memref_slice %arg9[%dma_start3A_197, %dma_start3A_198, %dma_start3A_199] : memref<4x128x16xf32, #tpu.memory_space<vmem>> -> memref<1x128x16xf32, #tpu.memory_space<vmem>>
      %dma_start3A_201 = tpu.memref_squeeze %dma_start3A_200 : memref<1x128x16xf32, #tpu.memory_space<vmem>> -> memref<128x16xf32, #tpu.memory_space<vmem>>
      %dma_start3A_202 = arith.constant 0 : i32
      %dma_start3A_203 = tpu.memref_slice %arg7[%dma_start3A_196, %dma_start3A_202] : memref<8x128xi32, #tpu.memory_space<vmem>> -> memref<1x128xi32, #tpu.memory_space<vmem>>
      %dma_start3A_204 = tpu.memref_squeeze %dma_start3A_203 : memref<1x128xi32, #tpu.memory_space<vmem>> -> memref<128xi32, #tpu.memory_space<vmem>>
      %dma_start3A_205 = arith.constant 0 : i32
      %dma_start3A_206 = arith.constant 0 : i32
      %dma_start3A_207 = tpu.memref_slice %arg2[%dma_start3A_205, %dma_start3A_206] : memref<100000x16xf32, #tpu.memory_space<hbm>> -> memref<100000x16xf32, #tpu.memory_space<hbm>>
      tpu.enqueue_indirect_dma source(%dma_start3A_207 : memref<100000x16xf32, #tpu.memory_space<hbm>>) target(%dma_start3A_201 : memref<128x16xf32, #tpu.memory_space<vmem>>) offsets(%dma_start3A_204 : memref<128xi32, #tpu.memory_space<vmem>>) semaphore(%arg11 : memref<!tpu.dma_semaphore, #tpu.memory_space<semaphore_mem>>)
      %dma_start3A_208 = arith.constant 7 : i32
      %dma_start3A_209 = arith.constant 3 : i32
      %dma_start3A_210 = arith.constant 0 : i32
      %dma_start3A_211 = arith.constant 0 : i32
      %dma_start3A_212 = tpu.memref_slice %arg9[%dma_start3A_209, %dma_start3A_210, %dma_start3A_211] : memref<4x128x16xf32, #tpu.memory_space<vmem>> -> memref<1x128x16xf32, #tpu.memory_space<vmem>>
      %dma_start3A_213 = tpu.memref_squeeze %dma_start3A_212 : memref<1x128x16xf32, #tpu.memory_space<vmem>> -> memref<128x16xf32, #tpu.memory_space<vmem>>
      %dma_start3A_214 = arith.constant 0 : i32
      %dma_start3A_215 = tpu.memref_slice %arg7[%dma_start3A_208, %dma_start3A_214] : memref<8x128xi32, #tpu.memory_space<vmem>> -> memref<1x128xi32, #tpu.memory_space<vmem>>
      %dma_start3A_216 = tpu.memref_squeeze %dma_start3A_215 : memref<1x128xi32, #tpu.memory_space<vmem>> -> memref<128xi32, #tpu.memory_space<vmem>>
      %dma_start3A_217 = arith.constant 0 : i32
      %dma_start3A_218 = arith.constant 0 : i32
      %dma_start3A_219 = tpu.memref_slice %arg2[%dma_start3A_217, %dma_start3A_218] : memref<100000x16xf32, #tpu.memory_space<hbm>> -> memref<100000x16xf32, #tpu.memory_space<hbm>>
      tpu.enqueue_indirect_dma source(%dma_start3A_219 : memref<100000x16xf32, #tpu.memory_space<hbm>>) target(%dma_start3A_213 : memref<128x16xf32, #tpu.memory_space<vmem>>) offsets(%dma_start3A_216 : memref<128xi32, #tpu.memory_space<vmem>>) semaphore(%arg11 : memref<!tpu.dma_semaphore, #tpu.memory_space<semaphore_mem>>)
      %dma_wait3A_220 = arith.constant 4 : i32
      %dma_wait3A_221 = arith.constant 0 : i32
      %dma_wait3A_222 = arith.constant 0 : i32
      %dma_wait3A_223 = arith.constant 0 : i32
      %dma_wait3A_224 = tpu.memref_slice %arg9[%dma_wait3A_221, %dma_wait3A_222, %dma_wait3A_223] : memref<4x128x16xf32, #tpu.memory_space<vmem>> -> memref<1x128x16xf32, #tpu.memory_space<vmem>>
      %dma_wait3A_225 = tpu.memref_squeeze %dma_wait3A_224 : memref<1x128x16xf32, #tpu.memory_space<vmem>> -> memref<128x16xf32, #tpu.memory_space<vmem>>
      %dma_wait3A_226 = arith.constant 0 : i32
      %dma_wait3A_227 = tpu.memref_slice %arg7[%dma_wait3A_220, %dma_wait3A_226] : memref<8x128xi32, #tpu.memory_space<vmem>> -> memref<1x128xi32, #tpu.memory_space<vmem>>
      %dma_wait3A_228 = tpu.memref_squeeze %dma_wait3A_227 : memref<1x128xi32, #tpu.memory_space<vmem>> -> memref<128xi32, #tpu.memory_space<vmem>>
      %dma_wait3A_229 = arith.constant 0 : i32
      %dma_wait3A_230 = arith.constant 0 : i32
      %dma_wait3A_231 = tpu.memref_slice %arg2[%dma_wait3A_229, %dma_wait3A_230] : memref<100000x16xf32, #tpu.memory_space<hbm>> -> memref<100000x16xf32, #tpu.memory_space<hbm>>
      tpu.wait_indirect_dma semaphore(%arg11 : memref<!tpu.dma_semaphore, #tpu.memory_space<semaphore_mem>>) src(%dma_wait3A_231 : memref<100000x16xf32, #tpu.memory_space<hbm>>) dst(%dma_wait3A_225 : memref<128x16xf32, #tpu.memory_space<vmem>>)
      %dma_wait3A_232 = arith.constant 5 : i32
      %dma_wait3A_233 = arith.constant 1 : i32
      %dma_wait3A_234 = arith.constant 0 : i32
      %dma_wait3A_235 = arith.constant 0 : i32
      %dma_wait3A_236 = tpu.memref_slice %arg9[%dma_wait3A_233, %dma_wait3A_234, %dma_wait3A_235] : memref<4x128x16xf32, #tpu.memory_space<vmem>> -> memref<1x128x16xf32, #tpu.memory_space<vmem>>
      %dma_wait3A_237 = tpu.memref_squeeze %dma_wait3A_236 : memref<1x128x16xf32, #tpu.memory_space<vmem>> -> memref<128x16xf32, #tpu.memory_space<vmem>>
      %dma_wait3A_238 = arith.constant 0 : i32
      %dma_wait3A_239 = tpu.memref_slice %arg7[%dma_wait3A_232, %dma_wait3A_238] : memref<8x128xi32, #tpu.memory_space<vmem>> -> memref<1x128xi32, #tpu.memory_space<vmem>>
      %dma_wait3A_240 = tpu.memref_squeeze %dma_wait3A_239 : memref<1x128xi32, #tpu.memory_space<vmem>> -> memref<128xi32, #tpu.memory_space<vmem>>
      %dma_wait3A_241 = arith.constant 0 : i32
      %dma_wait3A_242 = arith.constant 0 : i32
      %dma_wait3A_243 = tpu.memref_slice %arg2[%dma_wait3A_241, %dma_wait3A_242] : memref<100000x16xf32, #tpu.memory_space<hbm>> -> memref<100000x16xf32, #tpu.memory_space<hbm>>
      tpu.wait_indirect_dma semaphore(%arg11 : memref<!tpu.dma_semaphore, #tpu.memory_space<semaphore_mem>>) src(%dma_wait3A_243 : memref<100000x16xf32, #tpu.memory_space<hbm>>) dst(%dma_wait3A_237 : memref<128x16xf32, #tpu.memory_space<vmem>>)
      %dma_wait3A_244 = arith.constant 6 : i32
      %dma_wait3A_245 = arith.constant 2 : i32
      %dma_wait3A_246 = arith.constant 0 : i32
      %dma_wait3A_247 = arith.constant 0 : i32
      %dma_wait3A_248 = tpu.memref_slice %arg9[%dma_wait3A_245, %dma_wait3A_246, %dma_wait3A_247] : memref<4x128x16xf32, #tpu.memory_space<vmem>> -> memref<1x128x16xf32, #tpu.memory_space<vmem>>
      %dma_wait3A_249 = tpu.memref_squeeze %dma_wait3A_248 : memref<1x128x16xf32, #tpu.memory_space<vmem>> -> memref<128x16xf32, #tpu.memory_space<vmem>>
      %dma_wait3A_250 = arith.constant 0 : i32
      %dma_wait3A_251 = tpu.memref_slice %arg7[%dma_wait3A_244, %dma_wait3A_250] : memref<8x128xi32, #tpu.memory_space<vmem>> -> memref<1x128xi32, #tpu.memory_space<vmem>>
      %dma_wait3A_252 = tpu.memref_squeeze %dma_wait3A_251 : memref<1x128xi32, #tpu.memory_space<vmem>> -> memref<128xi32, #tpu.memory_space<vmem>>
      %dma_wait3A_253 = arith.constant 0 : i32
      %dma_wait3A_254 = arith.constant 0 : i32
      %dma_wait3A_255 = tpu.memref_slice %arg2[%dma_wait3A_253, %dma_wait3A_254] : memref<100000x16xf32, #tpu.memory_space<hbm>> -> memref<100000x16xf32, #tpu.memory_space<hbm>>
      tpu.wait_indirect_dma semaphore(%arg11 : memref<!tpu.dma_semaphore, #tpu.memory_space<semaphore_mem>>) src(%dma_wait3A_255 : memref<100000x16xf32, #tpu.memory_space<hbm>>) dst(%dma_wait3A_249 : memref<128x16xf32, #tpu.memory_space<vmem>>)
      %dma_wait3A_256 = arith.constant 7 : i32
      %dma_wait3A_257 = arith.constant 3 : i32
      %dma_wait3A_258 = arith.constant 0 : i32
      %dma_wait3A_259 = arith.constant 0 : i32
      %dma_wait3A_260 = tpu.memref_slice %arg9[%dma_wait3A_257, %dma_wait3A_258, %dma_wait3A_259] : memref<4x128x16xf32, #tpu.memory_space<vmem>> -> memref<1x128x16xf32, #tpu.memory_space<vmem>>
      %dma_wait3A_261 = tpu.memref_squeeze %dma_wait3A_260 : memref<1x128x16xf32, #tpu.memory_space<vmem>> -> memref<128x16xf32, #tpu.memory_space<vmem>>
      %dma_wait3A_262 = arith.constant 0 : i32
      %dma_wait3A_263 = tpu.memref_slice %arg7[%dma_wait3A_256, %dma_wait3A_262] : memref<8x128xi32, #tpu.memory_space<vmem>> -> memref<1x128xi32, #tpu.memory_space<vmem>>
      %dma_wait3A_264 = tpu.memref_squeeze %dma_wait3A_263 : memref<1x128xi32, #tpu.memory_space<vmem>> -> memref<128xi32, #tpu.memory_space<vmem>>
      %dma_wait3A_265 = arith.constant 0 : i32
      %dma_wait3A_266 = arith.constant 0 : i32
      %dma_wait3A_267 = tpu.memref_slice %arg2[%dma_wait3A_265, %dma_wait3A_266] : memref<100000x16xf32, #tpu.memory_space<hbm>> -> memref<100000x16xf32, #tpu.memory_space<hbm>>
      tpu.wait_indirect_dma semaphore(%arg11 : memref<!tpu.dma_semaphore, #tpu.memory_space<semaphore_mem>>) src(%dma_wait3A_267 : memref<100000x16xf32, #tpu.memory_space<hbm>>) dst(%dma_wait3A_261 : memref<128x16xf32, #tpu.memory_space<vmem>>)
      %run_scoped3A_268 = arith.constant 0 : i32
      %run_scoped3A_269 = arith.constant 4 : i32
      "tpu.region"() ({
        %run_scoped3A_276 = tpu.sem_alloc : memref<!tpu.dma_semaphore, #tpu.memory_space<semaphore_mem>>
        %dma_start3A_277 = arith.constant 0 : i32
        %dma_start3A_278 = arith.constant 0 : i32
        %dma_start3A_279 = tpu.memref_slice %arg9[%run_scoped3A_268, %dma_start3A_277, %dma_start3A_278] : memref<4x128x16xf32, #tpu.memory_space<vmem>> -> memref<1x128x16xf32, #tpu.memory_space<vmem>>
        %dma_start3A_280 = tpu.memref_squeeze %dma_start3A_279 : memref<1x128x16xf32, #tpu.memory_space<vmem>> -> memref<128x16xf32, #tpu.memory_space<vmem>>
        %dma_start3A_281 = arith.constant 0 : i32
        %dma_start3A_282 = tpu.memref_slice %arg8[%run_scoped3A_269, %dma_start3A_281] : memref<8x128xi32, #tpu.memory_space<vmem>> -> memref<1x128xi32, #tpu.memory_space<vmem>>
        %dma_start3A_283 = tpu.memref_squeeze %dma_start3A_282 : memref<1x128xi32, #tpu.memory_space<vmem>> -> memref<128xi32, #tpu.memory_space<vmem>>
        %dma_start3A_284 = arith.constant 0 : i32
        %dma_start3A_285 = arith.constant 0 : i32
        %dma_start3A_286 = tpu.memref_slice %arg6[%dma_start3A_284, %dma_start3A_285] : memref<100224x16xf32, #tpu.memory_space<vmem_shared>> -> memref<100224x16xf32, #tpu.memory_space<vmem_shared>>
        tpu.enqueue_indirect_dma source(%dma_start3A_280 : memref<128x16xf32, #tpu.memory_space<vmem>>) target(%dma_start3A_286 : memref<100224x16xf32, #tpu.memory_space<vmem_shared>>) offsets(%dma_start3A_283 : memref<128xi32, #tpu.memory_space<vmem>>) semaphore(%run_scoped3A_276 : memref<!tpu.dma_semaphore, #tpu.memory_space<semaphore_mem>>) {add = true}
        %dma_wait3A_287 = arith.constant 0 : i32
        %dma_wait3A_288 = arith.constant 0 : i32
        %dma_wait3A_289 = tpu.memref_slice %arg9[%run_scoped3A_268, %dma_wait3A_287, %dma_wait3A_288] : memref<4x128x16xf32, #tpu.memory_space<vmem>> -> memref<1x128x16xf32, #tpu.memory_space<vmem>>
        %dma_wait3A_290 = tpu.memref_squeeze %dma_wait3A_289 : memref<1x128x16xf32, #tpu.memory_space<vmem>> -> memref<128x16xf32, #tpu.memory_space<vmem>>
        %dma_wait3A_291 = arith.constant 0 : i32
        %dma_wait3A_292 = tpu.memref_slice %arg8[%run_scoped3A_269, %dma_wait3A_291] : memref<8x128xi32, #tpu.memory_space<vmem>> -> memref<1x128xi32, #tpu.memory_space<vmem>>
        %dma_wait3A_293 = tpu.memref_squeeze %dma_wait3A_292 : memref<1x128xi32, #tpu.memory_space<vmem>> -> memref<128xi32, #tpu.memory_space<vmem>>
        %dma_wait3A_294 = arith.constant 0 : i32
        %dma_wait3A_295 = arith.constant 0 : i32
        %dma_wait3A_296 = tpu.memref_slice %arg6[%dma_wait3A_294, %dma_wait3A_295] : memref<100224x16xf32, #tpu.memory_space<vmem_shared>> -> memref<100224x16xf32, #tpu.memory_space<vmem_shared>>
        tpu.wait_indirect_dma semaphore(%run_scoped3A_276 : memref<!tpu.dma_semaphore, #tpu.memory_space<semaphore_mem>>) src(%dma_wait3A_290 : memref<128x16xf32, #tpu.memory_space<vmem>>) dst(%dma_wait3A_296 : memref<100224x16xf32, #tpu.memory_space<vmem_shared>>)
        tpu.yield
      }) : () -> ()
      %run_scoped3A_270 = arith.constant 1 : i32
      %run_scoped3A_271 = arith.constant 5 : i32
      "tpu.region"() ({
        %run_scoped3A_276 = tpu.sem_alloc : memref<!tpu.dma_semaphore, #tpu.memory_space<semaphore_mem>>
        %dma_start3A_277 = arith.constant 0 : i32
        %dma_start3A_278 = arith.constant 0 : i32
        %dma_start3A_279 = tpu.memref_slice %arg9[%run_scoped3A_270, %dma_start3A_277, %dma_start3A_278] : memref<4x128x16xf32, #tpu.memory_space<vmem>> -> memref<1x128x16xf32, #tpu.memory_space<vmem>>
        %dma_start3A_280 = tpu.memref_squeeze %dma_start3A_279 : memref<1x128x16xf32, #tpu.memory_space<vmem>> -> memref<128x16xf32, #tpu.memory_space<vmem>>
        %dma_start3A_281 = arith.constant 0 : i32
        %dma_start3A_282 = tpu.memref_slice %arg8[%run_scoped3A_271, %dma_start3A_281] : memref<8x128xi32, #tpu.memory_space<vmem>> -> memref<1x128xi32, #tpu.memory_space<vmem>>
        %dma_start3A_283 = tpu.memref_squeeze %dma_start3A_282 : memref<1x128xi32, #tpu.memory_space<vmem>> -> memref<128xi32, #tpu.memory_space<vmem>>
        %dma_start3A_284 = arith.constant 0 : i32
        %dma_start3A_285 = arith.constant 0 : i32
        %dma_start3A_286 = tpu.memref_slice %arg6[%dma_start3A_284, %dma_start3A_285] : memref<100224x16xf32, #tpu.memory_space<vmem_shared>> -> memref<100224x16xf32, #tpu.memory_space<vmem_shared>>
        tpu.enqueue_indirect_dma source(%dma_start3A_280 : memref<128x16xf32, #tpu.memory_space<vmem>>) target(%dma_start3A_286 : memref<100224x16xf32, #tpu.memory_space<vmem_shared>>) offsets(%dma_start3A_283 : memref<128xi32, #tpu.memory_space<vmem>>) semaphore(%run_scoped3A_276 : memref<!tpu.dma_semaphore, #tpu.memory_space<semaphore_mem>>) {add = true}
        %dma_wait3A_287 = arith.constant 0 : i32
        %dma_wait3A_288 = arith.constant 0 : i32
        %dma_wait3A_289 = tpu.memref_slice %arg9[%run_scoped3A_270, %dma_wait3A_287, %dma_wait3A_288] : memref<4x128x16xf32, #tpu.memory_space<vmem>> -> memref<1x128x16xf32, #tpu.memory_space<vmem>>
        %dma_wait3A_290 = tpu.memref_squeeze %dma_wait3A_289 : memref<1x128x16xf32, #tpu.memory_space<vmem>> -> memref<128x16xf32, #tpu.memory_space<vmem>>
        %dma_wait3A_291 = arith.constant 0 : i32
        %dma_wait3A_292 = tpu.memref_slice %arg8[%run_scoped3A_271, %dma_wait3A_291] : memref<8x128xi32, #tpu.memory_space<vmem>> -> memref<1x128xi32, #tpu.memory_space<vmem>>
        %dma_wait3A_293 = tpu.memref_squeeze %dma_wait3A_292 : memref<1x128xi32, #tpu.memory_space<vmem>> -> memref<128xi32, #tpu.memory_space<vmem>>
        %dma_wait3A_294 = arith.constant 0 : i32
        %dma_wait3A_295 = arith.constant 0 : i32
        %dma_wait3A_296 = tpu.memref_slice %arg6[%dma_wait3A_294, %dma_wait3A_295] : memref<100224x16xf32, #tpu.memory_space<vmem_shared>> -> memref<100224x16xf32, #tpu.memory_space<vmem_shared>>
        tpu.wait_indirect_dma semaphore(%run_scoped3A_276 : memref<!tpu.dma_semaphore, #tpu.memory_space<semaphore_mem>>) src(%dma_wait3A_290 : memref<128x16xf32, #tpu.memory_space<vmem>>) dst(%dma_wait3A_296 : memref<100224x16xf32, #tpu.memory_space<vmem_shared>>)
        tpu.yield
      }) : () -> ()
      %run_scoped3A_272 = arith.constant 2 : i32
      %run_scoped3A_273 = arith.constant 6 : i32
      "tpu.region"() ({
        %run_scoped3A_276 = tpu.sem_alloc : memref<!tpu.dma_semaphore, #tpu.memory_space<semaphore_mem>>
        %dma_start3A_277 = arith.constant 0 : i32
        %dma_start3A_278 = arith.constant 0 : i32
        %dma_start3A_279 = tpu.memref_slice %arg9[%run_scoped3A_272, %dma_start3A_277, %dma_start3A_278] : memref<4x128x16xf32, #tpu.memory_space<vmem>> -> memref<1x128x16xf32, #tpu.memory_space<vmem>>
        %dma_start3A_280 = tpu.memref_squeeze %dma_start3A_279 : memref<1x128x16xf32, #tpu.memory_space<vmem>> -> memref<128x16xf32, #tpu.memory_space<vmem>>
        %dma_start3A_281 = arith.constant 0 : i32
        %dma_start3A_282 = tpu.memref_slice %arg8[%run_scoped3A_273, %dma_start3A_281] : memref<8x128xi32, #tpu.memory_space<vmem>> -> memref<1x128xi32, #tpu.memory_space<vmem>>
        %dma_start3A_283 = tpu.memref_squeeze %dma_start3A_282 : memref<1x128xi32, #tpu.memory_space<vmem>> -> memref<128xi32, #tpu.memory_space<vmem>>
        %dma_start3A_284 = arith.constant 0 : i32
        %dma_start3A_285 = arith.constant 0 : i32
        %dma_start3A_286 = tpu.memref_slice %arg6[%dma_start3A_284, %dma_start3A_285] : memref<100224x16xf32, #tpu.memory_space<vmem_shared>> -> memref<100224x16xf32, #tpu.memory_space<vmem_shared>>
        tpu.enqueue_indirect_dma source(%dma_start3A_280 : memref<128x16xf32, #tpu.memory_space<vmem>>) target(%dma_start3A_286 : memref<100224x16xf32, #tpu.memory_space<vmem_shared>>) offsets(%dma_start3A_283 : memref<128xi32, #tpu.memory_space<vmem>>) semaphore(%run_scoped3A_276 : memref<!tpu.dma_semaphore, #tpu.memory_space<semaphore_mem>>) {add = true}
        %dma_wait3A_287 = arith.constant 0 : i32
        %dma_wait3A_288 = arith.constant 0 : i32
        %dma_wait3A_289 = tpu.memref_slice %arg9[%run_scoped3A_272, %dma_wait3A_287, %dma_wait3A_288] : memref<4x128x16xf32, #tpu.memory_space<vmem>> -> memref<1x128x16xf32, #tpu.memory_space<vmem>>
        %dma_wait3A_290 = tpu.memref_squeeze %dma_wait3A_289 : memref<1x128x16xf32, #tpu.memory_space<vmem>> -> memref<128x16xf32, #tpu.memory_space<vmem>>
        %dma_wait3A_291 = arith.constant 0 : i32
        %dma_wait3A_292 = tpu.memref_slice %arg8[%run_scoped3A_273, %dma_wait3A_291] : memref<8x128xi32, #tpu.memory_space<vmem>> -> memref<1x128xi32, #tpu.memory_space<vmem>>
        %dma_wait3A_293 = tpu.memref_squeeze %dma_wait3A_292 : memref<1x128xi32, #tpu.memory_space<vmem>> -> memref<128xi32, #tpu.memory_space<vmem>>
        %dma_wait3A_294 = arith.constant 0 : i32
        %dma_wait3A_295 = arith.constant 0 : i32
        %dma_wait3A_296 = tpu.memref_slice %arg6[%dma_wait3A_294, %dma_wait3A_295] : memref<100224x16xf32, #tpu.memory_space<vmem_shared>> -> memref<100224x16xf32, #tpu.memory_space<vmem_shared>>
        tpu.wait_indirect_dma semaphore(%run_scoped3A_276 : memref<!tpu.dma_semaphore, #tpu.memory_space<semaphore_mem>>) src(%dma_wait3A_290 : memref<128x16xf32, #tpu.memory_space<vmem>>) dst(%dma_wait3A_296 : memref<100224x16xf32, #tpu.memory_space<vmem_shared>>)
        tpu.yield
      }) : () -> ()
      %run_scoped3A_274 = arith.constant 3 : i32
      %run_scoped3A_275 = arith.constant 7 : i32
      "tpu.region"() ({
        %run_scoped3A_276 = tpu.sem_alloc : memref<!tpu.dma_semaphore, #tpu.memory_space<semaphore_mem>>
        %dma_start3A_277 = arith.constant 0 : i32
        %dma_start3A_278 = arith.constant 0 : i32
        %dma_start3A_279 = tpu.memref_slice %arg9[%run_scoped3A_274, %dma_start3A_277, %dma_start3A_278] : memref<4x128x16xf32, #tpu.memory_space<vmem>> -> memref<1x128x16xf32, #tpu.memory_space<vmem>>
        %dma_start3A_280 = tpu.memref_squeeze %dma_start3A_279 : memref<1x128x16xf32, #tpu.memory_space<vmem>> -> memref<128x16xf32, #tpu.memory_space<vmem>>
        %dma_start3A_281 = arith.constant 0 : i32
        %dma_start3A_282 = tpu.memref_slice %arg8[%run_scoped3A_275, %dma_start3A_281] : memref<8x128xi32, #tpu.memory_space<vmem>> -> memref<1x128xi32, #tpu.memory_space<vmem>>
        %dma_start3A_283 = tpu.memref_squeeze %dma_start3A_282 : memref<1x128xi32, #tpu.memory_space<vmem>> -> memref<128xi32, #tpu.memory_space<vmem>>
        %dma_start3A_284 = arith.constant 0 : i32
        %dma_start3A_285 = arith.constant 0 : i32
        %dma_start3A_286 = tpu.memref_slice %arg6[%dma_start3A_284, %dma_start3A_285] : memref<100224x16xf32, #tpu.memory_space<vmem_shared>> -> memref<100224x16xf32, #tpu.memory_space<vmem_shared>>
        tpu.enqueue_indirect_dma source(%dma_start3A_280 : memref<128x16xf32, #tpu.memory_space<vmem>>) target(%dma_start3A_286 : memref<100224x16xf32, #tpu.memory_space<vmem_shared>>) offsets(%dma_start3A_283 : memref<128xi32, #tpu.memory_space<vmem>>) semaphore(%run_scoped3A_276 : memref<!tpu.dma_semaphore, #tpu.memory_space<semaphore_mem>>) {add = true}
        %dma_wait3A_287 = arith.constant 0 : i32
        %dma_wait3A_288 = arith.constant 0 : i32
        %dma_wait3A_289 = tpu.memref_slice %arg9[%run_scoped3A_274, %dma_wait3A_287, %dma_wait3A_288] : memref<4x128x16xf32, #tpu.memory_space<vmem>> -> memref<1x128x16xf32, #tpu.memory_space<vmem>>
        %dma_wait3A_290 = tpu.memref_squeeze %dma_wait3A_289 : memref<1x128x16xf32, #tpu.memory_space<vmem>> -> memref<128x16xf32, #tpu.memory_space<vmem>>
        %dma_wait3A_291 = arith.constant 0 : i32
        %dma_wait3A_292 = tpu.memref_slice %arg8[%run_scoped3A_275, %dma_wait3A_291] : memref<8x128xi32, #tpu.memory_space<vmem>> -> memref<1x128xi32, #tpu.memory_space<vmem>>
        %dma_wait3A_293 = tpu.memref_squeeze %dma_wait3A_292 : memref<1x128xi32, #tpu.memory_space<vmem>> -> memref<128xi32, #tpu.memory_space<vmem>>
        %dma_wait3A_294 = arith.constant 0 : i32
        %dma_wait3A_295 = arith.constant 0 : i32
        %dma_wait3A_296 = tpu.memref_slice %arg6[%dma_wait3A_294, %dma_wait3A_295] : memref<100224x16xf32, #tpu.memory_space<vmem_shared>> -> memref<100224x16xf32, #tpu.memory_space<vmem_shared>>
        tpu.wait_indirect_dma semaphore(%run_scoped3A_276 : memref<!tpu.dma_semaphore, #tpu.memory_space<semaphore_mem>>) src(%dma_wait3A_290 : memref<128x16xf32, #tpu.memory_space<vmem>>) dst(%dma_wait3A_296 : memref<100224x16xf32, #tpu.memory_space<vmem_shared>>)
        tpu.yield
      }) : () -> ()
    }
    %scan3A_17 = arith.constant 49 : i32
    %barrier3A_18 = arith.constant 0 : index
    tpu.barrier barrier_id(%barrier3A_18)
    %add3A_19 = arith.constant 0 : i32
    %add3A_20 = arith.addi %add3A_19, %arg1 : i32
    %lt3A = arith.constant 100 : i32
    %lt3A_21 = arith.cmpi slt, %add3A_20, %lt3A : i32
    %convert_element_type3A = arith.extui %lt3A_21 : i1 to i32
    %cond3A = arith.constant 0 : i32
    %cond3A_22 = arith.cmpi ne, %convert_element_type3A, %cond3A : i32
    scf.if %cond3A_22 {
      %mul3A_65 = arith.constant 1000 : i32
      %mul3A_66 = arith.muli %add3A_20, %mul3A_65 : i32
      "tpu.region"() ({
        %run_scoped3A = tpu.sem_alloc : memref<!tpu.dma_semaphore, #tpu.memory_space<semaphore_mem>>
        %dma_start3A = arith.constant 0 : i32
        %dma_start3A_67 = tpu.memref_slice %arg5[%arg0, %mul3A_66, %dma_start3A] : memref<2x100000x16xf32, #tpu.memory_space<hbm>> -> memref<1x1000x16xf32, #tpu.memory_space<hbm>>
        %dma_start3A_68 = tpu.memref_squeeze %dma_start3A_67 : memref<1x1000x16xf32, #tpu.memory_space<hbm>> -> memref<1000x16xf32, #tpu.memory_space<hbm>>
        %dma_start3A_69 = arith.constant 0 : i32
        %dma_start3A_70 = tpu.memref_slice %arg6[%mul3A_66, %dma_start3A_69] : memref<100224x16xf32, #tpu.memory_space<vmem_shared>> -> memref<1000x16xf32, #tpu.memory_space<vmem_shared>>
        tpu.enqueue_dma source(%dma_start3A_70 : memref<1000x16xf32, #tpu.memory_space<vmem_shared>>) target(%dma_start3A_68 : memref<1000x16xf32, #tpu.memory_space<hbm>>) target_semaphore(%run_scoped3A : memref<!tpu.dma_semaphore, #tpu.memory_space<semaphore_mem>>)
        %dma_wait3A = arith.constant 0 : i32
        %dma_wait3A_71 = tpu.memref_slice %arg5[%arg0, %mul3A_66, %dma_wait3A] : memref<2x100000x16xf32, #tpu.memory_space<hbm>> -> memref<1x1000x16xf32, #tpu.memory_space<hbm>>
        %dma_wait3A_72 = tpu.memref_squeeze %dma_wait3A_71 : memref<1x1000x16xf32, #tpu.memory_space<hbm>> -> memref<1000x16xf32, #tpu.memory_space<hbm>>
        %dma_wait3A_73 = arith.constant 0 : i32
        %dma_wait3A_74 = tpu.memref_slice %arg6[%mul3A_66, %dma_wait3A_73] : memref<100224x16xf32, #tpu.memory_space<vmem_shared>> -> memref<1000x16xf32, #tpu.memory_space<vmem_shared>>
        tpu.wait_dma2 semaphore(%run_scoped3A : memref<!tpu.dma_semaphore, #tpu.memory_space<semaphore_mem>>) src(%dma_wait3A_74 : memref<1000x16xf32, #tpu.memory_space<vmem_shared>>) dst(%dma_wait3A_72 : memref<1000x16xf32, #tpu.memory_space<hbm>>)
        tpu.yield
      }) : () -> ()
    } else {
    }
    %add3A_23 = arith.constant 16 : i32
    %add3A_24 = arith.addi %add3A_23, %arg1 : i32
    %lt3A_25 = arith.constant 100 : i32
    %lt3A_26 = arith.cmpi slt, %add3A_24, %lt3A_25 : i32
    %convert_element_type3A_27 = arith.extui %lt3A_26 : i1 to i32
    %cond3A_28 = arith.constant 0 : i32
    %cond3A_29 = arith.cmpi ne, %convert_element_type3A_27, %cond3A_28 : i32
    scf.if %cond3A_29 {
      %mul3A_65 = arith.constant 1000 : i32
      %mul3A_66 = arith.muli %add3A_24, %mul3A_65 : i32
      "tpu.region"() ({
        %run_scoped3A = tpu.sem_alloc : memref<!tpu.dma_semaphore, #tpu.memory_space<semaphore_mem>>
        %dma_start3A = arith.constant 0 : i32
        %dma_start3A_67 = tpu.memref_slice %arg5[%arg0, %mul3A_66, %dma_start3A] : memref<2x100000x16xf32, #tpu.memory_space<hbm>> -> memref<1x1000x16xf32, #tpu.memory_space<hbm>>
        %dma_start3A_68 = tpu.memref_squeeze %dma_start3A_67 : memref<1x1000x16xf32, #tpu.memory_space<hbm>> -> memref<1000x16xf32, #tpu.memory_space<hbm>>
        %dma_start3A_69 = arith.constant 0 : i32
        %dma_start3A_70 = tpu.memref_slice %arg6[%mul3A_66, %dma_start3A_69] : memref<100224x16xf32, #tpu.memory_space<vmem_shared>> -> memref<1000x16xf32, #tpu.memory_space<vmem_shared>>
        tpu.enqueue_dma source(%dma_start3A_70 : memref<1000x16xf32, #tpu.memory_space<vmem_shared>>) target(%dma_start3A_68 : memref<1000x16xf32, #tpu.memory_space<hbm>>) target_semaphore(%run_scoped3A : memref<!tpu.dma_semaphore, #tpu.memory_space<semaphore_mem>>)
        %dma_wait3A = arith.constant 0 : i32
        %dma_wait3A_71 = tpu.memref_slice %arg5[%arg0, %mul3A_66, %dma_wait3A] : memref<2x100000x16xf32, #tpu.memory_space<hbm>> -> memref<1x1000x16xf32, #tpu.memory_space<hbm>>
        %dma_wait3A_72 = tpu.memref_squeeze %dma_wait3A_71 : memref<1x1000x16xf32, #tpu.memory_space<hbm>> -> memref<1000x16xf32, #tpu.memory_space<hbm>>
        %dma_wait3A_73 = arith.constant 0 : i32
        %dma_wait3A_74 = tpu.memref_slice %arg6[%mul3A_66, %dma_wait3A_73] : memref<100224x16xf32, #tpu.memory_space<vmem_shared>> -> memref<1000x16xf32, #tpu.memory_space<vmem_shared>>
        tpu.wait_dma2 semaphore(%run_scoped3A : memref<!tpu.dma_semaphore, #tpu.memory_space<semaphore_mem>>) src(%dma_wait3A_74 : memref<1000x16xf32, #tpu.memory_space<vmem_shared>>) dst(%dma_wait3A_72 : memref<1000x16xf32, #tpu.memory_space<hbm>>)
        tpu.yield
      }) : () -> ()
    } else {
    }
    %add3A_30 = arith.constant 32 : i32
    %add3A_31 = arith.addi %add3A_30, %arg1 : i32
    %lt3A_32 = arith.constant 100 : i32
    %lt3A_33 = arith.cmpi slt, %add3A_31, %lt3A_32 : i32
    %convert_element_type3A_34 = arith.extui %lt3A_33 : i1 to i32
    %cond3A_35 = arith.constant 0 : i32
    %cond3A_36 = arith.cmpi ne, %convert_element_type3A_34, %cond3A_35 : i32
    scf.if %cond3A_36 {
      %mul3A_65 = arith.constant 1000 : i32
      %mul3A_66 = arith.muli %add3A_31, %mul3A_65 : i32
      "tpu.region"() ({
        %run_scoped3A = tpu.sem_alloc : memref<!tpu.dma_semaphore, #tpu.memory_space<semaphore_mem>>
        %dma_start3A = arith.constant 0 : i32
        %dma_start3A_67 = tpu.memref_slice %arg5[%arg0, %mul3A_66, %dma_start3A] : memref<2x100000x16xf32, #tpu.memory_space<hbm>> -> memref<1x1000x16xf32, #tpu.memory_space<hbm>>
        %dma_start3A_68 = tpu.memref_squeeze %dma_start3A_67 : memref<1x1000x16xf32, #tpu.memory_space<hbm>> -> memref<1000x16xf32, #tpu.memory_space<hbm>>
        %dma_start3A_69 = arith.constant 0 : i32
        %dma_start3A_70 = tpu.memref_slice %arg6[%mul3A_66, %dma_start3A_69] : memref<100224x16xf32, #tpu.memory_space<vmem_shared>> -> memref<1000x16xf32, #tpu.memory_space<vmem_shared>>
        tpu.enqueue_dma source(%dma_start3A_70 : memref<1000x16xf32, #tpu.memory_space<vmem_shared>>) target(%dma_start3A_68 : memref<1000x16xf32, #tpu.memory_space<hbm>>) target_semaphore(%run_scoped3A : memref<!tpu.dma_semaphore, #tpu.memory_space<semaphore_mem>>)
        %dma_wait3A = arith.constant 0 : i32
        %dma_wait3A_71 = tpu.memref_slice %arg5[%arg0, %mul3A_66, %dma_wait3A] : memref<2x100000x16xf32, #tpu.memory_space<hbm>> -> memref<1x1000x16xf32, #tpu.memory_space<hbm>>
        %dma_wait3A_72 = tpu.memref_squeeze %dma_wait3A_71 : memref<1x1000x16xf32, #tpu.memory_space<hbm>> -> memref<1000x16xf32, #tpu.memory_space<hbm>>
        %dma_wait3A_73 = arith.constant 0 : i32
        %dma_wait3A_74 = tpu.memref_slice %arg6[%mul3A_66, %dma_wait3A_73] : memref<100224x16xf32, #tpu.memory_space<vmem_shared>> -> memref<1000x16xf32, #tpu.memory_space<vmem_shared>>
        tpu.wait_dma2 semaphore(%run_scoped3A : memref<!tpu.dma_semaphore, #tpu.memory_space<semaphore_mem>>) src(%dma_wait3A_74 : memref<1000x16xf32, #tpu.memory_space<vmem_shared>>) dst(%dma_wait3A_72 : memref<1000x16xf32, #tpu.memory_space<hbm>>)
        tpu.yield
      }) : () -> ()
    } else {
    }
    %add3A_37 = arith.constant 48 : i32
    %add3A_38 = arith.addi %add3A_37, %arg1 : i32
    %lt3A_39 = arith.constant 100 : i32
    %lt3A_40 = arith.cmpi slt, %add3A_38, %lt3A_39 : i32
    %convert_element_type3A_41 = arith.extui %lt3A_40 : i1 to i32
    %cond3A_42 = arith.constant 0 : i32
    %cond3A_43 = arith.cmpi ne, %convert_element_type3A_41, %cond3A_42 : i32
    scf.if %cond3A_43 {
      %mul3A_65 = arith.constant 1000 : i32
      %mul3A_66 = arith.muli %add3A_38, %mul3A_65 : i32
      "tpu.region"() ({
        %run_scoped3A = tpu.sem_alloc : memref<!tpu.dma_semaphore, #tpu.memory_space<semaphore_mem>>
        %dma_start3A = arith.constant 0 : i32
        %dma_start3A_67 = tpu.memref_slice %arg5[%arg0, %mul3A_66, %dma_start3A] : memref<2x100000x16xf32, #tpu.memory_space<hbm>> -> memref<1x1000x16xf32, #tpu.memory_space<hbm>>
        %dma_start3A_68 = tpu.memref_squeeze %dma_start3A_67 : memref<1x1000x16xf32, #tpu.memory_space<hbm>> -> memref<1000x16xf32, #tpu.memory_space<hbm>>
        %dma_start3A_69 = arith.constant 0 : i32
        %dma_start3A_70 = tpu.memref_slice %arg6[%mul3A_66, %dma_start3A_69] : memref<100224x16xf32, #tpu.memory_space<vmem_shared>> -> memref<1000x16xf32, #tpu.memory_space<vmem_shared>>
        tpu.enqueue_dma source(%dma_start3A_70 : memref<1000x16xf32, #tpu.memory_space<vmem_shared>>) target(%dma_start3A_68 : memref<1000x16xf32, #tpu.memory_space<hbm>>) target_semaphore(%run_scoped3A : memref<!tpu.dma_semaphore, #tpu.memory_space<semaphore_mem>>)
        %dma_wait3A = arith.constant 0 : i32
        %dma_wait3A_71 = tpu.memref_slice %arg5[%arg0, %mul3A_66, %dma_wait3A] : memref<2x100000x16xf32, #tpu.memory_space<hbm>> -> memref<1x1000x16xf32, #tpu.memory_space<hbm>>
        %dma_wait3A_72 = tpu.memref_squeeze %dma_wait3A_71 : memref<1x1000x16xf32, #tpu.memory_space<hbm>> -> memref<1000x16xf32, #tpu.memory_space<hbm>>
        %dma_wait3A_73 = arith.constant 0 : i32
        %dma_wait3A_74 = tpu.memref_slice %arg6[%mul3A_66, %dma_wait3A_73] : memref<100224x16xf32, #tpu.memory_space<vmem_shared>> -> memref<1000x16xf32, #tpu.memory_space<vmem_shared>>
        tpu.wait_dma2 semaphore(%run_scoped3A : memref<!tpu.dma_semaphore, #tpu.memory_space<semaphore_mem>>) src(%dma_wait3A_74 : memref<1000x16xf32, #tpu.memory_space<vmem_shared>>) dst(%dma_wait3A_72 : memref<1000x16xf32, #tpu.memory_space<hbm>>)
        tpu.yield
      }) : () -> ()
    } else {
    }
    %add3A_44 = arith.constant 64 : i32
    %add3A_45 = arith.addi %add3A_44, %arg1 : i32
    %lt3A_46 = arith.constant 100 : i32
    %lt3A_47 = arith.cmpi slt, %add3A_45, %lt3A_46 : i32
    %convert_element_type3A_48 = arith.extui %lt3A_47 : i1 to i32
    %cond3A_49 = arith.constant 0 : i32
    %cond3A_50 = arith.cmpi ne, %convert_element_type3A_48, %cond3A_49 : i32
    scf.if %cond3A_50 {
      %mul3A_65 = arith.constant 1000 : i32
      %mul3A_66 = arith.muli %add3A_45, %mul3A_65 : i32
      "tpu.region"() ({
        %run_scoped3A = tpu.sem_alloc : memref<!tpu.dma_semaphore, #tpu.memory_space<semaphore_mem>>
        %dma_start3A = arith.constant 0 : i32
        %dma_start3A_67 = tpu.memref_slice %arg5[%arg0, %mul3A_66, %dma_start3A] : memref<2x100000x16xf32, #tpu.memory_space<hbm>> -> memref<1x1000x16xf32, #tpu.memory_space<hbm>>
        %dma_start3A_68 = tpu.memref_squeeze %dma_start3A_67 : memref<1x1000x16xf32, #tpu.memory_space<hbm>> -> memref<1000x16xf32, #tpu.memory_space<hbm>>
        %dma_start3A_69 = arith.constant 0 : i32
        %dma_start3A_70 = tpu.memref_slice %arg6[%mul3A_66, %dma_start3A_69] : memref<100224x16xf32, #tpu.memory_space<vmem_shared>> -> memref<1000x16xf32, #tpu.memory_space<vmem_shared>>
        tpu.enqueue_dma source(%dma_start3A_70 : memref<1000x16xf32, #tpu.memory_space<vmem_shared>>) target(%dma_start3A_68 : memref<1000x16xf32, #tpu.memory_space<hbm>>) target_semaphore(%run_scoped3A : memref<!tpu.dma_semaphore, #tpu.memory_space<semaphore_mem>>)
        %dma_wait3A = arith.constant 0 : i32
        %dma_wait3A_71 = tpu.memref_slice %arg5[%arg0, %mul3A_66, %dma_wait3A] : memref<2x100000x16xf32, #tpu.memory_space<hbm>> -> memref<1x1000x16xf32, #tpu.memory_space<hbm>>
        %dma_wait3A_72 = tpu.memref_squeeze %dma_wait3A_71 : memref<1x1000x16xf32, #tpu.memory_space<hbm>> -> memref<1000x16xf32, #tpu.memory_space<hbm>>
        %dma_wait3A_73 = arith.constant 0 : i32
        %dma_wait3A_74 = tpu.memref_slice %arg6[%mul3A_66, %dma_wait3A_73] : memref<100224x16xf32, #tpu.memory_space<vmem_shared>> -> memref<1000x16xf32, #tpu.memory_space<vmem_shared>>
        tpu.wait_dma2 semaphore(%run_scoped3A : memref<!tpu.dma_semaphore, #tpu.memory_space<semaphore_mem>>) src(%dma_wait3A_74 : memref<1000x16xf32, #tpu.memory_space<vmem_shared>>) dst(%dma_wait3A_72 : memref<1000x16xf32, #tpu.memory_space<hbm>>)
        tpu.yield
      }) : () -> ()
    } else {
    }
    %add3A_51 = arith.constant 80 : i32
    %add3A_52 = arith.addi %add3A_51, %arg1 : i32
    %lt3A_53 = arith.constant 100 : i32
    %lt3A_54 = arith.cmpi slt, %add3A_52, %lt3A_53 : i32
    %convert_element_type3A_55 = arith.extui %lt3A_54 : i1 to i32
    %cond3A_56 = arith.constant 0 : i32
    %cond3A_57 = arith.cmpi ne, %convert_element_type3A_55, %cond3A_56 : i32
    scf.if %cond3A_57 {
      %mul3A_65 = arith.constant 1000 : i32
      %mul3A_66 = arith.muli %add3A_52, %mul3A_65 : i32
      "tpu.region"() ({
        %run_scoped3A = tpu.sem_alloc : memref<!tpu.dma_semaphore, #tpu.memory_space<semaphore_mem>>
        %dma_start3A = arith.constant 0 : i32
        %dma_start3A_67 = tpu.memref_slice %arg5[%arg0, %mul3A_66, %dma_start3A] : memref<2x100000x16xf32, #tpu.memory_space<hbm>> -> memref<1x1000x16xf32, #tpu.memory_space<hbm>>
        %dma_start3A_68 = tpu.memref_squeeze %dma_start3A_67 : memref<1x1000x16xf32, #tpu.memory_space<hbm>> -> memref<1000x16xf32, #tpu.memory_space<hbm>>
        %dma_start3A_69 = arith.constant 0 : i32
        %dma_start3A_70 = tpu.memref_slice %arg6[%mul3A_66, %dma_start3A_69] : memref<100224x16xf32, #tpu.memory_space<vmem_shared>> -> memref<1000x16xf32, #tpu.memory_space<vmem_shared>>
        tpu.enqueue_dma source(%dma_start3A_70 : memref<1000x16xf32, #tpu.memory_space<vmem_shared>>) target(%dma_start3A_68 : memref<1000x16xf32, #tpu.memory_space<hbm>>) target_semaphore(%run_scoped3A : memref<!tpu.dma_semaphore, #tpu.memory_space<semaphore_mem>>)
        %dma_wait3A = arith.constant 0 : i32
        %dma_wait3A_71 = tpu.memref_slice %arg5[%arg0, %mul3A_66, %dma_wait3A] : memref<2x100000x16xf32, #tpu.memory_space<hbm>> -> memref<1x1000x16xf32, #tpu.memory_space<hbm>>
        %dma_wait3A_72 = tpu.memref_squeeze %dma_wait3A_71 : memref<1x1000x16xf32, #tpu.memory_space<hbm>> -> memref<1000x16xf32, #tpu.memory_space<hbm>>
        %dma_wait3A_73 = arith.constant 0 : i32
        %dma_wait3A_74 = tpu.memref_slice %arg6[%mul3A_66, %dma_wait3A_73] : memref<100224x16xf32, #tpu.memory_space<vmem_shared>> -> memref<1000x16xf32, #tpu.memory_space<vmem_shared>>
        tpu.wait_dma2 semaphore(%run_scoped3A : memref<!tpu.dma_semaphore, #tpu.memory_space<semaphore_mem>>) src(%dma_wait3A_74 : memref<1000x16xf32, #tpu.memory_space<vmem_shared>>) dst(%dma_wait3A_72 : memref<1000x16xf32, #tpu.memory_space<hbm>>)
        tpu.yield
      }) : () -> ()
    } else {
    }
    %add3A_58 = arith.constant 96 : i32
    %add3A_59 = arith.addi %add3A_58, %arg1 : i32
    %lt3A_60 = arith.constant 100 : i32
    %lt3A_61 = arith.cmpi slt, %add3A_59, %lt3A_60 : i32
    %convert_element_type3A_62 = arith.extui %lt3A_61 : i1 to i32
    %cond3A_63 = arith.constant 0 : i32
    %cond3A_64 = arith.cmpi ne, %convert_element_type3A_62, %cond3A_63 : i32
    scf.if %cond3A_64 {
      %mul3A_65 = arith.constant 1000 : i32
      %mul3A_66 = arith.muli %add3A_59, %mul3A_65 : i32
      "tpu.region"() ({
        %run_scoped3A = tpu.sem_alloc : memref<!tpu.dma_semaphore, #tpu.memory_space<semaphore_mem>>
        %dma_start3A = arith.constant 0 : i32
        %dma_start3A_67 = tpu.memref_slice %arg5[%arg0, %mul3A_66, %dma_start3A] : memref<2x100000x16xf32, #tpu.memory_space<hbm>> -> memref<1x1000x16xf32, #tpu.memory_space<hbm>>
        %dma_start3A_68 = tpu.memref_squeeze %dma_start3A_67 : memref<1x1000x16xf32, #tpu.memory_space<hbm>> -> memref<1000x16xf32, #tpu.memory_space<hbm>>
        %dma_start3A_69 = arith.constant 0 : i32
        %dma_start3A_70 = tpu.memref_slice %arg6[%mul3A_66, %dma_start3A_69] : memref<100224x16xf32, #tpu.memory_space<vmem_shared>> -> memref<1000x16xf32, #tpu.memory_space<vmem_shared>>
        tpu.enqueue_dma source(%dma_start3A_70 : memref<1000x16xf32, #tpu.memory_space<vmem_shared>>) target(%dma_start3A_68 : memref<1000x16xf32, #tpu.memory_space<hbm>>) target_semaphore(%run_scoped3A : memref<!tpu.dma_semaphore, #tpu.memory_space<semaphore_mem>>)
        %dma_wait3A = arith.constant 0 : i32
        %dma_wait3A_71 = tpu.memref_slice %arg5[%arg0, %mul3A_66, %dma_wait3A] : memref<2x100000x16xf32, #tpu.memory_space<hbm>> -> memref<1x1000x16xf32, #tpu.memory_space<hbm>>
        %dma_wait3A_72 = tpu.memref_squeeze %dma_wait3A_71 : memref<1x1000x16xf32, #tpu.memory_space<hbm>> -> memref<1000x16xf32, #tpu.memory_space<hbm>>
        %dma_wait3A_73 = arith.constant 0 : i32
        %dma_wait3A_74 = tpu.memref_slice %arg6[%mul3A_66, %dma_wait3A_73] : memref<100224x16xf32, #tpu.memory_space<vmem_shared>> -> memref<1000x16xf32, #tpu.memory_space<vmem_shared>>
        tpu.wait_dma2 semaphore(%run_scoped3A : memref<!tpu.dma_semaphore, #tpu.memory_space<semaphore_mem>>) src(%dma_wait3A_74 : memref<1000x16xf32, #tpu.memory_space<vmem_shared>>) dst(%dma_wait3A_72 : memref<1000x16xf32, #tpu.memory_space<hbm>>)
        tpu.yield
      }) : () -> ()
    } else {
    }
    return
  }
}

#map = affine_map<(d0, d1) -> (0, 0, 0)>
#map1 = affine_map<(d0, d1) -> (0)>
#map2 = affine_map<(d0, d1) -> (0, 0)>
module attributes {stable_mosaic.version = 14 : i64} {
  func.func @_combine_final(%arg0: i32, %arg1: i32, %arg2: memref<2x100000x16xf32, #tpu.memory_space<hbm>>, %arg3: memref<100000xf32, #tpu.memory_space<hbm>>, %arg4: memref<100000x16xf32, #tpu.memory_space<hbm>>, %arg5: memref<100000x16xf32, #tpu.memory_space<hbm>>, %arg6: memref<100000x16xf32, #tpu.memory_space<hbm>>, %arg7: memref<1000x16xf32, #tpu.memory_space<vmem>>, %arg8: memref<1000x16xf32, #tpu.memory_space<vmem>>, %arg9: memref<1016xf32, #tpu.memory_space<vmem>>, %arg10: memref<1000x16xf32, #tpu.memory_space<vmem>>, %arg11: memref<1000x16xf32, #tpu.memory_space<vmem>>, %arg12: memref<1000x16xf32, #tpu.memory_space<vmem>>) attributes {dimension_semantics = [#tpu.dimension_semantics<core_parallel>, #tpu.dimension_semantics<subcore_parallel>], iteration_bounds = array<i64: 2, 16>, scalar_prefetch = 0 : i64, scratch_operands = 6 : i64, tpu.core_type = #tpu.core_type<sc_vector_subcore>, window_params = [{transform_indices = #map}, {transform_indices = #map1}, {transform_indices = #map2}, {transform_indices = #map2}, {transform_indices = #map2}]} {
    %mul3A = arith.constant 16 : i32
    %mul3A_0 = arith.muli %arg0, %mul3A : i32
    %add3A = arith.addi %mul3A_0, %arg1 : i32
    %add3A_1 = arith.constant 0 : i32
    %add3A_2 = arith.addi %add3A, %add3A_1 : i32
    %lt3A = arith.constant 100 : i32
    %lt3A_3 = arith.cmpi slt, %add3A_2, %lt3A : i32
    %convert_element_type3A = arith.extui %lt3A_3 : i1 to i32
    %cond3A = arith.constant 0 : i32
    %cond3A_4 = arith.cmpi ne, %convert_element_type3A, %cond3A : i32
    scf.if %cond3A_4 {
      %mul3A_26 = arith.constant 1000 : i32
      %mul3A_27 = arith.muli %add3A_2, %mul3A_26 : i32
      %run_scoped3A = arith.constant 0 : i32
      "tpu.region"() ({
        %run_scoped3A_34 = tpu.sem_alloc : memref<!tpu.dma_semaphore, #tpu.memory_space<semaphore_mem>>
        %dma_start3A = arith.constant 0 : i32
        %dma_start3A_35 = tpu.memref_slice %arg2[%run_scoped3A, %mul3A_27, %dma_start3A] : memref<2x100000x16xf32, #tpu.memory_space<hbm>> -> memref<1x1000x16xf32, #tpu.memory_space<hbm>>
        %dma_start3A_36 = tpu.memref_squeeze %dma_start3A_35 : memref<1x1000x16xf32, #tpu.memory_space<hbm>> -> memref<1000x16xf32, #tpu.memory_space<hbm>>
        %dma_start3A_37 = arith.constant 0 : i32
        %dma_start3A_38 = tpu.memref_slice %arg2[%run_scoped3A, %mul3A_27, %dma_start3A_37] : memref<2x100000x16xf32, #tpu.memory_space<hbm>> -> memref<1x1000x16xf32, #tpu.memory_space<hbm>>
        %dma_start3A_39 = tpu.memref_squeeze %dma_start3A_38 : memref<1x1000x16xf32, #tpu.memory_space<hbm>> -> memref<1000x16xf32, #tpu.memory_space<hbm>>
        tpu.enqueue_dma source(%dma_start3A_39 : memref<1000x16xf32, #tpu.memory_space<hbm>>) target(%arg7 : memref<1000x16xf32, #tpu.memory_space<vmem>>) target_semaphore(%run_scoped3A_34 : memref<!tpu.dma_semaphore, #tpu.memory_space<semaphore_mem>>)
        %dma_wait3A = arith.constant 0 : i32
        %dma_wait3A_40 = tpu.memref_slice %arg2[%run_scoped3A, %mul3A_27, %dma_wait3A] : memref<2x100000x16xf32, #tpu.memory_space<hbm>> -> memref<1x1000x16xf32, #tpu.memory_space<hbm>>
        %dma_wait3A_41 = tpu.memref_squeeze %dma_wait3A_40 : memref<1x1000x16xf32, #tpu.memory_space<hbm>> -> memref<1000x16xf32, #tpu.memory_space<hbm>>
        %dma_wait3A_42 = arith.constant 0 : i32
        %dma_wait3A_43 = tpu.memref_slice %arg2[%run_scoped3A, %mul3A_27, %dma_wait3A_42] : memref<2x100000x16xf32, #tpu.memory_space<hbm>> -> memref<1x1000x16xf32, #tpu.memory_space<hbm>>
        %dma_wait3A_44 = tpu.memref_squeeze %dma_wait3A_43 : memref<1x1000x16xf32, #tpu.memory_space<hbm>> -> memref<1000x16xf32, #tpu.memory_space<hbm>>
        tpu.wait_dma2 semaphore(%run_scoped3A_34 : memref<!tpu.dma_semaphore, #tpu.memory_space<semaphore_mem>>) src(%dma_wait3A_44 : memref<1000x16xf32, #tpu.memory_space<hbm>>) dst(%arg7 : memref<1000x16xf32, #tpu.memory_space<vmem>>)
        tpu.yield
      }) : () -> ()
      %run_scoped3A_28 = arith.constant 1 : i32
      "tpu.region"() ({
        %run_scoped3A_34 = tpu.sem_alloc : memref<!tpu.dma_semaphore, #tpu.memory_space<semaphore_mem>>
        %dma_start3A = arith.constant 0 : i32
        %dma_start3A_35 = tpu.memref_slice %arg2[%run_scoped3A_28, %mul3A_27, %dma_start3A] : memref<2x100000x16xf32, #tpu.memory_space<hbm>> -> memref<1x1000x16xf32, #tpu.memory_space<hbm>>
        %dma_start3A_36 = tpu.memref_squeeze %dma_start3A_35 : memref<1x1000x16xf32, #tpu.memory_space<hbm>> -> memref<1000x16xf32, #tpu.memory_space<hbm>>
        %dma_start3A_37 = arith.constant 0 : i32
        %dma_start3A_38 = tpu.memref_slice %arg2[%run_scoped3A_28, %mul3A_27, %dma_start3A_37] : memref<2x100000x16xf32, #tpu.memory_space<hbm>> -> memref<1x1000x16xf32, #tpu.memory_space<hbm>>
        %dma_start3A_39 = tpu.memref_squeeze %dma_start3A_38 : memref<1x1000x16xf32, #tpu.memory_space<hbm>> -> memref<1000x16xf32, #tpu.memory_space<hbm>>
        tpu.enqueue_dma source(%dma_start3A_39 : memref<1000x16xf32, #tpu.memory_space<hbm>>) target(%arg8 : memref<1000x16xf32, #tpu.memory_space<vmem>>) target_semaphore(%run_scoped3A_34 : memref<!tpu.dma_semaphore, #tpu.memory_space<semaphore_mem>>)
        %dma_wait3A = arith.constant 0 : i32
        %dma_wait3A_40 = tpu.memref_slice %arg2[%run_scoped3A_28, %mul3A_27, %dma_wait3A] : memref<2x100000x16xf32, #tpu.memory_space<hbm>> -> memref<1x1000x16xf32, #tpu.memory_space<hbm>>
        %dma_wait3A_41 = tpu.memref_squeeze %dma_wait3A_40 : memref<1x1000x16xf32, #tpu.memory_space<hbm>> -> memref<1000x16xf32, #tpu.memory_space<hbm>>
        %dma_wait3A_42 = arith.constant 0 : i32
        %dma_wait3A_43 = tpu.memref_slice %arg2[%run_scoped3A_28, %mul3A_27, %dma_wait3A_42] : memref<2x100000x16xf32, #tpu.memory_space<hbm>> -> memref<1x1000x16xf32, #tpu.memory_space<hbm>>
        %dma_wait3A_44 = tpu.memref_squeeze %dma_wait3A_43 : memref<1x1000x16xf32, #tpu.memory_space<hbm>> -> memref<1000x16xf32, #tpu.memory_space<hbm>>
        tpu.wait_dma2 semaphore(%run_scoped3A_34 : memref<!tpu.dma_semaphore, #tpu.memory_space<semaphore_mem>>) src(%dma_wait3A_44 : memref<1000x16xf32, #tpu.memory_space<hbm>>) dst(%arg8 : memref<1000x16xf32, #tpu.memory_space<vmem>>)
        tpu.yield
      }) : () -> ()
      "tpu.region"() ({
        %run_scoped3A_34 = tpu.sem_alloc : memref<!tpu.dma_semaphore, #tpu.memory_space<semaphore_mem>>
        %dma_start3A = arith.constant 0 : i32
        %dma_start3A_35 = tpu.memref_slice %arg9[%dma_start3A] : memref<1016xf32, #tpu.memory_space<vmem>> -> memref<1000xf32, #tpu.memory_space<vmem>>
        %dma_start3A_36 = tpu.memref_slice %arg3[%mul3A_27] : memref<100000xf32, #tpu.memory_space<hbm>> -> memref<1000xf32, #tpu.memory_space<hbm>>
        %dma_start3A_37 = arith.constant 0 : i32
        %dma_start3A_38 = tpu.memref_slice %arg9[%dma_start3A_37] : memref<1016xf32, #tpu.memory_space<vmem>> -> memref<1000xf32, #tpu.memory_space<vmem>>
        %dma_start3A_39 = tpu.memref_slice %arg3[%mul3A_27] : memref<100000xf32, #tpu.memory_space<hbm>> -> memref<1000xf32, #tpu.memory_space<hbm>>
        tpu.enqueue_dma source(%dma_start3A_39 : memref<1000xf32, #tpu.memory_space<hbm>>) target(%dma_start3A_38 : memref<1000xf32, #tpu.memory_space<vmem>>) target_semaphore(%run_scoped3A_34 : memref<!tpu.dma_semaphore, #tpu.memory_space<semaphore_mem>>)
        %dma_wait3A = arith.constant 0 : i32
        %dma_wait3A_40 = tpu.memref_slice %arg9[%dma_wait3A] : memref<1016xf32, #tpu.memory_space<vmem>> -> memref<1000xf32, #tpu.memory_space<vmem>>
        %dma_wait3A_41 = tpu.memref_slice %arg3[%mul3A_27] : memref<100000xf32, #tpu.memory_space<hbm>> -> memref<1000xf32, #tpu.memory_space<hbm>>
        %dma_wait3A_42 = arith.constant 0 : i32
        %dma_wait3A_43 = tpu.memref_slice %arg9[%dma_wait3A_42] : memref<1016xf32, #tpu.memory_space<vmem>> -> memref<1000xf32, #tpu.memory_space<vmem>>
        %dma_wait3A_44 = tpu.memref_slice %arg3[%mul3A_27] : memref<100000xf32, #tpu.memory_space<hbm>> -> memref<1000xf32, #tpu.memory_space<hbm>>
        tpu.wait_dma2 semaphore(%run_scoped3A_34 : memref<!tpu.dma_semaphore, #tpu.memory_space<semaphore_mem>>) src(%dma_wait3A_44 : memref<1000xf32, #tpu.memory_space<hbm>>) dst(%dma_wait3A_43 : memref<1000xf32, #tpu.memory_space<vmem>>)
        tpu.yield
      }) : () -> ()
      "tpu.region"() ({
        %run_scoped3A_34 = tpu.sem_alloc : memref<!tpu.dma_semaphore, #tpu.memory_space<semaphore_mem>>
        %dma_start3A = arith.constant 0 : i32
        %dma_start3A_35 = tpu.memref_slice %arg4[%mul3A_27, %dma_start3A] : memref<100000x16xf32, #tpu.memory_space<hbm>> -> memref<1000x16xf32, #tpu.memory_space<hbm>>
        %dma_start3A_36 = arith.constant 0 : i32
        %dma_start3A_37 = tpu.memref_slice %arg4[%mul3A_27, %dma_start3A_36] : memref<100000x16xf32, #tpu.memory_space<hbm>> -> memref<1000x16xf32, #tpu.memory_space<hbm>>
        tpu.enqueue_dma source(%dma_start3A_37 : memref<1000x16xf32, #tpu.memory_space<hbm>>) target(%arg10 : memref<1000x16xf32, #tpu.memory_space<vmem>>) target_semaphore(%run_scoped3A_34 : memref<!tpu.dma_semaphore, #tpu.memory_space<semaphore_mem>>)
        %dma_wait3A = arith.constant 0 : i32
        %dma_wait3A_38 = tpu.memref_slice %arg4[%mul3A_27, %dma_wait3A] : memref<100000x16xf32, #tpu.memory_space<hbm>> -> memref<1000x16xf32, #tpu.memory_space<hbm>>
        %dma_wait3A_39 = arith.constant 0 : i32
        %dma_wait3A_40 = tpu.memref_slice %arg4[%mul3A_27, %dma_wait3A_39] : memref<100000x16xf32, #tpu.memory_space<hbm>> -> memref<1000x16xf32, #tpu.memory_space<hbm>>
        tpu.wait_dma2 semaphore(%run_scoped3A_34 : memref<!tpu.dma_semaphore, #tpu.memory_space<semaphore_mem>>) src(%dma_wait3A_40 : memref<1000x16xf32, #tpu.memory_space<hbm>>) dst(%arg10 : memref<1000x16xf32, #tpu.memory_space<vmem>>)
        tpu.yield
      }) : () -> ()
      "tpu.region"() ({
        %run_scoped3A_34 = tpu.sem_alloc : memref<!tpu.dma_semaphore, #tpu.memory_space<semaphore_mem>>
        %dma_start3A = arith.constant 0 : i32
        %dma_start3A_35 = tpu.memref_slice %arg5[%mul3A_27, %dma_start3A] : memref<100000x16xf32, #tpu.memory_space<hbm>> -> memref<1000x16xf32, #tpu.memory_space<hbm>>
        %dma_start3A_36 = arith.constant 0 : i32
        %dma_start3A_37 = tpu.memref_slice %arg5[%mul3A_27, %dma_start3A_36] : memref<100000x16xf32, #tpu.memory_space<hbm>> -> memref<1000x16xf32, #tpu.memory_space<hbm>>
        tpu.enqueue_dma source(%dma_start3A_37 : memref<1000x16xf32, #tpu.memory_space<hbm>>) target(%arg11 : memref<1000x16xf32, #tpu.memory_space<vmem>>) target_semaphore(%run_scoped3A_34 : memref<!tpu.dma_semaphore, #tpu.memory_space<semaphore_mem>>)
        %dma_wait3A = arith.constant 0 : i32
        %dma_wait3A_38 = tpu.memref_slice %arg5[%mul3A_27, %dma_wait3A] : memref<100000x16xf32, #tpu.memory_space<hbm>> -> memref<1000x16xf32, #tpu.memory_space<hbm>>
        %dma_wait3A_39 = arith.constant 0 : i32
        %dma_wait3A_40 = tpu.memref_slice %arg5[%mul3A_27, %dma_wait3A_39] : memref<100000x16xf32, #tpu.memory_space<hbm>> -> memref<1000x16xf32, #tpu.memory_space<hbm>>
        tpu.wait_dma2 semaphore(%run_scoped3A_34 : memref<!tpu.dma_semaphore, #tpu.memory_space<semaphore_mem>>) src(%dma_wait3A_40 : memref<1000x16xf32, #tpu.memory_space<hbm>>) dst(%arg11 : memref<1000x16xf32, #tpu.memory_space<vmem>>)
        tpu.yield
      }) : () -> ()
      %scan3A = arith.constant 0 : i32
      %scan3A_29 = arith.constant 0 : i32
      %scan3A_30 = arith.constant 1000 : i32
      %scan3A_31 = arith.addi %scan3A_29, %scan3A_30 : i32
      %scan3A_32 = arith.constant 1 : i32
      scf.for %scan3A_34 = %scan3A_29 to %scan3A_31 step %scan3A_32  : i32 {
        %get3A = arith.index_cast %scan3A_34 : i32 to index
        %get3A_35 = tpu.vector_load %arg9[%get3A] {strides = array<i32>} : memref<1016xf32, #tpu.memory_space<vmem>>, vector<16xf32>,
        %slice3A = vector.extract_strided_slice %get3A_35 {offsets = [0], sizes = [1], strides = [1]} : vector<16xf32> to vector<1xf32>
        %squeeze3A = vector.extract %slice3A[0] : f32 from vector<1xf32>
        %get3A_36 = arith.index_cast %scan3A_34 : i32 to index
        %get3A_37 = arith.constant 0 : index
        %get3A_38 = tpu.vector_load %arg7[%get3A_36, %get3A_37] {strides = array<i32>} : memref<1000x16xf32, #tpu.memory_space<vmem>>, vector<16xf32>,
        %get3A_39 = arith.index_cast %scan3A_34 : i32 to index
        %get3A_40 = arith.constant 0 : index
        %get3A_41 = tpu.vector_load %arg8[%get3A_39, %get3A_40] {strides = array<i32>} : memref<1000x16xf32, #tpu.memory_space<vmem>>, vector<16xf32>,
        %add3A_42 = arith.addf %get3A_38, %get3A_41 : vector<16xf32>
        %mul3A_43 = vector.broadcast %squeeze3A : f32 to vector<16xf32>
        %mul3A_44 = arith.mulf %add3A_42, %mul3A_43 : vector<16xf32>
        %get3A_45 = arith.index_cast %scan3A_34 : i32 to index
        %get3A_46 = arith.constant 0 : index
        %get3A_47 = tpu.vector_load %arg10[%get3A_45, %get3A_46] {strides = array<i32>} : memref<1000x16xf32, #tpu.memory_space<vmem>>, vector<16xf32>,
        %get3A_48 = arith.index_cast %scan3A_34 : i32 to index
        %get3A_49 = arith.constant 0 : index
        %get3A_50 = tpu.vector_load %arg11[%get3A_48, %get3A_49] {strides = array<i32>} : memref<1000x16xf32, #tpu.memory_space<vmem>>, vector<16xf32>,
        %add3A_51 = arith.addf %get3A_47, %get3A_50 : vector<16xf32>
        %add3A_52 = arith.addf %add3A_51, %mul3A_44 : vector<16xf32>
        %mul3A_53 = arith.constant 5.000000e-01 : f32
        %mul3A_54 = vector.broadcast %mul3A_53 : f32 to vector<16xf32>
        %mul3A_55 = arith.mulf %add3A_52, %mul3A_54 : vector<16xf32>
        %swap3A = arith.index_cast %scan3A_34 : i32 to index
        %swap3A_56 = arith.constant 0 : index
        %swap3A_57 = tpu.vector_load %arg12[%swap3A, %swap3A_56] {strides = array<i32>} : memref<1000x16xf32, #tpu.memory_space<vmem>>, vector<16xf32>,
        tpu.vector_store %arg12[%swap3A, %swap3A_56], %mul3A_55 {strides = array<i32>} : memref<1000x16xf32, #tpu.memory_space<vmem>>, vector<16xf32>,
      }
      %scan3A_33 = arith.constant 1000 : i32
      "tpu.region"() ({
        %run_scoped3A_34 = tpu.sem_alloc : memref<!tpu.dma_semaphore, #tpu.memory_space<semaphore_mem>>
        %dma_start3A = arith.constant 0 : i32
        %dma_start3A_35 = tpu.memref_slice %arg6[%mul3A_27, %dma_start3A] : memref<100000x16xf32, #tpu.memory_space<hbm>> -> memref<1000x16xf32, #tpu.memory_space<hbm>>
        %dma_start3A_36 = arith.constant 0 : i32
        %dma_start3A_37 = tpu.memref_slice %arg6[%mul3A_27, %dma_start3A_36] : memref<100000x16xf32, #tpu.memory_space<hbm>> -> memref<1000x16xf32, #tpu.memory_space<hbm>>
        tpu.enqueue_dma source(%arg12 : memref<1000x16xf32, #tpu.memory_space<vmem>>) target(%dma_start3A_37 : memref<1000x16xf32, #tpu.memory_space<hbm>>) target_semaphore(%run_scoped3A_34 : memref<!tpu.dma_semaphore, #tpu.memory_space<semaphore_mem>>)
        %dma_wait3A = arith.constant 0 : i32
        %dma_wait3A_38 = tpu.memref_slice %arg6[%mul3A_27, %dma_wait3A] : memref<100000x16xf32, #tpu.memory_space<hbm>> -> memref<1000x16xf32, #tpu.memory_space<hbm>>
        %dma_wait3A_39 = arith.constant 0 : i32
        %dma_wait3A_40 = tpu.memref_slice %arg6[%mul3A_27, %dma_wait3A_39] : memref<100000x16xf32, #tpu.memory_space<hbm>> -> memref<1000x16xf32, #tpu.memory_space<hbm>>
        tpu.wait_dma2 semaphore(%run_scoped3A_34 : memref<!tpu.dma_semaphore, #tpu.memory_space<semaphore_mem>>) src(%arg12 : memref<1000x16xf32, #tpu.memory_space<vmem>>) dst(%dma_wait3A_40 : memref<1000x16xf32, #tpu.memory_space<hbm>>)
        tpu.yield
      }) : () -> ()
    } else {
    }
    %add3A_5 = arith.constant 32 : i32
    %add3A_6 = arith.addi %add3A, %add3A_5 : i32
    %lt3A_7 = arith.constant 100 : i32
    %lt3A_8 = arith.cmpi slt, %add3A_6, %lt3A_7 : i32
    %convert_element_type3A_9 = arith.extui %lt3A_8 : i1 to i32
    %cond3A_10 = arith.constant 0 : i32
    %cond3A_11 = arith.cmpi ne, %convert_element_type3A_9, %cond3A_10 : i32
    scf.if %cond3A_11 {
      %mul3A_26 = arith.constant 1000 : i32
      %mul3A_27 = arith.muli %add3A_6, %mul3A_26 : i32
      %run_scoped3A = arith.constant 0 : i32
      "tpu.region"() ({
        %run_scoped3A_34 = tpu.sem_alloc : memref<!tpu.dma_semaphore, #tpu.memory_space<semaphore_mem>>
        %dma_start3A = arith.constant 0 : i32
        %dma_start3A_35 = tpu.memref_slice %arg2[%run_scoped3A, %mul3A_27, %dma_start3A] : memref<2x100000x16xf32, #tpu.memory_space<hbm>> -> memref<1x1000x16xf32, #tpu.memory_space<hbm>>
        %dma_start3A_36 = tpu.memref_squeeze %dma_start3A_35 : memref<1x1000x16xf32, #tpu.memory_space<hbm>> -> memref<1000x16xf32, #tpu.memory_space<hbm>>
        %dma_start3A_37 = arith.constant 0 : i32
        %dma_start3A_38 = tpu.memref_slice %arg2[%run_scoped3A, %mul3A_27, %dma_start3A_37] : memref<2x100000x16xf32, #tpu.memory_space<hbm>> -> memref<1x1000x16xf32, #tpu.memory_space<hbm>>
        %dma_start3A_39 = tpu.memref_squeeze %dma_start3A_38 : memref<1x1000x16xf32, #tpu.memory_space<hbm>> -> memref<1000x16xf32, #tpu.memory_space<hbm>>
        tpu.enqueue_dma source(%dma_start3A_39 : memref<1000x16xf32, #tpu.memory_space<hbm>>) target(%arg7 : memref<1000x16xf32, #tpu.memory_space<vmem>>) target_semaphore(%run_scoped3A_34 : memref<!tpu.dma_semaphore, #tpu.memory_space<semaphore_mem>>)
        %dma_wait3A = arith.constant 0 : i32
        %dma_wait3A_40 = tpu.memref_slice %arg2[%run_scoped3A, %mul3A_27, %dma_wait3A] : memref<2x100000x16xf32, #tpu.memory_space<hbm>> -> memref<1x1000x16xf32, #tpu.memory_space<hbm>>
        %dma_wait3A_41 = tpu.memref_squeeze %dma_wait3A_40 : memref<1x1000x16xf32, #tpu.memory_space<hbm>> -> memref<1000x16xf32, #tpu.memory_space<hbm>>
        %dma_wait3A_42 = arith.constant 0 : i32
        %dma_wait3A_43 = tpu.memref_slice %arg2[%run_scoped3A, %mul3A_27, %dma_wait3A_42] : memref<2x100000x16xf32, #tpu.memory_space<hbm>> -> memref<1x1000x16xf32, #tpu.memory_space<hbm>>
        %dma_wait3A_44 = tpu.memref_squeeze %dma_wait3A_43 : memref<1x1000x16xf32, #tpu.memory_space<hbm>> -> memref<1000x16xf32, #tpu.memory_space<hbm>>
        tpu.wait_dma2 semaphore(%run_scoped3A_34 : memref<!tpu.dma_semaphore, #tpu.memory_space<semaphore_mem>>) src(%dma_wait3A_44 : memref<1000x16xf32, #tpu.memory_space<hbm>>) dst(%arg7 : memref<1000x16xf32, #tpu.memory_space<vmem>>)
        tpu.yield
      }) : () -> ()
      %run_scoped3A_28 = arith.constant 1 : i32
      "tpu.region"() ({
        %run_scoped3A_34 = tpu.sem_alloc : memref<!tpu.dma_semaphore, #tpu.memory_space<semaphore_mem>>
        %dma_start3A = arith.constant 0 : i32
        %dma_start3A_35 = tpu.memref_slice %arg2[%run_scoped3A_28, %mul3A_27, %dma_start3A] : memref<2x100000x16xf32, #tpu.memory_space<hbm>> -> memref<1x1000x16xf32, #tpu.memory_space<hbm>>
        %dma_start3A_36 = tpu.memref_squeeze %dma_start3A_35 : memref<1x1000x16xf32, #tpu.memory_space<hbm>> -> memref<1000x16xf32, #tpu.memory_space<hbm>>
        %dma_start3A_37 = arith.constant 0 : i32
        %dma_start3A_38 = tpu.memref_slice %arg2[%run_scoped3A_28, %mul3A_27, %dma_start3A_37] : memref<2x100000x16xf32, #tpu.memory_space<hbm>> -> memref<1x1000x16xf32, #tpu.memory_space<hbm>>
        %dma_start3A_39 = tpu.memref_squeeze %dma_start3A_38 : memref<1x1000x16xf32, #tpu.memory_space<hbm>> -> memref<1000x16xf32, #tpu.memory_space<hbm>>
        tpu.enqueue_dma source(%dma_start3A_39 : memref<1000x16xf32, #tpu.memory_space<hbm>>) target(%arg8 : memref<1000x16xf32, #tpu.memory_space<vmem>>) target_semaphore(%run_scoped3A_34 : memref<!tpu.dma_semaphore, #tpu.memory_space<semaphore_mem>>)
        %dma_wait3A = arith.constant 0 : i32
        %dma_wait3A_40 = tpu.memref_slice %arg2[%run_scoped3A_28, %mul3A_27, %dma_wait3A] : memref<2x100000x16xf32, #tpu.memory_space<hbm>> -> memref<1x1000x16xf32, #tpu.memory_space<hbm>>
        %dma_wait3A_41 = tpu.memref_squeeze %dma_wait3A_40 : memref<1x1000x16xf32, #tpu.memory_space<hbm>> -> memref<1000x16xf32, #tpu.memory_space<hbm>>
        %dma_wait3A_42 = arith.constant 0 : i32
        %dma_wait3A_43 = tpu.memref_slice %arg2[%run_scoped3A_28, %mul3A_27, %dma_wait3A_42] : memref<2x100000x16xf32, #tpu.memory_space<hbm>> -> memref<1x1000x16xf32, #tpu.memory_space<hbm>>
        %dma_wait3A_44 = tpu.memref_squeeze %dma_wait3A_43 : memref<1x1000x16xf32, #tpu.memory_space<hbm>> -> memref<1000x16xf32, #tpu.memory_space<hbm>>
        tpu.wait_dma2 semaphore(%run_scoped3A_34 : memref<!tpu.dma_semaphore, #tpu.memory_space<semaphore_mem>>) src(%dma_wait3A_44 : memref<1000x16xf32, #tpu.memory_space<hbm>>) dst(%arg8 : memref<1000x16xf32, #tpu.memory_space<vmem>>)
        tpu.yield
      }) : () -> ()
      "tpu.region"() ({
        %run_scoped3A_34 = tpu.sem_alloc : memref<!tpu.dma_semaphore, #tpu.memory_space<semaphore_mem>>
        %dma_start3A = arith.constant 0 : i32
        %dma_start3A_35 = tpu.memref_slice %arg9[%dma_start3A] : memref<1016xf32, #tpu.memory_space<vmem>> -> memref<1000xf32, #tpu.memory_space<vmem>>
        %dma_start3A_36 = tpu.memref_slice %arg3[%mul3A_27] : memref<100000xf32, #tpu.memory_space<hbm>> -> memref<1000xf32, #tpu.memory_space<hbm>>
        %dma_start3A_37 = arith.constant 0 : i32
        %dma_start3A_38 = tpu.memref_slice %arg9[%dma_start3A_37] : memref<1016xf32, #tpu.memory_space<vmem>> -> memref<1000xf32, #tpu.memory_space<vmem>>
        %dma_start3A_39 = tpu.memref_slice %arg3[%mul3A_27] : memref<100000xf32, #tpu.memory_space<hbm>> -> memref<1000xf32, #tpu.memory_space<hbm>>
        tpu.enqueue_dma source(%dma_start3A_39 : memref<1000xf32, #tpu.memory_space<hbm>>) target(%dma_start3A_38 : memref<1000xf32, #tpu.memory_space<vmem>>) target_semaphore(%run_scoped3A_34 : memref<!tpu.dma_semaphore, #tpu.memory_space<semaphore_mem>>)
        %dma_wait3A = arith.constant 0 : i32
        %dma_wait3A_40 = tpu.memref_slice %arg9[%dma_wait3A] : memref<1016xf32, #tpu.memory_space<vmem>> -> memref<1000xf32, #tpu.memory_space<vmem>>
        %dma_wait3A_41 = tpu.memref_slice %arg3[%mul3A_27] : memref<100000xf32, #tpu.memory_space<hbm>> -> memref<1000xf32, #tpu.memory_space<hbm>>
        %dma_wait3A_42 = arith.constant 0 : i32
        %dma_wait3A_43 = tpu.memref_slice %arg9[%dma_wait3A_42] : memref<1016xf32, #tpu.memory_space<vmem>> -> memref<1000xf32, #tpu.memory_space<vmem>>
        %dma_wait3A_44 = tpu.memref_slice %arg3[%mul3A_27] : memref<100000xf32, #tpu.memory_space<hbm>> -> memref<1000xf32, #tpu.memory_space<hbm>>
        tpu.wait_dma2 semaphore(%run_scoped3A_34 : memref<!tpu.dma_semaphore, #tpu.memory_space<semaphore_mem>>) src(%dma_wait3A_44 : memref<1000xf32, #tpu.memory_space<hbm>>) dst(%dma_wait3A_43 : memref<1000xf32, #tpu.memory_space<vmem>>)
        tpu.yield
      }) : () -> ()
      "tpu.region"() ({
        %run_scoped3A_34 = tpu.sem_alloc : memref<!tpu.dma_semaphore, #tpu.memory_space<semaphore_mem>>
        %dma_start3A = arith.constant 0 : i32
        %dma_start3A_35 = tpu.memref_slice %arg4[%mul3A_27, %dma_start3A] : memref<100000x16xf32, #tpu.memory_space<hbm>> -> memref<1000x16xf32, #tpu.memory_space<hbm>>
        %dma_start3A_36 = arith.constant 0 : i32
        %dma_start3A_37 = tpu.memref_slice %arg4[%mul3A_27, %dma_start3A_36] : memref<100000x16xf32, #tpu.memory_space<hbm>> -> memref<1000x16xf32, #tpu.memory_space<hbm>>
        tpu.enqueue_dma source(%dma_start3A_37 : memref<1000x16xf32, #tpu.memory_space<hbm>>) target(%arg10 : memref<1000x16xf32, #tpu.memory_space<vmem>>) target_semaphore(%run_scoped3A_34 : memref<!tpu.dma_semaphore, #tpu.memory_space<semaphore_mem>>)
        %dma_wait3A = arith.constant 0 : i32
        %dma_wait3A_38 = tpu.memref_slice %arg4[%mul3A_27, %dma_wait3A] : memref<100000x16xf32, #tpu.memory_space<hbm>> -> memref<1000x16xf32, #tpu.memory_space<hbm>>
        %dma_wait3A_39 = arith.constant 0 : i32
        %dma_wait3A_40 = tpu.memref_slice %arg4[%mul3A_27, %dma_wait3A_39] : memref<100000x16xf32, #tpu.memory_space<hbm>> -> memref<1000x16xf32, #tpu.memory_space<hbm>>
        tpu.wait_dma2 semaphore(%run_scoped3A_34 : memref<!tpu.dma_semaphore, #tpu.memory_space<semaphore_mem>>) src(%dma_wait3A_40 : memref<1000x16xf32, #tpu.memory_space<hbm>>) dst(%arg10 : memref<1000x16xf32, #tpu.memory_space<vmem>>)
        tpu.yield
      }) : () -> ()
      "tpu.region"() ({
        %run_scoped3A_34 = tpu.sem_alloc : memref<!tpu.dma_semaphore, #tpu.memory_space<semaphore_mem>>
        %dma_start3A = arith.constant 0 : i32
        %dma_start3A_35 = tpu.memref_slice %arg5[%mul3A_27, %dma_start3A] : memref<100000x16xf32, #tpu.memory_space<hbm>> -> memref<1000x16xf32, #tpu.memory_space<hbm>>
        %dma_start3A_36 = arith.constant 0 : i32
        %dma_start3A_37 = tpu.memref_slice %arg5[%mul3A_27, %dma_start3A_36] : memref<100000x16xf32, #tpu.memory_space<hbm>> -> memref<1000x16xf32, #tpu.memory_space<hbm>>
        tpu.enqueue_dma source(%dma_start3A_37 : memref<1000x16xf32, #tpu.memory_space<hbm>>) target(%arg11 : memref<1000x16xf32, #tpu.memory_space<vmem>>) target_semaphore(%run_scoped3A_34 : memref<!tpu.dma_semaphore, #tpu.memory_space<semaphore_mem>>)
        %dma_wait3A = arith.constant 0 : i32
        %dma_wait3A_38 = tpu.memref_slice %arg5[%mul3A_27, %dma_wait3A] : memref<100000x16xf32, #tpu.memory_space<hbm>> -> memref<1000x16xf32, #tpu.memory_space<hbm>>
        %dma_wait3A_39 = arith.constant 0 : i32
        %dma_wait3A_40 = tpu.memref_slice %arg5[%mul3A_27, %dma_wait3A_39] : memref<100000x16xf32, #tpu.memory_space<hbm>> -> memref<1000x16xf32, #tpu.memory_space<hbm>>
        tpu.wait_dma2 semaphore(%run_scoped3A_34 : memref<!tpu.dma_semaphore, #tpu.memory_space<semaphore_mem>>) src(%dma_wait3A_40 : memref<1000x16xf32, #tpu.memory_space<hbm>>) dst(%arg11 : memref<1000x16xf32, #tpu.memory_space<vmem>>)
        tpu.yield
      }) : () -> ()
      %scan3A = arith.constant 0 : i32
      %scan3A_29 = arith.constant 0 : i32
      %scan3A_30 = arith.constant 1000 : i32
      %scan3A_31 = arith.addi %scan3A_29, %scan3A_30 : i32
      %scan3A_32 = arith.constant 1 : i32
      scf.for %scan3A_34 = %scan3A_29 to %scan3A_31 step %scan3A_32  : i32 {
        %get3A = arith.index_cast %scan3A_34 : i32 to index
        %get3A_35 = tpu.vector_load %arg9[%get3A] {strides = array<i32>} : memref<1016xf32, #tpu.memory_space<vmem>>, vector<16xf32>,
        %slice3A = vector.extract_strided_slice %get3A_35 {offsets = [0], sizes = [1], strides = [1]} : vector<16xf32> to vector<1xf32>
        %squeeze3A = vector.extract %slice3A[0] : f32 from vector<1xf32>
        %get3A_36 = arith.index_cast %scan3A_34 : i32 to index
        %get3A_37 = arith.constant 0 : index
        %get3A_38 = tpu.vector_load %arg7[%get3A_36, %get3A_37] {strides = array<i32>} : memref<1000x16xf32, #tpu.memory_space<vmem>>, vector<16xf32>,
        %get3A_39 = arith.index_cast %scan3A_34 : i32 to index
        %get3A_40 = arith.constant 0 : index
        %get3A_41 = tpu.vector_load %arg8[%get3A_39, %get3A_40] {strides = array<i32>} : memref<1000x16xf32, #tpu.memory_space<vmem>>, vector<16xf32>,
        %add3A_42 = arith.addf %get3A_38, %get3A_41 : vector<16xf32>
        %mul3A_43 = vector.broadcast %squeeze3A : f32 to vector<16xf32>
        %mul3A_44 = arith.mulf %add3A_42, %mul3A_43 : vector<16xf32>
        %get3A_45 = arith.index_cast %scan3A_34 : i32 to index
        %get3A_46 = arith.constant 0 : index
        %get3A_47 = tpu.vector_load %arg10[%get3A_45, %get3A_46] {strides = array<i32>} : memref<1000x16xf32, #tpu.memory_space<vmem>>, vector<16xf32>,
        %get3A_48 = arith.index_cast %scan3A_34 : i32 to index
        %get3A_49 = arith.constant 0 : index
        %get3A_50 = tpu.vector_load %arg11[%get3A_48, %get3A_49] {strides = array<i32>} : memref<1000x16xf32, #tpu.memory_space<vmem>>, vector<16xf32>,
        %add3A_51 = arith.addf %get3A_47, %get3A_50 : vector<16xf32>
        %add3A_52 = arith.addf %add3A_51, %mul3A_44 : vector<16xf32>
        %mul3A_53 = arith.constant 5.000000e-01 : f32
        %mul3A_54 = vector.broadcast %mul3A_53 : f32 to vector<16xf32>
        %mul3A_55 = arith.mulf %add3A_52, %mul3A_54 : vector<16xf32>
        %swap3A = arith.index_cast %scan3A_34 : i32 to index
        %swap3A_56 = arith.constant 0 : index
        %swap3A_57 = tpu.vector_load %arg12[%swap3A, %swap3A_56] {strides = array<i32>} : memref<1000x16xf32, #tpu.memory_space<vmem>>, vector<16xf32>,
        tpu.vector_store %arg12[%swap3A, %swap3A_56], %mul3A_55 {strides = array<i32>} : memref<1000x16xf32, #tpu.memory_space<vmem>>, vector<16xf32>,
      }
      %scan3A_33 = arith.constant 1000 : i32
      "tpu.region"() ({
        %run_scoped3A_34 = tpu.sem_alloc : memref<!tpu.dma_semaphore, #tpu.memory_space<semaphore_mem>>
        %dma_start3A = arith.constant 0 : i32
        %dma_start3A_35 = tpu.memref_slice %arg6[%mul3A_27, %dma_start3A] : memref<100000x16xf32, #tpu.memory_space<hbm>> -> memref<1000x16xf32, #tpu.memory_space<hbm>>
        %dma_start3A_36 = arith.constant 0 : i32
        %dma_start3A_37 = tpu.memref_slice %arg6[%mul3A_27, %dma_start3A_36] : memref<100000x16xf32, #tpu.memory_space<hbm>> -> memref<1000x16xf32, #tpu.memory_space<hbm>>
        tpu.enqueue_dma source(%arg12 : memref<1000x16xf32, #tpu.memory_space<vmem>>) target(%dma_start3A_37 : memref<1000x16xf32, #tpu.memory_space<hbm>>) target_semaphore(%run_scoped3A_34 : memref<!tpu.dma_semaphore, #tpu.memory_space<semaphore_mem>>)
        %dma_wait3A = arith.constant 0 : i32
        %dma_wait3A_38 = tpu.memref_slice %arg6[%mul3A_27, %dma_wait3A] : memref<100000x16xf32, #tpu.memory_space<hbm>> -> memref<1000x16xf32, #tpu.memory_space<hbm>>
        %dma_wait3A_39 = arith.constant 0 : i32
        %dma_wait3A_40 = tpu.memref_slice %arg6[%mul3A_27, %dma_wait3A_39] : memref<100000x16xf32, #tpu.memory_space<hbm>> -> memref<1000x16xf32, #tpu.memory_space<hbm>>
        tpu.wait_dma2 semaphore(%run_scoped3A_34 : memref<!tpu.dma_semaphore, #tpu.memory_space<semaphore_mem>>) src(%arg12 : memref<1000x16xf32, #tpu.memory_space<vmem>>) dst(%dma_wait3A_40 : memref<1000x16xf32, #tpu.memory_space<hbm>>)
        tpu.yield
      }) : () -> ()
    } else {
    }
    %add3A_12 = arith.constant 64 : i32
    %add3A_13 = arith.addi %add3A, %add3A_12 : i32
    %lt3A_14 = arith.constant 100 : i32
    %lt3A_15 = arith.cmpi slt, %add3A_13, %lt3A_14 : i32
    %convert_element_type3A_16 = arith.extui %lt3A_15 : i1 to i32
    %cond3A_17 = arith.constant 0 : i32
    %cond3A_18 = arith.cmpi ne, %convert_element_type3A_16, %cond3A_17 : i32
    scf.if %cond3A_18 {
      %mul3A_26 = arith.constant 1000 : i32
      %mul3A_27 = arith.muli %add3A_13, %mul3A_26 : i32
      %run_scoped3A = arith.constant 0 : i32
      "tpu.region"() ({
        %run_scoped3A_34 = tpu.sem_alloc : memref<!tpu.dma_semaphore, #tpu.memory_space<semaphore_mem>>
        %dma_start3A = arith.constant 0 : i32
        %dma_start3A_35 = tpu.memref_slice %arg2[%run_scoped3A, %mul3A_27, %dma_start3A] : memref<2x100000x16xf32, #tpu.memory_space<hbm>> -> memref<1x1000x16xf32, #tpu.memory_space<hbm>>
        %dma_start3A_36 = tpu.memref_squeeze %dma_start3A_35 : memref<1x1000x16xf32, #tpu.memory_space<hbm>> -> memref<1000x16xf32, #tpu.memory_space<hbm>>
        %dma_start3A_37 = arith.constant 0 : i32
        %dma_start3A_38 = tpu.memref_slice %arg2[%run_scoped3A, %mul3A_27, %dma_start3A_37] : memref<2x100000x16xf32, #tpu.memory_space<hbm>> -> memref<1x1000x16xf32, #tpu.memory_space<hbm>>
        %dma_start3A_39 = tpu.memref_squeeze %dma_start3A_38 : memref<1x1000x16xf32, #tpu.memory_space<hbm>> -> memref<1000x16xf32, #tpu.memory_space<hbm>>
        tpu.enqueue_dma source(%dma_start3A_39 : memref<1000x16xf32, #tpu.memory_space<hbm>>) target(%arg7 : memref<1000x16xf32, #tpu.memory_space<vmem>>) target_semaphore(%run_scoped3A_34 : memref<!tpu.dma_semaphore, #tpu.memory_space<semaphore_mem>>)
        %dma_wait3A = arith.constant 0 : i32
        %dma_wait3A_40 = tpu.memref_slice %arg2[%run_scoped3A, %mul3A_27, %dma_wait3A] : memref<2x100000x16xf32, #tpu.memory_space<hbm>> -> memref<1x1000x16xf32, #tpu.memory_space<hbm>>
        %dma_wait3A_41 = tpu.memref_squeeze %dma_wait3A_40 : memref<1x1000x16xf32, #tpu.memory_space<hbm>> -> memref<1000x16xf32, #tpu.memory_space<hbm>>
        %dma_wait3A_42 = arith.constant 0 : i32
        %dma_wait3A_43 = tpu.memref_slice %arg2[%run_scoped3A, %mul3A_27, %dma_wait3A_42] : memref<2x100000x16xf32, #tpu.memory_space<hbm>> -> memref<1x1000x16xf32, #tpu.memory_space<hbm>>
        %dma_wait3A_44 = tpu.memref_squeeze %dma_wait3A_43 : memref<1x1000x16xf32, #tpu.memory_space<hbm>> -> memref<1000x16xf32, #tpu.memory_space<hbm>>
        tpu.wait_dma2 semaphore(%run_scoped3A_34 : memref<!tpu.dma_semaphore, #tpu.memory_space<semaphore_mem>>) src(%dma_wait3A_44 : memref<1000x16xf32, #tpu.memory_space<hbm>>) dst(%arg7 : memref<1000x16xf32, #tpu.memory_space<vmem>>)
        tpu.yield
      }) : () -> ()
      %run_scoped3A_28 = arith.constant 1 : i32
      "tpu.region"() ({
        %run_scoped3A_34 = tpu.sem_alloc : memref<!tpu.dma_semaphore, #tpu.memory_space<semaphore_mem>>
        %dma_start3A = arith.constant 0 : i32
        %dma_start3A_35 = tpu.memref_slice %arg2[%run_scoped3A_28, %mul3A_27, %dma_start3A] : memref<2x100000x16xf32, #tpu.memory_space<hbm>> -> memref<1x1000x16xf32, #tpu.memory_space<hbm>>
        %dma_start3A_36 = tpu.memref_squeeze %dma_start3A_35 : memref<1x1000x16xf32, #tpu.memory_space<hbm>> -> memref<1000x16xf32, #tpu.memory_space<hbm>>
        %dma_start3A_37 = arith.constant 0 : i32
        %dma_start3A_38 = tpu.memref_slice %arg2[%run_scoped3A_28, %mul3A_27, %dma_start3A_37] : memref<2x100000x16xf32, #tpu.memory_space<hbm>> -> memref<1x1000x16xf32, #tpu.memory_space<hbm>>
        %dma_start3A_39 = tpu.memref_squeeze %dma_start3A_38 : memref<1x1000x16xf32, #tpu.memory_space<hbm>> -> memref<1000x16xf32, #tpu.memory_space<hbm>>
        tpu.enqueue_dma source(%dma_start3A_39 : memref<1000x16xf32, #tpu.memory_space<hbm>>) target(%arg8 : memref<1000x16xf32, #tpu.memory_space<vmem>>) target_semaphore(%run_scoped3A_34 : memref<!tpu.dma_semaphore, #tpu.memory_space<semaphore_mem>>)
        %dma_wait3A = arith.constant 0 : i32
        %dma_wait3A_40 = tpu.memref_slice %arg2[%run_scoped3A_28, %mul3A_27, %dma_wait3A] : memref<2x100000x16xf32, #tpu.memory_space<hbm>> -> memref<1x1000x16xf32, #tpu.memory_space<hbm>>
        %dma_wait3A_41 = tpu.memref_squeeze %dma_wait3A_40 : memref<1x1000x16xf32, #tpu.memory_space<hbm>> -> memref<1000x16xf32, #tpu.memory_space<hbm>>
        %dma_wait3A_42 = arith.constant 0 : i32
        %dma_wait3A_43 = tpu.memref_slice %arg2[%run_scoped3A_28, %mul3A_27, %dma_wait3A_42] : memref<2x100000x16xf32, #tpu.memory_space<hbm>> -> memref<1x1000x16xf32, #tpu.memory_space<hbm>>
        %dma_wait3A_44 = tpu.memref_squeeze %dma_wait3A_43 : memref<1x1000x16xf32, #tpu.memory_space<hbm>> -> memref<1000x16xf32, #tpu.memory_space<hbm>>
        tpu.wait_dma2 semaphore(%run_scoped3A_34 : memref<!tpu.dma_semaphore, #tpu.memory_space<semaphore_mem>>) src(%dma_wait3A_44 : memref<1000x16xf32, #tpu.memory_space<hbm>>) dst(%arg8 : memref<1000x16xf32, #tpu.memory_space<vmem>>)
        tpu.yield
      }) : () -> ()
      "tpu.region"() ({
        %run_scoped3A_34 = tpu.sem_alloc : memref<!tpu.dma_semaphore, #tpu.memory_space<semaphore_mem>>
        %dma_start3A = arith.constant 0 : i32
        %dma_start3A_35 = tpu.memref_slice %arg9[%dma_start3A] : memref<1016xf32, #tpu.memory_space<vmem>> -> memref<1000xf32, #tpu.memory_space<vmem>>
        %dma_start3A_36 = tpu.memref_slice %arg3[%mul3A_27] : memref<100000xf32, #tpu.memory_space<hbm>> -> memref<1000xf32, #tpu.memory_space<hbm>>
        %dma_start3A_37 = arith.constant 0 : i32
        %dma_start3A_38 = tpu.memref_slice %arg9[%dma_start3A_37] : memref<1016xf32, #tpu.memory_space<vmem>> -> memref<1000xf32, #tpu.memory_space<vmem>>
        %dma_start3A_39 = tpu.memref_slice %arg3[%mul3A_27] : memref<100000xf32, #tpu.memory_space<hbm>> -> memref<1000xf32, #tpu.memory_space<hbm>>
        tpu.enqueue_dma source(%dma_start3A_39 : memref<1000xf32, #tpu.memory_space<hbm>>) target(%dma_start3A_38 : memref<1000xf32, #tpu.memory_space<vmem>>) target_semaphore(%run_scoped3A_34 : memref<!tpu.dma_semaphore, #tpu.memory_space<semaphore_mem>>)
        %dma_wait3A = arith.constant 0 : i32
        %dma_wait3A_40 = tpu.memref_slice %arg9[%dma_wait3A] : memref<1016xf32, #tpu.memory_space<vmem>> -> memref<1000xf32, #tpu.memory_space<vmem>>
        %dma_wait3A_41 = tpu.memref_slice %arg3[%mul3A_27] : memref<100000xf32, #tpu.memory_space<hbm>> -> memref<1000xf32, #tpu.memory_space<hbm>>
        %dma_wait3A_42 = arith.constant 0 : i32
        %dma_wait3A_43 = tpu.memref_slice %arg9[%dma_wait3A_42] : memref<1016xf32, #tpu.memory_space<vmem>> -> memref<1000xf32, #tpu.memory_space<vmem>>
        %dma_wait3A_44 = tpu.memref_slice %arg3[%mul3A_27] : memref<100000xf32, #tpu.memory_space<hbm>> -> memref<1000xf32, #tpu.memory_space<hbm>>
        tpu.wait_dma2 semaphore(%run_scoped3A_34 : memref<!tpu.dma_semaphore, #tpu.memory_space<semaphore_mem>>) src(%dma_wait3A_44 : memref<1000xf32, #tpu.memory_space<hbm>>) dst(%dma_wait3A_43 : memref<1000xf32, #tpu.memory_space<vmem>>)
        tpu.yield
      }) : () -> ()
      "tpu.region"() ({
        %run_scoped3A_34 = tpu.sem_alloc : memref<!tpu.dma_semaphore, #tpu.memory_space<semaphore_mem>>
        %dma_start3A = arith.constant 0 : i32
        %dma_start3A_35 = tpu.memref_slice %arg4[%mul3A_27, %dma_start3A] : memref<100000x16xf32, #tpu.memory_space<hbm>> -> memref<1000x16xf32, #tpu.memory_space<hbm>>
        %dma_start3A_36 = arith.constant 0 : i32
        %dma_start3A_37 = tpu.memref_slice %arg4[%mul3A_27, %dma_start3A_36] : memref<100000x16xf32, #tpu.memory_space<hbm>> -> memref<1000x16xf32, #tpu.memory_space<hbm>>
        tpu.enqueue_dma source(%dma_start3A_37 : memref<1000x16xf32, #tpu.memory_space<hbm>>) target(%arg10 : memref<1000x16xf32, #tpu.memory_space<vmem>>) target_semaphore(%run_scoped3A_34 : memref<!tpu.dma_semaphore, #tpu.memory_space<semaphore_mem>>)
        %dma_wait3A = arith.constant 0 : i32
        %dma_wait3A_38 = tpu.memref_slice %arg4[%mul3A_27, %dma_wait3A] : memref<100000x16xf32, #tpu.memory_space<hbm>> -> memref<1000x16xf32, #tpu.memory_space<hbm>>
        %dma_wait3A_39 = arith.constant 0 : i32
        %dma_wait3A_40 = tpu.memref_slice %arg4[%mul3A_27, %dma_wait3A_39] : memref<100000x16xf32, #tpu.memory_space<hbm>> -> memref<1000x16xf32, #tpu.memory_space<hbm>>
        tpu.wait_dma2 semaphore(%run_scoped3A_34 : memref<!tpu.dma_semaphore, #tpu.memory_space<semaphore_mem>>) src(%dma_wait3A_40 : memref<1000x16xf32, #tpu.memory_space<hbm>>) dst(%arg10 : memref<1000x16xf32, #tpu.memory_space<vmem>>)
        tpu.yield
      }) : () -> ()
      "tpu.region"() ({
        %run_scoped3A_34 = tpu.sem_alloc : memref<!tpu.dma_semaphore, #tpu.memory_space<semaphore_mem>>
        %dma_start3A = arith.constant 0 : i32
        %dma_start3A_35 = tpu.memref_slice %arg5[%mul3A_27, %dma_start3A] : memref<100000x16xf32, #tpu.memory_space<hbm>> -> memref<1000x16xf32, #tpu.memory_space<hbm>>
        %dma_start3A_36 = arith.constant 0 : i32
        %dma_start3A_37 = tpu.memref_slice %arg5[%mul3A_27, %dma_start3A_36] : memref<100000x16xf32, #tpu.memory_space<hbm>> -> memref<1000x16xf32, #tpu.memory_space<hbm>>
        tpu.enqueue_dma source(%dma_start3A_37 : memref<1000x16xf32, #tpu.memory_space<hbm>>) target(%arg11 : memref<1000x16xf32, #tpu.memory_space<vmem>>) target_semaphore(%run_scoped3A_34 : memref<!tpu.dma_semaphore, #tpu.memory_space<semaphore_mem>>)
        %dma_wait3A = arith.constant 0 : i32
        %dma_wait3A_38 = tpu.memref_slice %arg5[%mul3A_27, %dma_wait3A] : memref<100000x16xf32, #tpu.memory_space<hbm>> -> memref<1000x16xf32, #tpu.memory_space<hbm>>
        %dma_wait3A_39 = arith.constant 0 : i32
        %dma_wait3A_40 = tpu.memref_slice %arg5[%mul3A_27, %dma_wait3A_39] : memref<100000x16xf32, #tpu.memory_space<hbm>> -> memref<1000x16xf32, #tpu.memory_space<hbm>>
        tpu.wait_dma2 semaphore(%run_scoped3A_34 : memref<!tpu.dma_semaphore, #tpu.memory_space<semaphore_mem>>) src(%dma_wait3A_40 : memref<1000x16xf32, #tpu.memory_space<hbm>>) dst(%arg11 : memref<1000x16xf32, #tpu.memory_space<vmem>>)
        tpu.yield
      }) : () -> ()
      %scan3A = arith.constant 0 : i32
      %scan3A_29 = arith.constant 0 : i32
      %scan3A_30 = arith.constant 1000 : i32
      %scan3A_31 = arith.addi %scan3A_29, %scan3A_30 : i32
      %scan3A_32 = arith.constant 1 : i32
      scf.for %scan3A_34 = %scan3A_29 to %scan3A_31 step %scan3A_32  : i32 {
        %get3A = arith.index_cast %scan3A_34 : i32 to index
        %get3A_35 = tpu.vector_load %arg9[%get3A] {strides = array<i32>} : memref<1016xf32, #tpu.memory_space<vmem>>, vector<16xf32>,
        %slice3A = vector.extract_strided_slice %get3A_35 {offsets = [0], sizes = [1], strides = [1]} : vector<16xf32> to vector<1xf32>
        %squeeze3A = vector.extract %slice3A[0] : f32 from vector<1xf32>
        %get3A_36 = arith.index_cast %scan3A_34 : i32 to index
        %get3A_37 = arith.constant 0 : index
        %get3A_38 = tpu.vector_load %arg7[%get3A_36, %get3A_37] {strides = array<i32>} : memref<1000x16xf32, #tpu.memory_space<vmem>>, vector<16xf32>,
        %get3A_39 = arith.index_cast %scan3A_34 : i32 to index
        %get3A_40 = arith.constant 0 : index
        %get3A_41 = tpu.vector_load %arg8[%get3A_39, %get3A_40] {strides = array<i32>} : memref<1000x16xf32, #tpu.memory_space<vmem>>, vector<16xf32>,
        %add3A_42 = arith.addf %get3A_38, %get3A_41 : vector<16xf32>
        %mul3A_43 = vector.broadcast %squeeze3A : f32 to vector<16xf32>
        %mul3A_44 = arith.mulf %add3A_42, %mul3A_43 : vector<16xf32>
        %get3A_45 = arith.index_cast %scan3A_34 : i32 to index
        %get3A_46 = arith.constant 0 : index
        %get3A_47 = tpu.vector_load %arg10[%get3A_45, %get3A_46] {strides = array<i32>} : memref<1000x16xf32, #tpu.memory_space<vmem>>, vector<16xf32>,
        %get3A_48 = arith.index_cast %scan3A_34 : i32 to index
        %get3A_49 = arith.constant 0 : index
        %get3A_50 = tpu.vector_load %arg11[%get3A_48, %get3A_49] {strides = array<i32>} : memref<1000x16xf32, #tpu.memory_space<vmem>>, vector<16xf32>,
        %add3A_51 = arith.addf %get3A_47, %get3A_50 : vector<16xf32>
        %add3A_52 = arith.addf %add3A_51, %mul3A_44 : vector<16xf32>
        %mul3A_53 = arith.constant 5.000000e-01 : f32
        %mul3A_54 = vector.broadcast %mul3A_53 : f32 to vector<16xf32>
        %mul3A_55 = arith.mulf %add3A_52, %mul3A_54 : vector<16xf32>
        %swap3A = arith.index_cast %scan3A_34 : i32 to index
        %swap3A_56 = arith.constant 0 : index
        %swap3A_57 = tpu.vector_load %arg12[%swap3A, %swap3A_56] {strides = array<i32>} : memref<1000x16xf32, #tpu.memory_space<vmem>>, vector<16xf32>,
        tpu.vector_store %arg12[%swap3A, %swap3A_56], %mul3A_55 {strides = array<i32>} : memref<1000x16xf32, #tpu.memory_space<vmem>>, vector<16xf32>,
      }
      %scan3A_33 = arith.constant 1000 : i32
      "tpu.region"() ({
        %run_scoped3A_34 = tpu.sem_alloc : memref<!tpu.dma_semaphore, #tpu.memory_space<semaphore_mem>>
        %dma_start3A = arith.constant 0 : i32
        %dma_start3A_35 = tpu.memref_slice %arg6[%mul3A_27, %dma_start3A] : memref<100000x16xf32, #tpu.memory_space<hbm>> -> memref<1000x16xf32, #tpu.memory_space<hbm>>
        %dma_start3A_36 = arith.constant 0 : i32
        %dma_start3A_37 = tpu.memref_slice %arg6[%mul3A_27, %dma_start3A_36] : memref<100000x16xf32, #tpu.memory_space<hbm>> -> memref<1000x16xf32, #tpu.memory_space<hbm>>
        tpu.enqueue_dma source(%arg12 : memref<1000x16xf32, #tpu.memory_space<vmem>>) target(%dma_start3A_37 : memref<1000x16xf32, #tpu.memory_space<hbm>>) target_semaphore(%run_scoped3A_34 : memref<!tpu.dma_semaphore, #tpu.memory_space<semaphore_mem>>)
        %dma_wait3A = arith.constant 0 : i32
        %dma_wait3A_38 = tpu.memref_slice %arg6[%mul3A_27, %dma_wait3A] : memref<100000x16xf32, #tpu.memory_space<hbm>> -> memref<1000x16xf32, #tpu.memory_space<hbm>>
        %dma_wait3A_39 = arith.constant 0 : i32
        %dma_wait3A_40 = tpu.memref_slice %arg6[%mul3A_27, %dma_wait3A_39] : memref<100000x16xf32, #tpu.memory_space<hbm>> -> memref<1000x16xf32, #tpu.memory_space<hbm>>
        tpu.wait_dma2 semaphore(%run_scoped3A_34 : memref<!tpu.dma_semaphore, #tpu.memory_space<semaphore_mem>>) src(%arg12 : memref<1000x16xf32, #tpu.memory_space<vmem>>) dst(%dma_wait3A_40 : memref<1000x16xf32, #tpu.memory_space<hbm>>)
        tpu.yield
      }) : () -> ()
    } else {
    }
    %add3A_19 = arith.constant 96 : i32
    %add3A_20 = arith.addi %add3A, %add3A_19 : i32
    %lt3A_21 = arith.constant 100 : i32
    %lt3A_22 = arith.cmpi slt, %add3A_20, %lt3A_21 : i32
    %convert_element_type3A_23 = arith.extui %lt3A_22 : i1 to i32
    %cond3A_24 = arith.constant 0 : i32
    %cond3A_25 = arith.cmpi ne, %convert_element_type3A_23, %cond3A_24 : i32
    scf.if %cond3A_25 {
      %mul3A_26 = arith.constant 1000 : i32
      %mul3A_27 = arith.muli %add3A_20, %mul3A_26 : i32
      %run_scoped3A = arith.constant 0 : i32
      "tpu.region"() ({
        %run_scoped3A_34 = tpu.sem_alloc : memref<!tpu.dma_semaphore, #tpu.memory_space<semaphore_mem>>
        %dma_start3A = arith.constant 0 : i32
        %dma_start3A_35 = tpu.memref_slice %arg2[%run_scoped3A, %mul3A_27, %dma_start3A] : memref<2x100000x16xf32, #tpu.memory_space<hbm>> -> memref<1x1000x16xf32, #tpu.memory_space<hbm>>
        %dma_start3A_36 = tpu.memref_squeeze %dma_start3A_35 : memref<1x1000x16xf32, #tpu.memory_space<hbm>> -> memref<1000x16xf32, #tpu.memory_space<hbm>>
        %dma_start3A_37 = arith.constant 0 : i32
        %dma_start3A_38 = tpu.memref_slice %arg2[%run_scoped3A, %mul3A_27, %dma_start3A_37] : memref<2x100000x16xf32, #tpu.memory_space<hbm>> -> memref<1x1000x16xf32, #tpu.memory_space<hbm>>
        %dma_start3A_39 = tpu.memref_squeeze %dma_start3A_38 : memref<1x1000x16xf32, #tpu.memory_space<hbm>> -> memref<1000x16xf32, #tpu.memory_space<hbm>>
        tpu.enqueue_dma source(%dma_start3A_39 : memref<1000x16xf32, #tpu.memory_space<hbm>>) target(%arg7 : memref<1000x16xf32, #tpu.memory_space<vmem>>) target_semaphore(%run_scoped3A_34 : memref<!tpu.dma_semaphore, #tpu.memory_space<semaphore_mem>>)
        %dma_wait3A = arith.constant 0 : i32
        %dma_wait3A_40 = tpu.memref_slice %arg2[%run_scoped3A, %mul3A_27, %dma_wait3A] : memref<2x100000x16xf32, #tpu.memory_space<hbm>> -> memref<1x1000x16xf32, #tpu.memory_space<hbm>>
        %dma_wait3A_41 = tpu.memref_squeeze %dma_wait3A_40 : memref<1x1000x16xf32, #tpu.memory_space<hbm>> -> memref<1000x16xf32, #tpu.memory_space<hbm>>
        %dma_wait3A_42 = arith.constant 0 : i32
        %dma_wait3A_43 = tpu.memref_slice %arg2[%run_scoped3A, %mul3A_27, %dma_wait3A_42] : memref<2x100000x16xf32, #tpu.memory_space<hbm>> -> memref<1x1000x16xf32, #tpu.memory_space<hbm>>
        %dma_wait3A_44 = tpu.memref_squeeze %dma_wait3A_43 : memref<1x1000x16xf32, #tpu.memory_space<hbm>> -> memref<1000x16xf32, #tpu.memory_space<hbm>>
        tpu.wait_dma2 semaphore(%run_scoped3A_34 : memref<!tpu.dma_semaphore, #tpu.memory_space<semaphore_mem>>) src(%dma_wait3A_44 : memref<1000x16xf32, #tpu.memory_space<hbm>>) dst(%arg7 : memref<1000x16xf32, #tpu.memory_space<vmem>>)
        tpu.yield
      }) : () -> ()
      %run_scoped3A_28 = arith.constant 1 : i32
      "tpu.region"() ({
        %run_scoped3A_34 = tpu.sem_alloc : memref<!tpu.dma_semaphore, #tpu.memory_space<semaphore_mem>>
        %dma_start3A = arith.constant 0 : i32
        %dma_start3A_35 = tpu.memref_slice %arg2[%run_scoped3A_28, %mul3A_27, %dma_start3A] : memref<2x100000x16xf32, #tpu.memory_space<hbm>> -> memref<1x1000x16xf32, #tpu.memory_space<hbm>>
        %dma_start3A_36 = tpu.memref_squeeze %dma_start3A_35 : memref<1x1000x16xf32, #tpu.memory_space<hbm>> -> memref<1000x16xf32, #tpu.memory_space<hbm>>
        %dma_start3A_37 = arith.constant 0 : i32
        %dma_start3A_38 = tpu.memref_slice %arg2[%run_scoped3A_28, %mul3A_27, %dma_start3A_37] : memref<2x100000x16xf32, #tpu.memory_space<hbm>> -> memref<1x1000x16xf32, #tpu.memory_space<hbm>>
        %dma_start3A_39 = tpu.memref_squeeze %dma_start3A_38 : memref<1x1000x16xf32, #tpu.memory_space<hbm>> -> memref<1000x16xf32, #tpu.memory_space<hbm>>
        tpu.enqueue_dma source(%dma_start3A_39 : memref<1000x16xf32, #tpu.memory_space<hbm>>) target(%arg8 : memref<1000x16xf32, #tpu.memory_space<vmem>>) target_semaphore(%run_scoped3A_34 : memref<!tpu.dma_semaphore, #tpu.memory_space<semaphore_mem>>)
        %dma_wait3A = arith.constant 0 : i32
        %dma_wait3A_40 = tpu.memref_slice %arg2[%run_scoped3A_28, %mul3A_27, %dma_wait3A] : memref<2x100000x16xf32, #tpu.memory_space<hbm>> -> memref<1x1000x16xf32, #tpu.memory_space<hbm>>
        %dma_wait3A_41 = tpu.memref_squeeze %dma_wait3A_40 : memref<1x1000x16xf32, #tpu.memory_space<hbm>> -> memref<1000x16xf32, #tpu.memory_space<hbm>>
        %dma_wait3A_42 = arith.constant 0 : i32
        %dma_wait3A_43 = tpu.memref_slice %arg2[%run_scoped3A_28, %mul3A_27, %dma_wait3A_42] : memref<2x100000x16xf32, #tpu.memory_space<hbm>> -> memref<1x1000x16xf32, #tpu.memory_space<hbm>>
        %dma_wait3A_44 = tpu.memref_squeeze %dma_wait3A_43 : memref<1x1000x16xf32, #tpu.memory_space<hbm>> -> memref<1000x16xf32, #tpu.memory_space<hbm>>
        tpu.wait_dma2 semaphore(%run_scoped3A_34 : memref<!tpu.dma_semaphore, #tpu.memory_space<semaphore_mem>>) src(%dma_wait3A_44 : memref<1000x16xf32, #tpu.memory_space<hbm>>) dst(%arg8 : memref<1000x16xf32, #tpu.memory_space<vmem>>)
        tpu.yield
      }) : () -> ()
      "tpu.region"() ({
        %run_scoped3A_34 = tpu.sem_alloc : memref<!tpu.dma_semaphore, #tpu.memory_space<semaphore_mem>>
        %dma_start3A = arith.constant 0 : i32
        %dma_start3A_35 = tpu.memref_slice %arg9[%dma_start3A] : memref<1016xf32, #tpu.memory_space<vmem>> -> memref<1000xf32, #tpu.memory_space<vmem>>
        %dma_start3A_36 = tpu.memref_slice %arg3[%mul3A_27] : memref<100000xf32, #tpu.memory_space<hbm>> -> memref<1000xf32, #tpu.memory_space<hbm>>
        %dma_start3A_37 = arith.constant 0 : i32
        %dma_start3A_38 = tpu.memref_slice %arg9[%dma_start3A_37] : memref<1016xf32, #tpu.memory_space<vmem>> -> memref<1000xf32, #tpu.memory_space<vmem>>
        %dma_start3A_39 = tpu.memref_slice %arg3[%mul3A_27] : memref<100000xf32, #tpu.memory_space<hbm>> -> memref<1000xf32, #tpu.memory_space<hbm>>
        tpu.enqueue_dma source(%dma_start3A_39 : memref<1000xf32, #tpu.memory_space<hbm>>) target(%dma_start3A_38 : memref<1000xf32, #tpu.memory_space<vmem>>) target_semaphore(%run_scoped3A_34 : memref<!tpu.dma_semaphore, #tpu.memory_space<semaphore_mem>>)
        %dma_wait3A = arith.constant 0 : i32
        %dma_wait3A_40 = tpu.memref_slice %arg9[%dma_wait3A] : memref<1016xf32, #tpu.memory_space<vmem>> -> memref<1000xf32, #tpu.memory_space<vmem>>
        %dma_wait3A_41 = tpu.memref_slice %arg3[%mul3A_27] : memref<100000xf32, #tpu.memory_space<hbm>> -> memref<1000xf32, #tpu.memory_space<hbm>>
        %dma_wait3A_42 = arith.constant 0 : i32
        %dma_wait3A_43 = tpu.memref_slice %arg9[%dma_wait3A_42] : memref<1016xf32, #tpu.memory_space<vmem>> -> memref<1000xf32, #tpu.memory_space<vmem>>
        %dma_wait3A_44 = tpu.memref_slice %arg3[%mul3A_27] : memref<100000xf32, #tpu.memory_space<hbm>> -> memref<1000xf32, #tpu.memory_space<hbm>>
        tpu.wait_dma2 semaphore(%run_scoped3A_34 : memref<!tpu.dma_semaphore, #tpu.memory_space<semaphore_mem>>) src(%dma_wait3A_44 : memref<1000xf32, #tpu.memory_space<hbm>>) dst(%dma_wait3A_43 : memref<1000xf32, #tpu.memory_space<vmem>>)
        tpu.yield
      }) : () -> ()
      "tpu.region"() ({
        %run_scoped3A_34 = tpu.sem_alloc : memref<!tpu.dma_semaphore, #tpu.memory_space<semaphore_mem>>
        %dma_start3A = arith.constant 0 : i32
        %dma_start3A_35 = tpu.memref_slice %arg4[%mul3A_27, %dma_start3A] : memref<100000x16xf32, #tpu.memory_space<hbm>> -> memref<1000x16xf32, #tpu.memory_space<hbm>>
        %dma_start3A_36 = arith.constant 0 : i32
        %dma_start3A_37 = tpu.memref_slice %arg4[%mul3A_27, %dma_start3A_36] : memref<100000x16xf32, #tpu.memory_space<hbm>> -> memref<1000x16xf32, #tpu.memory_space<hbm>>
        tpu.enqueue_dma source(%dma_start3A_37 : memref<1000x16xf32, #tpu.memory_space<hbm>>) target(%arg10 : memref<1000x16xf32, #tpu.memory_space<vmem>>) target_semaphore(%run_scoped3A_34 : memref<!tpu.dma_semaphore, #tpu.memory_space<semaphore_mem>>)
        %dma_wait3A = arith.constant 0 : i32
        %dma_wait3A_38 = tpu.memref_slice %arg4[%mul3A_27, %dma_wait3A] : memref<100000x16xf32, #tpu.memory_space<hbm>> -> memref<1000x16xf32, #tpu.memory_space<hbm>>
        %dma_wait3A_39 = arith.constant 0 : i32
        %dma_wait3A_40 = tpu.memref_slice %arg4[%mul3A_27, %dma_wait3A_39] : memref<100000x16xf32, #tpu.memory_space<hbm>> -> memref<1000x16xf32, #tpu.memory_space<hbm>>
        tpu.wait_dma2 semaphore(%run_scoped3A_34 : memref<!tpu.dma_semaphore, #tpu.memory_space<semaphore_mem>>) src(%dma_wait3A_40 : memref<1000x16xf32, #tpu.memory_space<hbm>>) dst(%arg10 : memref<1000x16xf32, #tpu.memory_space<vmem>>)
        tpu.yield
      }) : () -> ()
      "tpu.region"() ({
        %run_scoped3A_34 = tpu.sem_alloc : memref<!tpu.dma_semaphore, #tpu.memory_space<semaphore_mem>>
        %dma_start3A = arith.constant 0 : i32
        %dma_start3A_35 = tpu.memref_slice %arg5[%mul3A_27, %dma_start3A] : memref<100000x16xf32, #tpu.memory_space<hbm>> -> memref<1000x16xf32, #tpu.memory_space<hbm>>
        %dma_start3A_36 = arith.constant 0 : i32
        %dma_start3A_37 = tpu.memref_slice %arg5[%mul3A_27, %dma_start3A_36] : memref<100000x16xf32, #tpu.memory_space<hbm>> -> memref<1000x16xf32, #tpu.memory_space<hbm>>
        tpu.enqueue_dma source(%dma_start3A_37 : memref<1000x16xf32, #tpu.memory_space<hbm>>) target(%arg11 : memref<1000x16xf32, #tpu.memory_space<vmem>>) target_semaphore(%run_scoped3A_34 : memref<!tpu.dma_semaphore, #tpu.memory_space<semaphore_mem>>)
        %dma_wait3A = arith.constant 0 : i32
        %dma_wait3A_38 = tpu.memref_slice %arg5[%mul3A_27, %dma_wait3A] : memref<100000x16xf32, #tpu.memory_space<hbm>> -> memref<1000x16xf32, #tpu.memory_space<hbm>>
        %dma_wait3A_39 = arith.constant 0 : i32
        %dma_wait3A_40 = tpu.memref_slice %arg5[%mul3A_27, %dma_wait3A_39] : memref<100000x16xf32, #tpu.memory_space<hbm>> -> memref<1000x16xf32, #tpu.memory_space<hbm>>
        tpu.wait_dma2 semaphore(%run_scoped3A_34 : memref<!tpu.dma_semaphore, #tpu.memory_space<semaphore_mem>>) src(%dma_wait3A_40 : memref<1000x16xf32, #tpu.memory_space<hbm>>) dst(%arg11 : memref<1000x16xf32, #tpu.memory_space<vmem>>)
        tpu.yield
      }) : () -> ()
      %scan3A = arith.constant 0 : i32
      %scan3A_29 = arith.constant 0 : i32
      %scan3A_30 = arith.constant 1000 : i32
      %scan3A_31 = arith.addi %scan3A_29, %scan3A_30 : i32
      %scan3A_32 = arith.constant 1 : i32
      scf.for %scan3A_34 = %scan3A_29 to %scan3A_31 step %scan3A_32  : i32 {
        %get3A = arith.index_cast %scan3A_34 : i32 to index
        %get3A_35 = tpu.vector_load %arg9[%get3A] {strides = array<i32>} : memref<1016xf32, #tpu.memory_space<vmem>>, vector<16xf32>,
        %slice3A = vector.extract_strided_slice %get3A_35 {offsets = [0], sizes = [1], strides = [1]} : vector<16xf32> to vector<1xf32>
        %squeeze3A = vector.extract %slice3A[0] : f32 from vector<1xf32>
        %get3A_36 = arith.index_cast %scan3A_34 : i32 to index
        %get3A_37 = arith.constant 0 : index
        %get3A_38 = tpu.vector_load %arg7[%get3A_36, %get3A_37] {strides = array<i32>} : memref<1000x16xf32, #tpu.memory_space<vmem>>, vector<16xf32>,
        %get3A_39 = arith.index_cast %scan3A_34 : i32 to index
        %get3A_40 = arith.constant 0 : index
        %get3A_41 = tpu.vector_load %arg8[%get3A_39, %get3A_40] {strides = array<i32>} : memref<1000x16xf32, #tpu.memory_space<vmem>>, vector<16xf32>,
        %add3A_42 = arith.addf %get3A_38, %get3A_41 : vector<16xf32>
        %mul3A_43 = vector.broadcast %squeeze3A : f32 to vector<16xf32>
        %mul3A_44 = arith.mulf %add3A_42, %mul3A_43 : vector<16xf32>
        %get3A_45 = arith.index_cast %scan3A_34 : i32 to index
        %get3A_46 = arith.constant 0 : index
        %get3A_47 = tpu.vector_load %arg10[%get3A_45, %get3A_46] {strides = array<i32>} : memref<1000x16xf32, #tpu.memory_space<vmem>>, vector<16xf32>,
        %get3A_48 = arith.index_cast %scan3A_34 : i32 to index
        %get3A_49 = arith.constant 0 : index
        %get3A_50 = tpu.vector_load %arg11[%get3A_48, %get3A_49] {strides = array<i32>} : memref<1000x16xf32, #tpu.memory_space<vmem>>, vector<16xf32>,
        %add3A_51 = arith.addf %get3A_47, %get3A_50 : vector<16xf32>
        %add3A_52 = arith.addf %add3A_51, %mul3A_44 : vector<16xf32>
        %mul3A_53 = arith.constant 5.000000e-01 : f32
        %mul3A_54 = vector.broadcast %mul3A_53 : f32 to vector<16xf32>
        %mul3A_55 = arith.mulf %add3A_52, %mul3A_54 : vector<16xf32>
        %swap3A = arith.index_cast %scan3A_34 : i32 to index
        %swap3A_56 = arith.constant 0 : index
        %swap3A_57 = tpu.vector_load %arg12[%swap3A, %swap3A_56] {strides = array<i32>} : memref<1000x16xf32, #tpu.memory_space<vmem>>, vector<16xf32>,
        tpu.vector_store %arg12[%swap3A, %swap3A_56], %mul3A_55 {strides = array<i32>} : memref<1000x16xf32, #tpu.memory_space<vmem>>, vector<16xf32>,
      }
      %scan3A_33 = arith.constant 1000 : i32
      "tpu.region"() ({
        %run_scoped3A_34 = tpu.sem_alloc : memref<!tpu.dma_semaphore, #tpu.memory_space<semaphore_mem>>
        %dma_start3A = arith.constant 0 : i32
        %dma_start3A_35 = tpu.memref_slice %arg6[%mul3A_27, %dma_start3A] : memref<100000x16xf32, #tpu.memory_space<hbm>> -> memref<1000x16xf32, #tpu.memory_space<hbm>>
        %dma_start3A_36 = arith.constant 0 : i32
        %dma_start3A_37 = tpu.memref_slice %arg6[%mul3A_27, %dma_start3A_36] : memref<100000x16xf32, #tpu.memory_space<hbm>> -> memref<1000x16xf32, #tpu.memory_space<hbm>>
        tpu.enqueue_dma source(%arg12 : memref<1000x16xf32, #tpu.memory_space<vmem>>) target(%dma_start3A_37 : memref<1000x16xf32, #tpu.memory_space<hbm>>) target_semaphore(%run_scoped3A_34 : memref<!tpu.dma_semaphore, #tpu.memory_space<semaphore_mem>>)
        %dma_wait3A = arith.constant 0 : i32
        %dma_wait3A_38 = tpu.memref_slice %arg6[%mul3A_27, %dma_wait3A] : memref<100000x16xf32, #tpu.memory_space<hbm>> -> memref<1000x16xf32, #tpu.memory_space<hbm>>
        %dma_wait3A_39 = arith.constant 0 : i32
        %dma_wait3A_40 = tpu.memref_slice %arg6[%mul3A_27, %dma_wait3A_39] : memref<100000x16xf32, #tpu.memory_space<hbm>> -> memref<1000x16xf32, #tpu.memory_space<hbm>>
        tpu.wait_dma2 semaphore(%run_scoped3A_34 : memref<!tpu.dma_semaphore, #tpu.memory_space<semaphore_mem>>) src(%arg12 : memref<1000x16xf32, #tpu.memory_space<vmem>>) dst(%dma_wait3A_40 : memref<1000x16xf32, #tpu.memory_space<hbm>>)
        tpu.yield
      }) : () -> ()
    } else {
    }
    return
  }
}

#map = affine_map<(d0, d1) -> (0, 0)>
#map1 = affine_map<(d0, d1) -> (0, 0, 0)>
#map2 = affine_map<(d0, d1) -> (0)>
module attributes {stable_mosaic.version = 14 : i64} {
  func.func @conv(%arg0: i32, %arg1: i32, %arg2: memref<100000x16xf32, #tpu.memory_space<hbm>>, %arg3: memref<12544x128xi32, #tpu.memory_space<hbm>>, %arg4: memref<12544x128xi32, #tpu.memory_space<hbm>>, %arg5: memref<2x100000x16xf32, #tpu.memory_space<hbm>>, %arg6: memref<200000xf32, #tpu.memory_space<hbm>>, %arg7: memref<100224x16xf32, #tpu.memory_space<vmem_shared>>, %arg8: memref<8x128xi32, #tpu.memory_space<vmem>>, %arg9: memref<8x128xi32, #tpu.memory_space<vmem>>, %arg10: memref<4x128x16xf32, #tpu.memory_space<vmem>>, %arg11: memref<232x16xf32, #tpu.memory_space<vmem>>, %arg12: memref<!tpu.dma_semaphore, #tpu.memory_space<semaphore_mem>>, %arg13: memref<100224xf32, #tpu.memory_space<vmem_shared>>, %arg14: memref<2096xf32, #tpu.memory_space<vmem>>, %arg15: memref<128xf32, #tpu.memory_space<vmem>>) attributes {dimension_semantics = [#tpu.dimension_semantics<core_parallel>, #tpu.dimension_semantics<subcore_parallel>], iteration_bounds = array<i64: 2, 16>, scalar_prefetch = 0 : i64, scratch_operands = 9 : i64, tpu.core_type = #tpu.core_type<sc_vector_subcore>, window_params = [{transform_indices = #map}, {transform_indices = #map}, {transform_indices = #map}, {transform_indices = #map1}, {transform_indices = #map2}]} {
    %mul3A = arith.constant 16 : i32
    %mul3A_0 = arith.muli %arg0, %mul3A : i32
    %add3A = arith.addi %mul3A_0, %arg1 : i32
    %scan3A = arith.constant 0 : i32
    %scan3A_1 = arith.constant 0 : i32
    %scan3A_2 = arith.constant 232 : i32
    %scan3A_3 = arith.addi %scan3A_1, %scan3A_2 : i32
    %scan3A_4 = arith.constant 1 : i32
    scf.for %scan3A_113 = %scan3A_1 to %scan3A_3 step %scan3A_4  : i32 {
      %broadcast_in_dim3A_114 = arith.constant 0.000000e+00 : f32
      %broadcast_in_dim3A_115 = vector.broadcast %broadcast_in_dim3A_114 : f32 to vector<16xf32>
      %swap3A_116 = arith.index_cast %scan3A_113 : i32 to index
      %swap3A_117 = arith.constant 0 : index
      %swap3A_118 = tpu.vector_load %arg11[%swap3A_116, %swap3A_117] {strides = array<i32>} : memref<232x16xf32, #tpu.memory_space<vmem>>, vector<16xf32>,
      tpu.vector_store %arg11[%swap3A_116, %swap3A_117], %broadcast_in_dim3A_115 {strides = array<i32>} : memref<232x16xf32, #tpu.memory_space<vmem>>, vector<16xf32>,
    }
    %scan3A_5 = arith.constant 232 : i32
    %scan3A_6 = arith.constant 0 : i32
    %scan3A_7 = arith.constant 0 : i32
    %scan3A_8 = arith.constant 27 : i32
    %scan3A_9 = arith.addi %scan3A_7, %scan3A_8 : i32
    %scan3A_10 = arith.constant 1 : i32
    scf.for %scan3A_113 = %scan3A_7 to %scan3A_9 step %scan3A_10  : i32 {
      %mul3A_114 = arith.constant 6264 : i32
      %mul3A_115 = arith.muli %arg1, %mul3A_114 : i32
      %mul3A_116 = arith.constant 232 : i32
      %mul3A_117 = arith.muli %scan3A_113, %mul3A_116 : i32
      %add3A_118 = arith.addi %mul3A_115, %mul3A_117 : i32
      "tpu.region"() ({
        %run_scoped3A = tpu.sem_alloc : memref<!tpu.dma_semaphore, #tpu.memory_space<semaphore_mem>>
        %dma_start3A = arith.constant 0 : i32
        %dma_start3A_119 = tpu.memref_slice %arg7[%add3A_118, %dma_start3A] : memref<100224x16xf32, #tpu.memory_space<vmem_shared>> -> memref<232x16xf32, #tpu.memory_space<vmem_shared>>
        %dma_start3A_120 = arith.constant 0 : i32
        %dma_start3A_121 = tpu.memref_slice %arg7[%add3A_118, %dma_start3A_120] : memref<100224x16xf32, #tpu.memory_space<vmem_shared>> -> memref<232x16xf32, #tpu.memory_space<vmem_shared>>
        tpu.enqueue_dma source(%arg11 : memref<232x16xf32, #tpu.memory_space<vmem>>) target(%dma_start3A_121 : memref<232x16xf32, #tpu.memory_space<vmem_shared>>) target_semaphore(%run_scoped3A : memref<!tpu.dma_semaphore, #tpu.memory_space<semaphore_mem>>)
        %dma_wait3A = arith.constant 0 : i32
        %dma_wait3A_122 = tpu.memref_slice %arg7[%add3A_118, %dma_wait3A] : memref<100224x16xf32, #tpu.memory_space<vmem_shared>> -> memref<232x16xf32, #tpu.memory_space<vmem_shared>>
        %dma_wait3A_123 = arith.constant 0 : i32
        %dma_wait3A_124 = tpu.memref_slice %arg7[%add3A_118, %dma_wait3A_123] : memref<100224x16xf32, #tpu.memory_space<vmem_shared>> -> memref<232x16xf32, #tpu.memory_space<vmem_shared>>
        tpu.wait_dma2 semaphore(%run_scoped3A : memref<!tpu.dma_semaphore, #tpu.memory_space<semaphore_mem>>) src(%arg11 : memref<232x16xf32, #tpu.memory_space<vmem>>) dst(%dma_wait3A_124 : memref<232x16xf32, #tpu.memory_space<vmem_shared>>)
        tpu.yield
      }) : () -> ()
    }
    %scan3A_11 = arith.constant 27 : i32
    %scan3A_12 = arith.constant 0 : i32
    %scan3A_13 = arith.constant 0 : i32
    %scan3A_14 = arith.constant 131 : i32
    %scan3A_15 = arith.addi %scan3A_13, %scan3A_14 : i32
    %scan3A_16 = arith.constant 1 : i32
    scf.for %scan3A_113 = %scan3A_13 to %scan3A_15 step %scan3A_16  : i32 {
      %broadcast_in_dim3A_114 = arith.constant 0.000000e+00 : f32
      %broadcast_in_dim3A_115 = vector.broadcast %broadcast_in_dim3A_114 : f32 to vector<16xf32>
      %mul3A_116 = arith.constant 16 : i32
      %mul3A_117 = arith.muli %scan3A_113, %mul3A_116 : i32
      %swap3A_118 = arith.index_cast %mul3A_117 : i32 to index
      %swap3A_119 = tpu.vector_load %arg14[%swap3A_118] {strides = array<i32>} : memref<2096xf32, #tpu.memory_space<vmem>>, vector<16xf32>,
      tpu.vector_store %arg14[%swap3A_118], %broadcast_in_dim3A_115 {strides = array<i32>} : memref<2096xf32, #tpu.memory_space<vmem>>, vector<16xf32>,
    }
    %scan3A_17 = arith.constant 131 : i32
    %mul3A_18 = arith.constant 6264 : i32
    %mul3A_19 = arith.muli %arg1, %mul3A_18 : i32
    %add3A_20 = arith.constant 0 : i32
    %add3A_21 = arith.addi %mul3A_19, %add3A_20 : i32
    "tpu.region"() ({
      %run_scoped3A = tpu.sem_alloc : memref<!tpu.dma_semaphore, #tpu.memory_space<semaphore_mem>>
      %dma_start3A = arith.constant 0 : i32
      %dma_start3A_113 = tpu.memref_slice %arg14[%dma_start3A] : memref<2096xf32, #tpu.memory_space<vmem>> -> memref<2088xf32, #tpu.memory_space<vmem>>
      %dma_start3A_114 = tpu.memref_slice %arg13[%add3A_21] : memref<100224xf32, #tpu.memory_space<vmem_shared>> -> memref<2088xf32, #tpu.memory_space<vmem_shared>>
      %dma_start3A_115 = tpu.memref_slice %arg13[%add3A_21] : memref<100224xf32, #tpu.memory_space<vmem_shared>> -> memref<2088xf32, #tpu.memory_space<vmem_shared>>
      %dma_start3A_116 = arith.constant 0 : i32
      %dma_start3A_117 = tpu.memref_slice %arg14[%dma_start3A_116] : memref<2096xf32, #tpu.memory_space<vmem>> -> memref<2088xf32, #tpu.memory_space<vmem>>
      tpu.enqueue_dma source(%dma_start3A_117 : memref<2088xf32, #tpu.memory_space<vmem>>) target(%dma_start3A_115 : memref<2088xf32, #tpu.memory_space<vmem_shared>>) target_semaphore(%run_scoped3A : memref<!tpu.dma_semaphore, #tpu.memory_space<semaphore_mem>>)
      %dma_wait3A = arith.constant 0 : i32
      %dma_wait3A_118 = tpu.memref_slice %arg14[%dma_wait3A] : memref<2096xf32, #tpu.memory_space<vmem>> -> memref<2088xf32, #tpu.memory_space<vmem>>
      %dma_wait3A_119 = tpu.memref_slice %arg13[%add3A_21] : memref<100224xf32, #tpu.memory_space<vmem_shared>> -> memref<2088xf32, #tpu.memory_space<vmem_shared>>
      %dma_wait3A_120 = tpu.memref_slice %arg13[%add3A_21] : memref<100224xf32, #tpu.memory_space<vmem_shared>> -> memref<2088xf32, #tpu.memory_space<vmem_shared>>
      %dma_wait3A_121 = arith.constant 0 : i32
      %dma_wait3A_122 = tpu.memref_slice %arg14[%dma_wait3A_121] : memref<2096xf32, #tpu.memory_space<vmem>> -> memref<2088xf32, #tpu.memory_space<vmem>>
      tpu.wait_dma2 semaphore(%run_scoped3A : memref<!tpu.dma_semaphore, #tpu.memory_space<semaphore_mem>>) src(%dma_wait3A_122 : memref<2088xf32, #tpu.memory_space<vmem>>) dst(%dma_wait3A_120 : memref<2088xf32, #tpu.memory_space<vmem_shared>>)
      tpu.yield
    }) : () -> ()
    %mul3A_22 = arith.constant 6264 : i32
    %mul3A_23 = arith.muli %arg1, %mul3A_22 : i32
    %add3A_24 = arith.constant 2088 : i32
    %add3A_25 = arith.addi %mul3A_23, %add3A_24 : i32
    "tpu.region"() ({
      %run_scoped3A = tpu.sem_alloc : memref<!tpu.dma_semaphore, #tpu.memory_space<semaphore_mem>>
      %dma_start3A = arith.constant 0 : i32
      %dma_start3A_113 = tpu.memref_slice %arg14[%dma_start3A] : memref<2096xf32, #tpu.memory_space<vmem>> -> memref<2088xf32, #tpu.memory_space<vmem>>
      %dma_start3A_114 = tpu.memref_slice %arg13[%add3A_25] : memref<100224xf32, #tpu.memory_space<vmem_shared>> -> memref<2088xf32, #tpu.memory_space<vmem_shared>>
      %dma_start3A_115 = tpu.memref_slice %arg13[%add3A_25] : memref<100224xf32, #tpu.memory_space<vmem_shared>> -> memref<2088xf32, #tpu.memory_space<vmem_shared>>
      %dma_start3A_116 = arith.constant 0 : i32
      %dma_start3A_117 = tpu.memref_slice %arg14[%dma_start3A_116] : memref<2096xf32, #tpu.memory_space<vmem>> -> memref<2088xf32, #tpu.memory_space<vmem>>
      tpu.enqueue_dma source(%dma_start3A_117 : memref<2088xf32, #tpu.memory_space<vmem>>) target(%dma_start3A_115 : memref<2088xf32, #tpu.memory_space<vmem_shared>>) target_semaphore(%run_scoped3A : memref<!tpu.dma_semaphore, #tpu.memory_space<semaphore_mem>>)
      %dma_wait3A = arith.constant 0 : i32
      %dma_wait3A_118 = tpu.memref_slice %arg14[%dma_wait3A] : memref<2096xf32, #tpu.memory_space<vmem>> -> memref<2088xf32, #tpu.memory_space<vmem>>
      %dma_wait3A_119 = tpu.memref_slice %arg13[%add3A_25] : memref<100224xf32, #tpu.memory_space<vmem_shared>> -> memref<2088xf32, #tpu.memory_space<vmem_shared>>
      %dma_wait3A_120 = tpu.memref_slice %arg13[%add3A_25] : memref<100224xf32, #tpu.memory_space<vmem_shared>> -> memref<2088xf32, #tpu.memory_space<vmem_shared>>
      %dma_wait3A_121 = arith.constant 0 : i32
      %dma_wait3A_122 = tpu.memref_slice %arg14[%dma_wait3A_121] : memref<2096xf32, #tpu.memory_space<vmem>> -> memref<2088xf32, #tpu.memory_space<vmem>>
      tpu.wait_dma2 semaphore(%run_scoped3A : memref<!tpu.dma_semaphore, #tpu.memory_space<semaphore_mem>>) src(%dma_wait3A_122 : memref<2088xf32, #tpu.memory_space<vmem>>) dst(%dma_wait3A_120 : memref<2088xf32, #tpu.memory_space<vmem_shared>>)
      tpu.yield
    }) : () -> ()
    %mul3A_26 = arith.constant 6264 : i32
    %mul3A_27 = arith.muli %arg1, %mul3A_26 : i32
    %add3A_28 = arith.constant 4176 : i32
    %add3A_29 = arith.addi %mul3A_27, %add3A_28 : i32
    "tpu.region"() ({
      %run_scoped3A = tpu.sem_alloc : memref<!tpu.dma_semaphore, #tpu.memory_space<semaphore_mem>>
      %dma_start3A = arith.constant 0 : i32
      %dma_start3A_113 = tpu.memref_slice %arg14[%dma_start3A] : memref<2096xf32, #tpu.memory_space<vmem>> -> memref<2088xf32, #tpu.memory_space<vmem>>
      %dma_start3A_114 = tpu.memref_slice %arg13[%add3A_29] : memref<100224xf32, #tpu.memory_space<vmem_shared>> -> memref<2088xf32, #tpu.memory_space<vmem_shared>>
      %dma_start3A_115 = tpu.memref_slice %arg13[%add3A_29] : memref<100224xf32, #tpu.memory_space<vmem_shared>> -> memref<2088xf32, #tpu.memory_space<vmem_shared>>
      %dma_start3A_116 = arith.constant 0 : i32
      %dma_start3A_117 = tpu.memref_slice %arg14[%dma_start3A_116] : memref<2096xf32, #tpu.memory_space<vmem>> -> memref<2088xf32, #tpu.memory_space<vmem>>
      tpu.enqueue_dma source(%dma_start3A_117 : memref<2088xf32, #tpu.memory_space<vmem>>) target(%dma_start3A_115 : memref<2088xf32, #tpu.memory_space<vmem_shared>>) target_semaphore(%run_scoped3A : memref<!tpu.dma_semaphore, #tpu.memory_space<semaphore_mem>>)
      %dma_wait3A = arith.constant 0 : i32
      %dma_wait3A_118 = tpu.memref_slice %arg14[%dma_wait3A] : memref<2096xf32, #tpu.memory_space<vmem>> -> memref<2088xf32, #tpu.memory_space<vmem>>
      %dma_wait3A_119 = tpu.memref_slice %arg13[%add3A_29] : memref<100224xf32, #tpu.memory_space<vmem_shared>> -> memref<2088xf32, #tpu.memory_space<vmem_shared>>
      %dma_wait3A_120 = tpu.memref_slice %arg13[%add3A_29] : memref<100224xf32, #tpu.memory_space<vmem_shared>> -> memref<2088xf32, #tpu.memory_space<vmem_shared>>
      %dma_wait3A_121 = arith.constant 0 : i32
      %dma_wait3A_122 = tpu.memref_slice %arg14[%dma_wait3A_121] : memref<2096xf32, #tpu.memory_space<vmem>> -> memref<2088xf32, #tpu.memory_space<vmem>>
      tpu.wait_dma2 semaphore(%run_scoped3A : memref<!tpu.dma_semaphore, #tpu.memory_space<semaphore_mem>>) src(%dma_wait3A_122 : memref<2088xf32, #tpu.memory_space<vmem>>) dst(%dma_wait3A_120 : memref<2088xf32, #tpu.memory_space<vmem_shared>>)
      tpu.yield
    }) : () -> ()
    %broadcast_in_dim3A = arith.constant 1.000000e+00 : f32
    %broadcast_in_dim3A_30 = vector.broadcast %broadcast_in_dim3A : f32 to vector<16xf32>
    %swap3A = arith.constant 0 : index
    %swap3A_31 = tpu.vector_load %arg15[%swap3A] {strides = array<i32>} : memref<128xf32, #tpu.memory_space<vmem>>, vector<16xf32>,
    tpu.vector_store %arg15[%swap3A], %broadcast_in_dim3A_30 {strides = array<i32>} : memref<128xf32, #tpu.memory_space<vmem>>, vector<16xf32>,
    %broadcast_in_dim3A_32 = arith.constant 1.000000e+00 : f32
    %broadcast_in_dim3A_33 = vector.broadcast %broadcast_in_dim3A_32 : f32 to vector<16xf32>
    %swap3A_34 = arith.constant 16 : index
    %swap3A_35 = tpu.vector_load %arg15[%swap3A_34] {strides = array<i32>} : memref<128xf32, #tpu.memory_space<vmem>>, vector<16xf32>,
    tpu.vector_store %arg15[%swap3A_34], %broadcast_in_dim3A_33 {strides = array<i32>} : memref<128xf32, #tpu.memory_space<vmem>>, vector<16xf32>,
    %broadcast_in_dim3A_36 = arith.constant 1.000000e+00 : f32
    %broadcast_in_dim3A_37 = vector.broadcast %broadcast_in_dim3A_36 : f32 to vector<16xf32>
    %swap3A_38 = arith.constant 32 : index
    %swap3A_39 = tpu.vector_load %arg15[%swap3A_38] {strides = array<i32>} : memref<128xf32, #tpu.memory_space<vmem>>, vector<16xf32>,
    tpu.vector_store %arg15[%swap3A_38], %broadcast_in_dim3A_37 {strides = array<i32>} : memref<128xf32, #tpu.memory_space<vmem>>, vector<16xf32>,
    %broadcast_in_dim3A_40 = arith.constant 1.000000e+00 : f32
    %broadcast_in_dim3A_41 = vector.broadcast %broadcast_in_dim3A_40 : f32 to vector<16xf32>
    %swap3A_42 = arith.constant 48 : index
    %swap3A_43 = tpu.vector_load %arg15[%swap3A_42] {strides = array<i32>} : memref<128xf32, #tpu.memory_space<vmem>>, vector<16xf32>,
    tpu.vector_store %arg15[%swap3A_42], %broadcast_in_dim3A_41 {strides = array<i32>} : memref<128xf32, #tpu.memory_space<vmem>>, vector<16xf32>,
    %broadcast_in_dim3A_44 = arith.constant 1.000000e+00 : f32
    %broadcast_in_dim3A_45 = vector.broadcast %broadcast_in_dim3A_44 : f32 to vector<16xf32>
    %swap3A_46 = arith.constant 64 : index
    %swap3A_47 = tpu.vector_load %arg15[%swap3A_46] {strides = array<i32>} : memref<128xf32, #tpu.memory_space<vmem>>, vector<16xf32>,
    tpu.vector_store %arg15[%swap3A_46], %broadcast_in_dim3A_45 {strides = array<i32>} : memref<128xf32, #tpu.memory_space<vmem>>, vector<16xf32>,
    %broadcast_in_dim3A_48 = arith.constant 1.000000e+00 : f32
    %broadcast_in_dim3A_49 = vector.broadcast %broadcast_in_dim3A_48 : f32 to vector<16xf32>
    %swap3A_50 = arith.constant 80 : index
    %swap3A_51 = tpu.vector_load %arg15[%swap3A_50] {strides = array<i32>} : memref<128xf32, #tpu.memory_space<vmem>>, vector<16xf32>,
    tpu.vector_store %arg15[%swap3A_50], %broadcast_in_dim3A_49 {strides = array<i32>} : memref<128xf32, #tpu.memory_space<vmem>>, vector<16xf32>,
    %broadcast_in_dim3A_52 = arith.constant 1.000000e+00 : f32
    %broadcast_in_dim3A_53 = vector.broadcast %broadcast_in_dim3A_52 : f32 to vector<16xf32>
    %swap3A_54 = arith.constant 96 : index
    %swap3A_55 = tpu.vector_load %arg15[%swap3A_54] {strides = array<i32>} : memref<128xf32, #tpu.memory_space<vmem>>, vector<16xf32>,
    tpu.vector_store %arg15[%swap3A_54], %broadcast_in_dim3A_53 {strides = array<i32>} : memref<128xf32, #tpu.memory_space<vmem>>, vector<16xf32>,
    %broadcast_in_dim3A_56 = arith.constant 1.000000e+00 : f32
    %broadcast_in_dim3A_57 = vector.broadcast %broadcast_in_dim3A_56 : f32 to vector<16xf32>
    %swap3A_58 = arith.constant 112 : index
    %swap3A_59 = tpu.vector_load %arg15[%swap3A_58] {strides = array<i32>} : memref<128xf32, #tpu.memory_space<vmem>>, vector<16xf32>,
    tpu.vector_store %arg15[%swap3A_58], %broadcast_in_dim3A_57 {strides = array<i32>} : memref<128xf32, #tpu.memory_space<vmem>>, vector<16xf32>,
    %barrier3A = arith.constant 0 : index
    tpu.barrier barrier_id(%barrier3A)
    %scan3A_60 = arith.constant 0 : i32
    %scan3A_61 = arith.constant 0 : i32
    %scan3A_62 = arith.constant 49 : i32
    %scan3A_63 = arith.addi %scan3A_61, %scan3A_62 : i32
    %scan3A_64 = arith.constant 1 : i32
    scf.for %scan3A_113 = %scan3A_61 to %scan3A_63 step %scan3A_64  : i32 {
      %mul3A_114 = arith.constant 392 : i32
      %mul3A_115 = arith.muli %add3A, %mul3A_114 : i32
      %mul3A_116 = arith.constant 8 : i32
      %mul3A_117 = arith.muli %scan3A_113, %mul3A_116 : i32
      %add3A_118 = arith.addi %mul3A_115, %mul3A_117 : i32
      "tpu.region"() ({
        %run_scoped3A_332 = tpu.sem_alloc : memref<!tpu.dma_semaphore, #tpu.memory_space<semaphore_mem>>
        %dma_start3A_333 = arith.constant 0 : i32
        %dma_start3A_334 = tpu.memref_slice %arg3[%add3A_118, %dma_start3A_333] : memref<12544x128xi32, #tpu.memory_space<hbm>> -> memref<8x128xi32, #tpu.memory_space<hbm>>
        %dma_start3A_335 = arith.constant 0 : i32
        %dma_start3A_336 = tpu.memref_slice %arg3[%add3A_118, %dma_start3A_335] : memref<12544x128xi32, #tpu.memory_space<hbm>> -> memref<8x128xi32, #tpu.memory_space<hbm>>
        tpu.enqueue_dma source(%dma_start3A_336 : memref<8x128xi32, #tpu.memory_space<hbm>>) target(%arg8 : memref<8x128xi32, #tpu.memory_space<vmem>>) target_semaphore(%run_scoped3A_332 : memref<!tpu.dma_semaphore, #tpu.memory_space<semaphore_mem>>)
        %dma_wait3A_337 = arith.constant 0 : i32
        %dma_wait3A_338 = tpu.memref_slice %arg3[%add3A_118, %dma_wait3A_337] : memref<12544x128xi32, #tpu.memory_space<hbm>> -> memref<8x128xi32, #tpu.memory_space<hbm>>
        %dma_wait3A_339 = arith.constant 0 : i32
        %dma_wait3A_340 = tpu.memref_slice %arg3[%add3A_118, %dma_wait3A_339] : memref<12544x128xi32, #tpu.memory_space<hbm>> -> memref<8x128xi32, #tpu.memory_space<hbm>>
        tpu.wait_dma2 semaphore(%run_scoped3A_332 : memref<!tpu.dma_semaphore, #tpu.memory_space<semaphore_mem>>) src(%dma_wait3A_340 : memref<8x128xi32, #tpu.memory_space<hbm>>) dst(%arg8 : memref<8x128xi32, #tpu.memory_space<vmem>>)
        tpu.yield
      }) : () -> ()
      "tpu.region"() ({
        %run_scoped3A_332 = tpu.sem_alloc : memref<!tpu.dma_semaphore, #tpu.memory_space<semaphore_mem>>
        %dma_start3A_333 = arith.constant 0 : i32
        %dma_start3A_334 = tpu.memref_slice %arg4[%add3A_118, %dma_start3A_333] : memref<12544x128xi32, #tpu.memory_space<hbm>> -> memref<8x128xi32, #tpu.memory_space<hbm>>
        %dma_start3A_335 = arith.constant 0 : i32
        %dma_start3A_336 = tpu.memref_slice %arg4[%add3A_118, %dma_start3A_335] : memref<12544x128xi32, #tpu.memory_space<hbm>> -> memref<8x128xi32, #tpu.memory_space<hbm>>
        tpu.enqueue_dma source(%dma_start3A_336 : memref<8x128xi32, #tpu.memory_space<hbm>>) target(%arg9 : memref<8x128xi32, #tpu.memory_space<vmem>>) target_semaphore(%run_scoped3A_332 : memref<!tpu.dma_semaphore, #tpu.memory_space<semaphore_mem>>)
        %dma_wait3A_337 = arith.constant 0 : i32
        %dma_wait3A_338 = tpu.memref_slice %arg4[%add3A_118, %dma_wait3A_337] : memref<12544x128xi32, #tpu.memory_space<hbm>> -> memref<8x128xi32, #tpu.memory_space<hbm>>
        %dma_wait3A_339 = arith.constant 0 : i32
        %dma_wait3A_340 = tpu.memref_slice %arg4[%add3A_118, %dma_wait3A_339] : memref<12544x128xi32, #tpu.memory_space<hbm>> -> memref<8x128xi32, #tpu.memory_space<hbm>>
        tpu.wait_dma2 semaphore(%run_scoped3A_332 : memref<!tpu.dma_semaphore, #tpu.memory_space<semaphore_mem>>) src(%dma_wait3A_340 : memref<8x128xi32, #tpu.memory_space<hbm>>) dst(%arg9 : memref<8x128xi32, #tpu.memory_space<vmem>>)
        tpu.yield
      }) : () -> ()
      %dma_start3A = arith.constant 0 : i32
      %dma_start3A_119 = arith.constant 0 : i32
      %dma_start3A_120 = arith.constant 0 : i32
      %dma_start3A_121 = arith.constant 0 : i32
      %dma_start3A_122 = tpu.memref_slice %arg10[%dma_start3A_119, %dma_start3A_120, %dma_start3A_121] : memref<4x128x16xf32, #tpu.memory_space<vmem>> -> memref<1x128x16xf32, #tpu.memory_space<vmem>>
      %dma_start3A_123 = tpu.memref_squeeze %dma_start3A_122 : memref<1x128x16xf32, #tpu.memory_space<vmem>> -> memref<128x16xf32, #tpu.memory_space<vmem>>
      %dma_start3A_124 = arith.constant 0 : i32
      %dma_start3A_125 = tpu.memref_slice %arg8[%dma_start3A, %dma_start3A_124] : memref<8x128xi32, #tpu.memory_space<vmem>> -> memref<1x128xi32, #tpu.memory_space<vmem>>
      %dma_start3A_126 = tpu.memref_squeeze %dma_start3A_125 : memref<1x128xi32, #tpu.memory_space<vmem>> -> memref<128xi32, #tpu.memory_space<vmem>>
      %dma_start3A_127 = arith.constant 0 : i32
      %dma_start3A_128 = arith.constant 0 : i32
      %dma_start3A_129 = tpu.memref_slice %arg2[%dma_start3A_127, %dma_start3A_128] : memref<100000x16xf32, #tpu.memory_space<hbm>> -> memref<100000x16xf32, #tpu.memory_space<hbm>>
      tpu.enqueue_indirect_dma source(%dma_start3A_129 : memref<100000x16xf32, #tpu.memory_space<hbm>>) target(%dma_start3A_123 : memref<128x16xf32, #tpu.memory_space<vmem>>) offsets(%dma_start3A_126 : memref<128xi32, #tpu.memory_space<vmem>>) semaphore(%arg12 : memref<!tpu.dma_semaphore, #tpu.memory_space<semaphore_mem>>)
      %dma_start3A_130 = arith.constant 1 : i32
      %dma_start3A_131 = arith.constant 1 : i32
      %dma_start3A_132 = arith.constant 0 : i32
      %dma_start3A_133 = arith.constant 0 : i32
      %dma_start3A_134 = tpu.memref_slice %arg10[%dma_start3A_131, %dma_start3A_132, %dma_start3A_133] : memref<4x128x16xf32, #tpu.memory_space<vmem>> -> memref<1x128x16xf32, #tpu.memory_space<vmem>>
      %dma_start3A_135 = tpu.memref_squeeze %dma_start3A_134 : memref<1x128x16xf32, #tpu.memory_space<vmem>> -> memref<128x16xf32, #tpu.memory_space<vmem>>
      %dma_start3A_136 = arith.constant 0 : i32
      %dma_start3A_137 = tpu.memref_slice %arg8[%dma_start3A_130, %dma_start3A_136] : memref<8x128xi32, #tpu.memory_space<vmem>> -> memref<1x128xi32, #tpu.memory_space<vmem>>
      %dma_start3A_138 = tpu.memref_squeeze %dma_start3A_137 : memref<1x128xi32, #tpu.memory_space<vmem>> -> memref<128xi32, #tpu.memory_space<vmem>>
      %dma_start3A_139 = arith.constant 0 : i32
      %dma_start3A_140 = arith.constant 0 : i32
      %dma_start3A_141 = tpu.memref_slice %arg2[%dma_start3A_139, %dma_start3A_140] : memref<100000x16xf32, #tpu.memory_space<hbm>> -> memref<100000x16xf32, #tpu.memory_space<hbm>>
      tpu.enqueue_indirect_dma source(%dma_start3A_141 : memref<100000x16xf32, #tpu.memory_space<hbm>>) target(%dma_start3A_135 : memref<128x16xf32, #tpu.memory_space<vmem>>) offsets(%dma_start3A_138 : memref<128xi32, #tpu.memory_space<vmem>>) semaphore(%arg12 : memref<!tpu.dma_semaphore, #tpu.memory_space<semaphore_mem>>)
      %dma_start3A_142 = arith.constant 2 : i32
      %dma_start3A_143 = arith.constant 2 : i32
      %dma_start3A_144 = arith.constant 0 : i32
      %dma_start3A_145 = arith.constant 0 : i32
      %dma_start3A_146 = tpu.memref_slice %arg10[%dma_start3A_143, %dma_start3A_144, %dma_start3A_145] : memref<4x128x16xf32, #tpu.memory_space<vmem>> -> memref<1x128x16xf32, #tpu.memory_space<vmem>>
      %dma_start3A_147 = tpu.memref_squeeze %dma_start3A_146 : memref<1x128x16xf32, #tpu.memory_space<vmem>> -> memref<128x16xf32, #tpu.memory_space<vmem>>
      %dma_start3A_148 = arith.constant 0 : i32
      %dma_start3A_149 = tpu.memref_slice %arg8[%dma_start3A_142, %dma_start3A_148] : memref<8x128xi32, #tpu.memory_space<vmem>> -> memref<1x128xi32, #tpu.memory_space<vmem>>
      %dma_start3A_150 = tpu.memref_squeeze %dma_start3A_149 : memref<1x128xi32, #tpu.memory_space<vmem>> -> memref<128xi32, #tpu.memory_space<vmem>>
      %dma_start3A_151 = arith.constant 0 : i32
      %dma_start3A_152 = arith.constant 0 : i32
      %dma_start3A_153 = tpu.memref_slice %arg2[%dma_start3A_151, %dma_start3A_152] : memref<100000x16xf32, #tpu.memory_space<hbm>> -> memref<100000x16xf32, #tpu.memory_space<hbm>>
      tpu.enqueue_indirect_dma source(%dma_start3A_153 : memref<100000x16xf32, #tpu.memory_space<hbm>>) target(%dma_start3A_147 : memref<128x16xf32, #tpu.memory_space<vmem>>) offsets(%dma_start3A_150 : memref<128xi32, #tpu.memory_space<vmem>>) semaphore(%arg12 : memref<!tpu.dma_semaphore, #tpu.memory_space<semaphore_mem>>)
      %dma_start3A_154 = arith.constant 3 : i32
      %dma_start3A_155 = arith.constant 3 : i32
      %dma_start3A_156 = arith.constant 0 : i32
      %dma_start3A_157 = arith.constant 0 : i32
      %dma_start3A_158 = tpu.memref_slice %arg10[%dma_start3A_155, %dma_start3A_156, %dma_start3A_157] : memref<4x128x16xf32, #tpu.memory_space<vmem>> -> memref<1x128x16xf32, #tpu.memory_space<vmem>>
      %dma_start3A_159 = tpu.memref_squeeze %dma_start3A_158 : memref<1x128x16xf32, #tpu.memory_space<vmem>> -> memref<128x16xf32, #tpu.memory_space<vmem>>
      %dma_start3A_160 = arith.constant 0 : i32
      %dma_start3A_161 = tpu.memref_slice %arg8[%dma_start3A_154, %dma_start3A_160] : memref<8x128xi32, #tpu.memory_space<vmem>> -> memref<1x128xi32, #tpu.memory_space<vmem>>
      %dma_start3A_162 = tpu.memref_squeeze %dma_start3A_161 : memref<1x128xi32, #tpu.memory_space<vmem>> -> memref<128xi32, #tpu.memory_space<vmem>>
      %dma_start3A_163 = arith.constant 0 : i32
      %dma_start3A_164 = arith.constant 0 : i32
      %dma_start3A_165 = tpu.memref_slice %arg2[%dma_start3A_163, %dma_start3A_164] : memref<100000x16xf32, #tpu.memory_space<hbm>> -> memref<100000x16xf32, #tpu.memory_space<hbm>>
      tpu.enqueue_indirect_dma source(%dma_start3A_165 : memref<100000x16xf32, #tpu.memory_space<hbm>>) target(%dma_start3A_159 : memref<128x16xf32, #tpu.memory_space<vmem>>) offsets(%dma_start3A_162 : memref<128xi32, #tpu.memory_space<vmem>>) semaphore(%arg12 : memref<!tpu.dma_semaphore, #tpu.memory_space<semaphore_mem>>)
      %dma_wait3A = arith.constant 0 : i32
      %dma_wait3A_166 = arith.constant 0 : i32
      %dma_wait3A_167 = arith.constant 0 : i32
      %dma_wait3A_168 = arith.constant 0 : i32
      %dma_wait3A_169 = tpu.memref_slice %arg10[%dma_wait3A_166, %dma_wait3A_167, %dma_wait3A_168] : memref<4x128x16xf32, #tpu.memory_space<vmem>> -> memref<1x128x16xf32, #tpu.memory_space<vmem>>
      %dma_wait3A_170 = tpu.memref_squeeze %dma_wait3A_169 : memref<1x128x16xf32, #tpu.memory_space<vmem>> -> memref<128x16xf32, #tpu.memory_space<vmem>>
      %dma_wait3A_171 = arith.constant 0 : i32
      %dma_wait3A_172 = tpu.memref_slice %arg8[%dma_wait3A, %dma_wait3A_171] : memref<8x128xi32, #tpu.memory_space<vmem>> -> memref<1x128xi32, #tpu.memory_space<vmem>>
      %dma_wait3A_173 = tpu.memref_squeeze %dma_wait3A_172 : memref<1x128xi32, #tpu.memory_space<vmem>> -> memref<128xi32, #tpu.memory_space<vmem>>
      %dma_wait3A_174 = arith.constant 0 : i32
      %dma_wait3A_175 = arith.constant 0 : i32
      %dma_wait3A_176 = tpu.memref_slice %arg2[%dma_wait3A_174, %dma_wait3A_175] : memref<100000x16xf32, #tpu.memory_space<hbm>> -> memref<100000x16xf32, #tpu.memory_space<hbm>>
      tpu.wait_indirect_dma semaphore(%arg12 : memref<!tpu.dma_semaphore, #tpu.memory_space<semaphore_mem>>) src(%dma_wait3A_176 : memref<100000x16xf32, #tpu.memory_space<hbm>>) dst(%dma_wait3A_170 : memref<128x16xf32, #tpu.memory_space<vmem>>)
      %dma_wait3A_177 = arith.constant 1 : i32
      %dma_wait3A_178 = arith.constant 1 : i32
      %dma_wait3A_179 = arith.constant 0 : i32
      %dma_wait3A_180 = arith.constant 0 : i32
      %dma_wait3A_181 = tpu.memref_slice %arg10[%dma_wait3A_178, %dma_wait3A_179, %dma_wait3A_180] : memref<4x128x16xf32, #tpu.memory_space<vmem>> -> memref<1x128x16xf32, #tpu.memory_space<vmem>>
      %dma_wait3A_182 = tpu.memref_squeeze %dma_wait3A_181 : memref<1x128x16xf32, #tpu.memory_space<vmem>> -> memref<128x16xf32, #tpu.memory_space<vmem>>
      %dma_wait3A_183 = arith.constant 0 : i32
      %dma_wait3A_184 = tpu.memref_slice %arg8[%dma_wait3A_177, %dma_wait3A_183] : memref<8x128xi32, #tpu.memory_space<vmem>> -> memref<1x128xi32, #tpu.memory_space<vmem>>
      %dma_wait3A_185 = tpu.memref_squeeze %dma_wait3A_184 : memref<1x128xi32, #tpu.memory_space<vmem>> -> memref<128xi32, #tpu.memory_space<vmem>>
      %dma_wait3A_186 = arith.constant 0 : i32
      %dma_wait3A_187 = arith.constant 0 : i32
      %dma_wait3A_188 = tpu.memref_slice %arg2[%dma_wait3A_186, %dma_wait3A_187] : memref<100000x16xf32, #tpu.memory_space<hbm>> -> memref<100000x16xf32, #tpu.memory_space<hbm>>
      tpu.wait_indirect_dma semaphore(%arg12 : memref<!tpu.dma_semaphore, #tpu.memory_space<semaphore_mem>>) src(%dma_wait3A_188 : memref<100000x16xf32, #tpu.memory_space<hbm>>) dst(%dma_wait3A_182 : memref<128x16xf32, #tpu.memory_space<vmem>>)
      %dma_wait3A_189 = arith.constant 2 : i32
      %dma_wait3A_190 = arith.constant 2 : i32
      %dma_wait3A_191 = arith.constant 0 : i32
      %dma_wait3A_192 = arith.constant 0 : i32
      %dma_wait3A_193 = tpu.memref_slice %arg10[%dma_wait3A_190, %dma_wait3A_191, %dma_wait3A_192] : memref<4x128x16xf32, #tpu.memory_space<vmem>> -> memref<1x128x16xf32, #tpu.memory_space<vmem>>
      %dma_wait3A_194 = tpu.memref_squeeze %dma_wait3A_193 : memref<1x128x16xf32, #tpu.memory_space<vmem>> -> memref<128x16xf32, #tpu.memory_space<vmem>>
      %dma_wait3A_195 = arith.constant 0 : i32
      %dma_wait3A_196 = tpu.memref_slice %arg8[%dma_wait3A_189, %dma_wait3A_195] : memref<8x128xi32, #tpu.memory_space<vmem>> -> memref<1x128xi32, #tpu.memory_space<vmem>>
      %dma_wait3A_197 = tpu.memref_squeeze %dma_wait3A_196 : memref<1x128xi32, #tpu.memory_space<vmem>> -> memref<128xi32, #tpu.memory_space<vmem>>
      %dma_wait3A_198 = arith.constant 0 : i32
      %dma_wait3A_199 = arith.constant 0 : i32
      %dma_wait3A_200 = tpu.memref_slice %arg2[%dma_wait3A_198, %dma_wait3A_199] : memref<100000x16xf32, #tpu.memory_space<hbm>> -> memref<100000x16xf32, #tpu.memory_space<hbm>>
      tpu.wait_indirect_dma semaphore(%arg12 : memref<!tpu.dma_semaphore, #tpu.memory_space<semaphore_mem>>) src(%dma_wait3A_200 : memref<100000x16xf32, #tpu.memory_space<hbm>>) dst(%dma_wait3A_194 : memref<128x16xf32, #tpu.memory_space<vmem>>)
      %dma_wait3A_201 = arith.constant 3 : i32
      %dma_wait3A_202 = arith.constant 3 : i32
      %dma_wait3A_203 = arith.constant 0 : i32
      %dma_wait3A_204 = arith.constant 0 : i32
      %dma_wait3A_205 = tpu.memref_slice %arg10[%dma_wait3A_202, %dma_wait3A_203, %dma_wait3A_204] : memref<4x128x16xf32, #tpu.memory_space<vmem>> -> memref<1x128x16xf32, #tpu.memory_space<vmem>>
      %dma_wait3A_206 = tpu.memref_squeeze %dma_wait3A_205 : memref<1x128x16xf32, #tpu.memory_space<vmem>> -> memref<128x16xf32, #tpu.memory_space<vmem>>
      %dma_wait3A_207 = arith.constant 0 : i32
      %dma_wait3A_208 = tpu.memref_slice %arg8[%dma_wait3A_201, %dma_wait3A_207] : memref<8x128xi32, #tpu.memory_space<vmem>> -> memref<1x128xi32, #tpu.memory_space<vmem>>
      %dma_wait3A_209 = tpu.memref_squeeze %dma_wait3A_208 : memref<1x128xi32, #tpu.memory_space<vmem>> -> memref<128xi32, #tpu.memory_space<vmem>>
      %dma_wait3A_210 = arith.constant 0 : i32
      %dma_wait3A_211 = arith.constant 0 : i32
      %dma_wait3A_212 = tpu.memref_slice %arg2[%dma_wait3A_210, %dma_wait3A_211] : memref<100000x16xf32, #tpu.memory_space<hbm>> -> memref<100000x16xf32, #tpu.memory_space<hbm>>
      tpu.wait_indirect_dma semaphore(%arg12 : memref<!tpu.dma_semaphore, #tpu.memory_space<semaphore_mem>>) src(%dma_wait3A_212 : memref<100000x16xf32, #tpu.memory_space<hbm>>) dst(%dma_wait3A_206 : memref<128x16xf32, #tpu.memory_space<vmem>>)
      %run_scoped3A = arith.constant 0 : i32
      %run_scoped3A_213 = arith.constant 0 : i32
      "tpu.region"() ({
        %run_scoped3A_332 = tpu.sem_alloc : memref<!tpu.dma_semaphore, #tpu.memory_space<semaphore_mem>>
        %dma_start3A_333 = arith.constant 0 : i32
        %dma_start3A_334 = arith.constant 0 : i32
        %dma_start3A_335 = tpu.memref_slice %arg10[%run_scoped3A, %dma_start3A_333, %dma_start3A_334] : memref<4x128x16xf32, #tpu.memory_space<vmem>> -> memref<1x128x16xf32, #tpu.memory_space<vmem>>
        %dma_start3A_336 = tpu.memref_squeeze %dma_start3A_335 : memref<1x128x16xf32, #tpu.memory_space<vmem>> -> memref<128x16xf32, #tpu.memory_space<vmem>>
        %dma_start3A_337 = arith.constant 0 : i32
        %dma_start3A_338 = tpu.memref_slice %arg9[%run_scoped3A_213, %dma_start3A_337] : memref<8x128xi32, #tpu.memory_space<vmem>> -> memref<1x128xi32, #tpu.memory_space<vmem>>
        %dma_start3A_339 = tpu.memref_squeeze %dma_start3A_338 : memref<1x128xi32, #tpu.memory_space<vmem>> -> memref<128xi32, #tpu.memory_space<vmem>>
        %dma_start3A_340 = arith.constant 0 : i32
        %dma_start3A_341 = arith.constant 0 : i32
        %dma_start3A_342 = tpu.memref_slice %arg7[%dma_start3A_340, %dma_start3A_341] : memref<100224x16xf32, #tpu.memory_space<vmem_shared>> -> memref<100224x16xf32, #tpu.memory_space<vmem_shared>>
        tpu.enqueue_indirect_dma source(%dma_start3A_336 : memref<128x16xf32, #tpu.memory_space<vmem>>) target(%dma_start3A_342 : memref<100224x16xf32, #tpu.memory_space<vmem_shared>>) offsets(%dma_start3A_339 : memref<128xi32, #tpu.memory_space<vmem>>) semaphore(%run_scoped3A_332 : memref<!tpu.dma_semaphore, #tpu.memory_space<semaphore_mem>>) {add = true}
        %dma_wait3A_343 = arith.constant 0 : i32
        %dma_wait3A_344 = arith.constant 0 : i32
        %dma_wait3A_345 = tpu.memref_slice %arg10[%run_scoped3A, %dma_wait3A_343, %dma_wait3A_344] : memref<4x128x16xf32, #tpu.memory_space<vmem>> -> memref<1x128x16xf32, #tpu.memory_space<vmem>>
        %dma_wait3A_346 = tpu.memref_squeeze %dma_wait3A_345 : memref<1x128x16xf32, #tpu.memory_space<vmem>> -> memref<128x16xf32, #tpu.memory_space<vmem>>
        %dma_wait3A_347 = arith.constant 0 : i32
        %dma_wait3A_348 = tpu.memref_slice %arg9[%run_scoped3A_213, %dma_wait3A_347] : memref<8x128xi32, #tpu.memory_space<vmem>> -> memref<1x128xi32, #tpu.memory_space<vmem>>
        %dma_wait3A_349 = tpu.memref_squeeze %dma_wait3A_348 : memref<1x128xi32, #tpu.memory_space<vmem>> -> memref<128xi32, #tpu.memory_space<vmem>>
        %dma_wait3A_350 = arith.constant 0 : i32
        %dma_wait3A_351 = arith.constant 0 : i32
        %dma_wait3A_352 = tpu.memref_slice %arg7[%dma_wait3A_350, %dma_wait3A_351] : memref<100224x16xf32, #tpu.memory_space<vmem_shared>> -> memref<100224x16xf32, #tpu.memory_space<vmem_shared>>
        tpu.wait_indirect_dma semaphore(%run_scoped3A_332 : memref<!tpu.dma_semaphore, #tpu.memory_space<semaphore_mem>>) src(%dma_wait3A_346 : memref<128x16xf32, #tpu.memory_space<vmem>>) dst(%dma_wait3A_352 : memref<100224x16xf32, #tpu.memory_space<vmem_shared>>)
        tpu.yield
      }) : () -> ()
      %run_scoped3A_214 = arith.constant 0 : i32
      "tpu.region"() ({
        %run_scoped3A_332 = tpu.sem_alloc : memref<!tpu.dma_semaphore, #tpu.memory_space<semaphore_mem>>
        %dma_start3A_333 = arith.constant 0 : i32
        %dma_start3A_334 = tpu.memref_slice %arg9[%run_scoped3A_214, %dma_start3A_333] : memref<8x128xi32, #tpu.memory_space<vmem>> -> memref<1x128xi32, #tpu.memory_space<vmem>>
        %dma_start3A_335 = tpu.memref_squeeze %dma_start3A_334 : memref<1x128xi32, #tpu.memory_space<vmem>> -> memref<128xi32, #tpu.memory_space<vmem>>
        %dma_start3A_336 = arith.constant 0 : i32
        %dma_start3A_337 = tpu.memref_slice %arg13[%dma_start3A_336] : memref<100224xf32, #tpu.memory_space<vmem_shared>> -> memref<100224xf32, #tpu.memory_space<vmem_shared>>
        tpu.enqueue_indirect_dma source(%arg15 : memref<128xf32, #tpu.memory_space<vmem>>) target(%dma_start3A_337 : memref<100224xf32, #tpu.memory_space<vmem_shared>>) offsets(%dma_start3A_335 : memref<128xi32, #tpu.memory_space<vmem>>) semaphore(%run_scoped3A_332 : memref<!tpu.dma_semaphore, #tpu.memory_space<semaphore_mem>>) {add = true}
        %dma_wait3A_338 = arith.constant 0 : i32
        %dma_wait3A_339 = tpu.memref_slice %arg9[%run_scoped3A_214, %dma_wait3A_338] : memref<8x128xi32, #tpu.memory_space<vmem>> -> memref<1x128xi32, #tpu.memory_space<vmem>>
        %dma_wait3A_340 = tpu.memref_squeeze %dma_wait3A_339 : memref<1x128xi32, #tpu.memory_space<vmem>> -> memref<128xi32, #tpu.memory_space<vmem>>
        %dma_wait3A_341 = arith.constant 0 : i32
        %dma_wait3A_342 = tpu.memref_slice %arg13[%dma_wait3A_341] : memref<100224xf32, #tpu.memory_space<vmem_shared>> -> memref<100224xf32, #tpu.memory_space<vmem_shared>>
        tpu.wait_indirect_dma semaphore(%run_scoped3A_332 : memref<!tpu.dma_semaphore, #tpu.memory_space<semaphore_mem>>) src(%arg15 : memref<128xf32, #tpu.memory_space<vmem>>) dst(%dma_wait3A_342 : memref<100224xf32, #tpu.memory_space<vmem_shared>>)
        tpu.yield
      }) : () -> ()
      %run_scoped3A_215 = arith.constant 1 : i32
      %run_scoped3A_216 = arith.constant 1 : i32
      "tpu.region"() ({
        %run_scoped3A_332 = tpu.sem_alloc : memref<!tpu.dma_semaphore, #tpu.memory_space<semaphore_mem>>
        %dma_start3A_333 = arith.constant 0 : i32
        %dma_start3A_334 = arith.constant 0 : i32
        %dma_start3A_335 = tpu.memref_slice %arg10[%run_scoped3A_215, %dma_start3A_333, %dma_start3A_334] : memref<4x128x16xf32, #tpu.memory_space<vmem>> -> memref<1x128x16xf32, #tpu.memory_space<vmem>>
        %dma_start3A_336 = tpu.memref_squeeze %dma_start3A_335 : memref<1x128x16xf32, #tpu.memory_space<vmem>> -> memref<128x16xf32, #tpu.memory_space<vmem>>
        %dma_start3A_337 = arith.constant 0 : i32
        %dma_start3A_338 = tpu.memref_slice %arg9[%run_scoped3A_216, %dma_start3A_337] : memref<8x128xi32, #tpu.memory_space<vmem>> -> memref<1x128xi32, #tpu.memory_space<vmem>>
        %dma_start3A_339 = tpu.memref_squeeze %dma_start3A_338 : memref<1x128xi32, #tpu.memory_space<vmem>> -> memref<128xi32, #tpu.memory_space<vmem>>
        %dma_start3A_340 = arith.constant 0 : i32
        %dma_start3A_341 = arith.constant 0 : i32
        %dma_start3A_342 = tpu.memref_slice %arg7[%dma_start3A_340, %dma_start3A_341] : memref<100224x16xf32, #tpu.memory_space<vmem_shared>> -> memref<100224x16xf32, #tpu.memory_space<vmem_shared>>
        tpu.enqueue_indirect_dma source(%dma_start3A_336 : memref<128x16xf32, #tpu.memory_space<vmem>>) target(%dma_start3A_342 : memref<100224x16xf32, #tpu.memory_space<vmem_shared>>) offsets(%dma_start3A_339 : memref<128xi32, #tpu.memory_space<vmem>>) semaphore(%run_scoped3A_332 : memref<!tpu.dma_semaphore, #tpu.memory_space<semaphore_mem>>) {add = true}
        %dma_wait3A_343 = arith.constant 0 : i32
        %dma_wait3A_344 = arith.constant 0 : i32
        %dma_wait3A_345 = tpu.memref_slice %arg10[%run_scoped3A_215, %dma_wait3A_343, %dma_wait3A_344] : memref<4x128x16xf32, #tpu.memory_space<vmem>> -> memref<1x128x16xf32, #tpu.memory_space<vmem>>
        %dma_wait3A_346 = tpu.memref_squeeze %dma_wait3A_345 : memref<1x128x16xf32, #tpu.memory_space<vmem>> -> memref<128x16xf32, #tpu.memory_space<vmem>>
        %dma_wait3A_347 = arith.constant 0 : i32
        %dma_wait3A_348 = tpu.memref_slice %arg9[%run_scoped3A_216, %dma_wait3A_347] : memref<8x128xi32, #tpu.memory_space<vmem>> -> memref<1x128xi32, #tpu.memory_space<vmem>>
        %dma_wait3A_349 = tpu.memref_squeeze %dma_wait3A_348 : memref<1x128xi32, #tpu.memory_space<vmem>> -> memref<128xi32, #tpu.memory_space<vmem>>
        %dma_wait3A_350 = arith.constant 0 : i32
        %dma_wait3A_351 = arith.constant 0 : i32
        %dma_wait3A_352 = tpu.memref_slice %arg7[%dma_wait3A_350, %dma_wait3A_351] : memref<100224x16xf32, #tpu.memory_space<vmem_shared>> -> memref<100224x16xf32, #tpu.memory_space<vmem_shared>>
        tpu.wait_indirect_dma semaphore(%run_scoped3A_332 : memref<!tpu.dma_semaphore, #tpu.memory_space<semaphore_mem>>) src(%dma_wait3A_346 : memref<128x16xf32, #tpu.memory_space<vmem>>) dst(%dma_wait3A_352 : memref<100224x16xf32, #tpu.memory_space<vmem_shared>>)
        tpu.yield
      }) : () -> ()
      %run_scoped3A_217 = arith.constant 1 : i32
      "tpu.region"() ({
        %run_scoped3A_332 = tpu.sem_alloc : memref<!tpu.dma_semaphore, #tpu.memory_space<semaphore_mem>>
        %dma_start3A_333 = arith.constant 0 : i32
        %dma_start3A_334 = tpu.memref_slice %arg9[%run_scoped3A_217, %dma_start3A_333] : memref<8x128xi32, #tpu.memory_space<vmem>> -> memref<1x128xi32, #tpu.memory_space<vmem>>
        %dma_start3A_335 = tpu.memref_squeeze %dma_start3A_334 : memref<1x128xi32, #tpu.memory_space<vmem>> -> memref<128xi32, #tpu.memory_space<vmem>>
        %dma_start3A_336 = arith.constant 0 : i32
        %dma_start3A_337 = tpu.memref_slice %arg13[%dma_start3A_336] : memref<100224xf32, #tpu.memory_space<vmem_shared>> -> memref<100224xf32, #tpu.memory_space<vmem_shared>>
        tpu.enqueue_indirect_dma source(%arg15 : memref<128xf32, #tpu.memory_space<vmem>>) target(%dma_start3A_337 : memref<100224xf32, #tpu.memory_space<vmem_shared>>) offsets(%dma_start3A_335 : memref<128xi32, #tpu.memory_space<vmem>>) semaphore(%run_scoped3A_332 : memref<!tpu.dma_semaphore, #tpu.memory_space<semaphore_mem>>) {add = true}
        %dma_wait3A_338 = arith.constant 0 : i32
        %dma_wait3A_339 = tpu.memref_slice %arg9[%run_scoped3A_217, %dma_wait3A_338] : memref<8x128xi32, #tpu.memory_space<vmem>> -> memref<1x128xi32, #tpu.memory_space<vmem>>
        %dma_wait3A_340 = tpu.memref_squeeze %dma_wait3A_339 : memref<1x128xi32, #tpu.memory_space<vmem>> -> memref<128xi32, #tpu.memory_space<vmem>>
        %dma_wait3A_341 = arith.constant 0 : i32
        %dma_wait3A_342 = tpu.memref_slice %arg13[%dma_wait3A_341] : memref<100224xf32, #tpu.memory_space<vmem_shared>> -> memref<100224xf32, #tpu.memory_space<vmem_shared>>
        tpu.wait_indirect_dma semaphore(%run_scoped3A_332 : memref<!tpu.dma_semaphore, #tpu.memory_space<semaphore_mem>>) src(%arg15 : memref<128xf32, #tpu.memory_space<vmem>>) dst(%dma_wait3A_342 : memref<100224xf32, #tpu.memory_space<vmem_shared>>)
        tpu.yield
      }) : () -> ()
      %run_scoped3A_218 = arith.constant 2 : i32
      %run_scoped3A_219 = arith.constant 2 : i32
      "tpu.region"() ({
        %run_scoped3A_332 = tpu.sem_alloc : memref<!tpu.dma_semaphore, #tpu.memory_space<semaphore_mem>>
        %dma_start3A_333 = arith.constant 0 : i32
        %dma_start3A_334 = arith.constant 0 : i32
        %dma_start3A_335 = tpu.memref_slice %arg10[%run_scoped3A_218, %dma_start3A_333, %dma_start3A_334] : memref<4x128x16xf32, #tpu.memory_space<vmem>> -> memref<1x128x16xf32, #tpu.memory_space<vmem>>
        %dma_start3A_336 = tpu.memref_squeeze %dma_start3A_335 : memref<1x128x16xf32, #tpu.memory_space<vmem>> -> memref<128x16xf32, #tpu.memory_space<vmem>>
        %dma_start3A_337 = arith.constant 0 : i32
        %dma_start3A_338 = tpu.memref_slice %arg9[%run_scoped3A_219, %dma_start3A_337] : memref<8x128xi32, #tpu.memory_space<vmem>> -> memref<1x128xi32, #tpu.memory_space<vmem>>
        %dma_start3A_339 = tpu.memref_squeeze %dma_start3A_338 : memref<1x128xi32, #tpu.memory_space<vmem>> -> memref<128xi32, #tpu.memory_space<vmem>>
        %dma_start3A_340 = arith.constant 0 : i32
        %dma_start3A_341 = arith.constant 0 : i32
        %dma_start3A_342 = tpu.memref_slice %arg7[%dma_start3A_340, %dma_start3A_341] : memref<100224x16xf32, #tpu.memory_space<vmem_shared>> -> memref<100224x16xf32, #tpu.memory_space<vmem_shared>>
        tpu.enqueue_indirect_dma source(%dma_start3A_336 : memref<128x16xf32, #tpu.memory_space<vmem>>) target(%dma_start3A_342 : memref<100224x16xf32, #tpu.memory_space<vmem_shared>>) offsets(%dma_start3A_339 : memref<128xi32, #tpu.memory_space<vmem>>) semaphore(%run_scoped3A_332 : memref<!tpu.dma_semaphore, #tpu.memory_space<semaphore_mem>>) {add = true}
        %dma_wait3A_343 = arith.constant 0 : i32
        %dma_wait3A_344 = arith.constant 0 : i32
        %dma_wait3A_345 = tpu.memref_slice %arg10[%run_scoped3A_218, %dma_wait3A_343, %dma_wait3A_344] : memref<4x128x16xf32, #tpu.memory_space<vmem>> -> memref<1x128x16xf32, #tpu.memory_space<vmem>>
        %dma_wait3A_346 = tpu.memref_squeeze %dma_wait3A_345 : memref<1x128x16xf32, #tpu.memory_space<vmem>> -> memref<128x16xf32, #tpu.memory_space<vmem>>
        %dma_wait3A_347 = arith.constant 0 : i32
        %dma_wait3A_348 = tpu.memref_slice %arg9[%run_scoped3A_219, %dma_wait3A_347] : memref<8x128xi32, #tpu.memory_space<vmem>> -> memref<1x128xi32, #tpu.memory_space<vmem>>
        %dma_wait3A_349 = tpu.memref_squeeze %dma_wait3A_348 : memref<1x128xi32, #tpu.memory_space<vmem>> -> memref<128xi32, #tpu.memory_space<vmem>>
        %dma_wait3A_350 = arith.constant 0 : i32
        %dma_wait3A_351 = arith.constant 0 : i32
        %dma_wait3A_352 = tpu.memref_slice %arg7[%dma_wait3A_350, %dma_wait3A_351] : memref<100224x16xf32, #tpu.memory_space<vmem_shared>> -> memref<100224x16xf32, #tpu.memory_space<vmem_shared>>
        tpu.wait_indirect_dma semaphore(%run_scoped3A_332 : memref<!tpu.dma_semaphore, #tpu.memory_space<semaphore_mem>>) src(%dma_wait3A_346 : memref<128x16xf32, #tpu.memory_space<vmem>>) dst(%dma_wait3A_352 : memref<100224x16xf32, #tpu.memory_space<vmem_shared>>)
        tpu.yield
      }) : () -> ()
      %run_scoped3A_220 = arith.constant 2 : i32
      "tpu.region"() ({
        %run_scoped3A_332 = tpu.sem_alloc : memref<!tpu.dma_semaphore, #tpu.memory_space<semaphore_mem>>
        %dma_start3A_333 = arith.constant 0 : i32
        %dma_start3A_334 = tpu.memref_slice %arg9[%run_scoped3A_220, %dma_start3A_333] : memref<8x128xi32, #tpu.memory_space<vmem>> -> memref<1x128xi32, #tpu.memory_space<vmem>>
        %dma_start3A_335 = tpu.memref_squeeze %dma_start3A_334 : memref<1x128xi32, #tpu.memory_space<vmem>> -> memref<128xi32, #tpu.memory_space<vmem>>
        %dma_start3A_336 = arith.constant 0 : i32
        %dma_start3A_337 = tpu.memref_slice %arg13[%dma_start3A_336] : memref<100224xf32, #tpu.memory_space<vmem_shared>> -> memref<100224xf32, #tpu.memory_space<vmem_shared>>
        tpu.enqueue_indirect_dma source(%arg15 : memref<128xf32, #tpu.memory_space<vmem>>) target(%dma_start3A_337 : memref<100224xf32, #tpu.memory_space<vmem_shared>>) offsets(%dma_start3A_335 : memref<128xi32, #tpu.memory_space<vmem>>) semaphore(%run_scoped3A_332 : memref<!tpu.dma_semaphore, #tpu.memory_space<semaphore_mem>>) {add = true}
        %dma_wait3A_338 = arith.constant 0 : i32
        %dma_wait3A_339 = tpu.memref_slice %arg9[%run_scoped3A_220, %dma_wait3A_338] : memref<8x128xi32, #tpu.memory_space<vmem>> -> memref<1x128xi32, #tpu.memory_space<vmem>>
        %dma_wait3A_340 = tpu.memref_squeeze %dma_wait3A_339 : memref<1x128xi32, #tpu.memory_space<vmem>> -> memref<128xi32, #tpu.memory_space<vmem>>
        %dma_wait3A_341 = arith.constant 0 : i32
        %dma_wait3A_342 = tpu.memref_slice %arg13[%dma_wait3A_341] : memref<100224xf32, #tpu.memory_space<vmem_shared>> -> memref<100224xf32, #tpu.memory_space<vmem_shared>>
        tpu.wait_indirect_dma semaphore(%run_scoped3A_332 : memref<!tpu.dma_semaphore, #tpu.memory_space<semaphore_mem>>) src(%arg15 : memref<128xf32, #tpu.memory_space<vmem>>) dst(%dma_wait3A_342 : memref<100224xf32, #tpu.memory_space<vmem_shared>>)
        tpu.yield
      }) : () -> ()
      %run_scoped3A_221 = arith.constant 3 : i32
      %run_scoped3A_222 = arith.constant 3 : i32
      "tpu.region"() ({
        %run_scoped3A_332 = tpu.sem_alloc : memref<!tpu.dma_semaphore, #tpu.memory_space<semaphore_mem>>
        %dma_start3A_333 = arith.constant 0 : i32
        %dma_start3A_334 = arith.constant 0 : i32
        %dma_start3A_335 = tpu.memref_slice %arg10[%run_scoped3A_221, %dma_start3A_333, %dma_start3A_334] : memref<4x128x16xf32, #tpu.memory_space<vmem>> -> memref<1x128x16xf32, #tpu.memory_space<vmem>>
        %dma_start3A_336 = tpu.memref_squeeze %dma_start3A_335 : memref<1x128x16xf32, #tpu.memory_space<vmem>> -> memref<128x16xf32, #tpu.memory_space<vmem>>
        %dma_start3A_337 = arith.constant 0 : i32
        %dma_start3A_338 = tpu.memref_slice %arg9[%run_scoped3A_222, %dma_start3A_337] : memref<8x128xi32, #tpu.memory_space<vmem>> -> memref<1x128xi32, #tpu.memory_space<vmem>>
        %dma_start3A_339 = tpu.memref_squeeze %dma_start3A_338 : memref<1x128xi32, #tpu.memory_space<vmem>> -> memref<128xi32, #tpu.memory_space<vmem>>
        %dma_start3A_340 = arith.constant 0 : i32
        %dma_start3A_341 = arith.constant 0 : i32
        %dma_start3A_342 = tpu.memref_slice %arg7[%dma_start3A_340, %dma_start3A_341] : memref<100224x16xf32, #tpu.memory_space<vmem_shared>> -> memref<100224x16xf32, #tpu.memory_space<vmem_shared>>
        tpu.enqueue_indirect_dma source(%dma_start3A_336 : memref<128x16xf32, #tpu.memory_space<vmem>>) target(%dma_start3A_342 : memref<100224x16xf32, #tpu.memory_space<vmem_shared>>) offsets(%dma_start3A_339 : memref<128xi32, #tpu.memory_space<vmem>>) semaphore(%run_scoped3A_332 : memref<!tpu.dma_semaphore, #tpu.memory_space<semaphore_mem>>) {add = true}
        %dma_wait3A_343 = arith.constant 0 : i32
        %dma_wait3A_344 = arith.constant 0 : i32
        %dma_wait3A_345 = tpu.memref_slice %arg10[%run_scoped3A_221, %dma_wait3A_343, %dma_wait3A_344] : memref<4x128x16xf32, #tpu.memory_space<vmem>> -> memref<1x128x16xf32, #tpu.memory_space<vmem>>
        %dma_wait3A_346 = tpu.memref_squeeze %dma_wait3A_345 : memref<1x128x16xf32, #tpu.memory_space<vmem>> -> memref<128x16xf32, #tpu.memory_space<vmem>>
        %dma_wait3A_347 = arith.constant 0 : i32
        %dma_wait3A_348 = tpu.memref_slice %arg9[%run_scoped3A_222, %dma_wait3A_347] : memref<8x128xi32, #tpu.memory_space<vmem>> -> memref<1x128xi32, #tpu.memory_space<vmem>>
        %dma_wait3A_349 = tpu.memref_squeeze %dma_wait3A_348 : memref<1x128xi32, #tpu.memory_space<vmem>> -> memref<128xi32, #tpu.memory_space<vmem>>
        %dma_wait3A_350 = arith.constant 0 : i32
        %dma_wait3A_351 = arith.constant 0 : i32
        %dma_wait3A_352 = tpu.memref_slice %arg7[%dma_wait3A_350, %dma_wait3A_351] : memref<100224x16xf32, #tpu.memory_space<vmem_shared>> -> memref<100224x16xf32, #tpu.memory_space<vmem_shared>>
        tpu.wait_indirect_dma semaphore(%run_scoped3A_332 : memref<!tpu.dma_semaphore, #tpu.memory_space<semaphore_mem>>) src(%dma_wait3A_346 : memref<128x16xf32, #tpu.memory_space<vmem>>) dst(%dma_wait3A_352 : memref<100224x16xf32, #tpu.memory_space<vmem_shared>>)
        tpu.yield
      }) : () -> ()
      %run_scoped3A_223 = arith.constant 3 : i32
      "tpu.region"() ({
        %run_scoped3A_332 = tpu.sem_alloc : memref<!tpu.dma_semaphore, #tpu.memory_space<semaphore_mem>>
        %dma_start3A_333 = arith.constant 0 : i32
        %dma_start3A_334 = tpu.memref_slice %arg9[%run_scoped3A_223, %dma_start3A_333] : memref<8x128xi32, #tpu.memory_space<vmem>> -> memref<1x128xi32, #tpu.memory_space<vmem>>
        %dma_start3A_335 = tpu.memref_squeeze %dma_start3A_334 : memref<1x128xi32, #tpu.memory_space<vmem>> -> memref<128xi32, #tpu.memory_space<vmem>>
        %dma_start3A_336 = arith.constant 0 : i32
        %dma_start3A_337 = tpu.memref_slice %arg13[%dma_start3A_336] : memref<100224xf32, #tpu.memory_space<vmem_shared>> -> memref<100224xf32, #tpu.memory_space<vmem_shared>>
        tpu.enqueue_indirect_dma source(%arg15 : memref<128xf32, #tpu.memory_space<vmem>>) target(%dma_start3A_337 : memref<100224xf32, #tpu.memory_space<vmem_shared>>) offsets(%dma_start3A_335 : memref<128xi32, #tpu.memory_space<vmem>>) semaphore(%run_scoped3A_332 : memref<!tpu.dma_semaphore, #tpu.memory_space<semaphore_mem>>) {add = true}
        %dma_wait3A_338 = arith.constant 0 : i32
        %dma_wait3A_339 = tpu.memref_slice %arg9[%run_scoped3A_223, %dma_wait3A_338] : memref<8x128xi32, #tpu.memory_space<vmem>> -> memref<1x128xi32, #tpu.memory_space<vmem>>
        %dma_wait3A_340 = tpu.memref_squeeze %dma_wait3A_339 : memref<1x128xi32, #tpu.memory_space<vmem>> -> memref<128xi32, #tpu.memory_space<vmem>>
        %dma_wait3A_341 = arith.constant 0 : i32
        %dma_wait3A_342 = tpu.memref_slice %arg13[%dma_wait3A_341] : memref<100224xf32, #tpu.memory_space<vmem_shared>> -> memref<100224xf32, #tpu.memory_space<vmem_shared>>
        tpu.wait_indirect_dma semaphore(%run_scoped3A_332 : memref<!tpu.dma_semaphore, #tpu.memory_space<semaphore_mem>>) src(%arg15 : memref<128xf32, #tpu.memory_space<vmem>>) dst(%dma_wait3A_342 : memref<100224xf32, #tpu.memory_space<vmem_shared>>)
        tpu.yield
      }) : () -> ()
      %dma_start3A_224 = arith.constant 4 : i32
      %dma_start3A_225 = arith.constant 0 : i32
      %dma_start3A_226 = arith.constant 0 : i32
      %dma_start3A_227 = arith.constant 0 : i32
      %dma_start3A_228 = tpu.memref_slice %arg10[%dma_start3A_225, %dma_start3A_226, %dma_start3A_227] : memref<4x128x16xf32, #tpu.memory_space<vmem>> -> memref<1x128x16xf32, #tpu.memory_space<vmem>>
      %dma_start3A_229 = tpu.memref_squeeze %dma_start3A_228 : memref<1x128x16xf32, #tpu.memory_space<vmem>> -> memref<128x16xf32, #tpu.memory_space<vmem>>
      %dma_start3A_230 = arith.constant 0 : i32
      %dma_start3A_231 = tpu.memref_slice %arg8[%dma_start3A_224, %dma_start3A_230] : memref<8x128xi32, #tpu.memory_space<vmem>> -> memref<1x128xi32, #tpu.memory_space<vmem>>
      %dma_start3A_232 = tpu.memref_squeeze %dma_start3A_231 : memref<1x128xi32, #tpu.memory_space<vmem>> -> memref<128xi32, #tpu.memory_space<vmem>>
      %dma_start3A_233 = arith.constant 0 : i32
      %dma_start3A_234 = arith.constant 0 : i32
      %dma_start3A_235 = tpu.memref_slice %arg2[%dma_start3A_233, %dma_start3A_234] : memref<100000x16xf32, #tpu.memory_space<hbm>> -> memref<100000x16xf32, #tpu.memory_space<hbm>>
      tpu.enqueue_indirect_dma source(%dma_start3A_235 : memref<100000x16xf32, #tpu.memory_space<hbm>>) target(%dma_start3A_229 : memref<128x16xf32, #tpu.memory_space<vmem>>) offsets(%dma_start3A_232 : memref<128xi32, #tpu.memory_space<vmem>>) semaphore(%arg12 : memref<!tpu.dma_semaphore, #tpu.memory_space<semaphore_mem>>)
      %dma_start3A_236 = arith.constant 5 : i32
      %dma_start3A_237 = arith.constant 1 : i32
      %dma_start3A_238 = arith.constant 0 : i32
      %dma_start3A_239 = arith.constant 0 : i32
      %dma_start3A_240 = tpu.memref_slice %arg10[%dma_start3A_237, %dma_start3A_238, %dma_start3A_239] : memref<4x128x16xf32, #tpu.memory_space<vmem>> -> memref<1x128x16xf32, #tpu.memory_space<vmem>>
      %dma_start3A_241 = tpu.memref_squeeze %dma_start3A_240 : memref<1x128x16xf32, #tpu.memory_space<vmem>> -> memref<128x16xf32, #tpu.memory_space<vmem>>
      %dma_start3A_242 = arith.constant 0 : i32
      %dma_start3A_243 = tpu.memref_slice %arg8[%dma_start3A_236, %dma_start3A_242] : memref<8x128xi32, #tpu.memory_space<vmem>> -> memref<1x128xi32, #tpu.memory_space<vmem>>
      %dma_start3A_244 = tpu.memref_squeeze %dma_start3A_243 : memref<1x128xi32, #tpu.memory_space<vmem>> -> memref<128xi32, #tpu.memory_space<vmem>>
      %dma_start3A_245 = arith.constant 0 : i32
      %dma_start3A_246 = arith.constant 0 : i32
      %dma_start3A_247 = tpu.memref_slice %arg2[%dma_start3A_245, %dma_start3A_246] : memref<100000x16xf32, #tpu.memory_space<hbm>> -> memref<100000x16xf32, #tpu.memory_space<hbm>>
      tpu.enqueue_indirect_dma source(%dma_start3A_247 : memref<100000x16xf32, #tpu.memory_space<hbm>>) target(%dma_start3A_241 : memref<128x16xf32, #tpu.memory_space<vmem>>) offsets(%dma_start3A_244 : memref<128xi32, #tpu.memory_space<vmem>>) semaphore(%arg12 : memref<!tpu.dma_semaphore, #tpu.memory_space<semaphore_mem>>)
      %dma_start3A_248 = arith.constant 6 : i32
      %dma_start3A_249 = arith.constant 2 : i32
      %dma_start3A_250 = arith.constant 0 : i32
      %dma_start3A_251 = arith.constant 0 : i32
      %dma_start3A_252 = tpu.memref_slice %arg10[%dma_start3A_249, %dma_start3A_250, %dma_start3A_251] : memref<4x128x16xf32, #tpu.memory_space<vmem>> -> memref<1x128x16xf32, #tpu.memory_space<vmem>>
      %dma_start3A_253 = tpu.memref_squeeze %dma_start3A_252 : memref<1x128x16xf32, #tpu.memory_space<vmem>> -> memref<128x16xf32, #tpu.memory_space<vmem>>
      %dma_start3A_254 = arith.constant 0 : i32
      %dma_start3A_255 = tpu.memref_slice %arg8[%dma_start3A_248, %dma_start3A_254] : memref<8x128xi32, #tpu.memory_space<vmem>> -> memref<1x128xi32, #tpu.memory_space<vmem>>
      %dma_start3A_256 = tpu.memref_squeeze %dma_start3A_255 : memref<1x128xi32, #tpu.memory_space<vmem>> -> memref<128xi32, #tpu.memory_space<vmem>>
      %dma_start3A_257 = arith.constant 0 : i32
      %dma_start3A_258 = arith.constant 0 : i32
      %dma_start3A_259 = tpu.memref_slice %arg2[%dma_start3A_257, %dma_start3A_258] : memref<100000x16xf32, #tpu.memory_space<hbm>> -> memref<100000x16xf32, #tpu.memory_space<hbm>>
      tpu.enqueue_indirect_dma source(%dma_start3A_259 : memref<100000x16xf32, #tpu.memory_space<hbm>>) target(%dma_start3A_253 : memref<128x16xf32, #tpu.memory_space<vmem>>) offsets(%dma_start3A_256 : memref<128xi32, #tpu.memory_space<vmem>>) semaphore(%arg12 : memref<!tpu.dma_semaphore, #tpu.memory_space<semaphore_mem>>)
      %dma_start3A_260 = arith.constant 7 : i32
      %dma_start3A_261 = arith.constant 3 : i32
      %dma_start3A_262 = arith.constant 0 : i32
      %dma_start3A_263 = arith.constant 0 : i32
      %dma_start3A_264 = tpu.memref_slice %arg10[%dma_start3A_261, %dma_start3A_262, %dma_start3A_263] : memref<4x128x16xf32, #tpu.memory_space<vmem>> -> memref<1x128x16xf32, #tpu.memory_space<vmem>>
      %dma_start3A_265 = tpu.memref_squeeze %dma_start3A_264 : memref<1x128x16xf32, #tpu.memory_space<vmem>> -> memref<128x16xf32, #tpu.memory_space<vmem>>
      %dma_start3A_266 = arith.constant 0 : i32
      %dma_start3A_267 = tpu.memref_slice %arg8[%dma_start3A_260, %dma_start3A_266] : memref<8x128xi32, #tpu.memory_space<vmem>> -> memref<1x128xi32, #tpu.memory_space<vmem>>
      %dma_start3A_268 = tpu.memref_squeeze %dma_start3A_267 : memref<1x128xi32, #tpu.memory_space<vmem>> -> memref<128xi32, #tpu.memory_space<vmem>>
      %dma_start3A_269 = arith.constant 0 : i32
      %dma_start3A_270 = arith.constant 0 : i32
      %dma_start3A_271 = tpu.memref_slice %arg2[%dma_start3A_269, %dma_start3A_270] : memref<100000x16xf32, #tpu.memory_space<hbm>> -> memref<100000x16xf32, #tpu.memory_space<hbm>>
      tpu.enqueue_indirect_dma source(%dma_start3A_271 : memref<100000x16xf32, #tpu.memory_space<hbm>>) target(%dma_start3A_265 : memref<128x16xf32, #tpu.memory_space<vmem>>) offsets(%dma_start3A_268 : memref<128xi32, #tpu.memory_space<vmem>>) semaphore(%arg12 : memref<!tpu.dma_semaphore, #tpu.memory_space<semaphore_mem>>)
      %dma_wait3A_272 = arith.constant 4 : i32
      %dma_wait3A_273 = arith.constant 0 : i32
      %dma_wait3A_274 = arith.constant 0 : i32
      %dma_wait3A_275 = arith.constant 0 : i32
      %dma_wait3A_276 = tpu.memref_slice %arg10[%dma_wait3A_273, %dma_wait3A_274, %dma_wait3A_275] : memref<4x128x16xf32, #tpu.memory_space<vmem>> -> memref<1x128x16xf32, #tpu.memory_space<vmem>>
      %dma_wait3A_277 = tpu.memref_squeeze %dma_wait3A_276 : memref<1x128x16xf32, #tpu.memory_space<vmem>> -> memref<128x16xf32, #tpu.memory_space<vmem>>
      %dma_wait3A_278 = arith.constant 0 : i32
      %dma_wait3A_279 = tpu.memref_slice %arg8[%dma_wait3A_272, %dma_wait3A_278] : memref<8x128xi32, #tpu.memory_space<vmem>> -> memref<1x128xi32, #tpu.memory_space<vmem>>
      %dma_wait3A_280 = tpu.memref_squeeze %dma_wait3A_279 : memref<1x128xi32, #tpu.memory_space<vmem>> -> memref<128xi32, #tpu.memory_space<vmem>>
      %dma_wait3A_281 = arith.constant 0 : i32
      %dma_wait3A_282 = arith.constant 0 : i32
      %dma_wait3A_283 = tpu.memref_slice %arg2[%dma_wait3A_281, %dma_wait3A_282] : memref<100000x16xf32, #tpu.memory_space<hbm>> -> memref<100000x16xf32, #tpu.memory_space<hbm>>
      tpu.wait_indirect_dma semaphore(%arg12 : memref<!tpu.dma_semaphore, #tpu.memory_space<semaphore_mem>>) src(%dma_wait3A_283 : memref<100000x16xf32, #tpu.memory_space<hbm>>) dst(%dma_wait3A_277 : memref<128x16xf32, #tpu.memory_space<vmem>>)
      %dma_wait3A_284 = arith.constant 5 : i32
      %dma_wait3A_285 = arith.constant 1 : i32
      %dma_wait3A_286 = arith.constant 0 : i32
      %dma_wait3A_287 = arith.constant 0 : i32
      %dma_wait3A_288 = tpu.memref_slice %arg10[%dma_wait3A_285, %dma_wait3A_286, %dma_wait3A_287] : memref<4x128x16xf32, #tpu.memory_space<vmem>> -> memref<1x128x16xf32, #tpu.memory_space<vmem>>
      %dma_wait3A_289 = tpu.memref_squeeze %dma_wait3A_288 : memref<1x128x16xf32, #tpu.memory_space<vmem>> -> memref<128x16xf32, #tpu.memory_space<vmem>>
      %dma_wait3A_290 = arith.constant 0 : i32
      %dma_wait3A_291 = tpu.memref_slice %arg8[%dma_wait3A_284, %dma_wait3A_290] : memref<8x128xi32, #tpu.memory_space<vmem>> -> memref<1x128xi32, #tpu.memory_space<vmem>>
      %dma_wait3A_292 = tpu.memref_squeeze %dma_wait3A_291 : memref<1x128xi32, #tpu.memory_space<vmem>> -> memref<128xi32, #tpu.memory_space<vmem>>
      %dma_wait3A_293 = arith.constant 0 : i32
      %dma_wait3A_294 = arith.constant 0 : i32
      %dma_wait3A_295 = tpu.memref_slice %arg2[%dma_wait3A_293, %dma_wait3A_294] : memref<100000x16xf32, #tpu.memory_space<hbm>> -> memref<100000x16xf32, #tpu.memory_space<hbm>>
      tpu.wait_indirect_dma semaphore(%arg12 : memref<!tpu.dma_semaphore, #tpu.memory_space<semaphore_mem>>) src(%dma_wait3A_295 : memref<100000x16xf32, #tpu.memory_space<hbm>>) dst(%dma_wait3A_289 : memref<128x16xf32, #tpu.memory_space<vmem>>)
      %dma_wait3A_296 = arith.constant 6 : i32
      %dma_wait3A_297 = arith.constant 2 : i32
      %dma_wait3A_298 = arith.constant 0 : i32
      %dma_wait3A_299 = arith.constant 0 : i32
      %dma_wait3A_300 = tpu.memref_slice %arg10[%dma_wait3A_297, %dma_wait3A_298, %dma_wait3A_299] : memref<4x128x16xf32, #tpu.memory_space<vmem>> -> memref<1x128x16xf32, #tpu.memory_space<vmem>>
      %dma_wait3A_301 = tpu.memref_squeeze %dma_wait3A_300 : memref<1x128x16xf32, #tpu.memory_space<vmem>> -> memref<128x16xf32, #tpu.memory_space<vmem>>
      %dma_wait3A_302 = arith.constant 0 : i32
      %dma_wait3A_303 = tpu.memref_slice %arg8[%dma_wait3A_296, %dma_wait3A_302] : memref<8x128xi32, #tpu.memory_space<vmem>> -> memref<1x128xi32, #tpu.memory_space<vmem>>
      %dma_wait3A_304 = tpu.memref_squeeze %dma_wait3A_303 : memref<1x128xi32, #tpu.memory_space<vmem>> -> memref<128xi32, #tpu.memory_space<vmem>>
      %dma_wait3A_305 = arith.constant 0 : i32
      %dma_wait3A_306 = arith.constant 0 : i32
      %dma_wait3A_307 = tpu.memref_slice %arg2[%dma_wait3A_305, %dma_wait3A_306] : memref<100000x16xf32, #tpu.memory_space<hbm>> -> memref<100000x16xf32, #tpu.memory_space<hbm>>
      tpu.wait_indirect_dma semaphore(%arg12 : memref<!tpu.dma_semaphore, #tpu.memory_space<semaphore_mem>>) src(%dma_wait3A_307 : memref<100000x16xf32, #tpu.memory_space<hbm>>) dst(%dma_wait3A_301 : memref<128x16xf32, #tpu.memory_space<vmem>>)
      %dma_wait3A_308 = arith.constant 7 : i32
      %dma_wait3A_309 = arith.constant 3 : i32
      %dma_wait3A_310 = arith.constant 0 : i32
      %dma_wait3A_311 = arith.constant 0 : i32
      %dma_wait3A_312 = tpu.memref_slice %arg10[%dma_wait3A_309, %dma_wait3A_310, %dma_wait3A_311] : memref<4x128x16xf32, #tpu.memory_space<vmem>> -> memref<1x128x16xf32, #tpu.memory_space<vmem>>
      %dma_wait3A_313 = tpu.memref_squeeze %dma_wait3A_312 : memref<1x128x16xf32, #tpu.memory_space<vmem>> -> memref<128x16xf32, #tpu.memory_space<vmem>>
      %dma_wait3A_314 = arith.constant 0 : i32
      %dma_wait3A_315 = tpu.memref_slice %arg8[%dma_wait3A_308, %dma_wait3A_314] : memref<8x128xi32, #tpu.memory_space<vmem>> -> memref<1x128xi32, #tpu.memory_space<vmem>>
      %dma_wait3A_316 = tpu.memref_squeeze %dma_wait3A_315 : memref<1x128xi32, #tpu.memory_space<vmem>> -> memref<128xi32, #tpu.memory_space<vmem>>
      %dma_wait3A_317 = arith.constant 0 : i32
      %dma_wait3A_318 = arith.constant 0 : i32
      %dma_wait3A_319 = tpu.memref_slice %arg2[%dma_wait3A_317, %dma_wait3A_318] : memref<100000x16xf32, #tpu.memory_space<hbm>> -> memref<100000x16xf32, #tpu.memory_space<hbm>>
      tpu.wait_indirect_dma semaphore(%arg12 : memref<!tpu.dma_semaphore, #tpu.memory_space<semaphore_mem>>) src(%dma_wait3A_319 : memref<100000x16xf32, #tpu.memory_space<hbm>>) dst(%dma_wait3A_313 : memref<128x16xf32, #tpu.memory_space<vmem>>)
      %run_scoped3A_320 = arith.constant 0 : i32
      %run_scoped3A_321 = arith.constant 4 : i32
      "tpu.region"() ({
        %run_scoped3A_332 = tpu.sem_alloc : memref<!tpu.dma_semaphore, #tpu.memory_space<semaphore_mem>>
        %dma_start3A_333 = arith.constant 0 : i32
        %dma_start3A_334 = arith.constant 0 : i32
        %dma_start3A_335 = tpu.memref_slice %arg10[%run_scoped3A_320, %dma_start3A_333, %dma_start3A_334] : memref<4x128x16xf32, #tpu.memory_space<vmem>> -> memref<1x128x16xf32, #tpu.memory_space<vmem>>
        %dma_start3A_336 = tpu.memref_squeeze %dma_start3A_335 : memref<1x128x16xf32, #tpu.memory_space<vmem>> -> memref<128x16xf32, #tpu.memory_space<vmem>>
        %dma_start3A_337 = arith.constant 0 : i32
        %dma_start3A_338 = tpu.memref_slice %arg9[%run_scoped3A_321, %dma_start3A_337] : memref<8x128xi32, #tpu.memory_space<vmem>> -> memref<1x128xi32, #tpu.memory_space<vmem>>
        %dma_start3A_339 = tpu.memref_squeeze %dma_start3A_338 : memref<1x128xi32, #tpu.memory_space<vmem>> -> memref<128xi32, #tpu.memory_space<vmem>>
        %dma_start3A_340 = arith.constant 0 : i32
        %dma_start3A_341 = arith.constant 0 : i32
        %dma_start3A_342 = tpu.memref_slice %arg7[%dma_start3A_340, %dma_start3A_341] : memref<100224x16xf32, #tpu.memory_space<vmem_shared>> -> memref<100224x16xf32, #tpu.memory_space<vmem_shared>>
        tpu.enqueue_indirect_dma source(%dma_start3A_336 : memref<128x16xf32, #tpu.memory_space<vmem>>) target(%dma_start3A_342 : memref<100224x16xf32, #tpu.memory_space<vmem_shared>>) offsets(%dma_start3A_339 : memref<128xi32, #tpu.memory_space<vmem>>) semaphore(%run_scoped3A_332 : memref<!tpu.dma_semaphore, #tpu.memory_space<semaphore_mem>>) {add = true}
        %dma_wait3A_343 = arith.constant 0 : i32
        %dma_wait3A_344 = arith.constant 0 : i32
        %dma_wait3A_345 = tpu.memref_slice %arg10[%run_scoped3A_320, %dma_wait3A_343, %dma_wait3A_344] : memref<4x128x16xf32, #tpu.memory_space<vmem>> -> memref<1x128x16xf32, #tpu.memory_space<vmem>>
        %dma_wait3A_346 = tpu.memref_squeeze %dma_wait3A_345 : memref<1x128x16xf32, #tpu.memory_space<vmem>> -> memref<128x16xf32, #tpu.memory_space<vmem>>
        %dma_wait3A_347 = arith.constant 0 : i32
        %dma_wait3A_348 = tpu.memref_slice %arg9[%run_scoped3A_321, %dma_wait3A_347] : memref<8x128xi32, #tpu.memory_space<vmem>> -> memref<1x128xi32, #tpu.memory_space<vmem>>
        %dma_wait3A_349 = tpu.memref_squeeze %dma_wait3A_348 : memref<1x128xi32, #tpu.memory_space<vmem>> -> memref<128xi32, #tpu.memory_space<vmem>>
        %dma_wait3A_350 = arith.constant 0 : i32
        %dma_wait3A_351 = arith.constant 0 : i32
        %dma_wait3A_352 = tpu.memref_slice %arg7[%dma_wait3A_350, %dma_wait3A_351] : memref<100224x16xf32, #tpu.memory_space<vmem_shared>> -> memref<100224x16xf32, #tpu.memory_space<vmem_shared>>
        tpu.wait_indirect_dma semaphore(%run_scoped3A_332 : memref<!tpu.dma_semaphore, #tpu.memory_space<semaphore_mem>>) src(%dma_wait3A_346 : memref<128x16xf32, #tpu.memory_space<vmem>>) dst(%dma_wait3A_352 : memref<100224x16xf32, #tpu.memory_space<vmem_shared>>)
        tpu.yield
      }) : () -> ()
      %run_scoped3A_322 = arith.constant 4 : i32
      "tpu.region"() ({
        %run_scoped3A_332 = tpu.sem_alloc : memref<!tpu.dma_semaphore, #tpu.memory_space<semaphore_mem>>
        %dma_start3A_333 = arith.constant 0 : i32
        %dma_start3A_334 = tpu.memref_slice %arg9[%run_scoped3A_322, %dma_start3A_333] : memref<8x128xi32, #tpu.memory_space<vmem>> -> memref<1x128xi32, #tpu.memory_space<vmem>>
        %dma_start3A_335 = tpu.memref_squeeze %dma_start3A_334 : memref<1x128xi32, #tpu.memory_space<vmem>> -> memref<128xi32, #tpu.memory_space<vmem>>
        %dma_start3A_336 = arith.constant 0 : i32
        %dma_start3A_337 = tpu.memref_slice %arg13[%dma_start3A_336] : memref<100224xf32, #tpu.memory_space<vmem_shared>> -> memref<100224xf32, #tpu.memory_space<vmem_shared>>
        tpu.enqueue_indirect_dma source(%arg15 : memref<128xf32, #tpu.memory_space<vmem>>) target(%dma_start3A_337 : memref<100224xf32, #tpu.memory_space<vmem_shared>>) offsets(%dma_start3A_335 : memref<128xi32, #tpu.memory_space<vmem>>) semaphore(%run_scoped3A_332 : memref<!tpu.dma_semaphore, #tpu.memory_space<semaphore_mem>>) {add = true}
        %dma_wait3A_338 = arith.constant 0 : i32
        %dma_wait3A_339 = tpu.memref_slice %arg9[%run_scoped3A_322, %dma_wait3A_338] : memref<8x128xi32, #tpu.memory_space<vmem>> -> memref<1x128xi32, #tpu.memory_space<vmem>>
        %dma_wait3A_340 = tpu.memref_squeeze %dma_wait3A_339 : memref<1x128xi32, #tpu.memory_space<vmem>> -> memref<128xi32, #tpu.memory_space<vmem>>
        %dma_wait3A_341 = arith.constant 0 : i32
        %dma_wait3A_342 = tpu.memref_slice %arg13[%dma_wait3A_341] : memref<100224xf32, #tpu.memory_space<vmem_shared>> -> memref<100224xf32, #tpu.memory_space<vmem_shared>>
        tpu.wait_indirect_dma semaphore(%run_scoped3A_332 : memref<!tpu.dma_semaphore, #tpu.memory_space<semaphore_mem>>) src(%arg15 : memref<128xf32, #tpu.memory_space<vmem>>) dst(%dma_wait3A_342 : memref<100224xf32, #tpu.memory_space<vmem_shared>>)
        tpu.yield
      }) : () -> ()
      %run_scoped3A_323 = arith.constant 1 : i32
      %run_scoped3A_324 = arith.constant 5 : i32
      "tpu.region"() ({
        %run_scoped3A_332 = tpu.sem_alloc : memref<!tpu.dma_semaphore, #tpu.memory_space<semaphore_mem>>
        %dma_start3A_333 = arith.constant 0 : i32
        %dma_start3A_334 = arith.constant 0 : i32
        %dma_start3A_335 = tpu.memref_slice %arg10[%run_scoped3A_323, %dma_start3A_333, %dma_start3A_334] : memref<4x128x16xf32, #tpu.memory_space<vmem>> -> memref<1x128x16xf32, #tpu.memory_space<vmem>>
        %dma_start3A_336 = tpu.memref_squeeze %dma_start3A_335 : memref<1x128x16xf32, #tpu.memory_space<vmem>> -> memref<128x16xf32, #tpu.memory_space<vmem>>
        %dma_start3A_337 = arith.constant 0 : i32
        %dma_start3A_338 = tpu.memref_slice %arg9[%run_scoped3A_324, %dma_start3A_337] : memref<8x128xi32, #tpu.memory_space<vmem>> -> memref<1x128xi32, #tpu.memory_space<vmem>>
        %dma_start3A_339 = tpu.memref_squeeze %dma_start3A_338 : memref<1x128xi32, #tpu.memory_space<vmem>> -> memref<128xi32, #tpu.memory_space<vmem>>
        %dma_start3A_340 = arith.constant 0 : i32
        %dma_start3A_341 = arith.constant 0 : i32
        %dma_start3A_342 = tpu.memref_slice %arg7[%dma_start3A_340, %dma_start3A_341] : memref<100224x16xf32, #tpu.memory_space<vmem_shared>> -> memref<100224x16xf32, #tpu.memory_space<vmem_shared>>
        tpu.enqueue_indirect_dma source(%dma_start3A_336 : memref<128x16xf32, #tpu.memory_space<vmem>>) target(%dma_start3A_342 : memref<100224x16xf32, #tpu.memory_space<vmem_shared>>) offsets(%dma_start3A_339 : memref<128xi32, #tpu.memory_space<vmem>>) semaphore(%run_scoped3A_332 : memref<!tpu.dma_semaphore, #tpu.memory_space<semaphore_mem>>) {add = true}
        %dma_wait3A_343 = arith.constant 0 : i32
        %dma_wait3A_344 = arith.constant 0 : i32
        %dma_wait3A_345 = tpu.memref_slice %arg10[%run_scoped3A_323, %dma_wait3A_343, %dma_wait3A_344] : memref<4x128x16xf32, #tpu.memory_space<vmem>> -> memref<1x128x16xf32, #tpu.memory_space<vmem>>
        %dma_wait3A_346 = tpu.memref_squeeze %dma_wait3A_345 : memref<1x128x16xf32, #tpu.memory_space<vmem>> -> memref<128x16xf32, #tpu.memory_space<vmem>>
        %dma_wait3A_347 = arith.constant 0 : i32
        %dma_wait3A_348 = tpu.memref_slice %arg9[%run_scoped3A_324, %dma_wait3A_347] : memref<8x128xi32, #tpu.memory_space<vmem>> -> memref<1x128xi32, #tpu.memory_space<vmem>>
        %dma_wait3A_349 = tpu.memref_squeeze %dma_wait3A_348 : memref<1x128xi32, #tpu.memory_space<vmem>> -> memref<128xi32, #tpu.memory_space<vmem>>
        %dma_wait3A_350 = arith.constant 0 : i32
        %dma_wait3A_351 = arith.constant 0 : i32
        %dma_wait3A_352 = tpu.memref_slice %arg7[%dma_wait3A_350, %dma_wait3A_351] : memref<100224x16xf32, #tpu.memory_space<vmem_shared>> -> memref<100224x16xf32, #tpu.memory_space<vmem_shared>>
        tpu.wait_indirect_dma semaphore(%run_scoped3A_332 : memref<!tpu.dma_semaphore, #tpu.memory_space<semaphore_mem>>) src(%dma_wait3A_346 : memref<128x16xf32, #tpu.memory_space<vmem>>) dst(%dma_wait3A_352 : memref<100224x16xf32, #tpu.memory_space<vmem_shared>>)
        tpu.yield
      }) : () -> ()
      %run_scoped3A_325 = arith.constant 5 : i32
      "tpu.region"() ({
        %run_scoped3A_332 = tpu.sem_alloc : memref<!tpu.dma_semaphore, #tpu.memory_space<semaphore_mem>>
        %dma_start3A_333 = arith.constant 0 : i32
        %dma_start3A_334 = tpu.memref_slice %arg9[%run_scoped3A_325, %dma_start3A_333] : memref<8x128xi32, #tpu.memory_space<vmem>> -> memref<1x128xi32, #tpu.memory_space<vmem>>
        %dma_start3A_335 = tpu.memref_squeeze %dma_start3A_334 : memref<1x128xi32, #tpu.memory_space<vmem>> -> memref<128xi32, #tpu.memory_space<vmem>>
        %dma_start3A_336 = arith.constant 0 : i32
        %dma_start3A_337 = tpu.memref_slice %arg13[%dma_start3A_336] : memref<100224xf32, #tpu.memory_space<vmem_shared>> -> memref<100224xf32, #tpu.memory_space<vmem_shared>>
        tpu.enqueue_indirect_dma source(%arg15 : memref<128xf32, #tpu.memory_space<vmem>>) target(%dma_start3A_337 : memref<100224xf32, #tpu.memory_space<vmem_shared>>) offsets(%dma_start3A_335 : memref<128xi32, #tpu.memory_space<vmem>>) semaphore(%run_scoped3A_332 : memref<!tpu.dma_semaphore, #tpu.memory_space<semaphore_mem>>) {add = true}
        %dma_wait3A_338 = arith.constant 0 : i32
        %dma_wait3A_339 = tpu.memref_slice %arg9[%run_scoped3A_325, %dma_wait3A_338] : memref<8x128xi32, #tpu.memory_space<vmem>> -> memref<1x128xi32, #tpu.memory_space<vmem>>
        %dma_wait3A_340 = tpu.memref_squeeze %dma_wait3A_339 : memref<1x128xi32, #tpu.memory_space<vmem>> -> memref<128xi32, #tpu.memory_space<vmem>>
        %dma_wait3A_341 = arith.constant 0 : i32
        %dma_wait3A_342 = tpu.memref_slice %arg13[%dma_wait3A_341] : memref<100224xf32, #tpu.memory_space<vmem_shared>> -> memref<100224xf32, #tpu.memory_space<vmem_shared>>
        tpu.wait_indirect_dma semaphore(%run_scoped3A_332 : memref<!tpu.dma_semaphore, #tpu.memory_space<semaphore_mem>>) src(%arg15 : memref<128xf32, #tpu.memory_space<vmem>>) dst(%dma_wait3A_342 : memref<100224xf32, #tpu.memory_space<vmem_shared>>)
        tpu.yield
      }) : () -> ()
      %run_scoped3A_326 = arith.constant 2 : i32
      %run_scoped3A_327 = arith.constant 6 : i32
      "tpu.region"() ({
        %run_scoped3A_332 = tpu.sem_alloc : memref<!tpu.dma_semaphore, #tpu.memory_space<semaphore_mem>>
        %dma_start3A_333 = arith.constant 0 : i32
        %dma_start3A_334 = arith.constant 0 : i32
        %dma_start3A_335 = tpu.memref_slice %arg10[%run_scoped3A_326, %dma_start3A_333, %dma_start3A_334] : memref<4x128x16xf32, #tpu.memory_space<vmem>> -> memref<1x128x16xf32, #tpu.memory_space<vmem>>
        %dma_start3A_336 = tpu.memref_squeeze %dma_start3A_335 : memref<1x128x16xf32, #tpu.memory_space<vmem>> -> memref<128x16xf32, #tpu.memory_space<vmem>>
        %dma_start3A_337 = arith.constant 0 : i32
        %dma_start3A_338 = tpu.memref_slice %arg9[%run_scoped3A_327, %dma_start3A_337] : memref<8x128xi32, #tpu.memory_space<vmem>> -> memref<1x128xi32, #tpu.memory_space<vmem>>
        %dma_start3A_339 = tpu.memref_squeeze %dma_start3A_338 : memref<1x128xi32, #tpu.memory_space<vmem>> -> memref<128xi32, #tpu.memory_space<vmem>>
        %dma_start3A_340 = arith.constant 0 : i32
        %dma_start3A_341 = arith.constant 0 : i32
        %dma_start3A_342 = tpu.memref_slice %arg7[%dma_start3A_340, %dma_start3A_341] : memref<100224x16xf32, #tpu.memory_space<vmem_shared>> -> memref<100224x16xf32, #tpu.memory_space<vmem_shared>>
        tpu.enqueue_indirect_dma source(%dma_start3A_336 : memref<128x16xf32, #tpu.memory_space<vmem>>) target(%dma_start3A_342 : memref<100224x16xf32, #tpu.memory_space<vmem_shared>>) offsets(%dma_start3A_339 : memref<128xi32, #tpu.memory_space<vmem>>) semaphore(%run_scoped3A_332 : memref<!tpu.dma_semaphore, #tpu.memory_space<semaphore_mem>>) {add = true}
        %dma_wait3A_343 = arith.constant 0 : i32
        %dma_wait3A_344 = arith.constant 0 : i32
        %dma_wait3A_345 = tpu.memref_slice %arg10[%run_scoped3A_326, %dma_wait3A_343, %dma_wait3A_344] : memref<4x128x16xf32, #tpu.memory_space<vmem>> -> memref<1x128x16xf32, #tpu.memory_space<vmem>>
        %dma_wait3A_346 = tpu.memref_squeeze %dma_wait3A_345 : memref<1x128x16xf32, #tpu.memory_space<vmem>> -> memref<128x16xf32, #tpu.memory_space<vmem>>
        %dma_wait3A_347 = arith.constant 0 : i32
        %dma_wait3A_348 = tpu.memref_slice %arg9[%run_scoped3A_327, %dma_wait3A_347] : memref<8x128xi32, #tpu.memory_space<vmem>> -> memref<1x128xi32, #tpu.memory_space<vmem>>
        %dma_wait3A_349 = tpu.memref_squeeze %dma_wait3A_348 : memref<1x128xi32, #tpu.memory_space<vmem>> -> memref<128xi32, #tpu.memory_space<vmem>>
        %dma_wait3A_350 = arith.constant 0 : i32
        %dma_wait3A_351 = arith.constant 0 : i32
        %dma_wait3A_352 = tpu.memref_slice %arg7[%dma_wait3A_350, %dma_wait3A_351] : memref<100224x16xf32, #tpu.memory_space<vmem_shared>> -> memref<100224x16xf32, #tpu.memory_space<vmem_shared>>
        tpu.wait_indirect_dma semaphore(%run_scoped3A_332 : memref<!tpu.dma_semaphore, #tpu.memory_space<semaphore_mem>>) src(%dma_wait3A_346 : memref<128x16xf32, #tpu.memory_space<vmem>>) dst(%dma_wait3A_352 : memref<100224x16xf32, #tpu.memory_space<vmem_shared>>)
        tpu.yield
      }) : () -> ()
      %run_scoped3A_328 = arith.constant 6 : i32
      "tpu.region"() ({
        %run_scoped3A_332 = tpu.sem_alloc : memref<!tpu.dma_semaphore, #tpu.memory_space<semaphore_mem>>
        %dma_start3A_333 = arith.constant 0 : i32
        %dma_start3A_334 = tpu.memref_slice %arg9[%run_scoped3A_328, %dma_start3A_333] : memref<8x128xi32, #tpu.memory_space<vmem>> -> memref<1x128xi32, #tpu.memory_space<vmem>>
        %dma_start3A_335 = tpu.memref_squeeze %dma_start3A_334 : memref<1x128xi32, #tpu.memory_space<vmem>> -> memref<128xi32, #tpu.memory_space<vmem>>
        %dma_start3A_336 = arith.constant 0 : i32
        %dma_start3A_337 = tpu.memref_slice %arg13[%dma_start3A_336] : memref<100224xf32, #tpu.memory_space<vmem_shared>> -> memref<100224xf32, #tpu.memory_space<vmem_shared>>
        tpu.enqueue_indirect_dma source(%arg15 : memref<128xf32, #tpu.memory_space<vmem>>) target(%dma_start3A_337 : memref<100224xf32, #tpu.memory_space<vmem_shared>>) offsets(%dma_start3A_335 : memref<128xi32, #tpu.memory_space<vmem>>) semaphore(%run_scoped3A_332 : memref<!tpu.dma_semaphore, #tpu.memory_space<semaphore_mem>>) {add = true}
        %dma_wait3A_338 = arith.constant 0 : i32
        %dma_wait3A_339 = tpu.memref_slice %arg9[%run_scoped3A_328, %dma_wait3A_338] : memref<8x128xi32, #tpu.memory_space<vmem>> -> memref<1x128xi32, #tpu.memory_space<vmem>>
        %dma_wait3A_340 = tpu.memref_squeeze %dma_wait3A_339 : memref<1x128xi32, #tpu.memory_space<vmem>> -> memref<128xi32, #tpu.memory_space<vmem>>
        %dma_wait3A_341 = arith.constant 0 : i32
        %dma_wait3A_342 = tpu.memref_slice %arg13[%dma_wait3A_341] : memref<100224xf32, #tpu.memory_space<vmem_shared>> -> memref<100224xf32, #tpu.memory_space<vmem_shared>>
        tpu.wait_indirect_dma semaphore(%run_scoped3A_332 : memref<!tpu.dma_semaphore, #tpu.memory_space<semaphore_mem>>) src(%arg15 : memref<128xf32, #tpu.memory_space<vmem>>) dst(%dma_wait3A_342 : memref<100224xf32, #tpu.memory_space<vmem_shared>>)
        tpu.yield
      }) : () -> ()
      %run_scoped3A_329 = arith.constant 3 : i32
      %run_scoped3A_330 = arith.constant 7 : i32
      "tpu.region"() ({
        %run_scoped3A_332 = tpu.sem_alloc : memref<!tpu.dma_semaphore, #tpu.memory_space<semaphore_mem>>
        %dma_start3A_333 = arith.constant 0 : i32
        %dma_start3A_334 = arith.constant 0 : i32
        %dma_start3A_335 = tpu.memref_slice %arg10[%run_scoped3A_329, %dma_start3A_333, %dma_start3A_334] : memref<4x128x16xf32, #tpu.memory_space<vmem>> -> memref<1x128x16xf32, #tpu.memory_space<vmem>>
        %dma_start3A_336 = tpu.memref_squeeze %dma_start3A_335 : memref<1x128x16xf32, #tpu.memory_space<vmem>> -> memref<128x16xf32, #tpu.memory_space<vmem>>
        %dma_start3A_337 = arith.constant 0 : i32
        %dma_start3A_338 = tpu.memref_slice %arg9[%run_scoped3A_330, %dma_start3A_337] : memref<8x128xi32, #tpu.memory_space<vmem>> -> memref<1x128xi32, #tpu.memory_space<vmem>>
        %dma_start3A_339 = tpu.memref_squeeze %dma_start3A_338 : memref<1x128xi32, #tpu.memory_space<vmem>> -> memref<128xi32, #tpu.memory_space<vmem>>
        %dma_start3A_340 = arith.constant 0 : i32
        %dma_start3A_341 = arith.constant 0 : i32
        %dma_start3A_342 = tpu.memref_slice %arg7[%dma_start3A_340, %dma_start3A_341] : memref<100224x16xf32, #tpu.memory_space<vmem_shared>> -> memref<100224x16xf32, #tpu.memory_space<vmem_shared>>
        tpu.enqueue_indirect_dma source(%dma_start3A_336 : memref<128x16xf32, #tpu.memory_space<vmem>>) target(%dma_start3A_342 : memref<100224x16xf32, #tpu.memory_space<vmem_shared>>) offsets(%dma_start3A_339 : memref<128xi32, #tpu.memory_space<vmem>>) semaphore(%run_scoped3A_332 : memref<!tpu.dma_semaphore, #tpu.memory_space<semaphore_mem>>) {add = true}
        %dma_wait3A_343 = arith.constant 0 : i32
        %dma_wait3A_344 = arith.constant 0 : i32
        %dma_wait3A_345 = tpu.memref_slice %arg10[%run_scoped3A_329, %dma_wait3A_343, %dma_wait3A_344] : memref<4x128x16xf32, #tpu.memory_space<vmem>> -> memref<1x128x16xf32, #tpu.memory_space<vmem>>
        %dma_wait3A_346 = tpu.memref_squeeze %dma_wait3A_345 : memref<1x128x16xf32, #tpu.memory_space<vmem>> -> memref<128x16xf32, #tpu.memory_space<vmem>>
        %dma_wait3A_347 = arith.constant 0 : i32
        %dma_wait3A_348 = tpu.memref_slice %arg9[%run_scoped3A_330, %dma_wait3A_347] : memref<8x128xi32, #tpu.memory_space<vmem>> -> memref<1x128xi32, #tpu.memory_space<vmem>>
        %dma_wait3A_349 = tpu.memref_squeeze %dma_wait3A_348 : memref<1x128xi32, #tpu.memory_space<vmem>> -> memref<128xi32, #tpu.memory_space<vmem>>
        %dma_wait3A_350 = arith.constant 0 : i32
        %dma_wait3A_351 = arith.constant 0 : i32
        %dma_wait3A_352 = tpu.memref_slice %arg7[%dma_wait3A_350, %dma_wait3A_351] : memref<100224x16xf32, #tpu.memory_space<vmem_shared>> -> memref<100224x16xf32, #tpu.memory_space<vmem_shared>>
        tpu.wait_indirect_dma semaphore(%run_scoped3A_332 : memref<!tpu.dma_semaphore, #tpu.memory_space<semaphore_mem>>) src(%dma_wait3A_346 : memref<128x16xf32, #tpu.memory_space<vmem>>) dst(%dma_wait3A_352 : memref<100224x16xf32, #tpu.memory_space<vmem_shared>>)
        tpu.yield
      }) : () -> ()
      %run_scoped3A_331 = arith.constant 7 : i32
      "tpu.region"() ({
        %run_scoped3A_332 = tpu.sem_alloc : memref<!tpu.dma_semaphore, #tpu.memory_space<semaphore_mem>>
        %dma_start3A_333 = arith.constant 0 : i32
        %dma_start3A_334 = tpu.memref_slice %arg9[%run_scoped3A_331, %dma_start3A_333] : memref<8x128xi32, #tpu.memory_space<vmem>> -> memref<1x128xi32, #tpu.memory_space<vmem>>
        %dma_start3A_335 = tpu.memref_squeeze %dma_start3A_334 : memref<1x128xi32, #tpu.memory_space<vmem>> -> memref<128xi32, #tpu.memory_space<vmem>>
        %dma_start3A_336 = arith.constant 0 : i32
        %dma_start3A_337 = tpu.memref_slice %arg13[%dma_start3A_336] : memref<100224xf32, #tpu.memory_space<vmem_shared>> -> memref<100224xf32, #tpu.memory_space<vmem_shared>>
        tpu.enqueue_indirect_dma source(%arg15 : memref<128xf32, #tpu.memory_space<vmem>>) target(%dma_start3A_337 : memref<100224xf32, #tpu.memory_space<vmem_shared>>) offsets(%dma_start3A_335 : memref<128xi32, #tpu.memory_space<vmem>>) semaphore(%run_scoped3A_332 : memref<!tpu.dma_semaphore, #tpu.memory_space<semaphore_mem>>) {add = true}
        %dma_wait3A_338 = arith.constant 0 : i32
        %dma_wait3A_339 = tpu.memref_slice %arg9[%run_scoped3A_331, %dma_wait3A_338] : memref<8x128xi32, #tpu.memory_space<vmem>> -> memref<1x128xi32, #tpu.memory_space<vmem>>
        %dma_wait3A_340 = tpu.memref_squeeze %dma_wait3A_339 : memref<1x128xi32, #tpu.memory_space<vmem>> -> memref<128xi32, #tpu.memory_space<vmem>>
        %dma_wait3A_341 = arith.constant 0 : i32
        %dma_wait3A_342 = tpu.memref_slice %arg13[%dma_wait3A_341] : memref<100224xf32, #tpu.memory_space<vmem_shared>> -> memref<100224xf32, #tpu.memory_space<vmem_shared>>
        tpu.wait_indirect_dma semaphore(%run_scoped3A_332 : memref<!tpu.dma_semaphore, #tpu.memory_space<semaphore_mem>>) src(%arg15 : memref<128xf32, #tpu.memory_space<vmem>>) dst(%dma_wait3A_342 : memref<100224xf32, #tpu.memory_space<vmem_shared>>)
        tpu.yield
      }) : () -> ()
    }
    %scan3A_65 = arith.constant 49 : i32
    %barrier3A_66 = arith.constant 0 : index
    tpu.barrier barrier_id(%barrier3A_66)
    %add3A_67 = arith.constant 0 : i32
    %add3A_68 = arith.addi %add3A_67, %arg1 : i32
    %lt3A = arith.constant 100 : i32
    %lt3A_69 = arith.cmpi slt, %add3A_68, %lt3A : i32
    %convert_element_type3A = arith.extui %lt3A_69 : i1 to i32
    %cond3A = arith.constant 0 : i32
    %cond3A_70 = arith.cmpi ne, %convert_element_type3A, %cond3A : i32
    scf.if %cond3A_70 {
      %mul3A_113 = arith.constant 1000 : i32
      %mul3A_114 = arith.muli %add3A_68, %mul3A_113 : i32
      "tpu.region"() ({
        %run_scoped3A = tpu.sem_alloc : memref<!tpu.dma_semaphore, #tpu.memory_space<semaphore_mem>>
        %dma_start3A = arith.constant 0 : i32
        %dma_start3A_118 = tpu.memref_slice %arg5[%arg0, %mul3A_114, %dma_start3A] : memref<2x100000x16xf32, #tpu.memory_space<hbm>> -> memref<1x1000x16xf32, #tpu.memory_space<hbm>>
        %dma_start3A_119 = tpu.memref_squeeze %dma_start3A_118 : memref<1x1000x16xf32, #tpu.memory_space<hbm>> -> memref<1000x16xf32, #tpu.memory_space<hbm>>
        %dma_start3A_120 = arith.constant 0 : i32
        %dma_start3A_121 = tpu.memref_slice %arg7[%mul3A_114, %dma_start3A_120] : memref<100224x16xf32, #tpu.memory_space<vmem_shared>> -> memref<1000x16xf32, #tpu.memory_space<vmem_shared>>
        tpu.enqueue_dma source(%dma_start3A_121 : memref<1000x16xf32, #tpu.memory_space<vmem_shared>>) target(%dma_start3A_119 : memref<1000x16xf32, #tpu.memory_space<hbm>>) target_semaphore(%run_scoped3A : memref<!tpu.dma_semaphore, #tpu.memory_space<semaphore_mem>>)
        %dma_wait3A = arith.constant 0 : i32
        %dma_wait3A_122 = tpu.memref_slice %arg5[%arg0, %mul3A_114, %dma_wait3A] : memref<2x100000x16xf32, #tpu.memory_space<hbm>> -> memref<1x1000x16xf32, #tpu.memory_space<hbm>>
        %dma_wait3A_123 = tpu.memref_squeeze %dma_wait3A_122 : memref<1x1000x16xf32, #tpu.memory_space<hbm>> -> memref<1000x16xf32, #tpu.memory_space<hbm>>
        %dma_wait3A_124 = arith.constant 0 : i32
        %dma_wait3A_125 = tpu.memref_slice %arg7[%mul3A_114, %dma_wait3A_124] : memref<100224x16xf32, #tpu.memory_space<vmem_shared>> -> memref<1000x16xf32, #tpu.memory_space<vmem_shared>>
        tpu.wait_dma2 semaphore(%run_scoped3A : memref<!tpu.dma_semaphore, #tpu.memory_space<semaphore_mem>>) src(%dma_wait3A_125 : memref<1000x16xf32, #tpu.memory_space<vmem_shared>>) dst(%dma_wait3A_123 : memref<1000x16xf32, #tpu.memory_space<hbm>>)
        tpu.yield
      }) : () -> ()
      %mul3A_115 = arith.constant 100000 : i32
      %mul3A_116 = arith.muli %arg0, %mul3A_115 : i32
      %add3A_117 = arith.addi %mul3A_116, %mul3A_114 : i32
      "tpu.region"() ({
        %run_scoped3A = tpu.sem_alloc : memref<!tpu.dma_semaphore, #tpu.memory_space<semaphore_mem>>
        %dma_start3A = tpu.memref_slice %arg6[%add3A_117] : memref<200000xf32, #tpu.memory_space<hbm>> -> memref<1000xf32, #tpu.memory_space<hbm>>
        %dma_start3A_118 = tpu.memref_slice %arg13[%mul3A_114] : memref<100224xf32, #tpu.memory_space<vmem_shared>> -> memref<1000xf32, #tpu.memory_space<vmem_shared>>
        tpu.enqueue_dma source(%dma_start3A_118 : memref<1000xf32, #tpu.memory_space<vmem_shared>>) target(%dma_start3A : memref<1000xf32, #tpu.memory_space<hbm>>) target_semaphore(%run_scoped3A : memref<!tpu.dma_semaphore, #tpu.memory_space<semaphore_mem>>)
        %dma_wait3A = tpu.memref_slice %arg6[%add3A_117] : memref<200000xf32, #tpu.memory_space<hbm>> -> memref<1000xf32, #tpu.memory_space<hbm>>
        %dma_wait3A_119 = tpu.memref_slice %arg13[%mul3A_114] : memref<100224xf32, #tpu.memory_space<vmem_shared>> -> memref<1000xf32, #tpu.memory_space<vmem_shared>>
        tpu.wait_dma2 semaphore(%run_scoped3A : memref<!tpu.dma_semaphore, #tpu.memory_space<semaphore_mem>>) src(%dma_wait3A_119 : memref<1000xf32, #tpu.memory_space<vmem_shared>>) dst(%dma_wait3A : memref<1000xf32, #tpu.memory_space<hbm>>)
        tpu.yield
      }) : () -> ()
    } else {
    }
    %add3A_71 = arith.constant 16 : i32
    %add3A_72 = arith.addi %add3A_71, %arg1 : i32
    %lt3A_73 = arith.constant 100 : i32
    %lt3A_74 = arith.cmpi slt, %add3A_72, %lt3A_73 : i32
    %convert_element_type3A_75 = arith.extui %lt3A_74 : i1 to i32
    %cond3A_76 = arith.constant 0 : i32
    %cond3A_77 = arith.cmpi ne, %convert_element_type3A_75, %cond3A_76 : i32
    scf.if %cond3A_77 {
      %mul3A_113 = arith.constant 1000 : i32
      %mul3A_114 = arith.muli %add3A_72, %mul3A_113 : i32
      "tpu.region"() ({
        %run_scoped3A = tpu.sem_alloc : memref<!tpu.dma_semaphore, #tpu.memory_space<semaphore_mem>>
        %dma_start3A = arith.constant 0 : i32
        %dma_start3A_118 = tpu.memref_slice %arg5[%arg0, %mul3A_114, %dma_start3A] : memref<2x100000x16xf32, #tpu.memory_space<hbm>> -> memref<1x1000x16xf32, #tpu.memory_space<hbm>>
        %dma_start3A_119 = tpu.memref_squeeze %dma_start3A_118 : memref<1x1000x16xf32, #tpu.memory_space<hbm>> -> memref<1000x16xf32, #tpu.memory_space<hbm>>
        %dma_start3A_120 = arith.constant 0 : i32
        %dma_start3A_121 = tpu.memref_slice %arg7[%mul3A_114, %dma_start3A_120] : memref<100224x16xf32, #tpu.memory_space<vmem_shared>> -> memref<1000x16xf32, #tpu.memory_space<vmem_shared>>
        tpu.enqueue_dma source(%dma_start3A_121 : memref<1000x16xf32, #tpu.memory_space<vmem_shared>>) target(%dma_start3A_119 : memref<1000x16xf32, #tpu.memory_space<hbm>>) target_semaphore(%run_scoped3A : memref<!tpu.dma_semaphore, #tpu.memory_space<semaphore_mem>>)
        %dma_wait3A = arith.constant 0 : i32
        %dma_wait3A_122 = tpu.memref_slice %arg5[%arg0, %mul3A_114, %dma_wait3A] : memref<2x100000x16xf32, #tpu.memory_space<hbm>> -> memref<1x1000x16xf32, #tpu.memory_space<hbm>>
        %dma_wait3A_123 = tpu.memref_squeeze %dma_wait3A_122 : memref<1x1000x16xf32, #tpu.memory_space<hbm>> -> memref<1000x16xf32, #tpu.memory_space<hbm>>
        %dma_wait3A_124 = arith.constant 0 : i32
        %dma_wait3A_125 = tpu.memref_slice %arg7[%mul3A_114, %dma_wait3A_124] : memref<100224x16xf32, #tpu.memory_space<vmem_shared>> -> memref<1000x16xf32, #tpu.memory_space<vmem_shared>>
        tpu.wait_dma2 semaphore(%run_scoped3A : memref<!tpu.dma_semaphore, #tpu.memory_space<semaphore_mem>>) src(%dma_wait3A_125 : memref<1000x16xf32, #tpu.memory_space<vmem_shared>>) dst(%dma_wait3A_123 : memref<1000x16xf32, #tpu.memory_space<hbm>>)
        tpu.yield
      }) : () -> ()
      %mul3A_115 = arith.constant 100000 : i32
      %mul3A_116 = arith.muli %arg0, %mul3A_115 : i32
      %add3A_117 = arith.addi %mul3A_116, %mul3A_114 : i32
      "tpu.region"() ({
        %run_scoped3A = tpu.sem_alloc : memref<!tpu.dma_semaphore, #tpu.memory_space<semaphore_mem>>
        %dma_start3A = tpu.memref_slice %arg6[%add3A_117] : memref<200000xf32, #tpu.memory_space<hbm>> -> memref<1000xf32, #tpu.memory_space<hbm>>
        %dma_start3A_118 = tpu.memref_slice %arg13[%mul3A_114] : memref<100224xf32, #tpu.memory_space<vmem_shared>> -> memref<1000xf32, #tpu.memory_space<vmem_shared>>
        tpu.enqueue_dma source(%dma_start3A_118 : memref<1000xf32, #tpu.memory_space<vmem_shared>>) target(%dma_start3A : memref<1000xf32, #tpu.memory_space<hbm>>) target_semaphore(%run_scoped3A : memref<!tpu.dma_semaphore, #tpu.memory_space<semaphore_mem>>)
        %dma_wait3A = tpu.memref_slice %arg6[%add3A_117] : memref<200000xf32, #tpu.memory_space<hbm>> -> memref<1000xf32, #tpu.memory_space<hbm>>
        %dma_wait3A_119 = tpu.memref_slice %arg13[%mul3A_114] : memref<100224xf32, #tpu.memory_space<vmem_shared>> -> memref<1000xf32, #tpu.memory_space<vmem_shared>>
        tpu.wait_dma2 semaphore(%run_scoped3A : memref<!tpu.dma_semaphore, #tpu.memory_space<semaphore_mem>>) src(%dma_wait3A_119 : memref<1000xf32, #tpu.memory_space<vmem_shared>>) dst(%dma_wait3A : memref<1000xf32, #tpu.memory_space<hbm>>)
        tpu.yield
      }) : () -> ()
    } else {
    }
    %add3A_78 = arith.constant 32 : i32
    %add3A_79 = arith.addi %add3A_78, %arg1 : i32
    %lt3A_80 = arith.constant 100 : i32
    %lt3A_81 = arith.cmpi slt, %add3A_79, %lt3A_80 : i32
    %convert_element_type3A_82 = arith.extui %lt3A_81 : i1 to i32
    %cond3A_83 = arith.constant 0 : i32
    %cond3A_84 = arith.cmpi ne, %convert_element_type3A_82, %cond3A_83 : i32
    scf.if %cond3A_84 {
      %mul3A_113 = arith.constant 1000 : i32
      %mul3A_114 = arith.muli %add3A_79, %mul3A_113 : i32
      "tpu.region"() ({
        %run_scoped3A = tpu.sem_alloc : memref<!tpu.dma_semaphore, #tpu.memory_space<semaphore_mem>>
        %dma_start3A = arith.constant 0 : i32
        %dma_start3A_118 = tpu.memref_slice %arg5[%arg0, %mul3A_114, %dma_start3A] : memref<2x100000x16xf32, #tpu.memory_space<hbm>> -> memref<1x1000x16xf32, #tpu.memory_space<hbm>>
        %dma_start3A_119 = tpu.memref_squeeze %dma_start3A_118 : memref<1x1000x16xf32, #tpu.memory_space<hbm>> -> memref<1000x16xf32, #tpu.memory_space<hbm>>
        %dma_start3A_120 = arith.constant 0 : i32
        %dma_start3A_121 = tpu.memref_slice %arg7[%mul3A_114, %dma_start3A_120] : memref<100224x16xf32, #tpu.memory_space<vmem_shared>> -> memref<1000x16xf32, #tpu.memory_space<vmem_shared>>
        tpu.enqueue_dma source(%dma_start3A_121 : memref<1000x16xf32, #tpu.memory_space<vmem_shared>>) target(%dma_start3A_119 : memref<1000x16xf32, #tpu.memory_space<hbm>>) target_semaphore(%run_scoped3A : memref<!tpu.dma_semaphore, #tpu.memory_space<semaphore_mem>>)
        %dma_wait3A = arith.constant 0 : i32
        %dma_wait3A_122 = tpu.memref_slice %arg5[%arg0, %mul3A_114, %dma_wait3A] : memref<2x100000x16xf32, #tpu.memory_space<hbm>> -> memref<1x1000x16xf32, #tpu.memory_space<hbm>>
        %dma_wait3A_123 = tpu.memref_squeeze %dma_wait3A_122 : memref<1x1000x16xf32, #tpu.memory_space<hbm>> -> memref<1000x16xf32, #tpu.memory_space<hbm>>
        %dma_wait3A_124 = arith.constant 0 : i32
        %dma_wait3A_125 = tpu.memref_slice %arg7[%mul3A_114, %dma_wait3A_124] : memref<100224x16xf32, #tpu.memory_space<vmem_shared>> -> memref<1000x16xf32, #tpu.memory_space<vmem_shared>>
        tpu.wait_dma2 semaphore(%run_scoped3A : memref<!tpu.dma_semaphore, #tpu.memory_space<semaphore_mem>>) src(%dma_wait3A_125 : memref<1000x16xf32, #tpu.memory_space<vmem_shared>>) dst(%dma_wait3A_123 : memref<1000x16xf32, #tpu.memory_space<hbm>>)
        tpu.yield
      }) : () -> ()
      %mul3A_115 = arith.constant 100000 : i32
      %mul3A_116 = arith.muli %arg0, %mul3A_115 : i32
      %add3A_117 = arith.addi %mul3A_116, %mul3A_114 : i32
      "tpu.region"() ({
        %run_scoped3A = tpu.sem_alloc : memref<!tpu.dma_semaphore, #tpu.memory_space<semaphore_mem>>
        %dma_start3A = tpu.memref_slice %arg6[%add3A_117] : memref<200000xf32, #tpu.memory_space<hbm>> -> memref<1000xf32, #tpu.memory_space<hbm>>
        %dma_start3A_118 = tpu.memref_slice %arg13[%mul3A_114] : memref<100224xf32, #tpu.memory_space<vmem_shared>> -> memref<1000xf32, #tpu.memory_space<vmem_shared>>
        tpu.enqueue_dma source(%dma_start3A_118 : memref<1000xf32, #tpu.memory_space<vmem_shared>>) target(%dma_start3A : memref<1000xf32, #tpu.memory_space<hbm>>) target_semaphore(%run_scoped3A : memref<!tpu.dma_semaphore, #tpu.memory_space<semaphore_mem>>)
        %dma_wait3A = tpu.memref_slice %arg6[%add3A_117] : memref<200000xf32, #tpu.memory_space<hbm>> -> memref<1000xf32, #tpu.memory_space<hbm>>
        %dma_wait3A_119 = tpu.memref_slice %arg13[%mul3A_114] : memref<100224xf32, #tpu.memory_space<vmem_shared>> -> memref<1000xf32, #tpu.memory_space<vmem_shared>>
        tpu.wait_dma2 semaphore(%run_scoped3A : memref<!tpu.dma_semaphore, #tpu.memory_space<semaphore_mem>>) src(%dma_wait3A_119 : memref<1000xf32, #tpu.memory_space<vmem_shared>>) dst(%dma_wait3A : memref<1000xf32, #tpu.memory_space<hbm>>)
        tpu.yield
      }) : () -> ()
    } else {
    }
    %add3A_85 = arith.constant 48 : i32
    %add3A_86 = arith.addi %add3A_85, %arg1 : i32
    %lt3A_87 = arith.constant 100 : i32
    %lt3A_88 = arith.cmpi slt, %add3A_86, %lt3A_87 : i32
    %convert_element_type3A_89 = arith.extui %lt3A_88 : i1 to i32
    %cond3A_90 = arith.constant 0 : i32
    %cond3A_91 = arith.cmpi ne, %convert_element_type3A_89, %cond3A_90 : i32
    scf.if %cond3A_91 {
      %mul3A_113 = arith.constant 1000 : i32
      %mul3A_114 = arith.muli %add3A_86, %mul3A_113 : i32
      "tpu.region"() ({
        %run_scoped3A = tpu.sem_alloc : memref<!tpu.dma_semaphore, #tpu.memory_space<semaphore_mem>>
        %dma_start3A = arith.constant 0 : i32
        %dma_start3A_118 = tpu.memref_slice %arg5[%arg0, %mul3A_114, %dma_start3A] : memref<2x100000x16xf32, #tpu.memory_space<hbm>> -> memref<1x1000x16xf32, #tpu.memory_space<hbm>>
        %dma_start3A_119 = tpu.memref_squeeze %dma_start3A_118 : memref<1x1000x16xf32, #tpu.memory_space<hbm>> -> memref<1000x16xf32, #tpu.memory_space<hbm>>
        %dma_start3A_120 = arith.constant 0 : i32
        %dma_start3A_121 = tpu.memref_slice %arg7[%mul3A_114, %dma_start3A_120] : memref<100224x16xf32, #tpu.memory_space<vmem_shared>> -> memref<1000x16xf32, #tpu.memory_space<vmem_shared>>
        tpu.enqueue_dma source(%dma_start3A_121 : memref<1000x16xf32, #tpu.memory_space<vmem_shared>>) target(%dma_start3A_119 : memref<1000x16xf32, #tpu.memory_space<hbm>>) target_semaphore(%run_scoped3A : memref<!tpu.dma_semaphore, #tpu.memory_space<semaphore_mem>>)
        %dma_wait3A = arith.constant 0 : i32
        %dma_wait3A_122 = tpu.memref_slice %arg5[%arg0, %mul3A_114, %dma_wait3A] : memref<2x100000x16xf32, #tpu.memory_space<hbm>> -> memref<1x1000x16xf32, #tpu.memory_space<hbm>>
        %dma_wait3A_123 = tpu.memref_squeeze %dma_wait3A_122 : memref<1x1000x16xf32, #tpu.memory_space<hbm>> -> memref<1000x16xf32, #tpu.memory_space<hbm>>
        %dma_wait3A_124 = arith.constant 0 : i32
        %dma_wait3A_125 = tpu.memref_slice %arg7[%mul3A_114, %dma_wait3A_124] : memref<100224x16xf32, #tpu.memory_space<vmem_shared>> -> memref<1000x16xf32, #tpu.memory_space<vmem_shared>>
        tpu.wait_dma2 semaphore(%run_scoped3A : memref<!tpu.dma_semaphore, #tpu.memory_space<semaphore_mem>>) src(%dma_wait3A_125 : memref<1000x16xf32, #tpu.memory_space<vmem_shared>>) dst(%dma_wait3A_123 : memref<1000x16xf32, #tpu.memory_space<hbm>>)
        tpu.yield
      }) : () -> ()
      %mul3A_115 = arith.constant 100000 : i32
      %mul3A_116 = arith.muli %arg0, %mul3A_115 : i32
      %add3A_117 = arith.addi %mul3A_116, %mul3A_114 : i32
      "tpu.region"() ({
        %run_scoped3A = tpu.sem_alloc : memref<!tpu.dma_semaphore, #tpu.memory_space<semaphore_mem>>
        %dma_start3A = tpu.memref_slice %arg6[%add3A_117] : memref<200000xf32, #tpu.memory_space<hbm>> -> memref<1000xf32, #tpu.memory_space<hbm>>
        %dma_start3A_118 = tpu.memref_slice %arg13[%mul3A_114] : memref<100224xf32, #tpu.memory_space<vmem_shared>> -> memref<1000xf32, #tpu.memory_space<vmem_shared>>
        tpu.enqueue_dma source(%dma_start3A_118 : memref<1000xf32, #tpu.memory_space<vmem_shared>>) target(%dma_start3A : memref<1000xf32, #tpu.memory_space<hbm>>) target_semaphore(%run_scoped3A : memref<!tpu.dma_semaphore, #tpu.memory_space<semaphore_mem>>)
        %dma_wait3A = tpu.memref_slice %arg6[%add3A_117] : memref<200000xf32, #tpu.memory_space<hbm>> -> memref<1000xf32, #tpu.memory_space<hbm>>
        %dma_wait3A_119 = tpu.memref_slice %arg13[%mul3A_114] : memref<100224xf32, #tpu.memory_space<vmem_shared>> -> memref<1000xf32, #tpu.memory_space<vmem_shared>>
        tpu.wait_dma2 semaphore(%run_scoped3A : memref<!tpu.dma_semaphore, #tpu.memory_space<semaphore_mem>>) src(%dma_wait3A_119 : memref<1000xf32, #tpu.memory_space<vmem_shared>>) dst(%dma_wait3A : memref<1000xf32, #tpu.memory_space<hbm>>)
        tpu.yield
      }) : () -> ()
    } else {
    }
    %add3A_92 = arith.constant 64 : i32
    %add3A_93 = arith.addi %add3A_92, %arg1 : i32
    %lt3A_94 = arith.constant 100 : i32
    %lt3A_95 = arith.cmpi slt, %add3A_93, %lt3A_94 : i32
    %convert_element_type3A_96 = arith.extui %lt3A_95 : i1 to i32
    %cond3A_97 = arith.constant 0 : i32
    %cond3A_98 = arith.cmpi ne, %convert_element_type3A_96, %cond3A_97 : i32
    scf.if %cond3A_98 {
      %mul3A_113 = arith.constant 1000 : i32
      %mul3A_114 = arith.muli %add3A_93, %mul3A_113 : i32
      "tpu.region"() ({
        %run_scoped3A = tpu.sem_alloc : memref<!tpu.dma_semaphore, #tpu.memory_space<semaphore_mem>>
        %dma_start3A = arith.constant 0 : i32
        %dma_start3A_118 = tpu.memref_slice %arg5[%arg0, %mul3A_114, %dma_start3A] : memref<2x100000x16xf32, #tpu.memory_space<hbm>> -> memref<1x1000x16xf32, #tpu.memory_space<hbm>>
        %dma_start3A_119 = tpu.memref_squeeze %dma_start3A_118 : memref<1x1000x16xf32, #tpu.memory_space<hbm>> -> memref<1000x16xf32, #tpu.memory_space<hbm>>
        %dma_start3A_120 = arith.constant 0 : i32
        %dma_start3A_121 = tpu.memref_slice %arg7[%mul3A_114, %dma_start3A_120] : memref<100224x16xf32, #tpu.memory_space<vmem_shared>> -> memref<1000x16xf32, #tpu.memory_space<vmem_shared>>
        tpu.enqueue_dma source(%dma_start3A_121 : memref<1000x16xf32, #tpu.memory_space<vmem_shared>>) target(%dma_start3A_119 : memref<1000x16xf32, #tpu.memory_space<hbm>>) target_semaphore(%run_scoped3A : memref<!tpu.dma_semaphore, #tpu.memory_space<semaphore_mem>>)
        %dma_wait3A = arith.constant 0 : i32
        %dma_wait3A_122 = tpu.memref_slice %arg5[%arg0, %mul3A_114, %dma_wait3A] : memref<2x100000x16xf32, #tpu.memory_space<hbm>> -> memref<1x1000x16xf32, #tpu.memory_space<hbm>>
        %dma_wait3A_123 = tpu.memref_squeeze %dma_wait3A_122 : memref<1x1000x16xf32, #tpu.memory_space<hbm>> -> memref<1000x16xf32, #tpu.memory_space<hbm>>
        %dma_wait3A_124 = arith.constant 0 : i32
        %dma_wait3A_125 = tpu.memref_slice %arg7[%mul3A_114, %dma_wait3A_124] : memref<100224x16xf32, #tpu.memory_space<vmem_shared>> -> memref<1000x16xf32, #tpu.memory_space<vmem_shared>>
        tpu.wait_dma2 semaphore(%run_scoped3A : memref<!tpu.dma_semaphore, #tpu.memory_space<semaphore_mem>>) src(%dma_wait3A_125 : memref<1000x16xf32, #tpu.memory_space<vmem_shared>>) dst(%dma_wait3A_123 : memref<1000x16xf32, #tpu.memory_space<hbm>>)
        tpu.yield
      }) : () -> ()
      %mul3A_115 = arith.constant 100000 : i32
      %mul3A_116 = arith.muli %arg0, %mul3A_115 : i32
      %add3A_117 = arith.addi %mul3A_116, %mul3A_114 : i32
      "tpu.region"() ({
        %run_scoped3A = tpu.sem_alloc : memref<!tpu.dma_semaphore, #tpu.memory_space<semaphore_mem>>
        %dma_start3A = tpu.memref_slice %arg6[%add3A_117] : memref<200000xf32, #tpu.memory_space<hbm>> -> memref<1000xf32, #tpu.memory_space<hbm>>
        %dma_start3A_118 = tpu.memref_slice %arg13[%mul3A_114] : memref<100224xf32, #tpu.memory_space<vmem_shared>> -> memref<1000xf32, #tpu.memory_space<vmem_shared>>
        tpu.enqueue_dma source(%dma_start3A_118 : memref<1000xf32, #tpu.memory_space<vmem_shared>>) target(%dma_start3A : memref<1000xf32, #tpu.memory_space<hbm>>) target_semaphore(%run_scoped3A : memref<!tpu.dma_semaphore, #tpu.memory_space<semaphore_mem>>)
        %dma_wait3A = tpu.memref_slice %arg6[%add3A_117] : memref<200000xf32, #tpu.memory_space<hbm>> -> memref<1000xf32, #tpu.memory_space<hbm>>
        %dma_wait3A_119 = tpu.memref_slice %arg13[%mul3A_114] : memref<100224xf32, #tpu.memory_space<vmem_shared>> -> memref<1000xf32, #tpu.memory_space<vmem_shared>>
        tpu.wait_dma2 semaphore(%run_scoped3A : memref<!tpu.dma_semaphore, #tpu.memory_space<semaphore_mem>>) src(%dma_wait3A_119 : memref<1000xf32, #tpu.memory_space<vmem_shared>>) dst(%dma_wait3A : memref<1000xf32, #tpu.memory_space<hbm>>)
        tpu.yield
      }) : () -> ()
    } else {
    }
    %add3A_99 = arith.constant 80 : i32
    %add3A_100 = arith.addi %add3A_99, %arg1 : i32
    %lt3A_101 = arith.constant 100 : i32
    %lt3A_102 = arith.cmpi slt, %add3A_100, %lt3A_101 : i32
    %convert_element_type3A_103 = arith.extui %lt3A_102 : i1 to i32
    %cond3A_104 = arith.constant 0 : i32
    %cond3A_105 = arith.cmpi ne, %convert_element_type3A_103, %cond3A_104 : i32
    scf.if %cond3A_105 {
      %mul3A_113 = arith.constant 1000 : i32
      %mul3A_114 = arith.muli %add3A_100, %mul3A_113 : i32
      "tpu.region"() ({
        %run_scoped3A = tpu.sem_alloc : memref<!tpu.dma_semaphore, #tpu.memory_space<semaphore_mem>>
        %dma_start3A = arith.constant 0 : i32
        %dma_start3A_118 = tpu.memref_slice %arg5[%arg0, %mul3A_114, %dma_start3A] : memref<2x100000x16xf32, #tpu.memory_space<hbm>> -> memref<1x1000x16xf32, #tpu.memory_space<hbm>>
        %dma_start3A_119 = tpu.memref_squeeze %dma_start3A_118 : memref<1x1000x16xf32, #tpu.memory_space<hbm>> -> memref<1000x16xf32, #tpu.memory_space<hbm>>
        %dma_start3A_120 = arith.constant 0 : i32
        %dma_start3A_121 = tpu.memref_slice %arg7[%mul3A_114, %dma_start3A_120] : memref<100224x16xf32, #tpu.memory_space<vmem_shared>> -> memref<1000x16xf32, #tpu.memory_space<vmem_shared>>
        tpu.enqueue_dma source(%dma_start3A_121 : memref<1000x16xf32, #tpu.memory_space<vmem_shared>>) target(%dma_start3A_119 : memref<1000x16xf32, #tpu.memory_space<hbm>>) target_semaphore(%run_scoped3A : memref<!tpu.dma_semaphore, #tpu.memory_space<semaphore_mem>>)
        %dma_wait3A = arith.constant 0 : i32
        %dma_wait3A_122 = tpu.memref_slice %arg5[%arg0, %mul3A_114, %dma_wait3A] : memref<2x100000x16xf32, #tpu.memory_space<hbm>> -> memref<1x1000x16xf32, #tpu.memory_space<hbm>>
        %dma_wait3A_123 = tpu.memref_squeeze %dma_wait3A_122 : memref<1x1000x16xf32, #tpu.memory_space<hbm>> -> memref<1000x16xf32, #tpu.memory_space<hbm>>
        %dma_wait3A_124 = arith.constant 0 : i32
        %dma_wait3A_125 = tpu.memref_slice %arg7[%mul3A_114, %dma_wait3A_124] : memref<100224x16xf32, #tpu.memory_space<vmem_shared>> -> memref<1000x16xf32, #tpu.memory_space<vmem_shared>>
        tpu.wait_dma2 semaphore(%run_scoped3A : memref<!tpu.dma_semaphore, #tpu.memory_space<semaphore_mem>>) src(%dma_wait3A_125 : memref<1000x16xf32, #tpu.memory_space<vmem_shared>>) dst(%dma_wait3A_123 : memref<1000x16xf32, #tpu.memory_space<hbm>>)
        tpu.yield
      }) : () -> ()
      %mul3A_115 = arith.constant 100000 : i32
      %mul3A_116 = arith.muli %arg0, %mul3A_115 : i32
      %add3A_117 = arith.addi %mul3A_116, %mul3A_114 : i32
      "tpu.region"() ({
        %run_scoped3A = tpu.sem_alloc : memref<!tpu.dma_semaphore, #tpu.memory_space<semaphore_mem>>
        %dma_start3A = tpu.memref_slice %arg6[%add3A_117] : memref<200000xf32, #tpu.memory_space<hbm>> -> memref<1000xf32, #tpu.memory_space<hbm>>
        %dma_start3A_118 = tpu.memref_slice %arg13[%mul3A_114] : memref<100224xf32, #tpu.memory_space<vmem_shared>> -> memref<1000xf32, #tpu.memory_space<vmem_shared>>
        tpu.enqueue_dma source(%dma_start3A_118 : memref<1000xf32, #tpu.memory_space<vmem_shared>>) target(%dma_start3A : memref<1000xf32, #tpu.memory_space<hbm>>) target_semaphore(%run_scoped3A : memref<!tpu.dma_semaphore, #tpu.memory_space<semaphore_mem>>)
        %dma_wait3A = tpu.memref_slice %arg6[%add3A_117] : memref<200000xf32, #tpu.memory_space<hbm>> -> memref<1000xf32, #tpu.memory_space<hbm>>
        %dma_wait3A_119 = tpu.memref_slice %arg13[%mul3A_114] : memref<100224xf32, #tpu.memory_space<vmem_shared>> -> memref<1000xf32, #tpu.memory_space<vmem_shared>>
        tpu.wait_dma2 semaphore(%run_scoped3A : memref<!tpu.dma_semaphore, #tpu.memory_space<semaphore_mem>>) src(%dma_wait3A_119 : memref<1000xf32, #tpu.memory_space<vmem_shared>>) dst(%dma_wait3A : memref<1000xf32, #tpu.memory_space<hbm>>)
        tpu.yield
      }) : () -> ()
    } else {
    }
    %add3A_106 = arith.constant 96 : i32
    %add3A_107 = arith.addi %add3A_106, %arg1 : i32
    %lt3A_108 = arith.constant 100 : i32
    %lt3A_109 = arith.cmpi slt, %add3A_107, %lt3A_108 : i32
    %convert_element_type3A_110 = arith.extui %lt3A_109 : i1 to i32
    %cond3A_111 = arith.constant 0 : i32
    %cond3A_112 = arith.cmpi ne, %convert_element_type3A_110, %cond3A_111 : i32
    scf.if %cond3A_112 {
      %mul3A_113 = arith.constant 1000 : i32
      %mul3A_114 = arith.muli %add3A_107, %mul3A_113 : i32
      "tpu.region"() ({
        %run_scoped3A = tpu.sem_alloc : memref<!tpu.dma_semaphore, #tpu.memory_space<semaphore_mem>>
        %dma_start3A = arith.constant 0 : i32
        %dma_start3A_118 = tpu.memref_slice %arg5[%arg0, %mul3A_114, %dma_start3A] : memref<2x100000x16xf32, #tpu.memory_space<hbm>> -> memref<1x1000x16xf32, #tpu.memory_space<hbm>>
        %dma_start3A_119 = tpu.memref_squeeze %dma_start3A_118 : memref<1x1000x16xf32, #tpu.memory_space<hbm>> -> memref<1000x16xf32, #tpu.memory_space<hbm>>
        %dma_start3A_120 = arith.constant 0 : i32
        %dma_start3A_121 = tpu.memref_slice %arg7[%mul3A_114, %dma_start3A_120] : memref<100224x16xf32, #tpu.memory_space<vmem_shared>> -> memref<1000x16xf32, #tpu.memory_space<vmem_shared>>
        tpu.enqueue_dma source(%dma_start3A_121 : memref<1000x16xf32, #tpu.memory_space<vmem_shared>>) target(%dma_start3A_119 : memref<1000x16xf32, #tpu.memory_space<hbm>>) target_semaphore(%run_scoped3A : memref<!tpu.dma_semaphore, #tpu.memory_space<semaphore_mem>>)
        %dma_wait3A = arith.constant 0 : i32
        %dma_wait3A_122 = tpu.memref_slice %arg5[%arg0, %mul3A_114, %dma_wait3A] : memref<2x100000x16xf32, #tpu.memory_space<hbm>> -> memref<1x1000x16xf32, #tpu.memory_space<hbm>>
        %dma_wait3A_123 = tpu.memref_squeeze %dma_wait3A_122 : memref<1x1000x16xf32, #tpu.memory_space<hbm>> -> memref<1000x16xf32, #tpu.memory_space<hbm>>
        %dma_wait3A_124 = arith.constant 0 : i32
        %dma_wait3A_125 = tpu.memref_slice %arg7[%mul3A_114, %dma_wait3A_124] : memref<100224x16xf32, #tpu.memory_space<vmem_shared>> -> memref<1000x16xf32, #tpu.memory_space<vmem_shared>>
        tpu.wait_dma2 semaphore(%run_scoped3A : memref<!tpu.dma_semaphore, #tpu.memory_space<semaphore_mem>>) src(%dma_wait3A_125 : memref<1000x16xf32, #tpu.memory_space<vmem_shared>>) dst(%dma_wait3A_123 : memref<1000x16xf32, #tpu.memory_space<hbm>>)
        tpu.yield
      }) : () -> ()
      %mul3A_115 = arith.constant 100000 : i32
      %mul3A_116 = arith.muli %arg0, %mul3A_115 : i32
      %add3A_117 = arith.addi %mul3A_116, %mul3A_114 : i32
      "tpu.region"() ({
        %run_scoped3A = tpu.sem_alloc : memref<!tpu.dma_semaphore, #tpu.memory_space<semaphore_mem>>
        %dma_start3A = tpu.memref_slice %arg6[%add3A_117] : memref<200000xf32, #tpu.memory_space<hbm>> -> memref<1000xf32, #tpu.memory_space<hbm>>
        %dma_start3A_118 = tpu.memref_slice %arg13[%mul3A_114] : memref<100224xf32, #tpu.memory_space<vmem_shared>> -> memref<1000xf32, #tpu.memory_space<vmem_shared>>
        tpu.enqueue_dma source(%dma_start3A_118 : memref<1000xf32, #tpu.memory_space<vmem_shared>>) target(%dma_start3A : memref<1000xf32, #tpu.memory_space<hbm>>) target_semaphore(%run_scoped3A : memref<!tpu.dma_semaphore, #tpu.memory_space<semaphore_mem>>)
        %dma_wait3A = tpu.memref_slice %arg6[%add3A_117] : memref<200000xf32, #tpu.memory_space<hbm>> -> memref<1000xf32, #tpu.memory_space<hbm>>
        %dma_wait3A_119 = tpu.memref_slice %arg13[%mul3A_114] : memref<100224xf32, #tpu.memory_space<vmem_shared>> -> memref<1000xf32, #tpu.memory_space<vmem_shared>>
        tpu.wait_dma2 semaphore(%run_scoped3A : memref<!tpu.dma_semaphore, #tpu.memory_space<semaphore_mem>>) src(%dma_wait3A_119 : memref<1000xf32, #tpu.memory_space<vmem_shared>>) dst(%dma_wait3A : memref<1000xf32, #tpu.memory_space<hbm>>)
        tpu.yield
      }) : () -> ()
    } else {
    }
    return
  }
}

#map = affine_map<(d0, d1) -> (0, 0)>
#map1 = affine_map<(d0, d1) -> (0)>
module attributes {stable_mosaic.version = 14 : i64} {
  func.func @_score(%arg0: i32, %arg1: i32, %arg2: memref<100000x16xf32, #tpu.memory_space<hbm>>, %arg3: memref<102400xi32, #tpu.memory_space<hbm>>, %arg4: memref<102400xi32, #tpu.memory_space<hbm>>, %arg5: memref<102400xf32, #tpu.memory_space<hbm>>, %arg6: memref<3200xi32, #tpu.memory_space<vmem>>, %arg7: memref<3200xi32, #tpu.memory_space<vmem>>, %arg8: memref<128x16xf32, #tpu.memory_space<vmem>>, %arg9: memref<128x16xf32, #tpu.memory_space<vmem>>, %arg10: memref<3200xf32, #tpu.memory_space<vmem>>, %arg11: memref<!tpu.dma_semaphore, #tpu.memory_space<semaphore_mem>>) attributes {dimension_semantics = [#tpu.dimension_semantics<core_parallel>, #tpu.dimension_semantics<subcore_parallel>], iteration_bounds = array<i64: 2, 16>, scalar_prefetch = 0 : i64, scratch_operands = 6 : i64, tpu.core_type = #tpu.core_type<sc_vector_subcore>, window_params = [{transform_indices = #map}, {transform_indices = #map1}, {transform_indices = #map1}, {transform_indices = #map1}]} {
    %mul3A = arith.constant 16 : i32
    %mul3A_0 = arith.muli %arg0, %mul3A : i32
    %add3A = arith.addi %mul3A_0, %arg1 : i32
    %mul3A_1 = arith.constant 3200 : i32
    %mul3A_2 = arith.muli %add3A, %mul3A_1 : i32
    "tpu.region"() ({
      %run_scoped3A = tpu.sem_alloc : memref<!tpu.dma_semaphore, #tpu.memory_space<semaphore_mem>>
      %dma_start3A = tpu.memref_slice %arg3[%mul3A_2] : memref<102400xi32, #tpu.memory_space<hbm>> -> memref<3200xi32, #tpu.memory_space<hbm>>
      %dma_start3A_8 = tpu.memref_slice %arg3[%mul3A_2] : memref<102400xi32, #tpu.memory_space<hbm>> -> memref<3200xi32, #tpu.memory_space<hbm>>
      tpu.enqueue_dma source(%dma_start3A_8 : memref<3200xi32, #tpu.memory_space<hbm>>) target(%arg6 : memref<3200xi32, #tpu.memory_space<vmem>>) target_semaphore(%run_scoped3A : memref<!tpu.dma_semaphore, #tpu.memory_space<semaphore_mem>>)
      %dma_wait3A = tpu.memref_slice %arg3[%mul3A_2] : memref<102400xi32, #tpu.memory_space<hbm>> -> memref<3200xi32, #tpu.memory_space<hbm>>
      %dma_wait3A_9 = tpu.memref_slice %arg3[%mul3A_2] : memref<102400xi32, #tpu.memory_space<hbm>> -> memref<3200xi32, #tpu.memory_space<hbm>>
      tpu.wait_dma2 semaphore(%run_scoped3A : memref<!tpu.dma_semaphore, #tpu.memory_space<semaphore_mem>>) src(%dma_wait3A_9 : memref<3200xi32, #tpu.memory_space<hbm>>) dst(%arg6 : memref<3200xi32, #tpu.memory_space<vmem>>)
      tpu.yield
    }) : () -> ()
    "tpu.region"() ({
      %run_scoped3A = tpu.sem_alloc : memref<!tpu.dma_semaphore, #tpu.memory_space<semaphore_mem>>
      %dma_start3A = tpu.memref_slice %arg4[%mul3A_2] : memref<102400xi32, #tpu.memory_space<hbm>> -> memref<3200xi32, #tpu.memory_space<hbm>>
      %dma_start3A_8 = tpu.memref_slice %arg4[%mul3A_2] : memref<102400xi32, #tpu.memory_space<hbm>> -> memref<3200xi32, #tpu.memory_space<hbm>>
      tpu.enqueue_dma source(%dma_start3A_8 : memref<3200xi32, #tpu.memory_space<hbm>>) target(%arg7 : memref<3200xi32, #tpu.memory_space<vmem>>) target_semaphore(%run_scoped3A : memref<!tpu.dma_semaphore, #tpu.memory_space<semaphore_mem>>)
      %dma_wait3A = tpu.memref_slice %arg4[%mul3A_2] : memref<102400xi32, #tpu.memory_space<hbm>> -> memref<3200xi32, #tpu.memory_space<hbm>>
      %dma_wait3A_9 = tpu.memref_slice %arg4[%mul3A_2] : memref<102400xi32, #tpu.memory_space<hbm>> -> memref<3200xi32, #tpu.memory_space<hbm>>
      tpu.wait_dma2 semaphore(%run_scoped3A : memref<!tpu.dma_semaphore, #tpu.memory_space<semaphore_mem>>) src(%dma_wait3A_9 : memref<3200xi32, #tpu.memory_space<hbm>>) dst(%arg7 : memref<3200xi32, #tpu.memory_space<vmem>>)
      tpu.yield
    }) : () -> ()
    %scan3A = arith.constant 0 : i32
    %scan3A_3 = arith.constant 0 : i32
    %scan3A_4 = arith.constant 25 : i32
    %scan3A_5 = arith.addi %scan3A_3, %scan3A_4 : i32
    %scan3A_6 = arith.constant 1 : i32
    scf.for %scan3A_8 = %scan3A_3 to %scan3A_5 step %scan3A_6  : i32 {
      %mul3A_9 = arith.constant 128 : i32
      %mul3A_10 = arith.muli %scan3A_8, %mul3A_9 : i32
      %dma_start3A = tpu.memref_slice %arg6[%mul3A_10] : memref<3200xi32, #tpu.memory_space<vmem>> -> memref<128xi32, #tpu.memory_space<vmem>>
      %dma_start3A_11 = arith.constant 0 : i32
      %dma_start3A_12 = arith.constant 0 : i32
      %dma_start3A_13 = tpu.memref_slice %arg2[%dma_start3A_11, %dma_start3A_12] : memref<100000x16xf32, #tpu.memory_space<hbm>> -> memref<100000x16xf32, #tpu.memory_space<hbm>>
      tpu.enqueue_indirect_dma source(%dma_start3A_13 : memref<100000x16xf32, #tpu.memory_space<hbm>>) target(%arg8 : memref<128x16xf32, #tpu.memory_space<vmem>>) offsets(%dma_start3A : memref<128xi32, #tpu.memory_space<vmem>>) semaphore(%arg11 : memref<!tpu.dma_semaphore, #tpu.memory_space<semaphore_mem>>)
      %mul3A_14 = arith.constant 128 : i32
      %mul3A_15 = arith.muli %scan3A_8, %mul3A_14 : i32
      %dma_start3A_16 = tpu.memref_slice %arg7[%mul3A_15] : memref<3200xi32, #tpu.memory_space<vmem>> -> memref<128xi32, #tpu.memory_space<vmem>>
      %dma_start3A_17 = arith.constant 0 : i32
      %dma_start3A_18 = arith.constant 0 : i32
      %dma_start3A_19 = tpu.memref_slice %arg2[%dma_start3A_17, %dma_start3A_18] : memref<100000x16xf32, #tpu.memory_space<hbm>> -> memref<100000x16xf32, #tpu.memory_space<hbm>>
      tpu.enqueue_indirect_dma source(%dma_start3A_19 : memref<100000x16xf32, #tpu.memory_space<hbm>>) target(%arg9 : memref<128x16xf32, #tpu.memory_space<vmem>>) offsets(%dma_start3A_16 : memref<128xi32, #tpu.memory_space<vmem>>) semaphore(%arg11 : memref<!tpu.dma_semaphore, #tpu.memory_space<semaphore_mem>>)
      %dma_wait3A = tpu.memref_slice %arg6[%mul3A_10] : memref<3200xi32, #tpu.memory_space<vmem>> -> memref<128xi32, #tpu.memory_space<vmem>>
      %dma_wait3A_20 = arith.constant 0 : i32
      %dma_wait3A_21 = arith.constant 0 : i32
      %dma_wait3A_22 = tpu.memref_slice %arg2[%dma_wait3A_20, %dma_wait3A_21] : memref<100000x16xf32, #tpu.memory_space<hbm>> -> memref<100000x16xf32, #tpu.memory_space<hbm>>
      tpu.wait_indirect_dma semaphore(%arg11 : memref<!tpu.dma_semaphore, #tpu.memory_space<semaphore_mem>>) src(%dma_wait3A_22 : memref<100000x16xf32, #tpu.memory_space<hbm>>) dst(%arg8 : memref<128x16xf32, #tpu.memory_space<vmem>>)
      %dma_wait3A_23 = tpu.memref_slice %arg7[%mul3A_15] : memref<3200xi32, #tpu.memory_space<vmem>> -> memref<128xi32, #tpu.memory_space<vmem>>
      %dma_wait3A_24 = arith.constant 0 : i32
      %dma_wait3A_25 = arith.constant 0 : i32
      %dma_wait3A_26 = tpu.memref_slice %arg2[%dma_wait3A_24, %dma_wait3A_25] : memref<100000x16xf32, #tpu.memory_space<hbm>> -> memref<100000x16xf32, #tpu.memory_space<hbm>>
      tpu.wait_indirect_dma semaphore(%arg11 : memref<!tpu.dma_semaphore, #tpu.memory_space<semaphore_mem>>) src(%dma_wait3A_26 : memref<100000x16xf32, #tpu.memory_space<hbm>>) dst(%arg9 : memref<128x16xf32, #tpu.memory_space<vmem>>)
      %scan3A_27 = arith.constant 0 : i32
      %scan3A_28 = arith.constant 0 : i32
      %scan3A_29 = arith.constant 8 : i32
      %scan3A_30 = arith.addi %scan3A_28, %scan3A_29 : i32
      %scan3A_31 = arith.constant 1 : i32
      scf.for %scan3A_33 = %scan3A_28 to %scan3A_30 step %scan3A_31  : i32 {
        %mul3A_34 = arith.constant 16 : i32
        %mul3A_35 = arith.muli %scan3A_33, %mul3A_34 : i32
        %iota3A = tpu.iota {dimensions = array<i32: 0>} : vector<16xi32>
        %add3A_36 = vector.broadcast %mul3A_35 : i32 to vector<16xi32>
        %add3A_37 = arith.addi %add3A_36, %iota3A : vector<16xi32>
        %broadcast_in_dim3A = arith.constant 0.000000e+00 : f32
        %broadcast_in_dim3A_38 = vector.broadcast %broadcast_in_dim3A : f32 to vector<16xf32>
        %broadcast_in_dim3A_39 = arith.constant 0 : i32
        %broadcast_in_dim3A_40 = vector.broadcast %broadcast_in_dim3A_39 : i32 to vector<16xi32>
        %gather3A = tpu.vector_load_idx %arg8[%add3A_37, %broadcast_in_dim3A_40] : memref<128x16xf32, #tpu.memory_space<vmem>>[vector<16xi32>, vector<16xi32>], vector<16xf32>,
        %gather3A_41 = tpu.vector_load_idx %arg9[%add3A_37, %broadcast_in_dim3A_40] : memref<128x16xf32, #tpu.memory_space<vmem>>[vector<16xi32>, vector<16xi32>], vector<16xf32>,
        %mul3A_42 = arith.mulf %gather3A, %gather3A_41 : vector<16xf32>
        %add3A_43 = arith.addf %broadcast_in_dim3A_38, %mul3A_42 : vector<16xf32>
        %broadcast_in_dim3A_44 = arith.constant 1 : i32
        %broadcast_in_dim3A_45 = vector.broadcast %broadcast_in_dim3A_44 : i32 to vector<16xi32>
        %gather3A_46 = tpu.vector_load_idx %arg8[%add3A_37, %broadcast_in_dim3A_45] : memref<128x16xf32, #tpu.memory_space<vmem>>[vector<16xi32>, vector<16xi32>], vector<16xf32>,
        %gather3A_47 = tpu.vector_load_idx %arg9[%add3A_37, %broadcast_in_dim3A_45] : memref<128x16xf32, #tpu.memory_space<vmem>>[vector<16xi32>, vector<16xi32>], vector<16xf32>,
        %mul3A_48 = arith.mulf %gather3A_46, %gather3A_47 : vector<16xf32>
        %add3A_49 = arith.addf %add3A_43, %mul3A_48 : vector<16xf32>
        %broadcast_in_dim3A_50 = arith.constant 2 : i32
        %broadcast_in_dim3A_51 = vector.broadcast %broadcast_in_dim3A_50 : i32 to vector<16xi32>
        %gather3A_52 = tpu.vector_load_idx %arg8[%add3A_37, %broadcast_in_dim3A_51] : memref<128x16xf32, #tpu.memory_space<vmem>>[vector<16xi32>, vector<16xi32>], vector<16xf32>,
        %gather3A_53 = tpu.vector_load_idx %arg9[%add3A_37, %broadcast_in_dim3A_51] : memref<128x16xf32, #tpu.memory_space<vmem>>[vector<16xi32>, vector<16xi32>], vector<16xf32>,
        %mul3A_54 = arith.mulf %gather3A_52, %gather3A_53 : vector<16xf32>
        %add3A_55 = arith.addf %add3A_49, %mul3A_54 : vector<16xf32>
        %broadcast_in_dim3A_56 = arith.constant 3 : i32
        %broadcast_in_dim3A_57 = vector.broadcast %broadcast_in_dim3A_56 : i32 to vector<16xi32>
        %gather3A_58 = tpu.vector_load_idx %arg8[%add3A_37, %broadcast_in_dim3A_57] : memref<128x16xf32, #tpu.memory_space<vmem>>[vector<16xi32>, vector<16xi32>], vector<16xf32>,
        %gather3A_59 = tpu.vector_load_idx %arg9[%add3A_37, %broadcast_in_dim3A_57] : memref<128x16xf32, #tpu.memory_space<vmem>>[vector<16xi32>, vector<16xi32>], vector<16xf32>,
        %mul3A_60 = arith.mulf %gather3A_58, %gather3A_59 : vector<16xf32>
        %add3A_61 = arith.addf %add3A_55, %mul3A_60 : vector<16xf32>
        %broadcast_in_dim3A_62 = arith.constant 4 : i32
        %broadcast_in_dim3A_63 = vector.broadcast %broadcast_in_dim3A_62 : i32 to vector<16xi32>
        %gather3A_64 = tpu.vector_load_idx %arg8[%add3A_37, %broadcast_in_dim3A_63] : memref<128x16xf32, #tpu.memory_space<vmem>>[vector<16xi32>, vector<16xi32>], vector<16xf32>,
        %gather3A_65 = tpu.vector_load_idx %arg9[%add3A_37, %broadcast_in_dim3A_63] : memref<128x16xf32, #tpu.memory_space<vmem>>[vector<16xi32>, vector<16xi32>], vector<16xf32>,
        %mul3A_66 = arith.mulf %gather3A_64, %gather3A_65 : vector<16xf32>
        %add3A_67 = arith.addf %add3A_61, %mul3A_66 : vector<16xf32>
        %broadcast_in_dim3A_68 = arith.constant 5 : i32
        %broadcast_in_dim3A_69 = vector.broadcast %broadcast_in_dim3A_68 : i32 to vector<16xi32>
        %gather3A_70 = tpu.vector_load_idx %arg8[%add3A_37, %broadcast_in_dim3A_69] : memref<128x16xf32, #tpu.memory_space<vmem>>[vector<16xi32>, vector<16xi32>], vector<16xf32>,
        %gather3A_71 = tpu.vector_load_idx %arg9[%add3A_37, %broadcast_in_dim3A_69] : memref<128x16xf32, #tpu.memory_space<vmem>>[vector<16xi32>, vector<16xi32>], vector<16xf32>,
        %mul3A_72 = arith.mulf %gather3A_70, %gather3A_71 : vector<16xf32>
        %add3A_73 = arith.addf %add3A_67, %mul3A_72 : vector<16xf32>
        %broadcast_in_dim3A_74 = arith.constant 6 : i32
        %broadcast_in_dim3A_75 = vector.broadcast %broadcast_in_dim3A_74 : i32 to vector<16xi32>
        %gather3A_76 = tpu.vector_load_idx %arg8[%add3A_37, %broadcast_in_dim3A_75] : memref<128x16xf32, #tpu.memory_space<vmem>>[vector<16xi32>, vector<16xi32>], vector<16xf32>,
        %gather3A_77 = tpu.vector_load_idx %arg9[%add3A_37, %broadcast_in_dim3A_75] : memref<128x16xf32, #tpu.memory_space<vmem>>[vector<16xi32>, vector<16xi32>], vector<16xf32>,
        %mul3A_78 = arith.mulf %gather3A_76, %gather3A_77 : vector<16xf32>
        %add3A_79 = arith.addf %add3A_73, %mul3A_78 : vector<16xf32>
        %broadcast_in_dim3A_80 = arith.constant 7 : i32
        %broadcast_in_dim3A_81 = vector.broadcast %broadcast_in_dim3A_80 : i32 to vector<16xi32>
        %gather3A_82 = tpu.vector_load_idx %arg8[%add3A_37, %broadcast_in_dim3A_81] : memref<128x16xf32, #tpu.memory_space<vmem>>[vector<16xi32>, vector<16xi32>], vector<16xf32>,
        %gather3A_83 = tpu.vector_load_idx %arg9[%add3A_37, %broadcast_in_dim3A_81] : memref<128x16xf32, #tpu.memory_space<vmem>>[vector<16xi32>, vector<16xi32>], vector<16xf32>,
        %mul3A_84 = arith.mulf %gather3A_82, %gather3A_83 : vector<16xf32>
        %add3A_85 = arith.addf %add3A_79, %mul3A_84 : vector<16xf32>
        %broadcast_in_dim3A_86 = arith.constant 8 : i32
        %broadcast_in_dim3A_87 = vector.broadcast %broadcast_in_dim3A_86 : i32 to vector<16xi32>
        %gather3A_88 = tpu.vector_load_idx %arg8[%add3A_37, %broadcast_in_dim3A_87] : memref<128x16xf32, #tpu.memory_space<vmem>>[vector<16xi32>, vector<16xi32>], vector<16xf32>,
        %gather3A_89 = tpu.vector_load_idx %arg9[%add3A_37, %broadcast_in_dim3A_87] : memref<128x16xf32, #tpu.memory_space<vmem>>[vector<16xi32>, vector<16xi32>], vector<16xf32>,
        %mul3A_90 = arith.mulf %gather3A_88, %gather3A_89 : vector<16xf32>
        %add3A_91 = arith.addf %add3A_85, %mul3A_90 : vector<16xf32>
        %broadcast_in_dim3A_92 = arith.constant 9 : i32
        %broadcast_in_dim3A_93 = vector.broadcast %broadcast_in_dim3A_92 : i32 to vector<16xi32>
        %gather3A_94 = tpu.vector_load_idx %arg8[%add3A_37, %broadcast_in_dim3A_93] : memref<128x16xf32, #tpu.memory_space<vmem>>[vector<16xi32>, vector<16xi32>], vector<16xf32>,
        %gather3A_95 = tpu.vector_load_idx %arg9[%add3A_37, %broadcast_in_dim3A_93] : memref<128x16xf32, #tpu.memory_space<vmem>>[vector<16xi32>, vector<16xi32>], vector<16xf32>,
        %mul3A_96 = arith.mulf %gather3A_94, %gather3A_95 : vector<16xf32>
        %add3A_97 = arith.addf %add3A_91, %mul3A_96 : vector<16xf32>
        %broadcast_in_dim3A_98 = arith.constant 10 : i32
        %broadcast_in_dim3A_99 = vector.broadcast %broadcast_in_dim3A_98 : i32 to vector<16xi32>
        %gather3A_100 = tpu.vector_load_idx %arg8[%add3A_37, %broadcast_in_dim3A_99] : memref<128x16xf32, #tpu.memory_space<vmem>>[vector<16xi32>, vector<16xi32>], vector<16xf32>,
        %gather3A_101 = tpu.vector_load_idx %arg9[%add3A_37, %broadcast_in_dim3A_99] : memref<128x16xf32, #tpu.memory_space<vmem>>[vector<16xi32>, vector<16xi32>], vector<16xf32>,
        %mul3A_102 = arith.mulf %gather3A_100, %gather3A_101 : vector<16xf32>
        %add3A_103 = arith.addf %add3A_97, %mul3A_102 : vector<16xf32>
        %broadcast_in_dim3A_104 = arith.constant 11 : i32
        %broadcast_in_dim3A_105 = vector.broadcast %broadcast_in_dim3A_104 : i32 to vector<16xi32>
        %gather3A_106 = tpu.vector_load_idx %arg8[%add3A_37, %broadcast_in_dim3A_105] : memref<128x16xf32, #tpu.memory_space<vmem>>[vector<16xi32>, vector<16xi32>], vector<16xf32>,
        %gather3A_107 = tpu.vector_load_idx %arg9[%add3A_37, %broadcast_in_dim3A_105] : memref<128x16xf32, #tpu.memory_space<vmem>>[vector<16xi32>, vector<16xi32>], vector<16xf32>,
        %mul3A_108 = arith.mulf %gather3A_106, %gather3A_107 : vector<16xf32>
        %add3A_109 = arith.addf %add3A_103, %mul3A_108 : vector<16xf32>
        %broadcast_in_dim3A_110 = arith.constant 12 : i32
        %broadcast_in_dim3A_111 = vector.broadcast %broadcast_in_dim3A_110 : i32 to vector<16xi32>
        %gather3A_112 = tpu.vector_load_idx %arg8[%add3A_37, %broadcast_in_dim3A_111] : memref<128x16xf32, #tpu.memory_space<vmem>>[vector<16xi32>, vector<16xi32>], vector<16xf32>,
        %gather3A_113 = tpu.vector_load_idx %arg9[%add3A_37, %broadcast_in_dim3A_111] : memref<128x16xf32, #tpu.memory_space<vmem>>[vector<16xi32>, vector<16xi32>], vector<16xf32>,
        %mul3A_114 = arith.mulf %gather3A_112, %gather3A_113 : vector<16xf32>
        %add3A_115 = arith.addf %add3A_109, %mul3A_114 : vector<16xf32>
        %broadcast_in_dim3A_116 = arith.constant 13 : i32
        %broadcast_in_dim3A_117 = vector.broadcast %broadcast_in_dim3A_116 : i32 to vector<16xi32>
        %gather3A_118 = tpu.vector_load_idx %arg8[%add3A_37, %broadcast_in_dim3A_117] : memref<128x16xf32, #tpu.memory_space<vmem>>[vector<16xi32>, vector<16xi32>], vector<16xf32>,
        %gather3A_119 = tpu.vector_load_idx %arg9[%add3A_37, %broadcast_in_dim3A_117] : memref<128x16xf32, #tpu.memory_space<vmem>>[vector<16xi32>, vector<16xi32>], vector<16xf32>,
        %mul3A_120 = arith.mulf %gather3A_118, %gather3A_119 : vector<16xf32>
        %add3A_121 = arith.addf %add3A_115, %mul3A_120 : vector<16xf32>
        %broadcast_in_dim3A_122 = arith.constant 14 : i32
        %broadcast_in_dim3A_123 = vector.broadcast %broadcast_in_dim3A_122 : i32 to vector<16xi32>
        %gather3A_124 = tpu.vector_load_idx %arg8[%add3A_37, %broadcast_in_dim3A_123] : memref<128x16xf32, #tpu.memory_space<vmem>>[vector<16xi32>, vector<16xi32>], vector<16xf32>,
        %gather3A_125 = tpu.vector_load_idx %arg9[%add3A_37, %broadcast_in_dim3A_123] : memref<128x16xf32, #tpu.memory_space<vmem>>[vector<16xi32>, vector<16xi32>], vector<16xf32>,
        %mul3A_126 = arith.mulf %gather3A_124, %gather3A_125 : vector<16xf32>
        %add3A_127 = arith.addf %add3A_121, %mul3A_126 : vector<16xf32>
        %broadcast_in_dim3A_128 = arith.constant 15 : i32
        %broadcast_in_dim3A_129 = vector.broadcast %broadcast_in_dim3A_128 : i32 to vector<16xi32>
        %gather3A_130 = tpu.vector_load_idx %arg8[%add3A_37, %broadcast_in_dim3A_129] : memref<128x16xf32, #tpu.memory_space<vmem>>[vector<16xi32>, vector<16xi32>], vector<16xf32>,
        %gather3A_131 = tpu.vector_load_idx %arg9[%add3A_37, %broadcast_in_dim3A_129] : memref<128x16xf32, #tpu.memory_space<vmem>>[vector<16xi32>, vector<16xi32>], vector<16xf32>,
        %mul3A_132 = arith.mulf %gather3A_130, %gather3A_131 : vector<16xf32>
        %add3A_133 = arith.addf %add3A_127, %mul3A_132 : vector<16xf32>
        %neg3A = arith.constant 0.000000e+00 : f32
        %neg3A_134 = vector.broadcast %neg3A : f32 to vector<16xf32>
        %neg3A_135 = arith.subf %neg3A_134, %add3A_133 : vector<16xf32>
        %exp3A = math.exp %neg3A_135 : vector<16xf32>
        %add3A_136 = arith.constant 1.000000e+00 : f32
        %add3A_137 = vector.broadcast %add3A_136 : f32 to vector<16xf32>
        %add3A_138 = arith.addf %add3A_137, %exp3A : vector<16xf32>
        %div3A = arith.constant 1.000000e+00 : f32
        %div3A_139 = vector.broadcast %div3A : f32 to vector<16xf32>
        %div3A_140 = arith.divf %div3A_139, %add3A_138 : vector<16xf32>
        %mul3A_141 = arith.constant 128 : i32
        %mul3A_142 = arith.muli %scan3A_8, %mul3A_141 : i32
        %mul3A_143 = arith.constant 16 : i32
        %mul3A_144 = arith.muli %scan3A_33, %mul3A_143 : i32
        %add3A_145 = arith.addi %mul3A_142, %mul3A_144 : i32
        %swap3A = arith.index_cast %add3A_145 : i32 to index
        %swap3A_146 = tpu.vector_load %arg10[%swap3A] {strides = array<i32>} : memref<3200xf32, #tpu.memory_space<vmem>>, vector<16xf32>,
        tpu.vector_store %arg10[%swap3A], %div3A_140 {strides = array<i32>} : memref<3200xf32, #tpu.memory_space<vmem>>, vector<16xf32>,
      }
      %scan3A_32 = arith.constant 8 : i32
    }
    %scan3A_7 = arith.constant 25 : i32
    "tpu.region"() ({
      %run_scoped3A = tpu.sem_alloc : memref<!tpu.dma_semaphore, #tpu.memory_space<semaphore_mem>>
      %dma_start3A = tpu.memref_slice %arg5[%mul3A_2] : memref<102400xf32, #tpu.memory_space<hbm>> -> memref<3200xf32, #tpu.memory_space<hbm>>
      %dma_start3A_8 = tpu.memref_slice %arg5[%mul3A_2] : memref<102400xf32, #tpu.memory_space<hbm>> -> memref<3200xf32, #tpu.memory_space<hbm>>
      tpu.enqueue_dma source(%arg10 : memref<3200xf32, #tpu.memory_space<vmem>>) target(%dma_start3A_8 : memref<3200xf32, #tpu.memory_space<hbm>>) target_semaphore(%run_scoped3A : memref<!tpu.dma_semaphore, #tpu.memory_space<semaphore_mem>>)
      %dma_wait3A = tpu.memref_slice %arg5[%mul3A_2] : memref<102400xf32, #tpu.memory_space<hbm>> -> memref<3200xf32, #tpu.memory_space<hbm>>
      %dma_wait3A_9 = tpu.memref_slice %arg5[%mul3A_2] : memref<102400xf32, #tpu.memory_space<hbm>> -> memref<3200xf32, #tpu.memory_space<hbm>>
      tpu.wait_dma2 semaphore(%run_scoped3A : memref<!tpu.dma_semaphore, #tpu.memory_space<semaphore_mem>>) src(%arg10 : memref<3200xf32, #tpu.memory_space<vmem>>) dst(%dma_wait3A_9 : memref<3200xf32, #tpu.memory_space<hbm>>)
      tpu.yield
    }) : () -> ()
    return
  }
}

</mosaic_0001>

<sc_bundles>
// kernel: kernel.10.cloned.1.call-start
scs
__scs_entry_jumppad:
0x0: {  	(pc) =	sbr.rel $0x88, $3  }
0x1: {  	(tag) =	ssettag $0x0;
	lr =	simm.s32 $0x1  }
0x2: {  	[smem:$0x3F9E] =	sst lr;
	_ =	strace $0xD0000000  }
0x3: {  	_ = 	snop  }
0x4: {  	_ = 	snop  }
0x5: {  	_ = 	snop  }
0x6: {  	_ = 	snop  }
0x7: {  	_ = 	snop  }
__scs_overlays_trampoline_lowered:
0x8: {  	[smem:$0x3FAD] =	sst s0  }
0x9: {  	[smem:$0x3FAE] =	sst s1  }
0xa: {  	[smem:$0x3FAF] =	sst s2  }
0xb: {  	[smem:$0x3FB0] =	sst s3  }
0xc: {  	[smem:$0x3FB1] =	sst s4  }
0xd: {  	[smem:$0x3FB2] =	sst s5  }
0xe: {  	[smem:$0x3FB3] =	sst s6  }
0xf: {  	[smem:$0x3FB4] =	sst s7  }
0x10: {  	[smem:$0x3FB5] =	sst s8  }
0x11: {  	[smem:$0x3FB6] =	sst s9;
	s0 =	simm.s32 @!p0 $0x0  }
0x12: {  	s1 =	sld [smem:$0x3F9C];
	s0 =	simm.s32 @p0 $0x1  }
0x13: {  	[smem:$0x3FB7] =	sst s0;
	s0 =	simm.s32 @!p1 $0x0  }
0x14: {  	s2 =	sld [smem:$0x3F9B];
	s0 =	simm.s32 @p1 $0x1  }
0x15: {  	[smem:$0x3FB8] =	sst s0;
	s0 =	simm.s32 @!p2 $0x0  }
0x16: {  	s3 =	sld [smem:$0x3FDB];
	s0 =	simm.s32 @p2 $0x1  }
0x17: {  	s4 =	simm.s32 $0x1BF5;
	[smem:$0x3FBA] =	sst s0  }
0x18: {  	s0 =	sld [smem:$0x3F9D];
	_ =	swait.ge [sflag:s4], $0x0  }
0x19: {  	s7 =	sld [smem:$0x3F9E]  }
0x1a: {  	s8 =	sadd.s32 $0xFFFFE003, lr  }
0x1b: {  	s9 =	sadd.s32 $0xFFFFFEF7, lr;
	s5 =	simm.s32 $0xFFFFFFFF;
	p2 =	slt.u32 s8, $0xFFFFF086  }
0x1c: {  	p1 =	slt.u32 s9, $0xF7A;
	s5 =	simm.s32 @!p2 $0x0  }
0x1d: {  	s5 =	simm.s32 @p1 $0x1;
	p0 =	seq.s32 s7, s2  }
0x1e: {  	s7 =	smul.u32 @!p0 $0xF7A, s2;
	p2 =	seq.s32 @!p0 s5, $0x0  }
0x1f: {  	s9 =	smul.u32 $0xF7A, s1;
	s8 =	simm.s32 @!p0 $0x1BF5;
	p2 =	por !p2, p0  }
0x20: {  	[sflag:s8] =	ssyncset.s32 @!p0 $0xFFFFF086;
	s6 =	sadd.s32 @!p0 s3, s7;
	s7 =	simm.s32 @!p0 $0x108  }
0x21: {  	s3 =	sadd.s32 s3, s9;
	s6 =	sadd.s32 @!p0 $0x88, s6;
	s7 =	simm.s32 @p2 $0x1082  }
0x22: {  	[simem:s7], [sflag:s8] =	dma.local @!p0 [hbm:s6], $0xF7A  }
0x23: {  	s9 =	sor.u32 $0xD0000000, s2;
	s6 =	simm.s32 $0x108;
	_ =	swait.ge @!p0 [sflag:s8], $0x0  }
0x24: {  	s3 =	sadd.s32 $0x88, s3;
	s6 =	simm.s32 @!p1 $0x1082;
	[sflag:s4] =	ssyncset.s32 $0xFFFFF086  }
0x25: {  	[simem:s6], [sflag:s4] =	dma.local [hbm:s3], $0xF7A  }
0x26: {  	[smem:$0x3F9E] =	sst s1;
	(tag) =	ssettag s2;
	_ =	strace s9  }
0x27: {  	s1 =	sld [smem:$0x3FAE]  }
0x28: {  	s2 =	sld [smem:$0x3FAF]  }
0x29: {  	s4 =	sld [smem:$0x3FB1]  }
0x2a: {  	p0 =	seq.s32 s5, $0x0;
	s5 =	sld [smem:$0x3FB2]  }
0x2b: {  	s6 =	sld [smem:$0x3FB3]  }
0x2c: {  	s7 =	sld [smem:$0x3FB4]  }
0x2d: {  	s3 =	simm.s32 $0x108;
	s8 =	sld [smem:$0x3FB5]  }
0x2e: {  	s3 =	simm.s32 @!p0 $0x1082;
	s9 =	sld [smem:$0x3FB6]  }
0x2f: {  	lr =	sadd.s32 s0, s3;
	s0 =	sld [smem:$0x3FAD]  }
0x30: {  	s3 =	sld [smem:$0x3FB0]  }
0x31: {  	[smem:$0x3FB9] =	sst s10  }
0x32: {  	s10 =	sld [smem:$0x3FB7];
	_ =	sdelay $0x3  }
0x33: {  	p0 =	seq.s32 s10, $0x1;
	s10 =	sld [smem:$0x3FB9];
	_ =	sdelay $0x3  }
0x34: {  	[smem:$0x3FB9] =	sst s10  }
0x35: {  	s10 =	sld [smem:$0x3FB8];
	_ =	sdelay $0x3  }
0x36: {  	p1 =	seq.s32 s10, $0x1;
	s10 =	sld [smem:$0x3FB9];
	_ =	sdelay $0x3  }
0x37: {  	[smem:$0x3FB9] =	sst s10  }
0x38: {  	s10 =	sld [smem:$0x3FBA]  }
0x39: {  	_ = 	snop;
	(pc) =	sbr.ind lr, $3  }
0x3a: {  	_ = 	snop  }
0x3b: {  	_ = 	snop  }
0x3c: {  	p2 =	seq.s32 s10, $0x1;
	s10 =	sld [smem:$0x3FB9]  }
0x3d: {  	_ =	shalt  }
0x3e: {  	_ =	shalt  }
0x3f: {  	_ =	shalt  }
0x40: {  	_ =	shalt  }
0x41: {  	_ =	shalt  }
0x42: {  	_ =	shalt  }
0x43: {  	_ =	shalt  }
0x44: {  	_ =	shalt  }
0x45: {  	_ =	shalt  }
0x46: {  	_ =	shalt  }
0x47: {  	_ =	shalt  }
0x48: {  	_ =	shalt  }
0x49: {  	_ =	shalt  }
0x4a: {  	_ =	shalt  }
0x4b: {  	_ =	shalt  }
0x4c: {  	_ =	shalt  }
0x4d: {  	_ =	shalt  }
0x4e: {  	_ =	shalt  }
0x4f: {  	_ =	shalt  }
0x50: {  	_ =	shalt  }
0x51: {  	_ =	shalt  }
0x52: {  	_ =	shalt  }
0x53: {  	_ =	shalt  }
0x54: {  	_ =	shalt  }
0x55: {  	_ =	shalt  }
0x56: {  	_ =	shalt  }
0x57: {  	_ =	shalt  }
0x58: {  	_ =	shalt  }
0x59: {  	_ =	shalt  }
0x5a: {  	_ =	shalt  }
0x5b: {  	_ =	shalt  }
0x5c: {  	_ =	shalt  }
0x5d: {  	_ =	shalt  }
0x5e: {  	_ =	shalt  }
0x5f: {  	_ =	shalt  }
0x60: {  	_ =	shalt  }
0x61: {  	_ =	shalt  }
0x62: {  	_ =	shalt  }
0x63: {  	_ =	shalt  }
0x64: {  	_ =	shalt  }
0x65: {  	_ =	shalt  }
0x66: {  	_ =	shalt  }
0x67: {  	_ =	shalt  }
0x68: {  	_ =	shalt  }
0x69: {  	_ =	shalt  }
0x6a: {  	_ =	shalt  }
0x6b: {  	_ =	shalt  }
0x6c: {  	_ =	shalt  }
0x6d: {  	_ =	shalt  }
0x6e: {  	_ =	shalt  }
0x6f: {  	_ =	shalt  }
0x70: {  	_ =	shalt  }
0x71: {  	_ =	shalt  }
0x72: {  	_ =	shalt  }
0x73: {  	_ =	shalt  }
0x74: {  	_ =	shalt  }
0x75: {  	_ =	shalt  }
0x76: {  	_ =	shalt  }
0x77: {  	_ =	shalt  }
0x78: {  	_ =	shalt  }
0x79: {  	_ =	shalt  }
0x7a: {  	_ =	shalt  }
0x7b: {  	_ =	shalt  }
0x7c: {  	_ =	shalt  }
0x7d: {  	_ =	shalt  }
0x7e: {  	_ =	shalt  }
0x7f: {  	_ =	shalt  }
0x80: {  	_ =	shalt  }
0x81: {  	_ =	shalt  }
0x82: {  	_ =	shalt  }
0x83: {  	_ =	shalt  }
0x84: {  	_ =	shalt  }
0x85: {  	_ =	shalt  }
0x86: {  	_ =	shalt  }
0x87: {  	_ =	shalt  }
.Lfunc_end0:
.L_simem_size_0:
called_computation.1_lowered:
.L_overlay_start_0:
0x88: {  	s2 =	sld [smem:$0x3FD9]  }
0x89: {  	s3 =	sld [smem:$0x3FFE];
	_ =	sdelay $0x1  }
0x8a: {  	s1 =	srdreg.scid  }
0x8b: {  	s0 =	sand.u32 $0x1, s1  }
0x8c: {  	s17 =	sshll.u32 s0, $0xA;
	s2 =	sadd.s32 s3, s2  }
0x8d: {  	s2 =	sadd.s32 s2, s17  }
0x8e: {  	[smem:$0x3FC5] =	sst s2  }
0x8f: {  	_ = 	snop  }
0x90: {  	s2 =	sld [smem:$0x3FD0];
	(tm) =	ssettm $0x1  }
0x91: {  	s18 =	sld [smem:$0x3FFB];
	_ =	sdelay $0x3  }
0x92: {  	_ =	strace s18  }
0x93: {  	s3 =	sld [smem:$0x3FFC];
	_ =	sdelay $0x3  }
0x94: {  	_ =	strace s3  }
0x95: {  	s3 =	sld [smem:$0x3FFD];
	_ =	sdelay $0x3  }
0x96: {  	_ =	strace s3  }
0x97: {  	_ =	strace $0x8FFFFFFF  }
0x98: {  	s19 =	sld [smem:$0x3FDB];
	_ =	sdelay $0x1  }
0x99: {  	s4 =	simm.s32 $_scs_section_size  }
0x9a: {  	s5 =	simm.s32 $_size__tile_overlayer_lowered;
	s6 =	simm.s32 $_tile_overlayer_lowered  }
0x9b: {  	s22 =	simm.s32 $0x1BFF;
	s21 =	sshll.u32 s6, $0x1;
	s3 =	sadd.s32 s4, s19  }
0x9c: {  	s7 =	simm.s32 $0x0;
	s20 =	sshll.u32 s5, $0x1;
	s5 =	sadd.s32 s21, s3  }
0x9d: {  	[timem:s7], [sflag:s22] =	dma.local [hbm:s5], s20  }
0x9e: {  	_ =	swait.ge [sflag:s22], s20  }
0x9f: {  	s4 =	ssub.s32 $0x0, s20;
	[sflag:s22] =	ssyncset.done $0x0  }
0xa0: {  	[sflag:s22] =	ssyncadd.s32 s4;
	_ =	sdelay $0x1  }
0xa1: {  	s23 =	simm.s32 $0x1B8B  }
0xa2: {  	_ =	swait.ge [sflag:s23], $0x1  }
0xa3: {  	[sflag:s23] =	ssyncset.done $0x0  }
0xa4: {  	s25 =	simm.s32 $0x1B8E;
	s24 =	sld [smem:$0x3FFE];
	[sflag:s23] =	ssyncadd.s32 $0xFFFFFFFF  }
0xa5: {  	s26 =	simm.s32 $execute0_lowered;
	[smem:$0x3FD2] =	sst s25  }
0xa6: {  	s5 =	sshll.u32 s26, $0x1;
	_ =	strace $0x80000049;
	[dreg:$0x1] =	wrdreg $0xFFFFFFFF  }
0xa7: {  	s28 =	simm.s32 $_size_execute0_lowered;
	s3 =	sadd.s32 s3, s5;
	[dreg:$0x0] =	wrdreg $0x0  }
0xa8: {  	s5 =	sshll.u32 s28, $0x1;
	[dreg:$0x2] =	wrdreg s3  }
0xa9: {  	[dreg:$0x3] =	wrdreg s5  }
0xaa: {  	[dreg:$0x4] =	wrdreg $0xC0  }
0xab: {  	_ =	task [dreg:s7], $0x5FFFF  }
0xac: {  	[dreg:$0x1] =	wrdreg $0xFFFFFFFF  }
0xad: {  	[dreg:$0x0] =	wrdreg $0x60  }
0xae: {  	[dreg:$0x2] =	wrdreg s24  }
0xaf: {  	[dreg:$0x3] =	wrdreg s2  }
0xb0: {  	[dreg:$0x4] =	wrdreg $0x9  }
0xb1: {  	_ =	task.clear_ibuf [dreg:s7], $0x5FFFF;
	_ =	strace $0x90000049  }
0xb2: {  	s29 =	simm.s32 $0x9;
	_ =	strace $0x8000004B  }
0xb3: {  	_ =	swait.ge [sflag:s29], $0x1  }
0xb4: {  	[sflag:s29] =	ssyncadd.s32 $0xFFFFFFFF  }
0xb5: {  	_ =	strace $0x9000004B  }
0xb6: {  	_ =	sfence  }
0xb7: {  	s30 =	sld [smem:$0x0];
	_ =	sdelay $0x2  }
0xb8: {  	s31 =	sshll.u32 s1, $0xD;
	s1 =	sshrl.u32 s1, $0x2  }
0xb9: {  	s3 =	sand.u32 $0x4000, s31;
	s1 =	sadd.s32 s1, s30  }
0xba: {  	s0 =	sor.u32 s3, s0;
	s1 =	sshll.u32 s1, $0x11  }
0xbb: {  	s0 =	sor.u32 s1, s0  }
0xbc: {  	s0 =	sadd.s32 $0x8F2B, s0  }
0xbd: {  	[sflag:s0] =	ssyncadd.remote.s32 $0x1  }
0xbe: {  	_ =	sfence.sel $0xFFFF  }
0xbf: {  	[dreg:$0x0] =	wrdreg $0xFFFFFFFF;
	(pc) =	sbr.abs _section_cstart, $3  }
0xc0: {  	[dreg:$0x1] =	wrdreg $0xFFFFFFFF  }
0xc1: {  	_ =	task.clear_ibuf [dreg:s7], $0x2FFFF;
	_ =	strace $0x9FFFFFFF  }
0xc2: {  	(tm) =	ssettm $0x7FFFFFFF  }
0xc3: {  	_ =	shalt  }
tec
execute0_lowered:
.L_overlay_start_1:
0x0: {  	(tag) =	ssettag $0x1  }
0x1: {  	s0 =	rddreg [dreg:$0x0]  }
0x2: {  	s1 =	rddreg [dreg:$0x1]  }
0x3: {  	s2 =	srdreg.scid;
	s18 =	stileid.u32  }
0x4: {  	s29 =	simm.s32 $0x1;
	s30 =	simm.s32 $0x3E80;
	s31 =	simm.s32 $0x7D00  }
0x5: {  	s3 =	sand.u32 $0x1, s2;
	s2 =	simm.s32 $0x0;
	s6 =	sadd.s32 $0x63C00, s0  }
0x6: {  	s17 =	sadd.s32 $0xC5800, s0;
	s0 =	sadd.s32 $0xCBA00, s0;
	s4 =	sshll.u32 s3, $0x4  }
0x7: {  	[smem:$0x7FF] =	sst s2;
	s7 =	ssub.s32 $0x2, s3;
	s5 =	sor.u32 s18, s4  }
0x8: {  	_ =	strace $0x8000004A;
	s8 =	sshrl.u32 s7, $0x1;
	s4 =	smul.u32 $0x3E8, s5  }
0x9: {  	s18 =	sor.u32 $0x60, s18;
	s13 =	smul.u32 $0x3E80, s5;
	s11 =	sor.u32 $0x20, s5  }
0xa: {  	s7 =	ssub.s32 s7, s8;
	s20 =	sor.u32 $0x40, s5;
	s12 =	smul.u32 $0x3E80, s11  }
0xb: {  	p0 =	sgt.u32 s5, $0x3;
	s11 =	smul.u32 $0x3E8, s11;
	s9 =	sshrl.u32 s13, $0x3  }
0xc: {  	s25 =	smax.u32 s7, $0x1;
	s10 =	sshrl.u32 s4, $0x3;
	s3 =	sadd.s32 s6, s9  }
0xd: {  	s4 =	sadd.s32 s17, s10;
	s16 =	sadd.s32 s0, s9;
	s13 =	sshrl.u32 s12, $0x3  }
0xe: {  	s19 =	sadd.s32 s1, s10;
	s14 =	sadd.s32 $0x30D40, s3;
	[dreg:$0x5] =	wrdreg s16  }
0xf: {  	s15 =	sadd.s32 $0x30D4, s4;
	[dreg:$0x6] =	wrdreg s19;
	s16 =	smul.u32 $0x3E8, s20  }
0x10: {  	s9 =	sadd.s32 s6, s13;
	[dreg:$0x4] =	wrdreg s15;
	s15 =	smul.u32 $0x3E80, s20  }
0x11: {  	s13 =	sadd.s32 s0, s13;
	[dreg:$0x3] =	wrdreg s14;
	s20 =	smul.u32 $0x3E80, s18  }
0x12: {  	s10 =	sadd.s32 $0x30D40, s9;
	s14 =	sshrl.u32 s11, $0x3;
	s18 =	smul.u32 $0x3E8, s18  }
0x13: {  	s11 =	sadd.s32 s17, s14;
	s14 =	sadd.s32 s1, s14;
	s21 =	sshrl.u32 s16, $0x3  }
0x14: {  	s12 =	sadd.s32 $0x30D4, s11;
	s19 =	sshrl.u32 s15, $0x3;
	s20 =	sshrl.u32 s20, $0x3  }
0x15: {  	s15 =	sadd.s32 s6, s19;
	s16 =	sadd.s32 s0, s19;
	s6 =	sadd.s32 s6, s20  }
0x16: {  	s0 =	sadd.s32 s0, s20;
	s19 =	sadd.s32 s17, s21;
	s20 =	sadd.s32 s1, s21  }
0x17: {  	s21 =	sshrl.u32 s18, $0x3;
	s18 =	simm.s32 $0x84F0;
	[dreg:$0x8] =	wrdreg s0  }
.Ltmp0:
0x18: {  	s0 =	sadd.s32 s1, s21;
	[dreg:$0x7] =	wrdreg s6;
	(pc) =	sbr.rel .LBB2_1-.Ltmp0, $4  }
0x19: {  	s22 =	sadd.s32 s17, s21;
	s26 =	sadd.s32 $0x30D40, s6;
	[dreg:$0xa] =	wrdreg s0  }
0x1a: {  	s23 =	sadd.s32 $0x30D40, s15;
	s24 =	sadd.s32 $0x30D4, s19;
	[dreg:$0xb] =	wrdreg s26  }
0x1b: {  	s1 =	simm.s32 $0x88E8;
	[dreg:$0x9] =	wrdreg s22;
	s28 =	sadd.s32 $0x30D4, s22  }
0x1c: {  	s0 =	simm.s32 $0x80F8;
	s22 =	simm.s32 $0x0;
	[dreg:$0xc] =	wrdreg s28  }
.LBB2_18:
0x1d: {  	v2 =	vld [tilespmem:s28+$0x3E80]  }
0x1e: {  	[tilespmem:s26+$0x88E8] =	vst v1;
	s5 =	sadd.s32 $0x1, s21  }
0x1f: {  	v1 =	vld.msk [tilespmem:s5+$0x0 ss:$0x0], $0xffff;
	_ =	sdelay $0x2  }
0x20: {  	v0 =	vadd.f32 v2, v0;
	_ =	sdelay $0x1  }
0x21: {  	v0 =	vmul.f32 v0, v1;
	_ =	sdelay $0x1  }
0x22: {  	s26 =	rddreg [dreg:$0x8];
	[tilespmem:s28+$0x88E8] =	vst v0  }
0x23: {  	[hbm4b:s26+s2] =	stream.linear.scatter [tilespmem:s1], [sflag:$0x1], $0x3E80, $0x38;
	[tilespmem:$0xC768] =	vst v63  }
0x24: {  	_ =	swait.ge [sflag:s29], $0x3E80  }
0x25: {  	[sflag:s29] =	ssyncset.done $0x0  }
0x26: {  	s28 =	rddreg [dreg:$0xa];
	[sflag:s29] =	ssyncadd.s32 $0xFFFFC180  }
0x27: {  	[hbm4b:s28+s2] =	stream.linear.scatter [tilespmem:s18], [sflag:$0x1], $0x3E8, $0x38;
	[tilespmem:$0xC768] =	vst v63  }
0x28: {  	_ =	swait.ge [sflag:s29], $0x3E8  }
0x29: {  	[sflag:s29] =	ssyncset.done $0x0  }
0x2a: {  	[sflag:s29] =	ssyncadd.s32 $0xFFFFFC18  }
.LBB2_19:
0x2b: {  	s22 =	sadd.s32 $0x1, s22  }
0x2c: {  	p1 =	sne.s32 s22, s25  }
.Ltmp1:
0x2d: {  	_ = 	snop;
	(pc) =	sbr.rel @!p1 .LBB2_20-.Ltmp1, $1  }
0x2e: {  	_ =	sdelay $0x3  }
.LBB2_1:
0x2f: {  	[tilespmem:s2], [sflag:$0x1] =	stream.linear.gather [hbm4b:s3+s2], $0x3E80, $0x38;
	[tilespmem:$0xC768] =	vst v63  }
0x30: {  	_ =	swait.ge [sflag:s29], $0x3E80  }
0x31: {  	[sflag:s29] =	ssyncset.done $0x0  }
0x32: {  	s5 =	rddreg [dreg:$0x3];
	[sflag:s29] =	ssyncadd.s32 $0xFFFFC180  }
0x33: {  	[tilespmem:s30], [sflag:$0x1] =	stream.linear.gather [hbm4b:s5+s2], $0x3E80, $0x38;
	[tilespmem:$0xC768] =	vst v63  }
0x34: {  	_ =	swait.ge [sflag:s29], $0x3E80  }
0x35: {  	[sflag:s29] =	ssyncset.done $0x0  }
0x36: {  	[sflag:s29] =	ssyncadd.s32 $0xFFFFC180  }
0x37: {  	[tilespmem:s31], [sflag:$0x1] =	stream.linear.gather [hbm4b:s4+s2], $0x3E8, $0x38;
	[tilespmem:$0xC768] =	vst v63  }
0x38: {  	_ =	swait.ge [sflag:s29], $0x3E8  }
0x39: {  	[sflag:s29] =	ssyncset.done $0x0  }
0x3a: {  	s28 =	rddreg [dreg:$0x4];
	[sflag:s29] =	ssyncadd.s32 $0xFFFFFC18  }
0x3b: {  	[tilespmem:s0], [sflag:$0x1] =	stream.linear.gather [hbm4b:s28+s2], $0x3E8, $0x38;
	[tilespmem:$0xC768] =	vst v63  }
0x3c: {  	_ =	swait.ge [sflag:s29], $0x3E8  }
0x3d: {  	[sflag:s29] =	ssyncset.done $0x0  }
0x3e: {  	s17 =	simm.s32 $0x0;
	[sflag:s29] =	ssyncadd.s32 $0xFFFFFC18  }
0x3f: {  	v0 =	vld [tilespmem:s17+$0x7D00]  }
0x40: {  	v1 =	vld [tilespmem:s17+$0x80F8]  }
0x41: {  	s26 =	simm.s32 $0x10  }
0x42: {  	v2 =	vld [tilespmem:s26+$0x7D00]  }
0x43: {  	v3 =	vld [tilespmem:s26+$0x80F8];
	_ =	sdelay $0x1  }
0x44: {  	v0 =	vadd.f32 v1, v0;
	_ =	sdelay $0x1  }
0x45: {  	v0 =	vmax.f32 v0, $1.000000000e+00  }
0x46: {  	v1 =	vadd.f32 v3, v2;
	(erf) = vrcp.f32 v0;
	_ =	sdelay $0x1  }
0x47: {  	s21 =	simm.s32 $0x20;
	v2 =	vmax.f32 v1, $1.000000000e+00  }
0x48: {  	v1 =	vld [tilespmem:s21+$0x80F8];
	(erf) = vrcp.f32 v2  }
0x49: {  	v0 =	vld [tilespmem:s21+$0x7D00];
	_ =	sdelay $0x1  }
0x4a: {  	s5 =	simm.s32 $0xC0  }
.LBB2_2:
0x4b: {  	p1 =	sne.s32 s5, $0xF80  }
.Ltmp2:
0x4c: {  	s6 =	sshra.s32 s5, $0x2;
	(pc) =	sbr.rel @p1 .LBB2_2-.Ltmp2, $4  }
0x4d: {  	s5 =	sadd.s32 $0x40, s5;
	v3 =	vpop (erf);
	v2 =	vadd.f32 v1, v0;
	v0 =	vld [tilespmem:s6+$0x7D00]  }
0x4e: {  	v1 =	vld [tilespmem:s6+$0x80F8];
	[tilespmem:s17+$0x84F0] =	vst v3;
	s17 =	smov.u32 s26;
	s26 =	smov.u32 s21;
	s21 =	smov.u32 s6  }
0x4f: {  	v2 =	vmax.f32 v2, $1.000000000e+00  }
0x50: {  	(erf) = vrcp.f32 v2  }
0x51: {  	_ =	sdelay $0x1  }
0x52: {  	v0 =	vadd.f32 v1, v0;
	_ =	sdelay $0x1  }
0x53: {  	v0 =	vmax.f32 v0, $1.000000000e+00  }
0x54: {  	(erf) = vrcp.f32 v0;
	_ =	sdelay $0x6  }
0x55: {  	v0 =	vpop (erf)  }
0x56: {  	[tilespmem:s17+$0x84F0] =	vst v0;
	v0 =	vpop (erf)  }
0x57: {  	[tilespmem:s26+$0x84F0] =	vst v0;
	v0 =	vpop (erf)  }
0x58: {  	s17 =	simm.s32 $0x0;
	[tilespmem:s21+$0x84F0] =	vst v0  }
0x59: {  	v0 =	vld [tilespmem:s17+$0x0]  }
0x5a: {  	v1 =	vld [tilespmem:s17+$0x3E80]  }
0x5b: {  	s21 =	simm.s32 $0x84F0  }
0x5c: {  	v2 =	vld.msk [tilespmem:s21+$0x0 ss:$0x0], $0xffff;
	_ =	sdelay $0x2  }
0x5d: {  	v0 =	vadd.f32 v1, v0;
	_ =	sdelay $0x1  }
0x5e: {  	s5 =	simm.s32 $0x10;
	v1 =	vmul.f32 v0, v2  }
0x5f: {  	s6 =	simm.s32 $0x80;
	v0 =	vld [tilespmem:s5+$0x0]  }
.LBB2_4:
0x60: {  	p1 =	sne.s32 s6, $0xF9C0;
	v2 =	vld [tilespmem:s5+$0x3E80];
	[tilespmem:s17+$0x88E8] =	vst v1;
	s21 =	sadd.s32 $0x1, s21;
	s17 =	smov.u32 s5  }
0x61: {  	v1 =	vld.msk [tilespmem:s21+$0x0 ss:$0x0], $0xffff;
	_ =	sdelay $0x2  }
.Ltmp3:
0x62: {  	(pc) =	sbr.rel @p1 .LBB2_4-.Ltmp3, $3  }
0x63: {  	v0 =	vadd.f32 v2, v0;
	_ =	sdelay $0x1  }
0x64: {  	s5 =	sshra.s32 s6, $0x2;
	v1 =	vmul.f32 v0, v1  }
0x65: {  	s6 =	sadd.s32 $0x40, s6;
	v0 =	vld [tilespmem:s5+$0x0]  }
0x66: {  	v2 =	vld [tilespmem:s5+$0x3E80]  }
0x67: {  	[tilespmem:s17+$0x88E8] =	vst v1;
	s6 =	sadd.s32 $0x1, s21  }
0x68: {  	v1 =	vld.msk [tilespmem:s6+$0x0 ss:$0x0], $0xffff;
	_ =	sdelay $0x2  }
0x69: {  	v0 =	vadd.f32 v2, v0;
	_ =	sdelay $0x1  }
0x6a: {  	v0 =	vmul.f32 v0, v1;
	_ =	sdelay $0x1  }
0x6b: {  	s17 =	simm.s32 $0x0;
	s21 =	rddreg [dreg:$0x5];
	[tilespmem:s5+$0x88E8] =	vst v0  }
0x6c: {  	[hbm4b:s21+s17] =	stream.linear.scatter [tilespmem:s1], [sflag:$0x1], $0x3E80, $0x38;
	[tilespmem:$0xC768] =	vst v63  }
0x6d: {  	_ =	swait.ge [sflag:s29], $0x3E80  }
0x6e: {  	[sflag:s29] =	ssyncset.done $0x0  }
0x6f: {  	s26 =	rddreg [dreg:$0x6];
	[sflag:s29] =	ssyncadd.s32 $0xFFFFC180  }
0x70: {  	[hbm4b:s26+s17] =	stream.linear.scatter [tilespmem:s18], [sflag:$0x1], $0x3E8, $0x38;
	[tilespmem:$0xC768] =	vst v63  }
0x71: {  	_ =	swait.ge [sflag:s29], $0x3E8  }
0x72: {  	[sflag:s29] =	ssyncset.done $0x0  }
0x73: {  	[sflag:s29] =	ssyncadd.s32 $0xFFFFFC18  }
0x74: {  	[tilespmem:s17], [sflag:$0x1] =	stream.linear.gather [hbm4b:s9+s17], $0x3E80, $0x38;
	[tilespmem:$0xC768] =	vst v63  }
0x75: {  	_ =	swait.ge [sflag:s29], $0x3E80  }
0x76: {  	[sflag:s29] =	ssyncset.done $0x0  }
0x77: {  	[sflag:s29] =	ssyncadd.s32 $0xFFFFC180  }
0x78: {  	[tilespmem:s30], [sflag:$0x1] =	stream.linear.gather [hbm4b:s10+s17], $0x3E80, $0x38;
	[tilespmem:$0xC768] =	vst v63  }
0x79: {  	_ =	swait.ge [sflag:s29], $0x3E80  }
0x7a: {  	[sflag:s29] =	ssyncset.done $0x0  }
0x7b: {  	[sflag:s29] =	ssyncadd.s32 $0xFFFFC180  }
0x7c: {  	[tilespmem:s31], [sflag:$0x1] =	stream.linear.gather [hbm4b:s11+s17], $0x3E8, $0x38;
	[tilespmem:$0xC768] =	vst v63  }
0x7d: {  	_ =	swait.ge [sflag:s29], $0x3E8  }
0x7e: {  	[sflag:s29] =	ssyncset.done $0x0  }
0x7f: {  	[sflag:s29] =	ssyncadd.s32 $0xFFFFFC18  }
0x80: {  	[tilespmem:s0], [sflag:$0x1] =	stream.linear.gather [hbm4b:s12+s17], $0x3E8, $0x38;
	[tilespmem:$0xC768] =	vst v63  }
0x81: {  	_ =	swait.ge [sflag:s29], $0x3E8  }
0x82: {  	[sflag:s29] =	ssyncset.done $0x0  }
0x83: {  	s26 =	simm.s32 $0x0;
	[sflag:s29] =	ssyncadd.s32 $0xFFFFFC18  }
0x84: {  	v0 =	vld [tilespmem:s26+$0x7D00]  }
0x85: {  	v1 =	vld [tilespmem:s26+$0x80F8]  }
0x86: {  	s28 =	simm.s32 $0x10  }
0x87: {  	v2 =	vld [tilespmem:s28+$0x7D00]  }
0x88: {  	v3 =	vld [tilespmem:s28+$0x80F8];
	_ =	sdelay $0x1  }
0x89: {  	v0 =	vadd.f32 v1, v0;
	_ =	sdelay $0x1  }
0x8a: {  	v0 =	vmax.f32 v0, $1.000000000e+00  }
0x8b: {  	v1 =	vadd.f32 v3, v2;
	(erf) = vrcp.f32 v0;
	_ =	sdelay $0x1  }
0x8c: {  	s21 =	simm.s32 $0x20;
	v2 =	vmax.f32 v1, $1.000000000e+00  }
0x8d: {  	v1 =	vld [tilespmem:s21+$0x80F8];
	(erf) = vrcp.f32 v2  }
0x8e: {  	v0 =	vld [tilespmem:s21+$0x7D00]  }
0x8f: {  	s7 =	simm.s32 $0xC0  }
0x90: {  	s6 =	simm.s32 $0x0;
	s5 =	simm.s32 $0x10;
	s17 =	simm.s32 $0x80  }
.LBB2_6:
0x91: {  	p1 =	sne.s32 s7, $0xF80  }
.Ltmp4:
0x92: {  	s8 =	sshra.s32 s7, $0x2;
	(pc) =	sbr.rel @p1 .LBB2_6-.Ltmp4, $4  }
0x93: {  	s7 =	sadd.s32 $0x40, s7;
	v3 =	vpop (erf);
	v2 =	vadd.f32 v1, v0;
	v0 =	vld [tilespmem:s8+$0x7D00]  }
0x94: {  	v1 =	vld [tilespmem:s8+$0x80F8];
	[tilespmem:s6+$0x84F0] =	vst v3;
	s6 =	smov.u32 s5;
	s5 =	smov.u32 s21;
	s21 =	smov.u32 s8  }
0x95: {  	v2 =	vmax.f32 v2, $1.000000000e+00  }
0x96: {  	(erf) = vrcp.f32 v2  }
0x97: {  	_ =	sdelay $0x1  }
0x98: {  	v0 =	vadd.f32 v1, v0;
	_ =	sdelay $0x1  }
0x99: {  	v0 =	vmax.f32 v0, $1.000000000e+00  }
0x9a: {  	(erf) = vrcp.f32 v0;
	_ =	sdelay $0x6  }
0x9b: {  	v0 =	vpop (erf)  }
0x9c: {  	[tilespmem:s6+$0x84F0] =	vst v0;
	v0 =	vpop (erf)  }
0x9d: {  	[tilespmem:s5+$0x84F0] =	vst v0;
	v0 =	vpop (erf)  }
0x9e: {  	[tilespmem:s21+$0x84F0] =	vst v0  }
0x9f: {  	v0 =	vld [tilespmem:s26+$0x0]  }
0xa0: {  	v1 =	vld [tilespmem:s26+$0x3E80]  }
0xa1: {  	s21 =	simm.s32 $0x84F0  }
0xa2: {  	v2 =	vld.msk [tilespmem:s21+$0x0 ss:$0x0], $0xffff;
	_ =	sdelay $0x2  }
0xa3: {  	v0 =	vadd.f32 v1, v0;
	_ =	sdelay $0x1  }
0xa4: {  	v1 =	vmul.f32 v0, v2  }
0xa5: {  	v0 =	vld [tilespmem:s28+$0x0]  }
.LBB2_8:
0xa6: {  	p1 =	sne.s32 s17, $0xF9C0;
	v2 =	vld [tilespmem:s28+$0x3E80];
	[tilespmem:s26+$0x88E8] =	vst v1;
	s21 =	sadd.s32 $0x1, s21;
	s26 =	smov.u32 s28  }
0xa7: {  	v1 =	vld.msk [tilespmem:s21+$0x0 ss:$0x0], $0xffff;
	_ =	sdelay $0x2  }
.Ltmp5:
0xa8: {  	(pc) =	sbr.rel @p1 .LBB2_8-.Ltmp5, $3  }
0xa9: {  	v0 =	vadd.f32 v2, v0;
	_ =	sdelay $0x1  }
0xaa: {  	s28 =	sshra.s32 s17, $0x2;
	v1 =	vmul.f32 v0, v1  }
0xab: {  	s17 =	sadd.s32 $0x40, s17;
	v0 =	vld [tilespmem:s28+$0x0]  }
0xac: {  	v2 =	vld [tilespmem:s28+$0x3E80]  }
0xad: {  	[tilespmem:s26+$0x88E8] =	vst v1;
	s5 =	sadd.s32 $0x1, s21  }
0xae: {  	v1 =	vld.msk [tilespmem:s5+$0x0 ss:$0x0], $0xffff;
	_ =	sdelay $0x2  }
0xaf: {  	v0 =	vadd.f32 v2, v0;
	_ =	sdelay $0x1  }
0xb0: {  	v0 =	vmul.f32 v0, v1;
	_ =	sdelay $0x1  }
0xb1: {  	s26 =	simm.s32 $0x0;
	[tilespmem:s28+$0x88E8] =	vst v0  }
0xb2: {  	[hbm4b:s13+s26] =	stream.linear.scatter [tilespmem:s1], [sflag:$0x1], $0x3E80, $0x38;
	[tilespmem:$0xC768] =	vst v63  }
0xb3: {  	_ =	swait.ge [sflag:s29], $0x3E80  }
0xb4: {  	[sflag:s29] =	ssyncset.done $0x0  }
0xb5: {  	[sflag:s29] =	ssyncadd.s32 $0xFFFFC180  }
0xb6: {  	[hbm4b:s14+s26] =	stream.linear.scatter [tilespmem:s18], [sflag:$0x1], $0x3E8, $0x38;
	[tilespmem:$0xC768] =	vst v63  }
0xb7: {  	_ =	swait.ge [sflag:s29], $0x3E8  }
0xb8: {  	[sflag:s29] =	ssyncset.done $0x0  }
0xb9: {  	[sflag:s29] =	ssyncadd.s32 $0xFFFFFC18  }
0xba: {  	[tilespmem:s26], [sflag:$0x1] =	stream.linear.gather [hbm4b:s15+s26], $0x3E80, $0x38;
	[tilespmem:$0xC768] =	vst v63  }
0xbb: {  	_ =	swait.ge [sflag:s29], $0x3E80  }
0xbc: {  	[sflag:s29] =	ssyncset.done $0x0  }
0xbd: {  	[sflag:s29] =	ssyncadd.s32 $0xFFFFC180  }
0xbe: {  	[tilespmem:s30], [sflag:$0x1] =	stream.linear.gather [hbm4b:s23+s26], $0x3E80, $0x38;
	[tilespmem:$0xC768] =	vst v63  }
0xbf: {  	_ =	swait.ge [sflag:s29], $0x3E80  }
0xc0: {  	[sflag:s29] =	ssyncset.done $0x0  }
0xc1: {  	[sflag:s29] =	ssyncadd.s32 $0xFFFFC180  }
0xc2: {  	[tilespmem:s31], [sflag:$0x1] =	stream.linear.gather [hbm4b:s19+s26], $0x3E8, $0x38;
	[tilespmem:$0xC768] =	vst v63  }
0xc3: {  	_ =	swait.ge [sflag:s29], $0x3E8  }
0xc4: {  	[sflag:s29] =	ssyncset.done $0x0  }
0xc5: {  	[sflag:s29] =	ssyncadd.s32 $0xFFFFFC18  }
0xc6: {  	[tilespmem:s0], [sflag:$0x1] =	stream.linear.gather [hbm4b:s24+s26], $0x3E8, $0x38;
	[tilespmem:$0xC768] =	vst v63  }
0xc7: {  	_ =	swait.ge [sflag:s29], $0x3E8  }
0xc8: {  	[sflag:s29] =	ssyncset.done $0x0  }
0xc9: {  	s26 =	simm.s32 $0x0;
	[sflag:s29] =	ssyncadd.s32 $0xFFFFFC18  }
0xca: {  	v0 =	vld [tilespmem:s26+$0x7D00]  }
0xcb: {  	v1 =	vld [tilespmem:s26+$0x80F8]  }
0xcc: {  	s28 =	simm.s32 $0x10  }
0xcd: {  	v2 =	vld [tilespmem:s28+$0x7D00]  }
0xce: {  	v3 =	vld [tilespmem:s28+$0x80F8];
	_ =	sdelay $0x1  }
0xcf: {  	v0 =	vadd.f32 v1, v0;
	_ =	sdelay $0x1  }
0xd0: {  	v0 =	vmax.f32 v0, $1.000000000e+00  }
0xd1: {  	v1 =	vadd.f32 v3, v2;
	(erf) = vrcp.f32 v0;
	_ =	sdelay $0x1  }
0xd2: {  	s21 =	simm.s32 $0x20;
	v2 =	vmax.f32 v1, $1.000000000e+00  }
0xd3: {  	v1 =	vld [tilespmem:s21+$0x80F8];
	(erf) = vrcp.f32 v2  }
0xd4: {  	v0 =	vld [tilespmem:s21+$0x7D00]  }
0xd5: {  	s17 =	simm.s32 $0x80  }
0xd6: {  	s7 =	simm.s32 $0xC0;
	s6 =	simm.s32 $0x0;
	s5 =	simm.s32 $0x10  }
.LBB2_10:
0xd7: {  	p1 =	sne.s32 s7, $0xF80  }
.Ltmp6:
0xd8: {  	s8 =	sshra.s32 s7, $0x2;
	(pc) =	sbr.rel @p1 .LBB2_10-.Ltmp6, $4  }
0xd9: {  	s7 =	sadd.s32 $0x40, s7;
	v3 =	vpop (erf);
	v2 =	vadd.f32 v1, v0;
	v0 =	vld [tilespmem:s8+$0x7D00]  }
0xda: {  	v1 =	vld [tilespmem:s8+$0x80F8];
	[tilespmem:s6+$0x84F0] =	vst v3;
	s6 =	smov.u32 s5;
	s5 =	smov.u32 s21;
	s21 =	smov.u32 s8  }
0xdb: {  	v2 =	vmax.f32 v2, $1.000000000e+00  }
0xdc: {  	(erf) = vrcp.f32 v2  }
0xdd: {  	_ =	sdelay $0x1  }
0xde: {  	v0 =	vadd.f32 v1, v0;
	_ =	sdelay $0x1  }
0xdf: {  	v0 =	vmax.f32 v0, $1.000000000e+00  }
0xe0: {  	(erf) = vrcp.f32 v0;
	_ =	sdelay $0x6  }
0xe1: {  	v0 =	vpop (erf)  }
0xe2: {  	[tilespmem:s6+$0x84F0] =	vst v0;
	v0 =	vpop (erf)  }
0xe3: {  	[tilespmem:s5+$0x84F0] =	vst v0;
	v0 =	vpop (erf)  }
0xe4: {  	[tilespmem:s21+$0x84F0] =	vst v0  }
0xe5: {  	v0 =	vld [tilespmem:s26+$0x0]  }
0xe6: {  	v1 =	vld [tilespmem:s26+$0x3E80]  }
0xe7: {  	s21 =	simm.s32 $0x84F0  }
0xe8: {  	v2 =	vld.msk [tilespmem:s21+$0x0 ss:$0x0], $0xffff;
	_ =	sdelay $0x2  }
0xe9: {  	v0 =	vadd.f32 v1, v0;
	_ =	sdelay $0x1  }
0xea: {  	v1 =	vmul.f32 v0, v2  }
0xeb: {  	v0 =	vld [tilespmem:s28+$0x0]  }
.LBB2_12:
0xec: {  	p1 =	sne.s32 s17, $0xF9C0;
	v2 =	vld [tilespmem:s28+$0x3E80];
	[tilespmem:s26+$0x88E8] =	vst v1;
	s21 =	sadd.s32 $0x1, s21;
	s26 =	smov.u32 s28  }
0xed: {  	v1 =	vld.msk [tilespmem:s21+$0x0 ss:$0x0], $0xffff;
	_ =	sdelay $0x2  }
.Ltmp7:
0xee: {  	(pc) =	sbr.rel @p1 .LBB2_12-.Ltmp7, $3  }
0xef: {  	v0 =	vadd.f32 v2, v0;
	_ =	sdelay $0x1  }
0xf0: {  	s28 =	sshra.s32 s17, $0x2;
	v1 =	vmul.f32 v0, v1  }
0xf1: {  	s17 =	sadd.s32 $0x40, s17;
	v0 =	vld [tilespmem:s28+$0x0]  }
0xf2: {  	v2 =	vld [tilespmem:s28+$0x3E80]  }
0xf3: {  	[tilespmem:s26+$0x88E8] =	vst v1;
	s5 =	sadd.s32 $0x1, s21  }
0xf4: {  	v1 =	vld.msk [tilespmem:s5+$0x0 ss:$0x0], $0xffff;
	_ =	sdelay $0x2  }
0xf5: {  	v0 =	vadd.f32 v2, v0;
	_ =	sdelay $0x1  }
0xf6: {  	v0 =	vmul.f32 v0, v1;
	_ =	sdelay $0x1  }
0xf7: {  	[tilespmem:s28+$0x88E8] =	vst v0  }
0xf8: {  	[hbm4b:s16+s2] =	stream.linear.scatter [tilespmem:s1], [sflag:$0x1], $0x3E80, $0x38;
	[tilespmem:$0xC768] =	vst v63  }
0xf9: {  	_ =	swait.ge [sflag:s29], $0x3E80  }
0xfa: {  	[sflag:s29] =	ssyncset.done $0x0  }
.Ltmp8:
0xfb: {  	[sflag:s29] =	ssyncadd.s32 $0xFFFFC180;
	(pc) =	sbr.rel @p0 .LBB2_19-.Ltmp8, $4  }
0xfc: {  	[hbm4b:s20+s2] =	stream.linear.scatter [tilespmem:s18], [sflag:$0x1], $0x3E8, $0x38;
	[tilespmem:$0xC768] =	vst v63  }
0xfd: {  	_ =	swait.ge [sflag:s29], $0x3E8  }
0xfe: {  	[sflag:s29] =	ssyncset.done $0x0  }
0xff: {  	[sflag:s29] =	ssyncadd.s32 $0xFFFFFC18  }
0x100: {  	s5 =	simm.s32 $0x0;
	s6 =	rddreg [dreg:$0x7]  }
0x101: {  	[tilespmem:s5], [sflag:$0x1] =	stream.linear.gather [hbm4b:s6+s5], $0x3E80, $0x38;
	[tilespmem:$0xC768] =	vst v63  }
0x102: {  	_ =	swait.ge [sflag:s29], $0x3E80  }
0x103: {  	[sflag:s29] =	ssyncset.done $0x0  }
0x104: {  	s17 =	rddreg [dreg:$0xb];
	[sflag:s29] =	ssyncadd.s32 $0xFFFFC180  }
0x105: {  	[tilespmem:s30], [sflag:$0x1] =	stream.linear.gather [hbm4b:s17+s5], $0x3E80, $0x38;
	[tilespmem:$0xC768] =	vst v63  }
0x106: {  	_ =	swait.ge [sflag:s29], $0x3E80  }
0x107: {  	[sflag:s29] =	ssyncset.done $0x0  }
0x108: {  	s21 =	rddreg [dreg:$0x9];
	[sflag:s29] =	ssyncadd.s32 $0xFFFFC180  }
0x109: {  	[tilespmem:s31], [sflag:$0x1] =	stream.linear.gather [hbm4b:s21+s5], $0x3E8, $0x38;
	[tilespmem:$0xC768] =	vst v63  }
0x10a: {  	_ =	swait.ge [sflag:s29], $0x3E8  }
0x10b: {  	[sflag:s29] =	ssyncset.done $0x0  }
0x10c: {  	s26 =	rddreg [dreg:$0xc];
	[sflag:s29] =	ssyncadd.s32 $0xFFFFFC18  }
0x10d: {  	[tilespmem:s0], [sflag:$0x1] =	stream.linear.gather [hbm4b:s26+s5], $0x3E8, $0x38;
	[tilespmem:$0xC768] =	vst v63  }
0x10e: {  	_ =	swait.ge [sflag:s29], $0x3E8  }
0x10f: {  	[sflag:s29] =	ssyncset.done $0x0  }
0x110: {  	s26 =	simm.s32 $0x0;
	[sflag:s29] =	ssyncadd.s32 $0xFFFFFC18  }
0x111: {  	v0 =	vld [tilespmem:s26+$0x7D00]  }
0x112: {  	v1 =	vld [tilespmem:s26+$0x80F8]  }
0x113: {  	s28 =	simm.s32 $0x10  }
0x114: {  	v2 =	vld [tilespmem:s28+$0x7D00]  }
0x115: {  	v3 =	vld [tilespmem:s28+$0x80F8];
	_ =	sdelay $0x1  }
0x116: {  	v0 =	vadd.f32 v1, v0;
	_ =	sdelay $0x1  }
0x117: {  	v0 =	vmax.f32 v0, $1.000000000e+00  }
0x118: {  	v1 =	vadd.f32 v3, v2;
	(erf) = vrcp.f32 v0;
	_ =	sdelay $0x1  }
0x119: {  	s21 =	simm.s32 $0x20;
	v2 =	vmax.f32 v1, $1.000000000e+00  }
0x11a: {  	v1 =	vld [tilespmem:s21+$0x80F8];
	(erf) = vrcp.f32 v2  }
0x11b: {  	v0 =	vld [tilespmem:s21+$0x7D00]  }
0x11c: {  	s7 =	simm.s32 $0xC0  }
0x11d: {  	s6 =	simm.s32 $0x0;
	s17 =	simm.s32 $0x80;
	s5 =	simm.s32 $0x10  }
.LBB2_15:
0x11e: {  	p1 =	sne.s32 s7, $0xF80  }
.Ltmp9:
0x11f: {  	s8 =	sshra.s32 s7, $0x2;
	(pc) =	sbr.rel @p1 .LBB2_15-.Ltmp9, $4  }
0x120: {  	s7 =	sadd.s32 $0x40, s7;
	v3 =	vpop (erf);
	v2 =	vadd.f32 v1, v0;
	v0 =	vld [tilespmem:s8+$0x7D00]  }
0x121: {  	v1 =	vld [tilespmem:s8+$0x80F8];
	[tilespmem:s6+$0x84F0] =	vst v3;
	s6 =	smov.u32 s5;
	s5 =	smov.u32 s21;
	s21 =	smov.u32 s8  }
0x122: {  	v2 =	vmax.f32 v2, $1.000000000e+00  }
0x123: {  	(erf) = vrcp.f32 v2  }
0x124: {  	_ =	sdelay $0x1  }
0x125: {  	v0 =	vadd.f32 v1, v0;
	_ =	sdelay $0x1  }
0x126: {  	v0 =	vmax.f32 v0, $1.000000000e+00  }
0x127: {  	(erf) = vrcp.f32 v0;
	_ =	sdelay $0x6  }
0x128: {  	v0 =	vpop (erf)  }
0x129: {  	[tilespmem:s6+$0x84F0] =	vst v0;
	v0 =	vpop (erf)  }
0x12a: {  	[tilespmem:s5+$0x84F0] =	vst v0;
	v0 =	vpop (erf)  }
0x12b: {  	[tilespmem:s21+$0x84F0] =	vst v0  }
0x12c: {  	v0 =	vld [tilespmem:s26+$0x0]  }
0x12d: {  	v1 =	vld [tilespmem:s26+$0x3E80]  }
0x12e: {  	s21 =	simm.s32 $0x84F0  }
0x12f: {  	v2 =	vld.msk [tilespmem:s21+$0x0 ss:$0x0], $0xffff;
	_ =	sdelay $0x2  }
0x130: {  	v0 =	vadd.f32 v1, v0;
	_ =	sdelay $0x1  }
0x131: {  	v1 =	vmul.f32 v0, v2  }
0x132: {  	v0 =	vld [tilespmem:s28+$0x0]  }
.LBB2_17:
0x133: {  	p1 =	sne.s32 s17, $0xF9C0;
	v2 =	vld [tilespmem:s28+$0x3E80];
	[tilespmem:s26+$0x88E8] =	vst v1;
	s21 =	sadd.s32 $0x1, s21;
	s26 =	smov.u32 s28  }
0x134: {  	v1 =	vld.msk [tilespmem:s21+$0x0 ss:$0x0], $0xffff;
	_ =	sdelay $0x2  }
.Ltmp10:
0x135: {  	(pc) =	sbr.rel @p1 .LBB2_17-.Ltmp10, $3  }
0x136: {  	v0 =	vadd.f32 v2, v0;
	_ =	sdelay $0x1  }
0x137: {  	s28 =	sshra.s32 s17, $0x2;
	v1 =	vmul.f32 v0, v1  }
0x138: {  	s17 =	sadd.s32 $0x40, s17;
	v0 =	vld [tilespmem:s28+$0x0]  }
.Ltmp11:
0x139: {  	_ = 	snop;
	(pc) =	sbr.rel .LBB2_18-.Ltmp11, $1  }
0x13a: {  	_ =	sdelay $0x3  }
.LBB2_20:
0x13b: {  	_ =	sfence.sel $0x180000  }
0x13c: {  	[bflag:$0x0] =	sbarrier.arrive $0xFFFF  }
0x13d: {  	_ =	strace $0x9000004A  }
0x13e: {  	s0 =	stileid.u32;
	[bflag:$0x2] =	sbarrier.arrive $0xFFFF  }
0x13f: {  	p0 =	sne.s32 s0, $0x0;
	s0 =	rddreg [dreg:$0x2]  }
0x140: {  	s0 =	sadd.s32 @!p0 $0x100000, s0  }
0x141: {  	[sflag:s0] =	ssyncadd.tile.s32 @!p0 $0x1;
	_ =	shalt  }
.Lfunc_end2:
_tile_overlayer_lowered:
.L_overlay_start_2:
0x142: {  	(tag) =	ssettag $0x2  }
0x143: {  	s0 =	rddreg [dreg:$0x0];
	s2 =	stileid.u32  }
0x144: {  	s1 =	rddreg [dreg:$0x1];
	p0 =	sne.s32 s2, $0x0  }
0x145: {  	s3 =	rddreg [dreg:$0x2];
	[bflag:$0x3] =	sbarrier.arrive $0xFFFF;
	s2 =	simm.s32 @!p0 $0x1C01  }
0x146: {  	[timem:s3], [sflag:s2] =	dma.local @!p0 [hbm:s0], s1  }
0x147: {  	s0 =	simm.s32 @!p0 $0x1  }
0x148: {  	_ =	swait.ge @!p0 [sflag:s0], s1  }
0x149: {  	s1 =	ssub.s32 @!p0 $0x0, s1;
	[sflag:s0] =	ssyncset.done @!p0 $0x0  }
0x14a: {  	[sflag:s0] =	ssyncadd.s32 @!p0 s1  }
0x14b: {  	[bflag:$0x3] =	sbarrier.arrive $0xFFFF  }
0x14c: {  	_ =	shalt  }

// kernel: kernel.13.cloned.1.call-start
scs
__scs_entry_jumppad:
0x0: {  	(pc) =	sbr.rel $0x88, $3  }
0x1: {  	(tag) =	ssettag $0x0;
	lr =	simm.s32 $0x1  }
0x2: {  	[smem:$0x3F9E] =	sst lr;
	_ =	strace $0xD0000000  }
0x3: {  	_ = 	snop  }
0x4: {  	_ = 	snop  }
0x5: {  	_ = 	snop  }
0x6: {  	_ = 	snop  }
0x7: {  	_ = 	snop  }
__scs_overlays_trampoline_lowered:
0x8: {  	[smem:$0x3FAD] =	sst s0  }
0x9: {  	[smem:$0x3FAE] =	sst s1  }
0xa: {  	[smem:$0x3FAF] =	sst s2  }
0xb: {  	[smem:$0x3FB0] =	sst s3  }
0xc: {  	[smem:$0x3FB1] =	sst s4  }
0xd: {  	[smem:$0x3FB2] =	sst s5  }
0xe: {  	[smem:$0x3FB3] =	sst s6  }
0xf: {  	[smem:$0x3FB4] =	sst s7  }
0x10: {  	[smem:$0x3FB5] =	sst s8  }
0x11: {  	[smem:$0x3FB6] =	sst s9;
	s0 =	simm.s32 @!p0 $0x0  }
0x12: {  	s1 =	sld [smem:$0x3F9C];
	s0 =	simm.s32 @p0 $0x1  }
0x13: {  	[smem:$0x3FB7] =	sst s0;
	s0 =	simm.s32 @!p1 $0x0  }
0x14: {  	s2 =	sld [smem:$0x3F9B];
	s0 =	simm.s32 @p1 $0x1  }
0x15: {  	[smem:$0x3FB8] =	sst s0;
	s0 =	simm.s32 @!p2 $0x0  }
0x16: {  	s3 =	sld [smem:$0x3FDB];
	s0 =	simm.s32 @p2 $0x1  }
0x17: {  	s4 =	simm.s32 $0x1BF5;
	[smem:$0x3FBA] =	sst s0  }
0x18: {  	s0 =	sld [smem:$0x3F9D];
	_ =	swait.ge [sflag:s4], $0x0  }
0x19: {  	s7 =	sld [smem:$0x3F9E]  }
0x1a: {  	s8 =	sadd.s32 $0xFFFFE003, lr  }
0x1b: {  	s9 =	sadd.s32 $0xFFFFFEF7, lr;
	s5 =	simm.s32 $0xFFFFFFFF;
	p2 =	slt.u32 s8, $0xFFFFF086  }
0x1c: {  	p1 =	slt.u32 s9, $0xF7A;
	s5 =	simm.s32 @!p2 $0x0  }
0x1d: {  	s5 =	simm.s32 @p1 $0x1;
	p0 =	seq.s32 s7, s2  }
0x1e: {  	s7 =	smul.u32 @!p0 $0xF7A, s2;
	p2 =	seq.s32 @!p0 s5, $0x0  }
0x1f: {  	s9 =	smul.u32 $0xF7A, s1;
	s8 =	simm.s32 @!p0 $0x1BF5;
	p2 =	por !p2, p0  }
0x20: {  	[sflag:s8] =	ssyncset.s32 @!p0 $0xFFFFF086;
	s6 =	sadd.s32 @!p0 s3, s7;
	s7 =	simm.s32 @!p0 $0x108  }
0x21: {  	s3 =	sadd.s32 s3, s9;
	s6 =	sadd.s32 @!p0 $0x88, s6;
	s7 =	simm.s32 @p2 $0x1082  }
0x22: {  	[simem:s7], [sflag:s8] =	dma.local @!p0 [hbm:s6], $0xF7A  }
0x23: {  	s9 =	sor.u32 $0xD0000000, s2;
	s6 =	simm.s32 $0x108;
	_ =	swait.ge @!p0 [sflag:s8], $0x0  }
0x24: {  	s3 =	sadd.s32 $0x88, s3;
	s6 =	simm.s32 @!p1 $0x1082;
	[sflag:s4] =	ssyncset.s32 $0xFFFFF086  }
0x25: {  	[simem:s6], [sflag:s4] =	dma.local [hbm:s3], $0xF7A  }
0x26: {  	[smem:$0x3F9E] =	sst s1;
	(tag) =	ssettag s2;
	_ =	strace s9  }
0x27: {  	s1 =	sld [smem:$0x3FAE]  }
0x28: {  	s2 =	sld [smem:$0x3FAF]  }
0x29: {  	s4 =	sld [smem:$0x3FB1]  }
0x2a: {  	p0 =	seq.s32 s5, $0x0;
	s5 =	sld [smem:$0x3FB2]  }
0x2b: {  	s6 =	sld [smem:$0x3FB3]  }
0x2c: {  	s7 =	sld [smem:$0x3FB4]  }
0x2d: {  	s3 =	simm.s32 $0x108;
	s8 =	sld [smem:$0x3FB5]  }
0x2e: {  	s3 =	simm.s32 @!p0 $0x1082;
	s9 =	sld [smem:$0x3FB6]  }
0x2f: {  	lr =	sadd.s32 s0, s3;
	s0 =	sld [smem:$0x3FAD]  }
0x30: {  	s3 =	sld [smem:$0x3FB0]  }
0x31: {  	[smem:$0x3FB9] =	sst s10  }
0x32: {  	s10 =	sld [smem:$0x3FB7];
	_ =	sdelay $0x3  }
0x33: {  	p0 =	seq.s32 s10, $0x1;
	s10 =	sld [smem:$0x3FB9];
	_ =	sdelay $0x3  }
0x34: {  	[smem:$0x3FB9] =	sst s10  }
0x35: {  	s10 =	sld [smem:$0x3FB8];
	_ =	sdelay $0x3  }
0x36: {  	p1 =	seq.s32 s10, $0x1;
	s10 =	sld [smem:$0x3FB9];
	_ =	sdelay $0x3  }
0x37: {  	[smem:$0x3FB9] =	sst s10  }
0x38: {  	s10 =	sld [smem:$0x3FBA]  }
0x39: {  	_ = 	snop;
	(pc) =	sbr.ind lr, $3  }
0x3a: {  	_ = 	snop  }
0x3b: {  	_ = 	snop  }
0x3c: {  	p2 =	seq.s32 s10, $0x1;
	s10 =	sld [smem:$0x3FB9]  }
0x3d: {  	_ =	shalt  }
0x3e: {  	_ =	shalt  }
0x3f: {  	_ =	shalt  }
0x40: {  	_ =	shalt  }
0x41: {  	_ =	shalt  }
0x42: {  	_ =	shalt  }
0x43: {  	_ =	shalt  }
0x44: {  	_ =	shalt  }
0x45: {  	_ =	shalt  }
0x46: {  	_ =	shalt  }
0x47: {  	_ =	shalt  }
0x48: {  	_ =	shalt  }
0x49: {  	_ =	shalt  }
0x4a: {  	_ =	shalt  }
0x4b: {  	_ =	shalt  }
0x4c: {  	_ =	shalt  }
0x4d: {  	_ =	shalt  }
0x4e: {  	_ =	shalt  }
0x4f: {  	_ =	shalt  }
0x50: {  	_ =	shalt  }
0x51: {  	_ =	shalt  }
0x52: {  	_ =	shalt  }
0x53: {  	_ =	shalt  }
0x54: {  	_ =	shalt  }
0x55: {  	_ =	shalt  }
0x56: {  	_ =	shalt  }
0x57: {  	_ =	shalt  }
0x58: {  	_ =	shalt  }
0x59: {  	_ =	shalt  }
0x5a: {  	_ =	shalt  }
0x5b: {  	_ =	shalt  }
0x5c: {  	_ =	shalt  }
0x5d: {  	_ =	shalt  }
0x5e: {  	_ =	shalt  }
0x5f: {  	_ =	shalt  }
0x60: {  	_ =	shalt  }
0x61: {  	_ =	shalt  }
0x62: {  	_ =	shalt  }
0x63: {  	_ =	shalt  }
0x64: {  	_ =	shalt  }
0x65: {  	_ =	shalt  }
0x66: {  	_ =	shalt  }
0x67: {  	_ =	shalt  }
0x68: {  	_ =	shalt  }
0x69: {  	_ =	shalt  }
0x6a: {  	_ =	shalt  }
0x6b: {  	_ =	shalt  }
0x6c: {  	_ =	shalt  }
0x6d: {  	_ =	shalt  }
0x6e: {  	_ =	shalt  }
0x6f: {  	_ =	shalt  }
0x70: {  	_ =	shalt  }
0x71: {  	_ =	shalt  }
0x72: {  	_ =	shalt  }
0x73: {  	_ =	shalt  }
0x74: {  	_ =	shalt  }
0x75: {  	_ =	shalt  }
0x76: {  	_ =	shalt  }
0x77: {  	_ =	shalt  }
0x78: {  	_ =	shalt  }
0x79: {  	_ =	shalt  }
0x7a: {  	_ =	shalt  }
0x7b: {  	_ =	shalt  }
0x7c: {  	_ =	shalt  }
0x7d: {  	_ =	shalt  }
0x7e: {  	_ =	shalt  }
0x7f: {  	_ =	shalt  }
0x80: {  	_ =	shalt  }
0x81: {  	_ =	shalt  }
0x82: {  	_ =	shalt  }
0x83: {  	_ =	shalt  }
0x84: {  	_ =	shalt  }
0x85: {  	_ =	shalt  }
0x86: {  	_ =	shalt  }
0x87: {  	_ =	shalt  }
.Lfunc_end0:
.L_simem_size_0:
called_computation.2_lowered:
.L_overlay_start_0:
0x88: {  	s2 =	sld [smem:$0x3FD9]  }
0x89: {  	s3 =	sld [smem:$0x3FFE];
	_ =	sdelay $0x1  }
0x8a: {  	s1 =	srdreg.scid  }
0x8b: {  	s0 =	sand.u32 $0x1, s1  }
0x8c: {  	s16 =	sshll.u32 s0, $0xA;
	s2 =	sadd.s32 s3, s2  }
0x8d: {  	s2 =	sadd.s32 s2, s16  }
0x8e: {  	[smem:$0x3FC5] =	sst s2  }
0x8f: {  	_ = 	snop  }
0x90: {  	(tm) =	ssettm $0x1  }
0x91: {  	s17 =	sld [smem:$0x3FFB];
	_ =	sdelay $0x3  }
0x92: {  	_ =	strace s17  }
0x93: {  	s2 =	sld [smem:$0x3FFC];
	_ =	sdelay $0x3  }
0x94: {  	_ =	strace s2  }
0x95: {  	s2 =	sld [smem:$0x3FFD];
	_ =	sdelay $0x3  }
0x96: {  	_ =	strace s2  }
0x97: {  	_ =	strace $0x8FFFFFFF  }
0x98: {  	s18 =	sld [smem:$0x3FDB];
	_ =	sdelay $0x1  }
0x99: {  	s19 =	simm.s32 $_scs_section_size  }
0x9a: {  	s4 =	simm.s32 $_size__tile_overlayer_lowered;
	s5 =	simm.s32 $_tile_overlayer_lowered  }
0x9b: {  	s22 =	simm.s32 $0x1BFF;
	s21 =	sshll.u32 s5, $0x1;
	s2 =	sadd.s32 s19, s18  }
0x9c: {  	s6 =	simm.s32 $0x0;
	s20 =	sshll.u32 s4, $0x1;
	s4 =	sadd.s32 s21, s2  }
0x9d: {  	[timem:s6], [sflag:s22] =	dma.local [hbm:s4], s20  }
0x9e: {  	_ =	swait.ge [sflag:s22], s20  }
0x9f: {  	s3 =	ssub.s32 $0x0, s20;
	[sflag:s22] =	ssyncset.done $0x0  }
0xa0: {  	[sflag:s22] =	ssyncadd.s32 s3;
	_ =	sdelay $0x1  }
0xa1: {  	s23 =	simm.s32 $0x1B8B  }
0xa2: {  	_ =	swait.ge [sflag:s23], $0x1  }
0xa3: {  	[sflag:s23] =	ssyncset.done $0x0  }
0xa4: {  	s25 =	simm.s32 $0x1B8E;
	s24 =	sld [smem:$0x3FFE];
	[sflag:s23] =	ssyncadd.s32 $0xFFFFFFFF  }
0xa5: {  	s26 =	simm.s32 $execute0_lowered;
	[smem:$0x3FD2] =	sst s25  }
0xa6: {  	s4 =	sshll.u32 s26, $0x1;
	_ =	strace $0x8000004C;
	[dreg:$0x1] =	wrdreg $0xFFFFFFFF  }
0xa7: {  	s28 =	simm.s32 $_size_execute0_lowered;
	s2 =	sadd.s32 s2, s4;
	[dreg:$0x0] =	wrdreg $0x0  }
0xa8: {  	s4 =	sshll.u32 s28, $0x1;
	[dreg:$0x2] =	wrdreg s2  }
0xa9: {  	[dreg:$0x3] =	wrdreg s4  }
0xaa: {  	[dreg:$0x4] =	wrdreg $0xC0  }
0xab: {  	_ =	task [dreg:s6], $0x5FFFF  }
0xac: {  	[dreg:$0x1] =	wrdreg $0xFFFFFFFF  }
0xad: {  	[dreg:$0x0] =	wrdreg $0x60  }
0xae: {  	[dreg:$0x2] =	wrdreg s24  }
0xaf: {  	[dreg:$0x3] =	wrdreg $0x0  }
0xb0: {  	[dreg:$0x4] =	wrdreg $0x9  }
0xb1: {  	_ =	task.clear_ibuf [dreg:s6], $0x5FFFF;
	_ =	strace $0x9000004C  }
0xb2: {  	s29 =	simm.s32 $0x9;
	_ =	strace $0x8000004E  }
0xb3: {  	_ =	swait.ge [sflag:s29], $0x1  }
0xb4: {  	[sflag:s29] =	ssyncadd.s32 $0xFFFFFFFF  }
0xb5: {  	_ =	strace $0x9000004E  }
0xb6: {  	_ =	sfence  }
0xb7: {  	s30 =	sld [smem:$0x0];
	_ =	sdelay $0x2  }
0xb8: {  	s31 =	sshll.u32 s1, $0xD;
	s1 =	sshrl.u32 s1, $0x2  }
0xb9: {  	s3 =	sand.u32 $0x4000, s31;
	s1 =	sadd.s32 s1, s30  }
0xba: {  	s0 =	sor.u32 s3, s0;
	s1 =	sshll.u32 s1, $0x11  }
0xbb: {  	s0 =	sor.u32 s1, s0  }
0xbc: {  	s0 =	sadd.s32 $0x8F2B, s0  }
0xbd: {  	[sflag:s0] =	ssyncadd.remote.s32 $0x1  }
0xbe: {  	_ =	sfence.sel $0xFFFF  }
0xbf: {  	[dreg:$0x0] =	wrdreg $0xFFFFFFFF;
	(pc) =	sbr.abs _section_cstart, $3  }
0xc0: {  	[dreg:$0x1] =	wrdreg $0xFFFFFFFF  }
0xc1: {  	_ =	task.clear_ibuf [dreg:s6], $0x2FFFF;
	_ =	strace $0x9FFFFFFF  }
0xc2: {  	(tm) =	ssettm $0x7FFFFFFF  }
0xc3: {  	_ =	shalt  }
tec
execute0_lowered:
.L_overlay_start_1:
0x0: {  	(tag) =	ssettag $0x1  }
0x1: {  	s0 =	srdreg.scid;
	s1 =	rddreg [dreg:$0x0]  }
0x2: {  	s20 =	stileid.u32;
	s2 =	rddreg [dreg:$0x1];
	s3 =	simm.s32 $0x0  }
0x3: {  	s16 =	simm.s32 $0x2;
	s17 =	simm.s32 $0x18780;
	s5 =	smul.u32 $0xC400, s20  }
0x4: {  	s28 =	simm.s32 $0x18F80;
	s29 =	simm.s32 $0x18800;
	s7 =	smul.u32 $0x3E80, s20  }
0x5: {  	s30 =	simm.s32 $0x19780;
	s0 =	sand.u32 $0x1, s0;
	s26 =	smul.u32 $0x61E00, s20  }
0x6: {  	s31 =	simm.s32 $0x18880;
	[smem:$0x7FF] =	sst s3;
	s4 =	smul.u32 $0xC4000, s0  }
0x7: {  	p0 =	sgt.u32 s20, $0x3;
	s18 =	smul.u32 $0x186A00, s0;
	s0 =	ssub.s32 $0x2, s0  }
0x8: {  	_ =	strace $0x8000004D;
	s9 =	sshrl.u32 s0, $0x1;
	s10 =	sadd.s32 $0x3E800, s7  }
0x9: {  	s11 =	sadd.s32 $0x7D000, s7;
	s12 =	sadd.s32 $0xBB800, s7;
	s23 =	sadd.s32 $0xFA000, s7  }
0xa: {  	s14 =	sadd.s32 $0x138800, s7;
	s4 =	sadd.s32 s5, s4;
	s8 =	sadd.s32 s7, s18  }
0xb: {  	s0 =	ssub.s32 s0, s9;
	s19 =	sadd.s32 s18, s10;
	s9 =	sadd.s32 s7, s2  }
0xc: {  	s21 =	sadd.s32 s18, s11;
	s10 =	sadd.s32 s10, s2;
	s13 =	sadd.s32 s18, s12  }
0xd: {  	s11 =	sadd.s32 s11, s2;
	s24 =	sadd.s32 s18, s23;
	s12 =	sadd.s32 s12, s2  }
0xe: {  	s25 =	sadd.s32 s18, s14;
	s7 =	sadd.s32 $0x177000, s7;
	s15 =	sadd.s32 s23, s2  }
0xf: {  	s6 =	sshrl.u32 s4, $0x3;
	s4 =	sadd.s32 $0xCBA00, s1;
	s8 =	sshrl.u32 s8, $0x3  }
0x10: {  	s22 =	sshrl.u32 s13, $0x3;
	s5 =	sadd.s32 s18, s7;
	s0 =	smax.u32 s0, $0x1  }
0x11: {  	s18 =	simm.s32 $0x18B80;
	s9 =	sshrl.u32 s9, $0x3;
	[dreg:$0xb] =	wrdreg s0  }
0x12: {  	s10 =	sshrl.u32 s10, $0x3;
	s20 =	sshrl.u32 s11, $0x3;
	[dreg:$0xc] =	wrdreg s9  }
0x13: {  	s11 =	simm.s32 $0x18A00;
	s6 =	sadd.s32 s6, s1;
	[dreg:$0xd] =	wrdreg s10  }
0x14: {  	s1 =	sadd.s32 $0x63C00, s1;
	s5 =	sshrl.u32 s5, $0x3;
	[dreg:$0xe] =	wrdreg s20  }
0x15: {  	s9 =	simm.s32 $0x18D00;
	s10 =	simm.s32 $0x18980;
	s8 =	sadd.s32 s1, s8  }
0x16: {  	s20 =	simm.s32 $0x18D80;
	[dreg:$0x4] =	wrdreg s8;
	s8 =	sshrl.u32 s19, $0x3  }
0x17: {  	s19 =	sadd.s32 s14, s2;
	s14 =	sadd.s32 $0x1C00, s6;
	s8 =	sadd.s32 s1, s8  }
0x18: {  	s23 =	sshrl.u32 s19, $0x3;
	s19 =	simm.s32 $0x18B00;
	[dreg:$0x5] =	wrdreg s8  }
0x19: {  	s8 =	sshrl.u32 s21, $0x3;
	s21 =	sshrl.u32 s12, $0x3;
	[dreg:$0x11] =	wrdreg s23  }
0x1a: {  	s12 =	simm.s32 $0x18A80;
	s8 =	sadd.s32 s1, s8;
	[dreg:$0xf] =	wrdreg s21  }
0x1b: {  	s23 =	simm.s32 $0x18F00;
	[dreg:$0x6] =	wrdreg s8;
	s8 =	sadd.s32 s1, s22  }
0x1c: {  	s22 =	sshrl.u32 s15, $0x3;
	[dreg:$0x7] =	wrdreg s8;
	s8 =	sshrl.u32 s24, $0x3  }
0x1d: {  	s21 =	simm.s32 $0x18E00;
	[dreg:$0x10] =	wrdreg s22;
	s8 =	sadd.s32 s1, s8  }
0x1e: {  	s24 =	simm.s32 $0x0;
	[dreg:$0x8] =	wrdreg s8;
	s8 =	sshrl.u32 s25, $0x3  }
0x1f: {  	s22 =	simm.s32 $0x18E80;
	[dreg:$0x13] =	wrdreg s24;
	s8 =	sadd.s32 s1, s8  }
0x20: {  	s25 =	simm.s32 $0x1AF80;
	s1 =	sadd.s32 s1, s5;
	[dreg:$0x9] =	wrdreg s8  }
0x21: {  	s5 =	simm.s32 $0x1A780;
	[dreg:$0xa] =	wrdreg s1;
	s1 =	sadd.s32 s7, s2  }
0x22: {  	s7 =	sshrl.u32 s26, $0x2;
	s8 =	sadd.s32 $0x32C00, s6;
	s26 =	simm.s32 $0x80  }
0x23: {  	s6 =	simm.s32 $0x1;
	s13 =	sadd.s32 s7, s2;
	[dreg:$0x3] =	wrdreg s8  }
0x24: {  	s0 =	sshrl.u32 @!p0 s1, $0x3;
	s1 =	simm.s32 $0x19F80;
	s7 =	simm.s32 $0x18C00  }
0x25: {  	v0 =	vimm.f32 $0.0e+00;
	s8 =	simm.s32 $0x18C80;
	[dreg:$0x12] =	wrdreg s0;
	s0 =	simm.s32 $0x18900  }
.LBB2_1:
0x26: {  	s15 =	simm.s32 $0x0  }
.LBB2_2:
0x27: {  	p1 =	sne.s32 s15, $0x39C0  }
.Ltmp0:
0x28: {  	_ = 	snop;
	(pc) =	sbr.rel @p1 .LBB2_2-.Ltmp0, $3  }
0x29: {  	_ =	sdelay $0x1  }
0x2a: {  	s24 =	sshra.s32 s15, $0x2  }
0x2b: {  	s15 =	sadd.s32 $0x40, s15;
	[tilespmem:s24+$0x1AF80] =	vst v0  }
0x2c: {  	s15 =	sadd.s32 $0x0, s13  }
0x2d: {  	[spmem:s15] =	stream.linear.scatter [tilespmem:s25], [sflag:$0x2], $0xE80, $0x38;
	[tilespmem:$0x1BE00] =	vst v63  }
0x2e: {  	s24 =	simm.s32 $0x3A00;
	_ =	swait.ge [sflag:s16], $0xE80  }
.LBB2_4:
0x2f: {  	s15 =	sshra.s32 s24, $0x2;
	[sflag:s16] =	ssyncset.done $0x0;
	p1 =	sne.s32 s24, $0x5E400  }
.Ltmp1:
0x30: {  	s15 =	sadd.s32 s15, s13;
	[sflag:s16] =	ssyncadd.s32 $0xFFFFF180;
	(pc) =	sbr.rel @p1 .LBB2_4-.Ltmp1, $3  }
0x31: {  	[spmem:s15] =	stream.linear.scatter [tilespmem:s25], [sflag:$0x2], $0xE80, $0x38;
	[tilespmem:$0x1BE00] =	vst v63  }
0x32: {  	s24 =	sadd.s32 $0x3A00, s24;
	_ =	sdelay $0x1  }
0x33: {  	_ =	swait.ge [sflag:s16], $0xE80  }
0x34: {  	[sflag:s16] =	ssyncset.done $0x0  }
0x35: {  	[sflag:s16] =	ssyncadd.s32 $0xFFFFF180  }
0x36: {  	s15 =	sadd.s32 $0x0, s14;
	[bflag:$0x0] =	sbarrier.arrive $0xFFFF  }
0x37: {  	[tilespmem:s17], [sflag:$0x2] =	stream.linear.gather [hbm4b:s15+s3], $0x400, $0x38;
	[tilespmem:$0x1BE00] =	vst v63  }
0x38: {  	_ =	swait.ge [sflag:s16], $0x400  }
0x39: {  	s25 =	rddreg [dreg:$0x3];
	[sflag:s16] =	ssyncset.done $0x0  }
0x3a: {  	[sflag:s16] =	ssyncadd.s32 $0xFFFFFC00;
	s15 =	sadd.s32 $0x0, s25  }
0x3b: {  	[tilespmem:s18], [sflag:$0x2] =	stream.linear.gather [hbm4b:s15+s3], $0x400, $0x38;
	[tilespmem:$0x1BE00] =	vst v63  }
0x3c: {  	_ =	swait.ge [sflag:s16], $0x400  }
0x3d: {  	[sflag:s16] =	ssyncset.done $0x0  }
0x3e: {  	[sflag:s16] =	ssyncadd.s32 $0xFFFFFC00  }
0x3f: {  	[tilespmem:s28], [sflag:$0x1] =	stream.indirect.gather [hbm4b:s4+s26], $0x10, s17, s26, $0xb8;
	[tilespmem:$0x1BE00] =	vst v63  }
0x40: {  	_ = 	snop  }
0x41: {  	[tilespmem:s30], [sflag:$0x1] =	stream.indirect.gather [hbm4b:s4+s26], $0x10, s29, s26, $0xb8;
	[tilespmem:$0x1BE00] =	vst v63  }
0x42: {  	_ = 	snop  }
0x43: {  	[tilespmem:s1], [sflag:$0x1] =	stream.indirect.gather [hbm4b:s4+s26], $0x10, s31, s26, $0xb8;
	[tilespmem:$0x1BE00] =	vst v63  }
0x44: {  	_ = 	snop  }
0x45: {  	[tilespmem:s5], [sflag:$0x1] =	stream.indirect.gather [hbm4b:s4+s26], $0x10, s0, s26, $0xb8;
	[tilespmem:$0x1BE00] =	vst v63  }
0x46: {  	_ =	swait.ge [sflag:s6], $0x800  }
0x47: {  	[sflag:s6] =	ssyncset.done $0x0  }
0x48: {  	[sflag:s6] =	ssyncadd.s32 $0xFFFFF800  }
0x49: {  	_ =	swait.ge [sflag:s6], $0x800  }
0x4a: {  	[sflag:s6] =	ssyncset.done $0x0  }
0x4b: {  	[sflag:s6] =	ssyncadd.s32 $0xFFFFF800  }
0x4c: {  	_ =	swait.ge [sflag:s6], $0x800  }
0x4d: {  	[sflag:s6] =	ssyncset.done $0x0  }
0x4e: {  	[sflag:s6] =	ssyncadd.s32 $0xFFFFF800  }
0x4f: {  	_ =	swait.ge [sflag:s6], $0x800  }
0x50: {  	[sflag:s6] =	ssyncset.done $0x0  }
0x51: {  	[sflag:s6] =	ssyncadd.s32 $0xFFFFF800  }
0x52: {  	[spmem:s2] =	stream.indirect.scatter.add.f32 [tilespmem:s28], [sflag:$0x2], $0x10, s18, s26, $0xb8;
	[tilespmem:$0x1BE00] =	vst v63  }
0x53: {  	_ =	swait.ge [sflag:s16], $0x800  }
0x54: {  	[sflag:s16] =	ssyncset.done $0x0  }
0x55: {  	[sflag:s16] =	ssyncadd.s32 $0xFFFFF800  }
0x56: {  	[spmem:s2] =	stream.indirect.scatter.add.f32 [tilespmem:s30], [sflag:$0x2], $0x10, s7, s26, $0xb8;
	[tilespmem:$0x1BE00] =	vst v63  }
0x57: {  	_ =	swait.ge [sflag:s16], $0x800  }
0x58: {  	[sflag:s16] =	ssyncset.done $0x0  }
0x59: {  	[sflag:s16] =	ssyncadd.s32 $0xFFFFF800  }
0x5a: {  	[spmem:s2] =	stream.indirect.scatter.add.f32 [tilespmem:s1], [sflag:$0x2], $0x10, s8, s26, $0xb8;
	[tilespmem:$0x1BE00] =	vst v63  }
0x5b: {  	_ =	swait.ge [sflag:s16], $0x800  }
0x5c: {  	[sflag:s16] =	ssyncset.done $0x0  }
0x5d: {  	[sflag:s16] =	ssyncadd.s32 $0xFFFFF800  }
0x5e: {  	[spmem:s2] =	stream.indirect.scatter.add.f32 [tilespmem:s5], [sflag:$0x2], $0x10, s9, s26, $0xb8;
	[tilespmem:$0x1BE00] =	vst v63  }
0x5f: {  	_ =	swait.ge [sflag:s16], $0x800  }
0x60: {  	[sflag:s16] =	ssyncset.done $0x0  }
0x61: {  	[sflag:s16] =	ssyncadd.s32 $0xFFFFF800  }
0x62: {  	[tilespmem:s28], [sflag:$0x1] =	stream.indirect.gather [hbm4b:s4+s26], $0x10, s10, s26, $0xb8;
	[tilespmem:$0x1BE00] =	vst v63  }
0x63: {  	_ = 	snop  }
0x64: {  	[tilespmem:s30], [sflag:$0x1] =	stream.indirect.gather [hbm4b:s4+s26], $0x10, s11, s26, $0xb8;
	[tilespmem:$0x1BE00] =	vst v63  }
0x65: {  	_ = 	snop  }
0x66: {  	[tilespmem:s1], [sflag:$0x1] =	stream.indirect.gather [hbm4b:s4+s26], $0x10, s12, s26, $0xb8;
	[tilespmem:$0x1BE00] =	vst v63  }
0x67: {  	_ = 	snop  }
0x68: {  	[tilespmem:s5], [sflag:$0x1] =	stream.indirect.gather [hbm4b:s4+s26], $0x10, s19, s26, $0xb8;
	[tilespmem:$0x1BE00] =	vst v63  }
0x69: {  	_ =	swait.ge [sflag:s6], $0x800  }
0x6a: {  	[sflag:s6] =	ssyncset.done $0x0  }
0x6b: {  	[sflag:s6] =	ssyncadd.s32 $0xFFFFF800  }
0x6c: {  	_ =	swait.ge [sflag:s6], $0x800  }
0x6d: {  	[sflag:s6] =	ssyncset.done $0x0  }
0x6e: {  	[sflag:s6] =	ssyncadd.s32 $0xFFFFF800  }
0x6f: {  	_ =	swait.ge [sflag:s6], $0x800  }
0x70: {  	[sflag:s6] =	ssyncset.done $0x0  }
0x71: {  	[sflag:s6] =	ssyncadd.s32 $0xFFFFF800  }
0x72: {  	_ =	swait.ge [sflag:s6], $0x800  }
0x73: {  	[sflag:s6] =	ssyncset.done $0x0  }
0x74: {  	[sflag:s6] =	ssyncadd.s32 $0xFFFFF800  }
0x75: {  	[spmem:s2] =	stream.indirect.scatter.add.f32 [tilespmem:s28], [sflag:$0x2], $0x10, s20, s26, $0xb8;
	[tilespmem:$0x1BE00] =	vst v63  }
0x76: {  	_ =	swait.ge [sflag:s16], $0x800  }
0x77: {  	[sflag:s16] =	ssyncset.done $0x0  }
0x78: {  	[sflag:s16] =	ssyncadd.s32 $0xFFFFF800  }
0x79: {  	[spmem:s2] =	stream.indirect.scatter.add.f32 [tilespmem:s30], [sflag:$0x2], $0x10, s21, s26, $0xb8;
	[tilespmem:$0x1BE00] =	vst v63  }
0x7a: {  	_ =	swait.ge [sflag:s16], $0x800  }
0x7b: {  	[sflag:s16] =	ssyncset.done $0x0  }
0x7c: {  	[sflag:s16] =	ssyncadd.s32 $0xFFFFF800  }
0x7d: {  	[spmem:s2] =	stream.indirect.scatter.add.f32 [tilespmem:s1], [sflag:$0x2], $0x10, s22, s26, $0xb8;
	[tilespmem:$0x1BE00] =	vst v63  }
0x7e: {  	_ =	swait.ge [sflag:s16], $0x800  }
0x7f: {  	[sflag:s16] =	ssyncset.done $0x0  }
0x80: {  	[sflag:s16] =	ssyncadd.s32 $0xFFFFF800  }
0x81: {  	[spmem:s2] =	stream.indirect.scatter.add.f32 [tilespmem:s5], [sflag:$0x2], $0x10, s23, s26, $0xb8;
	[tilespmem:$0x1BE00] =	vst v63  }
0x82: {  	_ =	swait.ge [sflag:s16], $0x800  }
0x83: {  	s24 =	simm.s32 $0x100;
	s25 =	simm.s32 $0x80;
	[sflag:s16] =	ssyncset.done $0x0  }
.LBB2_6:
0x84: {  	s29 =	sadd.s32 s25, s14;
	[sflag:s16] =	ssyncadd.s32 $0xFFFFF800  }
0x85: {  	[tilespmem:s17], [sflag:$0x2] =	stream.linear.gather [hbm4b:s29+s3], $0x400, $0x38;
	[tilespmem:$0x1BE00] =	vst v63  }
0x86: {  	s31 =	smov.u32 s24;
	s15 =	sadd.s32 $0x80, s24;
	_ =	swait.ge [sflag:s16], $0x400  }
0x87: {  	p1 =	sne.s32 s24, $0x1800;
	s24 =	rddreg [dreg:$0x3];
	[sflag:s16] =	ssyncset.done $0x0  }
0x88: {  	[sflag:s16] =	ssyncadd.s32 $0xFFFFFC00;
	s24 =	sadd.s32 s25, s24  }
0x89: {  	[tilespmem:s18], [sflag:$0x2] =	stream.linear.gather [hbm4b:s24+s3], $0x400, $0x38;
	[tilespmem:$0x1BE00] =	vst v63  }
0x8a: {  	_ =	swait.ge [sflag:s16], $0x400  }
0x8b: {  	[sflag:s16] =	ssyncset.done $0x0  }
0x8c: {  	[sflag:s16] =	ssyncadd.s32 $0xFFFFFC00  }
0x8d: {  	[tilespmem:s28], [sflag:$0x1] =	stream.indirect.gather [hbm4b:s4+s26], $0x10, s17, s26, $0xb8;
	[tilespmem:$0x1BE00] =	vst v63  }
0x8e: {  	s29 =	simm.s32 $0x18800  }
0x8f: {  	[tilespmem:s30], [sflag:$0x1] =	stream.indirect.gather [hbm4b:s4+s26], $0x10, s29, s26, $0xb8;
	[tilespmem:$0x1BE00] =	vst v63  }
0x90: {  	s25 =	smov.u32 s31;
	s31 =	simm.s32 $0x18880  }
0x91: {  	[tilespmem:s1], [sflag:$0x1] =	stream.indirect.gather [hbm4b:s4+s26], $0x10, s31, s26, $0xb8;
	[tilespmem:$0x1BE00] =	vst v63  }
0x92: {  	_ = 	snop  }
0x93: {  	[tilespmem:s5], [sflag:$0x1] =	stream.indirect.gather [hbm4b:s4+s26], $0x10, s0, s26, $0xb8;
	[tilespmem:$0x1BE00] =	vst v63  }
0x94: {  	_ =	swait.ge [sflag:s6], $0x800  }
0x95: {  	[sflag:s6] =	ssyncset.done $0x0  }
0x96: {  	[sflag:s6] =	ssyncadd.s32 $0xFFFFF800  }
0x97: {  	_ =	swait.ge [sflag:s6], $0x800  }
0x98: {  	[sflag:s6] =	ssyncset.done $0x0  }
0x99: {  	[sflag:s6] =	ssyncadd.s32 $0xFFFFF800  }
0x9a: {  	_ =	swait.ge [sflag:s6], $0x800  }
0x9b: {  	[sflag:s6] =	ssyncset.done $0x0  }
0x9c: {  	[sflag:s6] =	ssyncadd.s32 $0xFFFFF800  }
0x9d: {  	_ =	swait.ge [sflag:s6], $0x800  }
0x9e: {  	[sflag:s6] =	ssyncset.done $0x0  }
0x9f: {  	[sflag:s6] =	ssyncadd.s32 $0xFFFFF800  }
0xa0: {  	[spmem:s2] =	stream.indirect.scatter.add.f32 [tilespmem:s28], [sflag:$0x2], $0x10, s18, s26, $0xb8;
	[tilespmem:$0x1BE00] =	vst v63  }
0xa1: {  	_ =	swait.ge [sflag:s16], $0x800  }
0xa2: {  	[sflag:s16] =	ssyncset.done $0x0  }
0xa3: {  	[sflag:s16] =	ssyncadd.s32 $0xFFFFF800  }
0xa4: {  	[spmem:s2] =	stream.indirect.scatter.add.f32 [tilespmem:s30], [sflag:$0x2], $0x10, s7, s26, $0xb8;
	[tilespmem:$0x1BE00] =	vst v63  }
0xa5: {  	_ =	swait.ge [sflag:s16], $0x800  }
0xa6: {  	[sflag:s16] =	ssyncset.done $0x0  }
0xa7: {  	[sflag:s16] =	ssyncadd.s32 $0xFFFFF800  }
0xa8: {  	[spmem:s2] =	stream.indirect.scatter.add.f32 [tilespmem:s1], [sflag:$0x2], $0x10, s8, s26, $0xb8;
	[tilespmem:$0x1BE00] =	vst v63  }
0xa9: {  	_ =	swait.ge [sflag:s16], $0x800  }
0xaa: {  	[sflag:s16] =	ssyncset.done $0x0  }
0xab: {  	[sflag:s16] =	ssyncadd.s32 $0xFFFFF800  }
0xac: {  	[spmem:s2] =	stream.indirect.scatter.add.f32 [tilespmem:s5], [sflag:$0x2], $0x10, s9, s26, $0xb8;
	[tilespmem:$0x1BE00] =	vst v63  }
0xad: {  	_ =	swait.ge [sflag:s16], $0x800  }
0xae: {  	[sflag:s16] =	ssyncset.done $0x0  }
0xaf: {  	[sflag:s16] =	ssyncadd.s32 $0xFFFFF800  }
0xb0: {  	[tilespmem:s28], [sflag:$0x1] =	stream.indirect.gather [hbm4b:s4+s26], $0x10, s10, s26, $0xb8;
	[tilespmem:$0x1BE00] =	vst v63  }
0xb1: {  	_ = 	snop  }
0xb2: {  	[tilespmem:s30], [sflag:$0x1] =	stream.indirect.gather [hbm4b:s4+s26], $0x10, s11, s26, $0xb8;
	[tilespmem:$0x1BE00] =	vst v63  }
0xb3: {  	_ = 	snop  }
0xb4: {  	[tilespmem:s1], [sflag:$0x1] =	stream.indirect.gather [hbm4b:s4+s26], $0x10, s12, s26, $0xb8;
	[tilespmem:$0x1BE00] =	vst v63  }
0xb5: {  	_ = 	snop  }
0xb6: {  	[tilespmem:s5], [sflag:$0x1] =	stream.indirect.gather [hbm4b:s4+s26], $0x10, s19, s26, $0xb8;
	[tilespmem:$0x1BE00] =	vst v63  }
0xb7: {  	_ =	swait.ge [sflag:s6], $0x800  }
0xb8: {  	[sflag:s6] =	ssyncset.done $0x0  }
0xb9: {  	[sflag:s6] =	ssyncadd.s32 $0xFFFFF800  }
0xba: {  	_ =	swait.ge [sflag:s6], $0x800  }
0xbb: {  	[sflag:s6] =	ssyncset.done $0x0  }
0xbc: {  	[sflag:s6] =	ssyncadd.s32 $0xFFFFF800  }
0xbd: {  	_ =	swait.ge [sflag:s6], $0x800  }
0xbe: {  	[sflag:s6] =	ssyncset.done $0x0  }
0xbf: {  	[sflag:s6] =	ssyncadd.s32 $0xFFFFF800  }
0xc0: {  	_ =	swait.ge [sflag:s6], $0x800  }
0xc1: {  	[sflag:s6] =	ssyncset.done $0x0  }
0xc2: {  	[sflag:s6] =	ssyncadd.s32 $0xFFFFF800  }
0xc3: {  	[spmem:s2] =	stream.indirect.scatter.add.f32 [tilespmem:s28], [sflag:$0x2], $0x10, s20, s26, $0xb8;
	[tilespmem:$0x1BE00] =	vst v63  }
0xc4: {  	_ =	swait.ge [sflag:s16], $0x800  }
0xc5: {  	[sflag:s16] =	ssyncset.done $0x0  }
0xc6: {  	[sflag:s16] =	ssyncadd.s32 $0xFFFFF800  }
0xc7: {  	[spmem:s2] =	stream.indirect.scatter.add.f32 [tilespmem:s30], [sflag:$0x2], $0x10, s21, s26, $0xb8;
	[tilespmem:$0x1BE00] =	vst v63  }
0xc8: {  	_ =	swait.ge [sflag:s16], $0x800  }
0xc9: {  	[sflag:s16] =	ssyncset.done $0x0  }
0xca: {  	[sflag:s16] =	ssyncadd.s32 $0xFFFFF800  }
0xcb: {  	[spmem:s2] =	stream.indirect.scatter.add.f32 [tilespmem:s1], [sflag:$0x2], $0x10, s22, s26, $0xb8;
	[tilespmem:$0x1BE00] =	vst v63  }
0xcc: {  	_ =	swait.ge [sflag:s16], $0x800  }
.Ltmp2:
0xcd: {  	[sflag:s16] =	ssyncset.done $0x0;
	(pc) =	sbr.rel @p1 .LBB2_6-.Ltmp2, $4  }
0xce: {  	[sflag:s16] =	ssyncadd.s32 $0xFFFFF800  }
0xcf: {  	[spmem:s2] =	stream.indirect.scatter.add.f32 [tilespmem:s5], [sflag:$0x2], $0x10, s23, s26, $0xb8;
	[tilespmem:$0x1BE00] =	vst v63  }
0xd0: {  	_ =	swait.ge [sflag:s16], $0x800  }
0xd1: {  	s24 =	smov.u32 s15;
	[sflag:s16] =	ssyncset.done $0x0  }
0xd2: {  	s15 =	sadd.s32 s25, s14;
	[sflag:s16] =	ssyncadd.s32 $0xFFFFF800  }
0xd3: {  	[tilespmem:s17], [sflag:$0x2] =	stream.linear.gather [hbm4b:s15+s3], $0x400, $0x38;
	[tilespmem:$0x1BE00] =	vst v63  }
0xd4: {  	_ =	swait.ge [sflag:s16], $0x400  }
0xd5: {  	s24 =	rddreg [dreg:$0x3];
	[sflag:s16] =	ssyncset.done $0x0  }
0xd6: {  	s15 =	sadd.s32 s25, s24;
	[sflag:s16] =	ssyncadd.s32 $0xFFFFFC00  }
0xd7: {  	[tilespmem:s18], [sflag:$0x2] =	stream.linear.gather [hbm4b:s15+s3], $0x400, $0x38;
	[tilespmem:$0x1BE00] =	vst v63  }
0xd8: {  	_ =	swait.ge [sflag:s16], $0x400  }
0xd9: {  	[sflag:s16] =	ssyncset.done $0x0  }
0xda: {  	[sflag:s16] =	ssyncadd.s32 $0xFFFFFC00  }
0xdb: {  	[tilespmem:s28], [sflag:$0x1] =	stream.indirect.gather [hbm4b:s4+s26], $0x10, s17, s26, $0xb8;
	[tilespmem:$0x1BE00] =	vst v63  }
0xdc: {  	_ = 	snop  }
0xdd: {  	[tilespmem:s30], [sflag:$0x1] =	stream.indirect.gather [hbm4b:s4+s26], $0x10, s29, s26, $0xb8;
	[tilespmem:$0x1BE00] =	vst v63  }
0xde: {  	_ = 	snop  }
0xdf: {  	[tilespmem:s1], [sflag:$0x1] =	stream.indirect.gather [hbm4b:s4+s26], $0x10, s31, s26, $0xb8;
	[tilespmem:$0x1BE00] =	vst v63  }
0xe0: {  	_ = 	snop  }
0xe1: {  	[tilespmem:s5], [sflag:$0x1] =	stream.indirect.gather [hbm4b:s4+s26], $0x10, s0, s26, $0xb8;
	[tilespmem:$0x1BE00] =	vst v63  }
0xe2: {  	_ =	swait.ge [sflag:s6], $0x800  }
0xe3: {  	[sflag:s6] =	ssyncset.done $0x0  }
0xe4: {  	[sflag:s6] =	ssyncadd.s32 $0xFFFFF800  }
0xe5: {  	_ =	swait.ge [sflag:s6], $0x800  }
0xe6: {  	[sflag:s6] =	ssyncset.done $0x0  }
0xe7: {  	[sflag:s6] =	ssyncadd.s32 $0xFFFFF800  }
0xe8: {  	_ =	swait.ge [sflag:s6], $0x800  }
0xe9: {  	[sflag:s6] =	ssyncset.done $0x0  }
0xea: {  	[sflag:s6] =	ssyncadd.s32 $0xFFFFF800  }
0xeb: {  	_ =	swait.ge [sflag:s6], $0x800  }
0xec: {  	[sflag:s6] =	ssyncset.done $0x0  }
0xed: {  	[sflag:s6] =	ssyncadd.s32 $0xFFFFF800  }
0xee: {  	[spmem:s2] =	stream.indirect.scatter.add.f32 [tilespmem:s28], [sflag:$0x2], $0x10, s18, s26, $0xb8;
	[tilespmem:$0x1BE00] =	vst v63  }
0xef: {  	_ =	swait.ge [sflag:s16], $0x800  }
0xf0: {  	[sflag:s16] =	ssyncset.done $0x0  }
0xf1: {  	[sflag:s16] =	ssyncadd.s32 $0xFFFFF800  }
0xf2: {  	[spmem:s2] =	stream.indirect.scatter.add.f32 [tilespmem:s30], [sflag:$0x2], $0x10, s7, s26, $0xb8;
	[tilespmem:$0x1BE00] =	vst v63  }
0xf3: {  	_ =	swait.ge [sflag:s16], $0x800  }
0xf4: {  	[sflag:s16] =	ssyncset.done $0x0  }
0xf5: {  	[sflag:s16] =	ssyncadd.s32 $0xFFFFF800  }
0xf6: {  	[spmem:s2] =	stream.indirect.scatter.add.f32 [tilespmem:s1], [sflag:$0x2], $0x10, s8, s26, $0xb8;
	[tilespmem:$0x1BE00] =	vst v63  }
0xf7: {  	_ =	swait.ge [sflag:s16], $0x800  }
0xf8: {  	[sflag:s16] =	ssyncset.done $0x0  }
0xf9: {  	[sflag:s16] =	ssyncadd.s32 $0xFFFFF800  }
0xfa: {  	[spmem:s2] =	stream.indirect.scatter.add.f32 [tilespmem:s5], [sflag:$0x2], $0x10, s9, s26, $0xb8;
	[tilespmem:$0x1BE00] =	vst v63  }
0xfb: {  	_ =	swait.ge [sflag:s16], $0x800  }
0xfc: {  	[sflag:s16] =	ssyncset.done $0x0  }
0xfd: {  	[sflag:s16] =	ssyncadd.s32 $0xFFFFF800  }
0xfe: {  	[tilespmem:s28], [sflag:$0x1] =	stream.indirect.gather [hbm4b:s4+s26], $0x10, s10, s26, $0xb8;
	[tilespmem:$0x1BE00] =	vst v63  }
0xff: {  	_ = 	snop  }
0x100: {  	[tilespmem:s30], [sflag:$0x1] =	stream.indirect.gather [hbm4b:s4+s26], $0x10, s11, s26, $0xb8;
	[tilespmem:$0x1BE00] =	vst v63  }
0x101: {  	_ = 	snop  }
0x102: {  	[tilespmem:s1], [sflag:$0x1] =	stream.indirect.gather [hbm4b:s4+s26], $0x10, s12, s26, $0xb8;
	[tilespmem:$0x1BE00] =	vst v63  }
0x103: {  	_ = 	snop  }
0x104: {  	[tilespmem:s5], [sflag:$0x1] =	stream.indirect.gather [hbm4b:s4+s26], $0x10, s19, s26, $0xb8;
	[tilespmem:$0x1BE00] =	vst v63  }
0x105: {  	_ =	swait.ge [sflag:s6], $0x800  }
0x106: {  	[sflag:s6] =	ssyncset.done $0x0  }
0x107: {  	[sflag:s6] =	ssyncadd.s32 $0xFFFFF800  }
0x108: {  	_ =	swait.ge [sflag:s6], $0x800  }
0x109: {  	[sflag:s6] =	ssyncset.done $0x0  }
0x10a: {  	[sflag:s6] =	ssyncadd.s32 $0xFFFFF800  }
0x10b: {  	_ =	swait.ge [sflag:s6], $0x800  }
0x10c: {  	[sflag:s6] =	ssyncset.done $0x0  }
0x10d: {  	[sflag:s6] =	ssyncadd.s32 $0xFFFFF800  }
0x10e: {  	_ =	swait.ge [sflag:s6], $0x800  }
0x10f: {  	[sflag:s6] =	ssyncset.done $0x0  }
0x110: {  	[sflag:s6] =	ssyncadd.s32 $0xFFFFF800  }
0x111: {  	[spmem:s2] =	stream.indirect.scatter.add.f32 [tilespmem:s28], [sflag:$0x2], $0x10, s20, s26, $0xb8;
	[tilespmem:$0x1BE00] =	vst v63  }
0x112: {  	_ =	swait.ge [sflag:s16], $0x800  }
0x113: {  	[sflag:s16] =	ssyncset.done $0x0  }
0x114: {  	[sflag:s16] =	ssyncadd.s32 $0xFFFFF800  }
0x115: {  	[spmem:s2] =	stream.indirect.scatter.add.f32 [tilespmem:s30], [sflag:$0x2], $0x10, s21, s26, $0xb8;
	[tilespmem:$0x1BE00] =	vst v63  }
0x116: {  	_ =	swait.ge [sflag:s16], $0x800  }
0x117: {  	[sflag:s16] =	ssyncset.done $0x0  }
0x118: {  	[sflag:s16] =	ssyncadd.s32 $0xFFFFF800  }
0x119: {  	[spmem:s2] =	stream.indirect.scatter.add.f32 [tilespmem:s1], [sflag:$0x2], $0x10, s22, s26, $0xb8;
	[tilespmem:$0x1BE00] =	vst v63  }
0x11a: {  	_ =	swait.ge [sflag:s16], $0x800  }
0x11b: {  	[sflag:s16] =	ssyncset.done $0x0  }
0x11c: {  	[sflag:s16] =	ssyncadd.s32 $0xFFFFF800  }
0x11d: {  	[spmem:s2] =	stream.indirect.scatter.add.f32 [tilespmem:s5], [sflag:$0x2], $0x10, s23, s26, $0xb8;
	[tilespmem:$0x1BE00] =	vst v63  }
0x11e: {  	_ =	swait.ge [sflag:s16], $0x800  }
0x11f: {  	[sflag:s16] =	ssyncset.done $0x0  }
0x120: {  	[sflag:s16] =	ssyncadd.s32 $0xFFFFF800  }
0x121: {  	s25 =	stileid.u32;
	[bflag:$0x0] =	sbarrier.arrive $0xFFFF  }
0x122: {  	s15 =	sshll.u32 s25, $0x6;
	s24 =	rddreg [dreg:$0x4]  }
0x123: {  	s15 =	sor.u32 $0x1C02, s15;
	s25 =	rddreg [dreg:$0xc]  }
0x124: {  	[hbm:s24], [sflag:s15] =	dma.local [spmem:s25], $0x7D0  }
0x125: {  	_ =	swait.ge [sflag:s16], $0x7D0  }
0x126: {  	[sflag:s16] =	ssyncset.done $0x0;
	s24 =	rddreg [dreg:$0x5]  }
0x127: {  	s25 =	rddreg [dreg:$0xd];
	[sflag:s16] =	ssyncadd.s32 $0xFFFFF830  }
0x128: {  	[hbm:s24], [sflag:s15] =	dma.local [spmem:s25], $0x7D0  }
0x129: {  	_ =	swait.ge [sflag:s16], $0x7D0  }
0x12a: {  	[sflag:s16] =	ssyncset.done $0x0;
	s24 =	rddreg [dreg:$0x6]  }
0x12b: {  	s25 =	rddreg [dreg:$0xe];
	[sflag:s16] =	ssyncadd.s32 $0xFFFFF830  }
0x12c: {  	[hbm:s24], [sflag:s15] =	dma.local [spmem:s25], $0x7D0  }
0x12d: {  	_ =	swait.ge [sflag:s16], $0x7D0  }
0x12e: {  	[sflag:s16] =	ssyncset.done $0x0;
	s24 =	rddreg [dreg:$0x7]  }
0x12f: {  	s25 =	rddreg [dreg:$0xf];
	[sflag:s16] =	ssyncadd.s32 $0xFFFFF830  }
0x130: {  	[hbm:s24], [sflag:s15] =	dma.local [spmem:s25], $0x7D0  }
0x131: {  	_ =	swait.ge [sflag:s16], $0x7D0  }
0x132: {  	[sflag:s16] =	ssyncset.done $0x0;
	s24 =	rddreg [dreg:$0x8]  }
0x133: {  	s25 =	rddreg [dreg:$0x10];
	[sflag:s16] =	ssyncadd.s32 $0xFFFFF830  }
0x134: {  	[hbm:s24], [sflag:s15] =	dma.local [spmem:s25], $0x7D0  }
0x135: {  	_ =	swait.ge [sflag:s16], $0x7D0  }
0x136: {  	[sflag:s16] =	ssyncset.done $0x0;
	s24 =	rddreg [dreg:$0x9]  }
0x137: {  	s25 =	rddreg [dreg:$0x11];
	[sflag:s16] =	ssyncadd.s32 $0xFFFFF830  }
0x138: {  	[hbm:s24], [sflag:s15] =	dma.local [spmem:s25], $0x7D0  }
0x139: {  	_ =	swait.ge [sflag:s16], $0x7D0  }
0x13a: {  	[sflag:s16] =	ssyncset.done $0x0;
	s24 =	rddreg [dreg:$0xa]  }
0x13b: {  	s25 =	rddreg [dreg:$0x12];
	[sflag:s16] =	ssyncadd.s32 $0xFFFFF830  }
0x13c: {  	[hbm:s24], [sflag:s15] =	dma.local @!p0 [spmem:s25], $0x7D0  }
0x13d: {  	s15 =	simm.s32 @!p0 $0x2  }
0x13e: {  	_ =	swait.ge @!p0 [sflag:s15], $0x7D0  }
0x13f: {  	s24 =	rddreg [dreg:$0x13]  }
0x140: {  	s25 =	sadd.s32 $0x1, s24;
	s24 =	rddreg [dreg:$0xb]  }
0x141: {  	p1 =	sne.s32 s25, s24  }
.Ltmp3:
0x142: {  	_ = 	snop;
	(pc) =	sbr.rel @p1 .LBB2_1-.Ltmp3, $3  }
0x143: {  	_ =	sdelay $0x1  }
0x144: {  	[sflag:s15] =	ssyncset.done @!p0 $0x0  }
0x145: {  	[sflag:s15] =	ssyncadd.s32 @!p0 $0xFFFFF830;
	[dreg:$0x13] =	wrdreg s25;
	s25 =	simm.s32 $0x1AF80  }
0x146: {  	_ =	sfence.sel $0x180000  }
0x147: {  	[bflag:$0x0] =	sbarrier.arrive $0xFFFF  }
0x148: {  	_ =	strace $0x9000004D  }
0x149: {  	s0 =	stileid.u32;
	[bflag:$0x2] =	sbarrier.arrive $0xFFFF  }
0x14a: {  	p0 =	sne.s32 s0, $0x0;
	s0 =	rddreg [dreg:$0x2]  }
0x14b: {  	s0 =	sadd.s32 @!p0 $0x100000, s0  }
0x14c: {  	[sflag:s0] =	ssyncadd.tile.s32 @!p0 $0x1;
	_ =	shalt  }
.Lfunc_end2:
_tile_overlayer_lowered:
.L_overlay_start_2:
0x14d: {  	(tag) =	ssettag $0x2  }
0x14e: {  	s0 =	rddreg [dreg:$0x0];
	s2 =	stileid.u32  }
0x14f: {  	s1 =	rddreg [dreg:$0x1];
	p0 =	sne.s32 s2, $0x0  }
0x150: {  	s3 =	rddreg [dreg:$0x2];
	[bflag:$0x3] =	sbarrier.arrive $0xFFFF;
	s2 =	simm.s32 @!p0 $0x1C02  }
0x151: {  	[timem:s3], [sflag:s2] =	dma.local @!p0 [hbm:s0], s1  }
0x152: {  	s0 =	simm.s32 @!p0 $0x2  }
0x153: {  	_ =	swait.ge @!p0 [sflag:s0], s1  }
0x154: {  	s1 =	ssub.s32 @!p0 $0x0, s1;
	[sflag:s0] =	ssyncset.done @!p0 $0x0  }
0x155: {  	[sflag:s0] =	ssyncadd.s32 @!p0 s1  }
0x156: {  	[bflag:$0x3] =	sbarrier.arrive $0xFFFF  }
0x157: {  	_ =	shalt  }

// kernel: kernel.16.cloned.1.call-start
scs
__scs_entry_jumppad:
0x0: {  	(pc) =	sbr.rel $0x88, $3  }
0x1: {  	(tag) =	ssettag $0x0;
	lr =	simm.s32 $0x1  }
0x2: {  	[smem:$0x3F9E] =	sst lr;
	_ =	strace $0xD0000000  }
0x3: {  	_ = 	snop  }
0x4: {  	_ = 	snop  }
0x5: {  	_ = 	snop  }
0x6: {  	_ = 	snop  }
0x7: {  	_ = 	snop  }
__scs_overlays_trampoline_lowered:
0x8: {  	[smem:$0x3FAD] =	sst s0  }
0x9: {  	[smem:$0x3FAE] =	sst s1  }
0xa: {  	[smem:$0x3FAF] =	sst s2  }
0xb: {  	[smem:$0x3FB0] =	sst s3  }
0xc: {  	[smem:$0x3FB1] =	sst s4  }
0xd: {  	[smem:$0x3FB2] =	sst s5  }
0xe: {  	[smem:$0x3FB3] =	sst s6  }
0xf: {  	[smem:$0x3FB4] =	sst s7  }
0x10: {  	[smem:$0x3FB5] =	sst s8  }
0x11: {  	[smem:$0x3FB6] =	sst s9;
	s0 =	simm.s32 @!p0 $0x0  }
0x12: {  	s1 =	sld [smem:$0x3F9C];
	s0 =	simm.s32 @p0 $0x1  }
0x13: {  	[smem:$0x3FB7] =	sst s0;
	s0 =	simm.s32 @!p1 $0x0  }
0x14: {  	s2 =	sld [smem:$0x3F9B];
	s0 =	simm.s32 @p1 $0x1  }
0x15: {  	[smem:$0x3FB8] =	sst s0;
	s0 =	simm.s32 @!p2 $0x0  }
0x16: {  	s3 =	sld [smem:$0x3FDB];
	s0 =	simm.s32 @p2 $0x1  }
0x17: {  	s4 =	simm.s32 $0x1BF5;
	[smem:$0x3FBA] =	sst s0  }
0x18: {  	s0 =	sld [smem:$0x3F9D];
	_ =	swait.ge [sflag:s4], $0x0  }
0x19: {  	s7 =	sld [smem:$0x3F9E]  }
0x1a: {  	s8 =	sadd.s32 $0xFFFFE003, lr  }
0x1b: {  	s9 =	sadd.s32 $0xFFFFFEF7, lr;
	s5 =	simm.s32 $0xFFFFFFFF;
	p2 =	slt.u32 s8, $0xFFFFF086  }
0x1c: {  	p1 =	slt.u32 s9, $0xF7A;
	s5 =	simm.s32 @!p2 $0x0  }
0x1d: {  	s5 =	simm.s32 @p1 $0x1;
	p0 =	seq.s32 s7, s2  }
0x1e: {  	s7 =	smul.u32 @!p0 $0xF7A, s2;
	p2 =	seq.s32 @!p0 s5, $0x0  }
0x1f: {  	s9 =	smul.u32 $0xF7A, s1;
	s8 =	simm.s32 @!p0 $0x1BF5;
	p2 =	por !p2, p0  }
0x20: {  	[sflag:s8] =	ssyncset.s32 @!p0 $0xFFFFF086;
	s6 =	sadd.s32 @!p0 s3, s7;
	s7 =	simm.s32 @!p0 $0x108  }
0x21: {  	s3 =	sadd.s32 s3, s9;
	s6 =	sadd.s32 @!p0 $0x88, s6;
	s7 =	simm.s32 @p2 $0x1082  }
0x22: {  	[simem:s7], [sflag:s8] =	dma.local @!p0 [hbm:s6], $0xF7A  }
0x23: {  	s9 =	sor.u32 $0xD0000000, s2;
	s6 =	simm.s32 $0x108;
	_ =	swait.ge @!p0 [sflag:s8], $0x0  }
0x24: {  	s3 =	sadd.s32 $0x88, s3;
	s6 =	simm.s32 @!p1 $0x1082;
	[sflag:s4] =	ssyncset.s32 $0xFFFFF086  }
0x25: {  	[simem:s6], [sflag:s4] =	dma.local [hbm:s3], $0xF7A  }
0x26: {  	[smem:$0x3F9E] =	sst s1;
	(tag) =	ssettag s2;
	_ =	strace s9  }
0x27: {  	s1 =	sld [smem:$0x3FAE]  }
0x28: {  	s2 =	sld [smem:$0x3FAF]  }
0x29: {  	s4 =	sld [smem:$0x3FB1]  }
0x2a: {  	p0 =	seq.s32 s5, $0x0;
	s5 =	sld [smem:$0x3FB2]  }
0x2b: {  	s6 =	sld [smem:$0x3FB3]  }
0x2c: {  	s7 =	sld [smem:$0x3FB4]  }
0x2d: {  	s3 =	simm.s32 $0x108;
	s8 =	sld [smem:$0x3FB5]  }
0x2e: {  	s3 =	simm.s32 @!p0 $0x1082;
	s9 =	sld [smem:$0x3FB6]  }
0x2f: {  	lr =	sadd.s32 s0, s3;
	s0 =	sld [smem:$0x3FAD]  }
0x30: {  	s3 =	sld [smem:$0x3FB0]  }
0x31: {  	[smem:$0x3FB9] =	sst s10  }
0x32: {  	s10 =	sld [smem:$0x3FB7];
	_ =	sdelay $0x3  }
0x33: {  	p0 =	seq.s32 s10, $0x1;
	s10 =	sld [smem:$0x3FB9];
	_ =	sdelay $0x3  }
0x34: {  	[smem:$0x3FB9] =	sst s10  }
0x35: {  	s10 =	sld [smem:$0x3FB8];
	_ =	sdelay $0x3  }
0x36: {  	p1 =	seq.s32 s10, $0x1;
	s10 =	sld [smem:$0x3FB9];
	_ =	sdelay $0x3  }
0x37: {  	[smem:$0x3FB9] =	sst s10  }
0x38: {  	s10 =	sld [smem:$0x3FBA]  }
0x39: {  	_ = 	snop;
	(pc) =	sbr.ind lr, $3  }
0x3a: {  	_ = 	snop  }
0x3b: {  	_ = 	snop  }
0x3c: {  	p2 =	seq.s32 s10, $0x1;
	s10 =	sld [smem:$0x3FB9]  }
0x3d: {  	_ =	shalt  }
0x3e: {  	_ =	shalt  }
0x3f: {  	_ =	shalt  }
0x40: {  	_ =	shalt  }
0x41: {  	_ =	shalt  }
0x42: {  	_ =	shalt  }
0x43: {  	_ =	shalt  }
0x44: {  	_ =	shalt  }
0x45: {  	_ =	shalt  }
0x46: {  	_ =	shalt  }
0x47: {  	_ =	shalt  }
0x48: {  	_ =	shalt  }
0x49: {  	_ =	shalt  }
0x4a: {  	_ =	shalt  }
0x4b: {  	_ =	shalt  }
0x4c: {  	_ =	shalt  }
0x4d: {  	_ =	shalt  }
0x4e: {  	_ =	shalt  }
0x4f: {  	_ =	shalt  }
0x50: {  	_ =	shalt  }
0x51: {  	_ =	shalt  }
0x52: {  	_ =	shalt  }
0x53: {  	_ =	shalt  }
0x54: {  	_ =	shalt  }
0x55: {  	_ =	shalt  }
0x56: {  	_ =	shalt  }
0x57: {  	_ =	shalt  }
0x58: {  	_ =	shalt  }
0x59: {  	_ =	shalt  }
0x5a: {  	_ =	shalt  }
0x5b: {  	_ =	shalt  }
0x5c: {  	_ =	shalt  }
0x5d: {  	_ =	shalt  }
0x5e: {  	_ =	shalt  }
0x5f: {  	_ =	shalt  }
0x60: {  	_ =	shalt  }
0x61: {  	_ =	shalt  }
0x62: {  	_ =	shalt  }
0x63: {  	_ =	shalt  }
0x64: {  	_ =	shalt  }
0x65: {  	_ =	shalt  }
0x66: {  	_ =	shalt  }
0x67: {  	_ =	shalt  }
0x68: {  	_ =	shalt  }
0x69: {  	_ =	shalt  }
0x6a: {  	_ =	shalt  }
0x6b: {  	_ =	shalt  }
0x6c: {  	_ =	shalt  }
0x6d: {  	_ =	shalt  }
0x6e: {  	_ =	shalt  }
0x6f: {  	_ =	shalt  }
0x70: {  	_ =	shalt  }
0x71: {  	_ =	shalt  }
0x72: {  	_ =	shalt  }
0x73: {  	_ =	shalt  }
0x74: {  	_ =	shalt  }
0x75: {  	_ =	shalt  }
0x76: {  	_ =	shalt  }
0x77: {  	_ =	shalt  }
0x78: {  	_ =	shalt  }
0x79: {  	_ =	shalt  }
0x7a: {  	_ =	shalt  }
0x7b: {  	_ =	shalt  }
0x7c: {  	_ =	shalt  }
0x7d: {  	_ =	shalt  }
0x7e: {  	_ =	shalt  }
0x7f: {  	_ =	shalt  }
0x80: {  	_ =	shalt  }
0x81: {  	_ =	shalt  }
0x82: {  	_ =	shalt  }
0x83: {  	_ =	shalt  }
0x84: {  	_ =	shalt  }
0x85: {  	_ =	shalt  }
0x86: {  	_ =	shalt  }
0x87: {  	_ =	shalt  }
.Lfunc_end0:
.L_simem_size_0:
called_computation.3_lowered:
.L_overlay_start_0:
0x88: {  	s2 =	sld [smem:$0x3FD9]  }
0x89: {  	s3 =	sld [smem:$0x3FFE];
	_ =	sdelay $0x1  }
0x8a: {  	s1 =	srdreg.scid  }
0x8b: {  	s0 =	sand.u32 $0x1, s1  }
0x8c: {  	s17 =	sshll.u32 s0, $0xA;
	s2 =	sadd.s32 s3, s2  }
0x8d: {  	s2 =	sadd.s32 s2, s17  }
0x8e: {  	[smem:$0x3FC5] =	sst s2  }
0x8f: {  	_ = 	snop  }
0x90: {  	s2 =	sld [smem:$0x3FD0];
	(tm) =	ssettm $0x1  }
0x91: {  	s18 =	sld [smem:$0x3FFB];
	_ =	sdelay $0x3  }
0x92: {  	_ =	strace s18  }
0x93: {  	s3 =	sld [smem:$0x3FFC];
	_ =	sdelay $0x3  }
0x94: {  	_ =	strace s3  }
0x95: {  	s3 =	sld [smem:$0x3FFD];
	_ =	sdelay $0x3  }
0x96: {  	_ =	strace s3  }
0x97: {  	_ =	strace $0x8FFFFFFF  }
0x98: {  	s19 =	sld [smem:$0x3FDB];
	_ =	sdelay $0x1  }
0x99: {  	s4 =	simm.s32 $_scs_section_size  }
0x9a: {  	s5 =	simm.s32 $_size__tile_overlayer_lowered;
	s6 =	simm.s32 $_tile_overlayer_lowered  }
0x9b: {  	s22 =	simm.s32 $0x1BFF;
	s21 =	sshll.u32 s6, $0x1;
	s3 =	sadd.s32 s4, s19  }
0x9c: {  	s7 =	simm.s32 $0x0;
	s20 =	sshll.u32 s5, $0x1;
	s5 =	sadd.s32 s21, s3  }
0x9d: {  	[timem:s7], [sflag:s22] =	dma.local [hbm:s5], s20  }
0x9e: {  	_ =	swait.ge [sflag:s22], s20  }
0x9f: {  	s4 =	ssub.s32 $0x0, s20;
	[sflag:s22] =	ssyncset.done $0x0  }
0xa0: {  	[sflag:s22] =	ssyncadd.s32 s4;
	_ =	sdelay $0x1  }
0xa1: {  	s23 =	simm.s32 $0x1B8B  }
0xa2: {  	_ =	swait.ge [sflag:s23], $0x1  }
0xa3: {  	[sflag:s23] =	ssyncset.done $0x0  }
0xa4: {  	s25 =	simm.s32 $0x1B8E;
	s24 =	sld [smem:$0x3FFE];
	[sflag:s23] =	ssyncadd.s32 $0xFFFFFFFF  }
0xa5: {  	s26 =	simm.s32 $execute0_lowered;
	[smem:$0x3FD2] =	sst s25  }
0xa6: {  	s5 =	sshll.u32 s26, $0x1;
	_ =	strace $0x8000004F;
	[dreg:$0x1] =	wrdreg $0xFFFFFFFF  }
0xa7: {  	s28 =	simm.s32 $_size_execute0_lowered;
	s3 =	sadd.s32 s3, s5;
	[dreg:$0x0] =	wrdreg $0x0  }
0xa8: {  	s5 =	sshll.u32 s28, $0x1;
	[dreg:$0x2] =	wrdreg s3  }
0xa9: {  	[dreg:$0x3] =	wrdreg s5  }
0xaa: {  	[dreg:$0x4] =	wrdreg $0xC0  }
0xab: {  	_ =	task [dreg:s7], $0x5FFFF  }
0xac: {  	[dreg:$0x1] =	wrdreg $0xFFFFFFFF  }
0xad: {  	[dreg:$0x0] =	wrdreg $0x60  }
0xae: {  	[dreg:$0x2] =	wrdreg s24  }
0xaf: {  	[dreg:$0x3] =	wrdreg s2  }
0xb0: {  	[dreg:$0x4] =	wrdreg $0x9  }
0xb1: {  	_ =	task.clear_ibuf [dreg:s7], $0x5FFFF;
	_ =	strace $0x9000004F  }
0xb2: {  	s29 =	simm.s32 $0x9;
	_ =	strace $0x80000051  }
0xb3: {  	_ =	swait.ge [sflag:s29], $0x1  }
0xb4: {  	[sflag:s29] =	ssyncadd.s32 $0xFFFFFFFF  }
0xb5: {  	_ =	strace $0x90000051  }
0xb6: {  	_ =	sfence  }
0xb7: {  	s30 =	sld [smem:$0x0];
	_ =	sdelay $0x2  }
0xb8: {  	s31 =	sshll.u32 s1, $0xD;
	s1 =	sshrl.u32 s1, $0x2  }
0xb9: {  	s3 =	sand.u32 $0x4000, s31;
	s1 =	sadd.s32 s1, s30  }
0xba: {  	s0 =	sor.u32 s3, s0;
	s1 =	sshll.u32 s1, $0x11  }
0xbb: {  	s0 =	sor.u32 s1, s0  }
0xbc: {  	s0 =	sadd.s32 $0x8F2B, s0  }
0xbd: {  	[sflag:s0] =	ssyncadd.remote.s32 $0x1  }
0xbe: {  	_ =	sfence.sel $0xFFFF  }
0xbf: {  	[dreg:$0x0] =	wrdreg $0xFFFFFFFF;
	(pc) =	sbr.abs _section_cstart, $3  }
0xc0: {  	[dreg:$0x1] =	wrdreg $0xFFFFFFFF  }
0xc1: {  	_ =	task.clear_ibuf [dreg:s7], $0x2FFFF;
	_ =	strace $0x9FFFFFFF  }
0xc2: {  	(tm) =	ssettm $0x7FFFFFFF  }
0xc3: {  	_ =	shalt  }
tec
execute0_lowered:
.L_overlay_start_1:
0x0: {  	(tag) =	ssettag $0x1  }
0x1: {  	s0 =	rddreg [dreg:$0x0];
	s3 =	srdreg.scid  }
0x2: {  	s1 =	rddreg [dreg:$0x1];
	s3 =	sand.u32 $0x1, s3  }
0x3: {  	s2 =	simm.s32 $0x0;
	s15 =	stileid.u32;
	s4 =	sshll.u32 s3, $0x4  }
0x4: {  	s29 =	simm.s32 $0x1;
	s30 =	simm.s32 $0x3E80;
	s16 =	sor.u32 s15, s4  }
0x5: {  	s31 =	simm.s32 $0x80F8;
	[smem:$0x7FF] =	sst s2;
	s4 =	smul.u32 $0x3E80, s16  }
0x6: {  	s19 =	sadd.s32 $0x63C00, s0;
	s15 =	sor.u32 $0x60, s15;
	s24 =	smul.u32 $0x7D, s16  }
0x7: {  	s20 =	sadd.s32 $0x188600, s0;
	s21 =	sadd.s32 $0xCBA00, s0;
	s17 =	smul.u32 $0x3E80, s15  }
0x8: {  	s0 =	sadd.s32 $0x1C00, s0;
	s8 =	sor.u32 $0x20, s16;
	s23 =	smul.u32 $0x7D, s15  }
0x9: {  	_ =	strace $0x80000050;
	s3 =	ssub.s32 $0x2, s3;
	s9 =	smul.u32 $0x3E80, s8  }
0xa: {  	s5 =	sshrl.u32 s3, $0x1;
	s11 =	sor.u32 $0x40, s16;
	s10 =	smul.u32 $0x7D, s8  }
0xb: {  	s22 =	ssub.s32 s3, s5;
	p0 =	sgt.u32 s16, $0x3;
	s13 =	smul.u32 $0x3E80, s11  }
0xc: {  	s16 =	simm.s32 $0x0;
	s14 =	smul.u32 $0x7D, s11;
	s7 =	sshrl.u32 s4, $0x3  }
0xd: {  	s4 =	sadd.s32 s1, s24;
	s24 =	sshrl.u32 s17, $0x3;
	s3 =	sadd.s32 s19, s7  }
0xe: {  	s5 =	sadd.s32 s20, s7;
	s6 =	sadd.s32 s21, s7;
	s7 =	sadd.s32 s0, s7  }
0xf: {  	s12 =	sshrl.u32 s9, $0x3;
	s9 =	sadd.s32 s1, s10;
	s18 =	sshrl.u32 s13, $0x3  }
0x10: {  	s14 =	sadd.s32 s1, s14;
	s1 =	sadd.s32 s1, s23;
	s25 =	sadd.s32 s20, s24  }
0x11: {  	s26 =	sadd.s32 s21, s24;
	s8 =	sadd.s32 s19, s12;
	s10 =	sadd.s32 s20, s12  }
0x12: {  	s11 =	sadd.s32 s21, s12;
	s12 =	sadd.s32 s0, s12;
	s13 =	sadd.s32 s19, s18  }
0x13: {  	s15 =	sadd.s32 s20, s18;
	[dreg:$0x3] =	wrdreg s1;
	s17 =	sadd.s32 s21, s18  }
.Ltmp0:
0x14: {  	s18 =	sadd.s32 s0, s18;
	[dreg:$0x4] =	wrdreg s25;
	(pc) =	sbr.rel .LBB2_1-.Ltmp0, $4  }
0x15: {  	s19 =	sadd.s32 s19, s24;
	[dreg:$0x5] =	wrdreg s26;
	s0 =	sadd.s32 s0, s24  }
0x16: {  	s23 =	sadd.s32 $0x30D40, s3;
	s25 =	smax.u32 s22, $0x1;
	s1 =	simm.s32 $0xFDF8  }
0x17: {  	[dreg:$0x6] =	wrdreg s0;
	s24 =	sadd.s32 $0x30D40, s8;
	s28 =	sadd.s32 $0x30D40, s19  }
0x18: {  	s26 =	sadd.s32 $0x30D40, s13;
	s0 =	simm.s32 $0xBF78;
	[dreg:$0x7] =	wrdreg s28  }
.LBB2_10:
0x19: {  	v3 =	vld [tilespmem:s28+$0x3E80];
	[tilespmem:s21+$0xFDF8] =	vst v2;
	s20 =	sadd.s32 $0x1, s20  }
0x1a: {  	v2 =	vld.msk [tilespmem:s20+$0x0 ss:$0x0], $0xffff  }
0x1b: {  	v4 =	vld [tilespmem:s28+$0xBF78];
	_ =	sdelay $0x2  }
0x1c: {  	v1 =	vadd.f32 v3, v1;
	_ =	sdelay $0x1  }
0x1d: {  	v0 =	vadd.f32 v4, v0;
	v1 =	vmul.f32 v1, v2;
	_ =	sdelay $0x1  }
0x1e: {  	v0 =	vadd.f32 v0, v1;
	_ =	sdelay $0x1  }
0x1f: {  	v0 =	vmul.f32 $5.000000000e-01, v0;
	_ =	sdelay $0x1  }
0x20: {  	[tilespmem:s28+$0xFDF8] =	vst v0;
	s28 =	rddreg [dreg:$0x6]  }
0x21: {  	[hbm4b:s28+s2] =	stream.linear.scatter [tilespmem:s1], [sflag:$0x1], $0x3E80, $0x38;
	[tilespmem:$0x13C78] =	vst v63  }
0x22: {  	_ =	swait.ge [sflag:s29], $0x3E80  }
0x23: {  	[sflag:s29] =	ssyncset.done $0x0  }
0x24: {  	[sflag:s29] =	ssyncadd.s32 $0xFFFFC180  }
.LBB2_11:
0x25: {  	s16 =	sadd.s32 $0x1, s16  }
0x26: {  	p1 =	sne.s32 s16, s25  }
.Ltmp1:
0x27: {  	_ = 	snop;
	(pc) =	sbr.rel @!p1 .LBB2_12-.Ltmp1, $1  }
0x28: {  	_ =	sdelay $0x3  }
.LBB2_1:
0x29: {  	[tilespmem:s2], [sflag:$0x1] =	stream.linear.gather [hbm4b:s3+s2], $0x3E80, $0x38;
	[tilespmem:$0x13C78] =	vst v63  }
0x2a: {  	_ =	swait.ge [sflag:s29], $0x3E80  }
0x2b: {  	[sflag:s29] =	ssyncset.done $0x0  }
0x2c: {  	[sflag:s29] =	ssyncadd.s32 $0xFFFFC180  }
0x2d: {  	[tilespmem:s30], [sflag:$0x1] =	stream.linear.gather [hbm4b:s23+s2], $0x3E80, $0x38;
	[tilespmem:$0x13C78] =	vst v63  }
0x2e: {  	_ =	swait.ge [sflag:s29], $0x3E80  }
0x2f: {  	[sflag:s29] =	ssyncset.done $0x0  }
0x30: {  	s20 =	simm.s32 $0x7D00;
	[sflag:s29] =	ssyncadd.s32 $0xFFFFC180  }
0x31: {  	[tilespmem:s20], [sflag:$0x1] =	stream.linear.gather [hbm4b:s4+s2], $0x3E8, $0x38;
	[tilespmem:$0x13C78] =	vst v63  }
0x32: {  	_ =	swait.ge [sflag:s29], $0x3E8  }
0x33: {  	[sflag:s29] =	ssyncset.done $0x0  }
0x34: {  	[sflag:s29] =	ssyncadd.s32 $0xFFFFFC18  }
0x35: {  	[tilespmem:s31], [sflag:$0x1] =	stream.linear.gather [hbm4b:s5+s2], $0x3E80, $0x38;
	[tilespmem:$0x13C78] =	vst v63  }
0x36: {  	_ =	swait.ge [sflag:s29], $0x3E80  }
0x37: {  	[sflag:s29] =	ssyncset.done $0x0  }
0x38: {  	[sflag:s29] =	ssyncadd.s32 $0xFFFFC180  }
0x39: {  	[tilespmem:s0], [sflag:$0x1] =	stream.linear.gather [hbm4b:s6+s2], $0x3E80, $0x38;
	[tilespmem:$0x13C78] =	vst v63  }
0x3a: {  	_ =	swait.ge [sflag:s29], $0x3E80  }
0x3b: {  	[sflag:s29] =	ssyncset.done $0x0  }
0x3c: {  	s21 =	simm.s32 $0x0;
	[sflag:s29] =	ssyncadd.s32 $0xFFFFC180  }
0x3d: {  	v0 =	vld [tilespmem:s21+$0x80F8]  }
0x3e: {  	v1 =	vld [tilespmem:s21+$0x0]  }
0x3f: {  	v2 =	vld [tilespmem:s21+$0x3E80]  }
0x40: {  	v3 =	vld.msk [tilespmem:s20+$0x0 ss:$0x0], $0xffff  }
0x41: {  	v4 =	vld [tilespmem:s21+$0xBF78];
	_ =	sdelay $0x2  }
0x42: {  	v1 =	vadd.f32 v2, v1;
	_ =	sdelay $0x1  }
0x43: {  	v0 =	vadd.f32 v4, v0;
	v1 =	vmul.f32 v1, v3;
	_ =	sdelay $0x1  }
0x44: {  	v1 =	vadd.f32 v0, v1  }
0x45: {  	s28 =	simm.s32 $0x10  }
0x46: {  	v0 =	vld [tilespmem:s28+$0x80F8];
	v2 =	vmul.f32 $5.000000000e-01, v1  }
0x47: {  	s22 =	simm.s32 $0x80;
	v1 =	vld [tilespmem:s28+$0x0]  }
.LBB2_2:
0x48: {  	p1 =	sne.s32 s22, $0xF9C0;
	v3 =	vld [tilespmem:s28+$0x3E80];
	[tilespmem:s21+$0xFDF8] =	vst v2;
	s20 =	sadd.s32 $0x1, s20;
	s21 =	smov.u32 s28  }
0x49: {  	v2 =	vld.msk [tilespmem:s20+$0x0 ss:$0x0], $0xffff  }
0x4a: {  	v4 =	vld [tilespmem:s21+$0xBF78];
	_ =	sdelay $0x2  }
0x4b: {  	v1 =	vadd.f32 v3, v1;
	_ =	sdelay $0x1  }
0x4c: {  	v1 =	vmul.f32 v1, v2;
	v0 =	vadd.f32 v4, v0  }
.Ltmp2:
0x4d: {  	(pc) =	sbr.rel @p1 .LBB2_2-.Ltmp2, $4  }
0x4e: {  	v1 =	vadd.f32 v0, v1  }
0x4f: {  	s28 =	sshra.s32 s22, $0x2  }
0x50: {  	v0 =	vld [tilespmem:s28+$0x80F8];
	v2 =	vmul.f32 $5.000000000e-01, v1  }
0x51: {  	s22 =	sadd.s32 $0x40, s22;
	v1 =	vld [tilespmem:s28+$0x0]  }
0x52: {  	v3 =	vld [tilespmem:s28+$0x3E80];
	[tilespmem:s21+$0xFDF8] =	vst v2;
	s20 =	sadd.s32 $0x1, s20  }
0x53: {  	v2 =	vld.msk [tilespmem:s20+$0x0 ss:$0x0], $0xffff  }
0x54: {  	v4 =	vld [tilespmem:s28+$0xBF78];
	_ =	sdelay $0x2  }
0x55: {  	v1 =	vadd.f32 v3, v1;
	_ =	sdelay $0x1  }
0x56: {  	v0 =	vadd.f32 v4, v0;
	v1 =	vmul.f32 v1, v2;
	_ =	sdelay $0x1  }
0x57: {  	v0 =	vadd.f32 v0, v1;
	_ =	sdelay $0x1  }
0x58: {  	v0 =	vmul.f32 $5.000000000e-01, v0;
	_ =	sdelay $0x1  }
0x59: {  	s22 =	simm.s32 $0x0;
	[tilespmem:s28+$0xFDF8] =	vst v0  }
0x5a: {  	[hbm4b:s7+s22] =	stream.linear.scatter [tilespmem:s1], [sflag:$0x1], $0x3E80, $0x38;
	[tilespmem:$0x13C78] =	vst v63  }
0x5b: {  	_ =	swait.ge [sflag:s29], $0x3E80  }
0x5c: {  	[sflag:s29] =	ssyncset.done $0x0  }
0x5d: {  	[sflag:s29] =	ssyncadd.s32 $0xFFFFC180  }
0x5e: {  	[tilespmem:s22], [sflag:$0x1] =	stream.linear.gather [hbm4b:s8+s22], $0x3E80, $0x38;
	[tilespmem:$0x13C78] =	vst v63  }
0x5f: {  	_ =	swait.ge [sflag:s29], $0x3E80  }
0x60: {  	[sflag:s29] =	ssyncset.done $0x0  }
0x61: {  	[sflag:s29] =	ssyncadd.s32 $0xFFFFC180  }
0x62: {  	[tilespmem:s30], [sflag:$0x1] =	stream.linear.gather [hbm4b:s24+s22], $0x3E80, $0x38;
	[tilespmem:$0x13C78] =	vst v63  }
0x63: {  	_ =	swait.ge [sflag:s29], $0x3E80  }
0x64: {  	[sflag:s29] =	ssyncset.done $0x0  }
0x65: {  	s20 =	simm.s32 $0x7D00;
	[sflag:s29] =	ssyncadd.s32 $0xFFFFC180  }
0x66: {  	[tilespmem:s20], [sflag:$0x1] =	stream.linear.gather [hbm4b:s9+s22], $0x3E8, $0x38;
	[tilespmem:$0x13C78] =	vst v63  }
0x67: {  	_ =	swait.ge [sflag:s29], $0x3E8  }
0x68: {  	[sflag:s29] =	ssyncset.done $0x0  }
0x69: {  	[sflag:s29] =	ssyncadd.s32 $0xFFFFFC18  }
0x6a: {  	[tilespmem:s31], [sflag:$0x1] =	stream.linear.gather [hbm4b:s10+s22], $0x3E80, $0x38;
	[tilespmem:$0x13C78] =	vst v63  }
0x6b: {  	_ =	swait.ge [sflag:s29], $0x3E80  }
0x6c: {  	[sflag:s29] =	ssyncset.done $0x0  }
0x6d: {  	[sflag:s29] =	ssyncadd.s32 $0xFFFFC180  }
0x6e: {  	[tilespmem:s0], [sflag:$0x1] =	stream.linear.gather [hbm4b:s11+s22], $0x3E80, $0x38;
	[tilespmem:$0x13C78] =	vst v63  }
0x6f: {  	_ =	swait.ge [sflag:s29], $0x3E80  }
0x70: {  	[sflag:s29] =	ssyncset.done $0x0  }
0x71: {  	s21 =	simm.s32 $0x0;
	[sflag:s29] =	ssyncadd.s32 $0xFFFFC180  }
0x72: {  	v0 =	vld [tilespmem:s21+$0x80F8]  }
0x73: {  	v1 =	vld [tilespmem:s21+$0x0]  }
0x74: {  	v2 =	vld [tilespmem:s21+$0x3E80]  }
0x75: {  	v3 =	vld.msk [tilespmem:s20+$0x0 ss:$0x0], $0xffff  }
0x76: {  	v63 =	vld [tilespmem:s21+$0xBF78];
	_ =	sdelay $0x2  }
0x77: {  	v1 =	vadd.f32 v2, v1;
	_ =	sdelay $0x1  }
0x78: {  	v0 =	vadd.f32 v63, v0;
	v1 =	vmul.f32 v1, v3;
	_ =	sdelay $0x1  }
0x79: {  	v1 =	vadd.f32 v0, v1  }
0x7a: {  	s28 =	simm.s32 $0x10  }
0x7b: {  	v0 =	vld [tilespmem:s28+$0x80F8];
	v2 =	vmul.f32 $5.000000000e-01, v1  }
0x7c: {  	s22 =	simm.s32 $0x80;
	v1 =	vld [tilespmem:s28+$0x0]  }
.LBB2_4:
0x7d: {  	p1 =	sne.s32 s22, $0xF9C0;
	v3 =	vld [tilespmem:s28+$0x3E80];
	[tilespmem:s21+$0xFDF8] =	vst v2;
	s20 =	sadd.s32 $0x1, s20;
	s21 =	smov.u32 s28  }
0x7e: {  	v2 =	vld.msk [tilespmem:s20+$0x0 ss:$0x0], $0xffff  }
0x7f: {  	v4 =	vld [tilespmem:s21+$0xBF78];
	_ =	sdelay $0x2  }
0x80: {  	v1 =	vadd.f32 v3, v1;
	_ =	sdelay $0x1  }
0x81: {  	v1 =	vmul.f32 v1, v2;
	v0 =	vadd.f32 v4, v0  }
.Ltmp3:
0x82: {  	(pc) =	sbr.rel @p1 .LBB2_4-.Ltmp3, $4  }
0x83: {  	v1 =	vadd.f32 v0, v1  }
0x84: {  	s28 =	sshra.s32 s22, $0x2  }
0x85: {  	v0 =	vld [tilespmem:s28+$0x80F8];
	v2 =	vmul.f32 $5.000000000e-01, v1  }
0x86: {  	s22 =	sadd.s32 $0x40, s22;
	v1 =	vld [tilespmem:s28+$0x0]  }
0x87: {  	v3 =	vld [tilespmem:s28+$0x3E80];
	[tilespmem:s21+$0xFDF8] =	vst v2;
	s20 =	sadd.s32 $0x1, s20  }
0x88: {  	v2 =	vld.msk [tilespmem:s20+$0x0 ss:$0x0], $0xffff  }
0x89: {  	v4 =	vld [tilespmem:s28+$0xBF78];
	_ =	sdelay $0x2  }
0x8a: {  	v1 =	vadd.f32 v3, v1;
	_ =	sdelay $0x1  }
0x8b: {  	v0 =	vadd.f32 v4, v0;
	v1 =	vmul.f32 v1, v2;
	_ =	sdelay $0x1  }
0x8c: {  	v0 =	vadd.f32 v0, v1;
	_ =	sdelay $0x1  }
0x8d: {  	v0 =	vmul.f32 $5.000000000e-01, v0;
	_ =	sdelay $0x1  }
0x8e: {  	s22 =	simm.s32 $0x0;
	[tilespmem:s28+$0xFDF8] =	vst v0  }
0x8f: {  	[hbm4b:s12+s22] =	stream.linear.scatter [tilespmem:s1], [sflag:$0x1], $0x3E80, $0x38;
	[tilespmem:$0x13C78] =	vst v63  }
0x90: {  	_ =	swait.ge [sflag:s29], $0x3E80  }
0x91: {  	[sflag:s29] =	ssyncset.done $0x0  }
0x92: {  	[sflag:s29] =	ssyncadd.s32 $0xFFFFC180  }
0x93: {  	[tilespmem:s22], [sflag:$0x1] =	stream.linear.gather [hbm4b:s13+s22], $0x3E80, $0x38;
	[tilespmem:$0x13C78] =	vst v63  }
0x94: {  	_ =	swait.ge [sflag:s29], $0x3E80  }
0x95: {  	[sflag:s29] =	ssyncset.done $0x0  }
0x96: {  	[sflag:s29] =	ssyncadd.s32 $0xFFFFC180  }
0x97: {  	[tilespmem:s30], [sflag:$0x1] =	stream.linear.gather [hbm4b:s26+s22], $0x3E80, $0x38;
	[tilespmem:$0x13C78] =	vst v63  }
0x98: {  	_ =	swait.ge [sflag:s29], $0x3E80  }
0x99: {  	[sflag:s29] =	ssyncset.done $0x0  }
0x9a: {  	s20 =	simm.s32 $0x7D00;
	[sflag:s29] =	ssyncadd.s32 $0xFFFFC180  }
0x9b: {  	[tilespmem:s20], [sflag:$0x1] =	stream.linear.gather [hbm4b:s14+s22], $0x3E8, $0x38;
	[tilespmem:$0x13C78] =	vst v63  }
0x9c: {  	_ =	swait.ge [sflag:s29], $0x3E8  }
0x9d: {  	[sflag:s29] =	ssyncset.done $0x0  }
0x9e: {  	[sflag:s29] =	ssyncadd.s32 $0xFFFFFC18  }
0x9f: {  	[tilespmem:s31], [sflag:$0x1] =	stream.linear.gather [hbm4b:s15+s22], $0x3E80, $0x38;
	[tilespmem:$0x13C78] =	vst v63  }
0xa0: {  	_ =	swait.ge [sflag:s29], $0x3E80  }
0xa1: {  	[sflag:s29] =	ssyncset.done $0x0  }
0xa2: {  	[sflag:s29] =	ssyncadd.s32 $0xFFFFC180  }
0xa3: {  	[tilespmem:s0], [sflag:$0x1] =	stream.linear.gather [hbm4b:s17+s22], $0x3E80, $0x38;
	[tilespmem:$0x13C78] =	vst v63  }
0xa4: {  	_ =	swait.ge [sflag:s29], $0x3E80  }
0xa5: {  	[sflag:s29] =	ssyncset.done $0x0  }
0xa6: {  	s21 =	simm.s32 $0x0;
	[sflag:s29] =	ssyncadd.s32 $0xFFFFC180  }
0xa7: {  	v0 =	vld [tilespmem:s21+$0x80F8]  }
0xa8: {  	v1 =	vld [tilespmem:s21+$0x0]  }
0xa9: {  	v2 =	vld [tilespmem:s21+$0x3E80]  }
0xaa: {  	v3 =	vld.msk [tilespmem:s20+$0x0 ss:$0x0], $0xffff  }
0xab: {  	v63 =	vld [tilespmem:s21+$0xBF78];
	_ =	sdelay $0x2  }
0xac: {  	v1 =	vadd.f32 v2, v1;
	_ =	sdelay $0x1  }
0xad: {  	v0 =	vadd.f32 v63, v0;
	v1 =	vmul.f32 v1, v3;
	_ =	sdelay $0x1  }
0xae: {  	v1 =	vadd.f32 v0, v1  }
0xaf: {  	s28 =	simm.s32 $0x10  }
0xb0: {  	v0 =	vld [tilespmem:s28+$0x80F8];
	v2 =	vmul.f32 $5.000000000e-01, v1  }
0xb1: {  	s22 =	simm.s32 $0x80;
	v1 =	vld [tilespmem:s28+$0x0]  }
.LBB2_6:
0xb2: {  	p1 =	sne.s32 s22, $0xF9C0;
	v3 =	vld [tilespmem:s28+$0x3E80];
	[tilespmem:s21+$0xFDF8] =	vst v2;
	s20 =	sadd.s32 $0x1, s20;
	s21 =	smov.u32 s28  }
0xb3: {  	v2 =	vld.msk [tilespmem:s20+$0x0 ss:$0x0], $0xffff  }
0xb4: {  	v4 =	vld [tilespmem:s21+$0xBF78];
	_ =	sdelay $0x2  }
0xb5: {  	v1 =	vadd.f32 v3, v1;
	_ =	sdelay $0x1  }
0xb6: {  	v1 =	vmul.f32 v1, v2;
	v0 =	vadd.f32 v4, v0  }
.Ltmp4:
0xb7: {  	(pc) =	sbr.rel @p1 .LBB2_6-.Ltmp4, $4  }
0xb8: {  	v1 =	vadd.f32 v0, v1  }
0xb9: {  	s28 =	sshra.s32 s22, $0x2  }
0xba: {  	v0 =	vld [tilespmem:s28+$0x80F8];
	v2 =	vmul.f32 $5.000000000e-01, v1  }
0xbb: {  	s22 =	sadd.s32 $0x40, s22;
	v1 =	vld [tilespmem:s28+$0x0]  }
0xbc: {  	v3 =	vld [tilespmem:s28+$0x3E80];
	[tilespmem:s21+$0xFDF8] =	vst v2;
	s20 =	sadd.s32 $0x1, s20  }
0xbd: {  	v2 =	vld.msk [tilespmem:s20+$0x0 ss:$0x0], $0xffff  }
0xbe: {  	v4 =	vld [tilespmem:s28+$0xBF78];
	_ =	sdelay $0x2  }
0xbf: {  	v1 =	vadd.f32 v3, v1;
	_ =	sdelay $0x1  }
0xc0: {  	v0 =	vadd.f32 v4, v0;
	v1 =	vmul.f32 v1, v2;
	_ =	sdelay $0x1  }
0xc1: {  	v0 =	vadd.f32 v0, v1;
	_ =	sdelay $0x1  }
0xc2: {  	v0 =	vmul.f32 $5.000000000e-01, v0;
	_ =	sdelay $0x1  }
.Ltmp5:
0xc3: {  	[tilespmem:s28+$0xFDF8] =	vst v0;
	(pc) =	sbr.rel @p0 .LBB2_11-.Ltmp5, $4  }
0xc4: {  	[hbm4b:s18+s2] =	stream.linear.scatter [tilespmem:s1], [sflag:$0x1], $0x3E80, $0x38;
	[tilespmem:$0x13C78] =	vst v63  }
0xc5: {  	_ =	swait.ge [sflag:s29], $0x3E80  }
0xc6: {  	[sflag:s29] =	ssyncset.done $0x0  }
0xc7: {  	[sflag:s29] =	ssyncadd.s32 $0xFFFFC180  }
0xc8: {  	s21 =	simm.s32 $0x0  }
0xc9: {  	[tilespmem:s21], [sflag:$0x1] =	stream.linear.gather [hbm4b:s19+s21], $0x3E80, $0x38;
	[tilespmem:$0x13C78] =	vst v63  }
0xca: {  	_ =	swait.ge [sflag:s29], $0x3E80  }
0xcb: {  	[sflag:s29] =	ssyncset.done $0x0  }
0xcc: {  	s20 =	rddreg [dreg:$0x7];
	[sflag:s29] =	ssyncadd.s32 $0xFFFFC180  }
0xcd: {  	[tilespmem:s30], [sflag:$0x1] =	stream.linear.gather [hbm4b:s20+s21], $0x3E80, $0x38;
	[tilespmem:$0x13C78] =	vst v63  }
0xce: {  	_ =	swait.ge [sflag:s29], $0x3E80  }
0xcf: {  	[sflag:s29] =	ssyncset.done $0x0  }
0xd0: {  	s20 =	simm.s32 $0x7D00;
	s22 =	rddreg [dreg:$0x3];
	[sflag:s29] =	ssyncadd.s32 $0xFFFFC180  }
0xd1: {  	[tilespmem:s20], [sflag:$0x1] =	stream.linear.gather [hbm4b:s22+s21], $0x3E8, $0x38;
	[tilespmem:$0x13C78] =	vst v63  }
0xd2: {  	_ =	swait.ge [sflag:s29], $0x3E8  }
0xd3: {  	[sflag:s29] =	ssyncset.done $0x0  }
0xd4: {  	s22 =	rddreg [dreg:$0x4];
	[sflag:s29] =	ssyncadd.s32 $0xFFFFFC18  }
0xd5: {  	[tilespmem:s31], [sflag:$0x1] =	stream.linear.gather [hbm4b:s22+s21], $0x3E80, $0x38;
	[tilespmem:$0x13C78] =	vst v63  }
0xd6: {  	_ =	swait.ge [sflag:s29], $0x3E80  }
0xd7: {  	[sflag:s29] =	ssyncset.done $0x0  }
0xd8: {  	s22 =	rddreg [dreg:$0x5];
	[sflag:s29] =	ssyncadd.s32 $0xFFFFC180  }
0xd9: {  	[tilespmem:s0], [sflag:$0x1] =	stream.linear.gather [hbm4b:s22+s21], $0x3E80, $0x38;
	[tilespmem:$0x13C78] =	vst v63  }
0xda: {  	_ =	swait.ge [sflag:s29], $0x3E80  }
0xdb: {  	[sflag:s29] =	ssyncset.done $0x0  }
0xdc: {  	s21 =	simm.s32 $0x0;
	[sflag:s29] =	ssyncadd.s32 $0xFFFFC180  }
0xdd: {  	v0 =	vld [tilespmem:s21+$0x80F8]  }
0xde: {  	v1 =	vld [tilespmem:s21+$0x0]  }
0xdf: {  	v2 =	vld [tilespmem:s21+$0x3E80]  }
0xe0: {  	v3 =	vld.msk [tilespmem:s20+$0x0 ss:$0x0], $0xffff  }
0xe1: {  	v4 =	vld [tilespmem:s21+$0xBF78];
	_ =	sdelay $0x2  }
0xe2: {  	v1 =	vadd.f32 v2, v1;
	_ =	sdelay $0x1  }
0xe3: {  	v0 =	vadd.f32 v4, v0;
	v1 =	vmul.f32 v1, v3;
	_ =	sdelay $0x1  }
0xe4: {  	v1 =	vadd.f32 v0, v1  }
0xe5: {  	s28 =	simm.s32 $0x10  }
0xe6: {  	v0 =	vld [tilespmem:s28+$0x80F8];
	v2 =	vmul.f32 $5.000000000e-01, v1  }
0xe7: {  	s22 =	simm.s32 $0x80;
	v1 =	vld [tilespmem:s28+$0x0]  }
.LBB2_9:
0xe8: {  	p1 =	sne.s32 s22, $0xF9C0;
	v3 =	vld [tilespmem:s28+$0x3E80];
	[tilespmem:s21+$0xFDF8] =	vst v2;
	s20 =	sadd.s32 $0x1, s20;
	s21 =	smov.u32 s28  }
0xe9: {  	v2 =	vld.msk [tilespmem:s20+$0x0 ss:$0x0], $0xffff  }
0xea: {  	v4 =	vld [tilespmem:s21+$0xBF78];
	_ =	sdelay $0x2  }
0xeb: {  	v1 =	vadd.f32 v3, v1;
	_ =	sdelay $0x1  }
0xec: {  	v1 =	vmul.f32 v1, v2;
	v0 =	vadd.f32 v4, v0  }
.Ltmp6:
0xed: {  	(pc) =	sbr.rel @p1 .LBB2_9-.Ltmp6, $4  }
0xee: {  	v1 =	vadd.f32 v0, v1  }
0xef: {  	s28 =	sshra.s32 s22, $0x2  }
0xf0: {  	v0 =	vld [tilespmem:s28+$0x80F8];
	v2 =	vmul.f32 $5.000000000e-01, v1  }
0xf1: {  	s22 =	sadd.s32 $0x40, s22;
	v1 =	vld [tilespmem:s28+$0x0]  }
.Ltmp7:
0xf2: {  	_ = 	snop;
	(pc) =	sbr.rel .LBB2_10-.Ltmp7, $1  }
0xf3: {  	_ =	sdelay $0x3  }
.LBB2_12:
0xf4: {  	_ =	sfence.sel $0x180000  }
0xf5: {  	[bflag:$0x0] =	sbarrier.arrive $0xFFFF  }
0xf6: {  	_ =	strace $0x90000050  }
0xf7: {  	s0 =	stileid.u32;
	[bflag:$0x2] =	sbarrier.arrive $0xFFFF  }
0xf8: {  	p0 =	sne.s32 s0, $0x0;
	s0 =	rddreg [dreg:$0x2]  }
0xf9: {  	s0 =	sadd.s32 @!p0 $0x100000, s0  }
0xfa: {  	[sflag:s0] =	ssyncadd.tile.s32 @!p0 $0x1;
	_ =	shalt  }
.Lfunc_end2:
_tile_overlayer_lowered:
.L_overlay_start_2:
0xfb: {  	(tag) =	ssettag $0x2  }
0xfc: {  	s0 =	rddreg [dreg:$0x0];
	s2 =	stileid.u32  }
0xfd: {  	s1 =	rddreg [dreg:$0x1];
	p0 =	sne.s32 s2, $0x0  }
0xfe: {  	s3 =	rddreg [dreg:$0x2];
	[bflag:$0x3] =	sbarrier.arrive $0xFFFF;
	s2 =	simm.s32 @!p0 $0x1C01  }
0xff: {  	[timem:s3], [sflag:s2] =	dma.local @!p0 [hbm:s0], s1  }
0x100: {  	s0 =	simm.s32 @!p0 $0x1  }
0x101: {  	_ =	swait.ge @!p0 [sflag:s0], s1  }
0x102: {  	s1 =	ssub.s32 @!p0 $0x0, s1;
	[sflag:s0] =	ssyncset.done @!p0 $0x0  }
0x103: {  	[sflag:s0] =	ssyncadd.s32 @!p0 s1  }
0x104: {  	[bflag:$0x3] =	sbarrier.arrive $0xFFFF  }
0x105: {  	_ =	shalt  }

// kernel: kernel.19.cloned.1.call-start
scs
__scs_entry_jumppad:
0x0: {  	(pc) =	sbr.rel $0x88, $3  }
0x1: {  	(tag) =	ssettag $0x0;
	lr =	simm.s32 $0x1  }
0x2: {  	[smem:$0x3F9E] =	sst lr;
	_ =	strace $0xD0000000  }
0x3: {  	_ = 	snop  }
0x4: {  	_ = 	snop  }
0x5: {  	_ = 	snop  }
0x6: {  	_ = 	snop  }
0x7: {  	_ = 	snop  }
__scs_overlays_trampoline_lowered:
0x8: {  	[smem:$0x3FAD] =	sst s0  }
0x9: {  	[smem:$0x3FAE] =	sst s1  }
0xa: {  	[smem:$0x3FAF] =	sst s2  }
0xb: {  	[smem:$0x3FB0] =	sst s3  }
0xc: {  	[smem:$0x3FB1] =	sst s4  }
0xd: {  	[smem:$0x3FB2] =	sst s5  }
0xe: {  	[smem:$0x3FB3] =	sst s6  }
0xf: {  	[smem:$0x3FB4] =	sst s7  }
0x10: {  	[smem:$0x3FB5] =	sst s8  }
0x11: {  	[smem:$0x3FB6] =	sst s9;
	s0 =	simm.s32 @!p0 $0x0  }
0x12: {  	s1 =	sld [smem:$0x3F9C];
	s0 =	simm.s32 @p0 $0x1  }
0x13: {  	[smem:$0x3FB7] =	sst s0;
	s0 =	simm.s32 @!p1 $0x0  }
0x14: {  	s2 =	sld [smem:$0x3F9B];
	s0 =	simm.s32 @p1 $0x1  }
0x15: {  	[smem:$0x3FB8] =	sst s0;
	s0 =	simm.s32 @!p2 $0x0  }
0x16: {  	s3 =	sld [smem:$0x3FDB];
	s0 =	simm.s32 @p2 $0x1  }
0x17: {  	s4 =	simm.s32 $0x1BF5;
	[smem:$0x3FBA] =	sst s0  }
0x18: {  	s0 =	sld [smem:$0x3F9D];
	_ =	swait.ge [sflag:s4], $0x0  }
0x19: {  	s7 =	sld [smem:$0x3F9E]  }
0x1a: {  	s8 =	sadd.s32 $0xFFFFE003, lr  }
0x1b: {  	s9 =	sadd.s32 $0xFFFFFEF7, lr;
	s5 =	simm.s32 $0xFFFFFFFF;
	p2 =	slt.u32 s8, $0xFFFFF086  }
0x1c: {  	p1 =	slt.u32 s9, $0xF7A;
	s5 =	simm.s32 @!p2 $0x0  }
0x1d: {  	s5 =	simm.s32 @p1 $0x1;
	p0 =	seq.s32 s7, s2  }
0x1e: {  	s7 =	smul.u32 @!p0 $0xF7A, s2;
	p2 =	seq.s32 @!p0 s5, $0x0  }
0x1f: {  	s9 =	smul.u32 $0xF7A, s1;
	s8 =	simm.s32 @!p0 $0x1BF5;
	p2 =	por !p2, p0  }
0x20: {  	[sflag:s8] =	ssyncset.s32 @!p0 $0xFFFFF086;
	s6 =	sadd.s32 @!p0 s3, s7;
	s7 =	simm.s32 @!p0 $0x108  }
0x21: {  	s3 =	sadd.s32 s3, s9;
	s6 =	sadd.s32 @!p0 $0x88, s6;
	s7 =	simm.s32 @p2 $0x1082  }
0x22: {  	[simem:s7], [sflag:s8] =	dma.local @!p0 [hbm:s6], $0xF7A  }
0x23: {  	s9 =	sor.u32 $0xD0000000, s2;
	s6 =	simm.s32 $0x108;
	_ =	swait.ge @!p0 [sflag:s8], $0x0  }
0x24: {  	s3 =	sadd.s32 $0x88, s3;
	s6 =	simm.s32 @!p1 $0x1082;
	[sflag:s4] =	ssyncset.s32 $0xFFFFF086  }
0x25: {  	[simem:s6], [sflag:s4] =	dma.local [hbm:s3], $0xF7A  }
0x26: {  	[smem:$0x3F9E] =	sst s1;
	(tag) =	ssettag s2;
	_ =	strace s9  }
0x27: {  	s1 =	sld [smem:$0x3FAE]  }
0x28: {  	s2 =	sld [smem:$0x3FAF]  }
0x29: {  	s4 =	sld [smem:$0x3FB1]  }
0x2a: {  	p0 =	seq.s32 s5, $0x0;
	s5 =	sld [smem:$0x3FB2]  }
0x2b: {  	s6 =	sld [smem:$0x3FB3]  }
0x2c: {  	s7 =	sld [smem:$0x3FB4]  }
0x2d: {  	s3 =	simm.s32 $0x108;
	s8 =	sld [smem:$0x3FB5]  }
0x2e: {  	s3 =	simm.s32 @!p0 $0x1082;
	s9 =	sld [smem:$0x3FB6]  }
0x2f: {  	lr =	sadd.s32 s0, s3;
	s0 =	sld [smem:$0x3FAD]  }
0x30: {  	s3 =	sld [smem:$0x3FB0]  }
0x31: {  	[smem:$0x3FB9] =	sst s10  }
0x32: {  	s10 =	sld [smem:$0x3FB7];
	_ =	sdelay $0x3  }
0x33: {  	p0 =	seq.s32 s10, $0x1;
	s10 =	sld [smem:$0x3FB9];
	_ =	sdelay $0x3  }
0x34: {  	[smem:$0x3FB9] =	sst s10  }
0x35: {  	s10 =	sld [smem:$0x3FB8];
	_ =	sdelay $0x3  }
0x36: {  	p1 =	seq.s32 s10, $0x1;
	s10 =	sld [smem:$0x3FB9];
	_ =	sdelay $0x3  }
0x37: {  	[smem:$0x3FB9] =	sst s10  }
0x38: {  	s10 =	sld [smem:$0x3FBA]  }
0x39: {  	_ = 	snop;
	(pc) =	sbr.ind lr, $3  }
0x3a: {  	_ = 	snop  }
0x3b: {  	_ = 	snop  }
0x3c: {  	p2 =	seq.s32 s10, $0x1;
	s10 =	sld [smem:$0x3FB9]  }
0x3d: {  	_ =	shalt  }
0x3e: {  	_ =	shalt  }
0x3f: {  	_ =	shalt  }
0x40: {  	_ =	shalt  }
0x41: {  	_ =	shalt  }
0x42: {  	_ =	shalt  }
0x43: {  	_ =	shalt  }
0x44: {  	_ =	shalt  }
0x45: {  	_ =	shalt  }
0x46: {  	_ =	shalt  }
0x47: {  	_ =	shalt  }
0x48: {  	_ =	shalt  }
0x49: {  	_ =	shalt  }
0x4a: {  	_ =	shalt  }
0x4b: {  	_ =	shalt  }
0x4c: {  	_ =	shalt  }
0x4d: {  	_ =	shalt  }
0x4e: {  	_ =	shalt  }
0x4f: {  	_ =	shalt  }
0x50: {  	_ =	shalt  }
0x51: {  	_ =	shalt  }
0x52: {  	_ =	shalt  }
0x53: {  	_ =	shalt  }
0x54: {  	_ =	shalt  }
0x55: {  	_ =	shalt  }
0x56: {  	_ =	shalt  }
0x57: {  	_ =	shalt  }
0x58: {  	_ =	shalt  }
0x59: {  	_ =	shalt  }
0x5a: {  	_ =	shalt  }
0x5b: {  	_ =	shalt  }
0x5c: {  	_ =	shalt  }
0x5d: {  	_ =	shalt  }
0x5e: {  	_ =	shalt  }
0x5f: {  	_ =	shalt  }
0x60: {  	_ =	shalt  }
0x61: {  	_ =	shalt  }
0x62: {  	_ =	shalt  }
0x63: {  	_ =	shalt  }
0x64: {  	_ =	shalt  }
0x65: {  	_ =	shalt  }
0x66: {  	_ =	shalt  }
0x67: {  	_ =	shalt  }
0x68: {  	_ =	shalt  }
0x69: {  	_ =	shalt  }
0x6a: {  	_ =	shalt  }
0x6b: {  	_ =	shalt  }
0x6c: {  	_ =	shalt  }
0x6d: {  	_ =	shalt  }
0x6e: {  	_ =	shalt  }
0x6f: {  	_ =	shalt  }
0x70: {  	_ =	shalt  }
0x71: {  	_ =	shalt  }
0x72: {  	_ =	shalt  }
0x73: {  	_ =	shalt  }
0x74: {  	_ =	shalt  }
0x75: {  	_ =	shalt  }
0x76: {  	_ =	shalt  }
0x77: {  	_ =	shalt  }
0x78: {  	_ =	shalt  }
0x79: {  	_ =	shalt  }
0x7a: {  	_ =	shalt  }
0x7b: {  	_ =	shalt  }
0x7c: {  	_ =	shalt  }
0x7d: {  	_ =	shalt  }
0x7e: {  	_ =	shalt  }
0x7f: {  	_ =	shalt  }
0x80: {  	_ =	shalt  }
0x81: {  	_ =	shalt  }
0x82: {  	_ =	shalt  }
0x83: {  	_ =	shalt  }
0x84: {  	_ =	shalt  }
0x85: {  	_ =	shalt  }
0x86: {  	_ =	shalt  }
0x87: {  	_ =	shalt  }
.Lfunc_end0:
.L_simem_size_0:
called_computation.4_lowered:
.L_overlay_start_0:
0x88: {  	s2 =	sld [smem:$0x3FD9]  }
0x89: {  	s3 =	sld [smem:$0x3FFE];
	_ =	sdelay $0x1  }
0x8a: {  	s1 =	srdreg.scid  }
0x8b: {  	s0 =	sand.u32 $0x1, s1  }
0x8c: {  	s16 =	sshll.u32 s0, $0xA;
	s2 =	sadd.s32 s3, s2  }
0x8d: {  	s2 =	sadd.s32 s2, s16  }
0x8e: {  	[smem:$0x3FC5] =	sst s2  }
0x8f: {  	_ = 	snop  }
0x90: {  	(tm) =	ssettm $0x1  }
0x91: {  	s17 =	sld [smem:$0x3FFB];
	_ =	sdelay $0x3  }
0x92: {  	_ =	strace s17  }
0x93: {  	s2 =	sld [smem:$0x3FFC];
	_ =	sdelay $0x3  }
0x94: {  	_ =	strace s2  }
0x95: {  	s2 =	sld [smem:$0x3FFD];
	_ =	sdelay $0x3  }
0x96: {  	_ =	strace s2  }
0x97: {  	_ =	strace $0x8FFFFFFF  }
0x98: {  	s18 =	sld [smem:$0x3FDB];
	_ =	sdelay $0x1  }
0x99: {  	s19 =	simm.s32 $_scs_section_size  }
0x9a: {  	s4 =	simm.s32 $_size__tile_overlayer_lowered;
	s5 =	simm.s32 $_tile_overlayer_lowered  }
0x9b: {  	s22 =	simm.s32 $0x1BFF;
	s21 =	sshll.u32 s5, $0x1;
	s2 =	sadd.s32 s19, s18  }
0x9c: {  	s6 =	simm.s32 $0x0;
	s20 =	sshll.u32 s4, $0x1;
	s4 =	sadd.s32 s21, s2  }
0x9d: {  	[timem:s6], [sflag:s22] =	dma.local [hbm:s4], s20  }
0x9e: {  	_ =	swait.ge [sflag:s22], s20  }
0x9f: {  	s3 =	ssub.s32 $0x0, s20;
	[sflag:s22] =	ssyncset.done $0x0  }
0xa0: {  	[sflag:s22] =	ssyncadd.s32 s3;
	_ =	sdelay $0x1  }
0xa1: {  	s23 =	simm.s32 $0x1B8B  }
0xa2: {  	_ =	swait.ge [sflag:s23], $0x1  }
0xa3: {  	[sflag:s23] =	ssyncset.done $0x0  }
0xa4: {  	s25 =	simm.s32 $0x1B8E;
	s24 =	sld [smem:$0x3FFE];
	[sflag:s23] =	ssyncadd.s32 $0xFFFFFFFF  }
0xa5: {  	s26 =	simm.s32 $execute0_lowered;
	[smem:$0x3FD2] =	sst s25  }
0xa6: {  	s4 =	sshll.u32 s26, $0x1;
	_ =	strace $0x80000052;
	[dreg:$0x1] =	wrdreg $0xFFFFFFFF  }
0xa7: {  	s28 =	simm.s32 $_size_execute0_lowered;
	s2 =	sadd.s32 s2, s4;
	[dreg:$0x0] =	wrdreg $0x0  }
0xa8: {  	s4 =	sshll.u32 s28, $0x1;
	[dreg:$0x2] =	wrdreg s2  }
0xa9: {  	[dreg:$0x3] =	wrdreg s4  }
0xaa: {  	[dreg:$0x4] =	wrdreg $0xC0  }
0xab: {  	_ =	task [dreg:s6], $0x5FFFF  }
0xac: {  	[dreg:$0x1] =	wrdreg $0xFFFFFFFF  }
0xad: {  	[dreg:$0x0] =	wrdreg $0x60  }
0xae: {  	[dreg:$0x2] =	wrdreg s24  }
0xaf: {  	[dreg:$0x3] =	wrdreg $0x9  }
0xb0: {  	_ =	task.clear_ibuf [dreg:s6], $0x4FFFF;
	_ =	strace $0x90000052  }
0xb1: {  	s29 =	simm.s32 $0x9;
	_ =	strace $0x80000054  }
0xb2: {  	_ =	swait.ge [sflag:s29], $0x1  }
0xb3: {  	[sflag:s29] =	ssyncadd.s32 $0xFFFFFFFF  }
0xb4: {  	_ =	strace $0x90000054  }
0xb5: {  	_ =	sfence  }
0xb6: {  	s30 =	sld [smem:$0x0];
	_ =	sdelay $0x2  }
0xb7: {  	s31 =	sshll.u32 s1, $0xD;
	s1 =	sshrl.u32 s1, $0x2  }
0xb8: {  	s3 =	sand.u32 $0x4000, s31;
	s1 =	sadd.s32 s1, s30  }
0xb9: {  	s0 =	sor.u32 s3, s0;
	s1 =	sshll.u32 s1, $0x11  }
0xba: {  	s0 =	sor.u32 s1, s0  }
0xbb: {  	s0 =	sadd.s32 $0x8F2B, s0  }
0xbc: {  	[sflag:s0] =	ssyncadd.remote.s32 $0x1  }
0xbd: {  	_ =	sfence.sel $0xFFFF  }
0xbe: {  	[dreg:$0x0] =	wrdreg $0xFFFFFFFF;
	(pc) =	sbr.abs _section_cstart, $3  }
0xbf: {  	[dreg:$0x1] =	wrdreg $0xFFFFFFFF  }
0xc0: {  	_ =	task.clear_ibuf [dreg:s6], $0x2FFFF;
	_ =	strace $0x9FFFFFFF  }
0xc1: {  	(tm) =	ssettm $0x7FFFFFFF  }
tec
execute0_lowered:
.L_overlay_start_1:
0x0: {  	(tag) =	ssettag $0x1  }
0x1: {  	s0 =	srdreg.scid  }
0x2: {  	s4 =	rddreg [dreg:$0x0];
	s1 =	stileid.u32;
	s2 =	simm.s32 $0x0  }
0x3: {  	s9 =	simm.s32 $0xC80;
	s10 =	simm.s32 $0x80;
	s3 =	sand.u32 $0x1, s0  }
0x4: {  	s11 =	simm.s32 $0x1900;
	s12 =	simm.s32 $0x2100;
	s5 =	sshll.u32 s3, $0x4  }
0x5: {  	s13 =	simm.s32 $0x1;
	s14 =	simm.s32 $0x2900;
	s5 =	sor.u32 s1, s5  }
0x6: {  	s0 =	rddreg [dreg:$0x1];
	s6 =	ssub.s32 $0x2, s3;
	s5 =	smul.u32 $0x190, s5  }
0x7: {  	s15 =	simm.s32 $0x0;
	[smem:$0x7FF] =	sst s2;
	s7 =	sshrl.u32 s6, $0x1  }
0x8: {  	v0 =	vlaneseq.u32;
	_ =	strace $0x80000053;
	s7 =	ssub.s32 s6, s7;
	s8 =	sadd.s32 s5, s4  }
0x9: {  	v0 =	vmul.u32 $0x10, v0;
	s3 =	sadd.s32 $0x1C00, s4;
	s7 =	smax.u32 s7, $0x1;
	s4 =	sadd.s32 $0xC5800, s8  }
0xa: {  	s5 =	sadd.s32 $0x32A00, s8;
	s6 =	sadd.s32 $0x35C00, s8;
	s8 =	simm.s32 $0x2  }
.LBB2_1:
0xb: {  	[tilespmem:s2], [sflag:$0x2] =	stream.linear.gather [hbm4b:s4+s2], $0xC80, $0x38;
	[tilespmem:$0x3580] =	vst v63  }
0xc: {  	_ =	swait.ge [sflag:s8], $0xC80  }
0xd: {  	[sflag:s8] =	ssyncset.done $0x0  }
0xe: {  	[sflag:s8] =	ssyncadd.s32 $0xFFFFF380  }
0xf: {  	[tilespmem:s9], [sflag:$0x2] =	stream.linear.gather [hbm4b:s5+s2], $0xC80, $0x38;
	[tilespmem:$0x3580] =	vst v63  }
0x10: {  	_ =	swait.ge [sflag:s8], $0xC80  }
0x11: {  	[sflag:s8] =	ssyncset.done $0x0  }
0x12: {  	s16 =	simm.s32 $0x2900;
	s17 =	simm.s32 $0x0;
	[sflag:s8] =	ssyncadd.s32 $0xFFFFF380  }
.LBB2_2:
0x13: {  	s18 =	sshll.u32 s17, $0x7  }
0x14: {  	[tilespmem:s11], [sflag:$0x1] =	stream.indirect.gather [hbm4b:s3+s10], $0x10, s18, s10, $0xb8;
	[tilespmem:$0x3580] =	vst v63  }
0x15: {  	s19 =	simm.s32 $0x0;
	s18 =	sadd.s32 $0xC80, s18  }
0x16: {  	v1 =	vmov s19;
	[tilespmem:s12], [sflag:$0x1] =	stream.indirect.gather [hbm4b:s3+s10], $0x10, s18, s10, $0xb8;
	[tilespmem:$0x3580] =	vst v63  }
0x17: {  	v1 =	vshll.u32 v1, $0x4;
	_ =	swait.ge [sflag:s13], $0x800  }
0x18: {  	v1 =	vor.u32 v0, v1;
	[sflag:s13] =	ssyncset.done $0x0  }
0x19: {  	[sflag:s13] =	ssyncadd.s32 $0xFFFFF800  }
0x1a: {  	v2 =	vor.u32 $0x1, v1;
	_ =	swait.ge [sflag:s13], $0x800  }
0x1b: {  	[sflag:s13] =	ssyncset.done $0x0  }
0x1c: {  	v3 =	vor.u32 $0x2, v1;
	[sflag:s13] =	ssyncadd.s32 $0xFFFFF800  }
0x1d: {  	v4 =	vld.idx.msk [tilespmem:v1+s12+$0x0], $0xffff  }
0x1e: {  	v6 =	vor.u32 $0x3, v1;
	v5 =	vld.idx.msk [tilespmem:v1+s11+$0x0], $0xffff  }
0x1f: {  	v7 =	vld.idx.msk [tilespmem:v2+s11+$0x0], $0xffff  }
0x20: {  	v8 =	vor.u32 $0x4, v1;
	v2 =	vld.idx.msk [tilespmem:v2+s12+$0x0], $0xffff  }
0x21: {  	v9 =	vld.idx.msk [tilespmem:v3+s11+$0x0], $0xffff  }
0x22: {  	v10 =	vor.u32 $0x5, v1;
	v3 =	vld.idx.msk [tilespmem:v3+s12+$0x0], $0xffff  }
0x23: {  	v11 =	vld.idx.msk [tilespmem:v6+s11+$0x0], $0xffff;
	v4 =	vmul.f32 v4, v5  }
0x24: {  	v41 =	vor.u32 $0x6, v1;
	v40 =	vld.idx.msk [tilespmem:v6+s12+$0x0], $0xffff  }
0x25: {  	v12 =	vld.idx.msk [tilespmem:v8+s11+$0x0], $0xffff;
	v2 =	vmul.f32 v2, v7;
	v4 =	vadd.f32 $0.0e+00, v4  }
0x26: {  	v43 =	vor.u32 $0x7, v1;
	v42 =	vld.idx.msk [tilespmem:v8+s12+$0x0], $0xffff  }
0x27: {  	v13 =	vld.idx.msk [tilespmem:v10+s11+$0x0], $0xffff;
	v3 =	vmul.f32 v3, v9;
	v2 =	vadd.f32 v2, v4  }
0x28: {  	v45 =	vor.u32 $0x8, v1;
	v44 =	vld.idx.msk [tilespmem:v10+s12+$0x0], $0xffff  }
0x29: {  	v46 =	vld.idx.msk [tilespmem:v41+s11+$0x0], $0xffff;
	v2 =	vadd.f32 v3, v2;
	v3 =	vmul.f32 v40, v11  }
0x2a: {  	v48 =	vor.u32 $0x9, v1;
	v47 =	vld.idx.msk [tilespmem:v41+s12+$0x0], $0xffff  }
0x2b: {  	v49 =	vld.idx.msk [tilespmem:v43+s11+$0x0], $0xffff;
	v2 =	vadd.f32 v3, v2;
	v3 =	vmul.f32 v42, v12  }
0x2c: {  	v51 =	vor.u32 $0xA, v1;
	v50 =	vld.idx.msk [tilespmem:v43+s12+$0x0], $0xffff  }
0x2d: {  	v52 =	vld.idx.msk [tilespmem:v45+s11+$0x0], $0xffff;
	v2 =	vadd.f32 v3, v2;
	v3 =	vmul.f32 v44, v13  }
0x2e: {  	v54 =	vor.u32 $0xB, v1;
	v53 =	vld.idx.msk [tilespmem:v45+s12+$0x0], $0xffff  }
0x2f: {  	v55 =	vld.idx.msk [tilespmem:v48+s11+$0x0], $0xffff;
	v2 =	vadd.f32 v3, v2;
	v3 =	vmul.f32 v47, v46  }
0x30: {  	v57 =	vor.u32 $0xC, v1;
	v56 =	vld.idx.msk [tilespmem:v48+s12+$0x0], $0xffff  }
0x31: {  	v58 =	vld.idx.msk [tilespmem:v51+s11+$0x0], $0xffff;
	v2 =	vadd.f32 v3, v2;
	v3 =	vmul.f32 v50, v49  }
0x32: {  	v60 =	vor.u32 $0xD, v1;
	v59 =	vld.idx.msk [tilespmem:v51+s12+$0x0], $0xffff  }
0x33: {  	v61 =	vld.idx.msk [tilespmem:v54+s11+$0x0], $0xffff;
	v2 =	vadd.f32 v3, v2;
	v3 =	vmul.f32 v53, v52  }
0x34: {  	v63 =	vor.u32 $0xE, v1;
	v62 =	vld.idx.msk [tilespmem:v54+s12+$0x0], $0xffff  }
0x35: {  	v16 =	vld.idx.msk [tilespmem:v57+s11+$0x0], $0xffff;
	v2 =	vadd.f32 v3, v2;
	v3 =	vmul.f32 v56, v55  }
0x36: {  	v17 =	vld.idx.msk [tilespmem:v57+s12+$0x0], $0xffff;
	v1 =	vor.u32 $0xF, v1  }
0x37: {  	v18 =	vld.idx.msk [tilespmem:v60+s11+$0x0], $0xffff;
	v2 =	vadd.f32 v3, v2;
	v3 =	vmul.f32 v59, v58  }
0x38: {  	v19 =	vld.idx.msk [tilespmem:v60+s12+$0x0], $0xffff  }
0x39: {  	v20 =	vld.idx.msk [tilespmem:v63+s11+$0x0], $0xffff;
	v2 =	vadd.f32 v3, v2;
	v3 =	vmul.f32 v62, v61  }
0x3a: {  	v21 =	vld.idx.msk [tilespmem:v63+s12+$0x0], $0xffff  }
0x3b: {  	v22 =	vld.idx.msk [tilespmem:v1+s11+$0x0], $0xffff;
	v2 =	vadd.f32 v3, v2;
	v3 =	vmul.f32 v17, v16  }
0x3c: {  	v1 =	vld.idx.msk [tilespmem:v1+s12+$0x0], $0xffff  }
0x3d: {  	v2 =	vadd.f32 v3, v2;
	v3 =	vmul.f32 v19, v18;
	_ =	sdelay $0x1  }
0x3e: {  	v2 =	vadd.f32 v3, v2;
	v3 =	vmul.f32 v21, v20;
	_ =	sdelay $0x1  }
0x3f: {  	v1 =	vmul.f32 v1, v22;
	v2 =	vadd.f32 v3, v2;
	_ =	sdelay $0x1  }
0x40: {  	v1 =	vadd.f32 v1, v2;
	_ =	sdelay $0x1  }
0x41: {  	v1 =	vsub.f32 $0.0e+00, v1;
	_ =	sdelay $0x1  }
0x42: {  	v1 =	vmul.f32 $1.442695020e+00, v1;
	_ =	sdelay $0x1  }
0x43: {  	(erf) = vpow2.f32 v1;
	_ =	sdelay $0x8  }
0x44: {  	v1 =	vpop (erf)  }
0x45: {  	v1 =	vadd.f32 $1.000000000e+00, v1;
	_ =	sdelay $0x1  }
0x46: {  	(erf) = vrcp.f32 v1;
	_ =	sdelay $0x2  }
0x47: {  	s30 =	simm.s32 $0x10  }
0x48: {  	v1 =	vmov s30  }
0x49: {  	v1 =	vshll.u32 v1, $0x4  }
0x4a: {  	v1 =	vor.u32 v0, v1;
	_ =	sdelay $0x1  }
0x4b: {  	v2 =	vor.u32 $0x1, v1  }
0x4c: {  	v3 =	vpop (erf)  }
0x4d: {  	v23 =	vor.u32 $0x2, v1;
	[tilespmem:s16+$0x0] =	vst v3  }
0x4e: {  	v3 =	vld.idx.msk [tilespmem:v1+s12+$0x0], $0xffff  }
0x4f: {  	v25 =	vor.u32 $0x3, v1;
	v24 =	vld.idx.msk [tilespmem:v1+s11+$0x0], $0xffff  }
0x50: {  	v26 =	vld.idx.msk [tilespmem:v2+s11+$0x0], $0xffff  }
0x51: {  	v27 =	vor.u32 $0x4, v1;
	v2 =	vld.idx.msk [tilespmem:v2+s12+$0x0], $0xffff  }
0x52: {  	v28 =	vld.idx.msk [tilespmem:v23+s11+$0x0], $0xffff  }
0x53: {  	v29 =	vor.u32 $0x5, v1;
	v4 =	vld.idx.msk [tilespmem:v23+s12+$0x0], $0xffff  }
0x54: {  	v30 =	vld.idx.msk [tilespmem:v25+s11+$0x0], $0xffff;
	v3 =	vmul.f32 v3, v24  }
0x55: {  	v32 =	vor.u32 $0x6, v1;
	v31 =	vld.idx.msk [tilespmem:v25+s12+$0x0], $0xffff  }
0x56: {  	v33 =	vld.idx.msk [tilespmem:v27+s11+$0x0], $0xffff;
	v2 =	vmul.f32 v2, v26;
	v3 =	vadd.f32 $0.0e+00, v3  }
0x57: {  	v35 =	vor.u32 $0x7, v1;
	v34 =	vld.idx.msk [tilespmem:v27+s12+$0x0], $0xffff  }
0x58: {  	v36 =	vld.idx.msk [tilespmem:v29+s11+$0x0], $0xffff;
	v2 =	vadd.f32 v2, v3;
	v3 =	vmul.f32 v4, v28  }
0x59: {  	v38 =	vor.u32 $0x8, v1;
	v37 =	vld.idx.msk [tilespmem:v29+s12+$0x0], $0xffff  }
0x5a: {  	v39 =	vld.idx.msk [tilespmem:v32+s11+$0x0], $0xffff;
	v2 =	vadd.f32 v3, v2;
	v3 =	vmul.f32 v31, v30  }
0x5b: {  	v41 =	vor.u32 $0x9, v1;
	v40 =	vld.idx.msk [tilespmem:v32+s12+$0x0], $0xffff  }
0x5c: {  	v42 =	vld.idx.msk [tilespmem:v35+s11+$0x0], $0xffff;
	v2 =	vadd.f32 v3, v2;
	v3 =	vmul.f32 v34, v33  }
0x5d: {  	v44 =	vor.u32 $0xA, v1;
	v43 =	vld.idx.msk [tilespmem:v35+s12+$0x0], $0xffff  }
0x5e: {  	v45 =	vld.idx.msk [tilespmem:v38+s11+$0x0], $0xffff;
	v2 =	vadd.f32 v3, v2;
	v3 =	vmul.f32 v37, v36  }
0x5f: {  	v47 =	vor.u32 $0xB, v1;
	v46 =	vld.idx.msk [tilespmem:v38+s12+$0x0], $0xffff  }
0x60: {  	v48 =	vld.idx.msk [tilespmem:v41+s11+$0x0], $0xffff;
	v2 =	vadd.f32 v3, v2;
	v3 =	vmul.f32 v40, v39  }
0x61: {  	v50 =	vor.u32 $0xC, v1;
	v49 =	vld.idx.msk [tilespmem:v41+s12+$0x0], $0xffff  }
0x62: {  	v51 =	vld.idx.msk [tilespmem:v44+s11+$0x0], $0xffff;
	v2 =	vadd.f32 v3, v2;
	v3 =	vmul.f32 v43, v42  }
0x63: {  	v53 =	vor.u32 $0xD, v1;
	v52 =	vld.idx.msk [tilespmem:v44+s12+$0x0], $0xffff  }
0x64: {  	v54 =	vld.idx.msk [tilespmem:v47+s11+$0x0], $0xffff;
	v2 =	vadd.f32 v3, v2;
	v3 =	vmul.f32 v46, v45  }
0x65: {  	v56 =	vor.u32 $0xE, v1;
	v55 =	vld.idx.msk [tilespmem:v47+s12+$0x0], $0xffff  }
0x66: {  	v57 =	vld.idx.msk [tilespmem:v50+s11+$0x0], $0xffff;
	v2 =	vadd.f32 v3, v2;
	v3 =	vmul.f32 v49, v48  }
0x67: {  	v58 =	vld.idx.msk [tilespmem:v50+s12+$0x0], $0xffff;
	v1 =	vor.u32 $0xF, v1  }
0x68: {  	v59 =	vld.idx.msk [tilespmem:v53+s11+$0x0], $0xffff;
	v2 =	vadd.f32 v3, v2;
	v3 =	vmul.f32 v52, v51  }
0x69: {  	v60 =	vld.idx.msk [tilespmem:v53+s12+$0x0], $0xffff  }
0x6a: {  	v61 =	vld.idx.msk [tilespmem:v56+s11+$0x0], $0xffff;
	v2 =	vadd.f32 v3, v2;
	v3 =	vmul.f32 v55, v54  }
0x6b: {  	v62 =	vld.idx.msk [tilespmem:v56+s12+$0x0], $0xffff  }
0x6c: {  	v63 =	vld.idx.msk [tilespmem:v1+s11+$0x0], $0xffff;
	v2 =	vadd.f32 v3, v2;
	v3 =	vmul.f32 v58, v57  }
0x6d: {  	v1 =	vld.idx.msk [tilespmem:v1+s12+$0x0], $0xffff  }
0x6e: {  	v2 =	vadd.f32 v3, v2;
	v3 =	vmul.f32 v60, v59;
	_ =	sdelay $0x1  }
0x6f: {  	v2 =	vadd.f32 v3, v2;
	v3 =	vmul.f32 v62, v61;
	_ =	sdelay $0x1  }
0x70: {  	v1 =	vmul.f32 v1, v63;
	v2 =	vadd.f32 v3, v2;
	_ =	sdelay $0x1  }
0x71: {  	v1 =	vadd.f32 v1, v2;
	_ =	sdelay $0x1  }
0x72: {  	v1 =	vsub.f32 $0.0e+00, v1;
	_ =	sdelay $0x1  }
0x73: {  	v1 =	vmul.f32 $1.442695020e+00, v1;
	_ =	sdelay $0x1  }
0x74: {  	(erf) = vpow2.f32 v1;
	_ =	sdelay $0x8  }
0x75: {  	v1 =	vpop (erf)  }
0x76: {  	v1 =	vadd.f32 $1.000000000e+00, v1;
	_ =	sdelay $0x1  }
0x77: {  	(erf) = vrcp.f32 v1;
	_ =	sdelay $0x2  }
0x78: {  	s31 =	simm.s32 $0x20  }
0x79: {  	v2 =	vmov s31  }
0x7a: {  	s19 =	simm.s32 $0x30;
	s18 =	smov.u32 s16;
	v1 =	vshll.u32 v2, $0x4  }
.LBB2_3:
0x7b: {  	p0 =	sne.s32 s19, $0x70;
	v1 =	vor.u32 v0, v1;
	_ =	sdelay $0x1  }
0x7c: {  	v2 =	vor.u32 $0x1, v1  }
0x7d: {  	s18 =	sadd.s32 $0x10, s18;
	v3 =	vpop (erf)  }
0x7e: {  	v4 =	vor.u32 $0x2, v1;
	[tilespmem:s18+$0x0] =	vst v3  }
0x7f: {  	v3 =	vld.idx.msk [tilespmem:v1+s12+$0x0], $0xffff  }
0x80: {  	v6 =	vor.u32 $0x3, v1;
	v5 =	vld.idx.msk [tilespmem:v1+s11+$0x0], $0xffff  }
0x81: {  	v7 =	vld.idx.msk [tilespmem:v2+s11+$0x0], $0xffff  }
0x82: {  	v8 =	vor.u32 $0x4, v1;
	v2 =	vld.idx.msk [tilespmem:v2+s12+$0x0], $0xffff  }
0x83: {  	v9 =	vld.idx.msk [tilespmem:v4+s11+$0x0], $0xffff  }
0x84: {  	v10 =	vor.u32 $0x5, v1;
	v4 =	vld.idx.msk [tilespmem:v4+s12+$0x0], $0xffff  }
0x85: {  	v11 =	vld.idx.msk [tilespmem:v6+s11+$0x0], $0xffff  }
0x86: {  	v3 =	vmul.f32 v3, v5;
	v5 =	vld.idx.msk [tilespmem:v6+s12+$0x0], $0xffff;
	v6 =	vor.u32 $0x6, v1  }
0x87: {  	v12 =	vld.idx.msk [tilespmem:v8+s11+$0x0], $0xffff  }
0x88: {  	v3 =	vadd.f32 $0.0e+00, v3;
	v2 =	vmul.f32 v2, v7;
	v7 =	vld.idx.msk [tilespmem:v8+s12+$0x0], $0xffff;
	v8 =	vor.u32 $0x7, v1  }
0x89: {  	v13 =	vld.idx.msk [tilespmem:v10+s11+$0x0], $0xffff  }
0x8a: {  	v2 =	vadd.f32 v2, v3;
	v3 =	vmul.f32 v4, v9;
	v9 =	vor.u32 $0x8, v1;
	v4 =	vld.idx.msk [tilespmem:v10+s12+$0x0], $0xffff  }
0x8b: {  	v10 =	vld.idx.msk [tilespmem:v6+s11+$0x0], $0xffff  }
0x8c: {  	v2 =	vadd.f32 v3, v2;
	v3 =	vmul.f32 v5, v11;
	v5 =	vld.idx.msk [tilespmem:v6+s12+$0x0], $0xffff;
	v6 =	vor.u32 $0x9, v1  }
0x8d: {  	v11 =	vld.idx.msk [tilespmem:v8+s11+$0x0], $0xffff  }
0x8e: {  	v2 =	vadd.f32 v3, v2;
	v3 =	vmul.f32 v7, v12;
	v7 =	vld.idx.msk [tilespmem:v8+s12+$0x0], $0xffff;
	v8 =	vor.u32 $0xA, v1  }
0x8f: {  	v12 =	vld.idx.msk [tilespmem:v9+s11+$0x0], $0xffff  }
0x90: {  	v2 =	vadd.f32 v3, v2;
	v3 =	vmul.f32 v4, v13;
	v4 =	vld.idx.msk [tilespmem:v9+s12+$0x0], $0xffff;
	v9 =	vor.u32 $0xB, v1  }
0x91: {  	v13 =	vld.idx.msk [tilespmem:v6+s11+$0x0], $0xffff  }
0x92: {  	v2 =	vadd.f32 v3, v2;
	v3 =	vmul.f32 v5, v10;
	v5 =	vld.idx.msk [tilespmem:v6+s12+$0x0], $0xffff;
	v6 =	vor.u32 $0xC, v1  }
0x93: {  	v10 =	vld.idx.msk [tilespmem:v8+s11+$0x0], $0xffff  }
0x94: {  	v2 =	vadd.f32 v3, v2;
	v3 =	vmul.f32 v7, v11;
	v7 =	vld.idx.msk [tilespmem:v8+s12+$0x0], $0xffff;
	v8 =	vor.u32 $0xD, v1  }
0x95: {  	v11 =	vld.idx.msk [tilespmem:v9+s11+$0x0], $0xffff  }
0x96: {  	v2 =	vadd.f32 v3, v2;
	v3 =	vmul.f32 v4, v12;
	v4 =	vld.idx.msk [tilespmem:v9+s12+$0x0], $0xffff;
	v9 =	vor.u32 $0xE, v1  }
0x97: {  	v12 =	vld.idx.msk [tilespmem:v6+s11+$0x0], $0xffff  }
0x98: {  	v1 =	vor.u32 $0xF, v1;
	v2 =	vadd.f32 v3, v2;
	v3 =	vmul.f32 v5, v13;
	v5 =	vld.idx.msk [tilespmem:v6+s12+$0x0], $0xffff  }
0x99: {  	v6 =	vld.idx.msk [tilespmem:v8+s11+$0x0], $0xffff  }
0x9a: {  	v2 =	vadd.f32 v3, v2;
	v3 =	vmul.f32 v7, v10;
	v7 =	vld.idx.msk [tilespmem:v8+s12+$0x0], $0xffff  }
0x9b: {  	v8 =	vld.idx.msk [tilespmem:v9+s11+$0x0], $0xffff  }
0x9c: {  	v2 =	vadd.f32 v3, v2;
	v3 =	vmul.f32 v4, v11;
	v4 =	vld.idx.msk [tilespmem:v9+s12+$0x0], $0xffff  }
0x9d: {  	v9 =	vld.idx.msk [tilespmem:v1+s11+$0x0], $0xffff  }
0x9e: {  	v2 =	vadd.f32 v3, v2;
	v3 =	vmul.f32 v5, v12;
	v1 =	vld.idx.msk [tilespmem:v1+s12+$0x0], $0xffff;
	_ =	sdelay $0x1  }
0x9f: {  	v2 =	vadd.f32 v3, v2;
	v3 =	vmul.f32 v7, v6;
	_ =	sdelay $0x1  }
0xa0: {  	v2 =	vadd.f32 v3, v2;
	v3 =	vmul.f32 v4, v8;
	_ =	sdelay $0x1  }
0xa1: {  	v2 =	vadd.f32 v3, v2;
	v1 =	vmul.f32 v1, v9;
	_ =	sdelay $0x1  }
0xa2: {  	v1 =	vadd.f32 v1, v2;
	_ =	sdelay $0x1  }
0xa3: {  	v1 =	vsub.f32 $0.0e+00, v1;
	_ =	sdelay $0x1  }
0xa4: {  	v1 =	vmul.f32 $1.442695020e+00, v1;
	_ =	sdelay $0x1  }
0xa5: {  	(erf) = vpow2.f32 v1;
	_ =	sdelay $0x8  }
0xa6: {  	v1 =	vpop (erf)  }
0xa7: {  	v1 =	vadd.f32 $1.000000000e+00, v1;
	_ =	sdelay $0x1  }
0xa8: {  	(erf) = vrcp.f32 v1  }
.Ltmp0:
0xa9: {  	(pc) =	sbr.rel @p0 .LBB2_3-.Ltmp0, $3  }
0xaa: {  	_ =	sdelay $0x1  }
0xab: {  	v1 =	vmov s19  }
0xac: {  	s19 =	sadd.s32 $0x10, s19;
	v1 =	vshll.u32 v1, $0x4  }
0xad: {  	v1 =	vor.u32 v0, v1;
	_ =	sdelay $0x1  }
0xae: {  	v2 =	vor.u32 $0x1, v1  }
0xaf: {  	s18 =	sadd.s32 $0x10, s18;
	v3 =	vpop (erf)  }
0xb0: {  	v4 =	vor.u32 $0x2, v1;
	[tilespmem:s18+$0x0] =	vst v3  }
0xb1: {  	v3 =	vld.idx.msk [tilespmem:v1+s12+$0x0], $0xffff  }
0xb2: {  	v6 =	vor.u32 $0x3, v1;
	v5 =	vld.idx.msk [tilespmem:v1+s11+$0x0], $0xffff  }
0xb3: {  	v7 =	vld.idx.msk [tilespmem:v2+s11+$0x0], $0xffff  }
0xb4: {  	v8 =	vor.u32 $0x4, v1;
	v2 =	vld.idx.msk [tilespmem:v2+s12+$0x0], $0xffff  }
0xb5: {  	v9 =	vld.idx.msk [tilespmem:v4+s11+$0x0], $0xffff  }
0xb6: {  	v10 =	vor.u32 $0x5, v1;
	v4 =	vld.idx.msk [tilespmem:v4+s12+$0x0], $0xffff  }
0xb7: {  	v11 =	vld.idx.msk [tilespmem:v6+s11+$0x0], $0xffff;
	v3 =	vmul.f32 v3, v5  }
0xb8: {  	v34 =	vor.u32 $0x6, v1;
	v33 =	vld.idx.msk [tilespmem:v6+s12+$0x0], $0xffff  }
0xb9: {  	v12 =	vld.idx.msk [tilespmem:v8+s11+$0x0], $0xffff;
	v2 =	vmul.f32 v2, v7;
	v3 =	vadd.f32 $0.0e+00, v3  }
0xba: {  	v36 =	vor.u32 $0x7, v1;
	v35 =	vld.idx.msk [tilespmem:v8+s12+$0x0], $0xffff  }
0xbb: {  	v13 =	vld.idx.msk [tilespmem:v10+s11+$0x0], $0xffff;
	v2 =	vadd.f32 v2, v3;
	v3 =	vmul.f32 v4, v9  }
0xbc: {  	v38 =	vor.u32 $0x8, v1;
	v37 =	vld.idx.msk [tilespmem:v10+s12+$0x0], $0xffff  }
0xbd: {  	v39 =	vld.idx.msk [tilespmem:v34+s11+$0x0], $0xffff;
	v2 =	vadd.f32 v3, v2;
	v3 =	vmul.f32 v33, v11  }
0xbe: {  	v41 =	vor.u32 $0x9, v1;
	v40 =	vld.idx.msk [tilespmem:v34+s12+$0x0], $0xffff  }
0xbf: {  	v42 =	vld.idx.msk [tilespmem:v36+s11+$0x0], $0xffff;
	v2 =	vadd.f32 v3, v2;
	v3 =	vmul.f32 v35, v12  }
0xc0: {  	v44 =	vor.u32 $0xA, v1;
	v43 =	vld.idx.msk [tilespmem:v36+s12+$0x0], $0xffff  }
0xc1: {  	v45 =	vld.idx.msk [tilespmem:v38+s11+$0x0], $0xffff;
	v2 =	vadd.f32 v3, v2;
	v3 =	vmul.f32 v37, v13  }
0xc2: {  	v47 =	vor.u32 $0xB, v1;
	v46 =	vld.idx.msk [tilespmem:v38+s12+$0x0], $0xffff  }
0xc3: {  	v48 =	vld.idx.msk [tilespmem:v41+s11+$0x0], $0xffff;
	v2 =	vadd.f32 v3, v2;
	v3 =	vmul.f32 v40, v39  }
0xc4: {  	v50 =	vor.u32 $0xC, v1;
	v49 =	vld.idx.msk [tilespmem:v41+s12+$0x0], $0xffff  }
0xc5: {  	v51 =	vld.idx.msk [tilespmem:v44+s11+$0x0], $0xffff;
	v2 =	vadd.f32 v3, v2;
	v3 =	vmul.f32 v43, v42  }
0xc6: {  	v53 =	vor.u32 $0xD, v1;
	v52 =	vld.idx.msk [tilespmem:v44+s12+$0x0], $0xffff  }
0xc7: {  	v54 =	vld.idx.msk [tilespmem:v47+s11+$0x0], $0xffff;
	v2 =	vadd.f32 v3, v2;
	v3 =	vmul.f32 v46, v45  }
0xc8: {  	v56 =	vor.u32 $0xE, v1;
	v55 =	vld.idx.msk [tilespmem:v47+s12+$0x0], $0xffff  }
0xc9: {  	v57 =	vld.idx.msk [tilespmem:v50+s11+$0x0], $0xffff;
	v2 =	vadd.f32 v3, v2;
	v3 =	vmul.f32 v49, v48  }
0xca: {  	v1 =	vor.u32 $0xF, v1;
	v58 =	vld.idx.msk [tilespmem:v50+s12+$0x0], $0xffff  }
0xcb: {  	v59 =	vld.idx.msk [tilespmem:v53+s11+$0x0], $0xffff;
	v2 =	vadd.f32 v3, v2;
	v3 =	vmul.f32 v52, v51  }
0xcc: {  	v60 =	vld.idx.msk [tilespmem:v53+s12+$0x0], $0xffff  }
0xcd: {  	v61 =	vld.idx.msk [tilespmem:v56+s11+$0x0], $0xffff;
	v2 =	vadd.f32 v3, v2;
	v3 =	vmul.f32 v55, v54  }
0xce: {  	v62 =	vld.idx.msk [tilespmem:v56+s12+$0x0], $0xffff  }
0xcf: {  	v63 =	vld.idx.msk [tilespmem:v1+s11+$0x0], $0xffff;
	v2 =	vadd.f32 v3, v2;
	v3 =	vmul.f32 v58, v57  }
0xd0: {  	v1 =	vld.idx.msk [tilespmem:v1+s12+$0x0], $0xffff  }
0xd1: {  	v2 =	vadd.f32 v3, v2;
	v3 =	vmul.f32 v60, v59;
	_ =	sdelay $0x1  }
0xd2: {  	v2 =	vadd.f32 v3, v2;
	v3 =	vmul.f32 v62, v61;
	_ =	sdelay $0x1  }
0xd3: {  	v1 =	vmul.f32 v1, v63;
	v2 =	vadd.f32 v3, v2;
	_ =	sdelay $0x1  }
0xd4: {  	v1 =	vadd.f32 v1, v2;
	_ =	sdelay $0x1  }
0xd5: {  	v1 =	vsub.f32 $0.0e+00, v1;
	_ =	sdelay $0x1  }
0xd6: {  	v1 =	vmul.f32 $1.442695020e+00, v1;
	_ =	sdelay $0x1  }
0xd7: {  	(erf) = vpow2.f32 v1;
	_ =	sdelay $0x8  }
0xd8: {  	v1 =	vpop (erf)  }
0xd9: {  	v1 =	vadd.f32 $1.000000000e+00, v1;
	_ =	sdelay $0x1  }
0xda: {  	(erf) = vrcp.f32 v1;
	_ =	sdelay $0x3  }
0xdb: {  	s17 =	sadd.s32 $0x1, s17  }
0xdc: {  	p0 =	sne.s32 s17, $0x19  }
.Ltmp1:
0xdd: {  	_ = 	snop;
	(pc) =	sbr.rel @p0 .LBB2_2-.Ltmp1, $3  }
0xde: {  	_ =	sdelay $0x1  }
0xdf: {  	s18 =	sadd.s32 $0x10, s18;
	v1 =	vpop (erf)  }
0xe0: {  	s16 =	sadd.s32 $0x80, s16;
	[tilespmem:s18+$0x0] =	vst v1  }
0xe1: {  	s15 =	sadd.s32 $0x1, s15  }
0xe2: {  	p0 =	sne.s32 s15, s7  }
.Ltmp2:
0xe3: {  	_ = 	snop;
	(pc) =	sbr.rel @p0 .LBB2_1-.Ltmp2, $4  }
0xe4: {  	[hbm4b:s6+s2] =	stream.linear.scatter [tilespmem:s14], [sflag:$0x2], $0xC80, $0x38;
	[tilespmem:$0x3580] =	vst v63  }
0xe5: {  	_ =	swait.ge [sflag:s8], $0xC80  }
0xe6: {  	[sflag:s8] =	ssyncset.done $0x0  }
0xe7: {  	[sflag:s8] =	ssyncadd.s32 $0xFFFFF380  }
0xe8: {  	_ =	sfence.sel $0x180000  }
0xe9: {  	[bflag:$0x0] =	sbarrier.arrive $0xFFFF  }
0xea: {  	p0 =	sne.s32 s1, $0x0;
	_ =	strace $0x90000053  }
0xeb: {  	s0 =	sadd.s32 @!p0 $0x100000, s0;
	[bflag:$0x2] =	sbarrier.arrive $0xFFFF  }
0xec: {  	[sflag:s0] =	ssyncadd.tile.s32 @!p0 $0x1;
	_ =	shalt  }
.Lfunc_end2:
_tile_overlayer_lowered:
.L_overlay_start_2:
0xed: {  	(tag) =	ssettag $0x2  }
0xee: {  	s0 =	rddreg [dreg:$0x0];
	s2 =	stileid.u32  }
0xef: {  	s1 =	rddreg [dreg:$0x1];
	p0 =	sne.s32 s2, $0x0  }
0xf0: {  	s3 =	rddreg [dreg:$0x2];
	[bflag:$0x3] =	sbarrier.arrive $0xFFFF;
	s2 =	simm.s32 @!p0 $0x1C02  }
0xf1: {  	[timem:s3], [sflag:s2] =	dma.local @!p0 [hbm:s0], s1  }
0xf2: {  	s0 =	simm.s32 @!p0 $0x2  }
0xf3: {  	_ =	swait.ge @!p0 [sflag:s0], s1  }
0xf4: {  	s1 =	ssub.s32 @!p0 $0x0, s1;
	[sflag:s0] =	ssyncset.done @!p0 $0x0  }
0xf5: {  	[sflag:s0] =	ssyncadd.s32 @!p0 s1  }
0xf6: {  	[bflag:$0x3] =	sbarrier.arrive $0xFFFF  }
0xf7: {  	_ =	shalt  }

// kernel: kernel.7.cloned.1.call-start
scs
__scs_entry_jumppad:
0x0: {  	(pc) =	sbr.rel $0x88, $3  }
0x1: {  	(tag) =	ssettag $0x0;
	lr =	simm.s32 $0x1  }
0x2: {  	[smem:$0x3F9E] =	sst lr;
	_ =	strace $0xD0000000  }
0x3: {  	_ = 	snop  }
0x4: {  	_ = 	snop  }
0x5: {  	_ = 	snop  }
0x6: {  	_ = 	snop  }
0x7: {  	_ = 	snop  }
__scs_overlays_trampoline_lowered:
0x8: {  	[smem:$0x3FAD] =	sst s0  }
0x9: {  	[smem:$0x3FAE] =	sst s1  }
0xa: {  	[smem:$0x3FAF] =	sst s2  }
0xb: {  	[smem:$0x3FB0] =	sst s3  }
0xc: {  	[smem:$0x3FB1] =	sst s4  }
0xd: {  	[smem:$0x3FB2] =	sst s5  }
0xe: {  	[smem:$0x3FB3] =	sst s6  }
0xf: {  	[smem:$0x3FB4] =	sst s7  }
0x10: {  	[smem:$0x3FB5] =	sst s8  }
0x11: {  	[smem:$0x3FB6] =	sst s9;
	s0 =	simm.s32 @!p0 $0x0  }
0x12: {  	s1 =	sld [smem:$0x3F9C];
	s0 =	simm.s32 @p0 $0x1  }
0x13: {  	[smem:$0x3FB7] =	sst s0;
	s0 =	simm.s32 @!p1 $0x0  }
0x14: {  	s2 =	sld [smem:$0x3F9B];
	s0 =	simm.s32 @p1 $0x1  }
0x15: {  	[smem:$0x3FB8] =	sst s0;
	s0 =	simm.s32 @!p2 $0x0  }
0x16: {  	s3 =	sld [smem:$0x3FDB];
	s0 =	simm.s32 @p2 $0x1  }
0x17: {  	s4 =	simm.s32 $0x1BF5;
	[smem:$0x3FBA] =	sst s0  }
0x18: {  	s0 =	sld [smem:$0x3F9D];
	_ =	swait.ge [sflag:s4], $0x0  }
0x19: {  	s7 =	sld [smem:$0x3F9E]  }
0x1a: {  	s8 =	sadd.s32 $0xFFFFE003, lr  }
0x1b: {  	s9 =	sadd.s32 $0xFFFFFEF7, lr;
	s5 =	simm.s32 $0xFFFFFFFF;
	p2 =	slt.u32 s8, $0xFFFFF086  }
0x1c: {  	p1 =	slt.u32 s9, $0xF7A;
	s5 =	simm.s32 @!p2 $0x0  }
0x1d: {  	s5 =	simm.s32 @p1 $0x1;
	p0 =	seq.s32 s7, s2  }
0x1e: {  	s7 =	smul.u32 @!p0 $0xF7A, s2;
	p2 =	seq.s32 @!p0 s5, $0x0  }
0x1f: {  	s9 =	smul.u32 $0xF7A, s1;
	s8 =	simm.s32 @!p0 $0x1BF5;
	p2 =	por !p2, p0  }
0x20: {  	[sflag:s8] =	ssyncset.s32 @!p0 $0xFFFFF086;
	s6 =	sadd.s32 @!p0 s3, s7;
	s7 =	simm.s32 @!p0 $0x108  }
0x21: {  	s3 =	sadd.s32 s3, s9;
	s6 =	sadd.s32 @!p0 $0x88, s6;
	s7 =	simm.s32 @p2 $0x1082  }
0x22: {  	[simem:s7], [sflag:s8] =	dma.local @!p0 [hbm:s6], $0xF7A  }
0x23: {  	s9 =	sor.u32 $0xD0000000, s2;
	s6 =	simm.s32 $0x108;
	_ =	swait.ge @!p0 [sflag:s8], $0x0  }
0x24: {  	s3 =	sadd.s32 $0x88, s3;
	s6 =	simm.s32 @!p1 $0x1082;
	[sflag:s4] =	ssyncset.s32 $0xFFFFF086  }
0x25: {  	[simem:s6], [sflag:s4] =	dma.local [hbm:s3], $0xF7A  }
0x26: {  	[smem:$0x3F9E] =	sst s1;
	(tag) =	ssettag s2;
	_ =	strace s9  }
0x27: {  	s1 =	sld [smem:$0x3FAE]  }
0x28: {  	s2 =	sld [smem:$0x3FAF]  }
0x29: {  	s4 =	sld [smem:$0x3FB1]  }
0x2a: {  	p0 =	seq.s32 s5, $0x0;
	s5 =	sld [smem:$0x3FB2]  }
0x2b: {  	s6 =	sld [smem:$0x3FB3]  }
0x2c: {  	s7 =	sld [smem:$0x3FB4]  }
0x2d: {  	s3 =	simm.s32 $0x108;
	s8 =	sld [smem:$0x3FB5]  }
0x2e: {  	s3 =	simm.s32 @!p0 $0x1082;
	s9 =	sld [smem:$0x3FB6]  }
0x2f: {  	lr =	sadd.s32 s0, s3;
	s0 =	sld [smem:$0x3FAD]  }
0x30: {  	s3 =	sld [smem:$0x3FB0]  }
0x31: {  	[smem:$0x3FB9] =	sst s10  }
0x32: {  	s10 =	sld [smem:$0x3FB7];
	_ =	sdelay $0x3  }
0x33: {  	p0 =	seq.s32 s10, $0x1;
	s10 =	sld [smem:$0x3FB9];
	_ =	sdelay $0x3  }
0x34: {  	[smem:$0x3FB9] =	sst s10  }
0x35: {  	s10 =	sld [smem:$0x3FB8];
	_ =	sdelay $0x3  }
0x36: {  	p1 =	seq.s32 s10, $0x1;
	s10 =	sld [smem:$0x3FB9];
	_ =	sdelay $0x3  }
0x37: {  	[smem:$0x3FB9] =	sst s10  }
0x38: {  	s10 =	sld [smem:$0x3FBA]  }
0x39: {  	_ = 	snop;
	(pc) =	sbr.ind lr, $3  }
0x3a: {  	_ = 	snop  }
0x3b: {  	_ = 	snop  }
0x3c: {  	p2 =	seq.s32 s10, $0x1;
	s10 =	sld [smem:$0x3FB9]  }
0x3d: {  	_ =	shalt  }
0x3e: {  	_ =	shalt  }
0x3f: {  	_ =	shalt  }
0x40: {  	_ =	shalt  }
0x41: {  	_ =	shalt  }
0x42: {  	_ =	shalt  }
0x43: {  	_ =	shalt  }
0x44: {  	_ =	shalt  }
0x45: {  	_ =	shalt  }
0x46: {  	_ =	shalt  }
0x47: {  	_ =	shalt  }
0x48: {  	_ =	shalt  }
0x49: {  	_ =	shalt  }
0x4a: {  	_ =	shalt  }
0x4b: {  	_ =	shalt  }
0x4c: {  	_ =	shalt  }
0x4d: {  	_ =	shalt  }
0x4e: {  	_ =	shalt  }
0x4f: {  	_ =	shalt  }
0x50: {  	_ =	shalt  }
0x51: {  	_ =	shalt  }
0x52: {  	_ =	shalt  }
0x53: {  	_ =	shalt  }
0x54: {  	_ =	shalt  }
0x55: {  	_ =	shalt  }
0x56: {  	_ =	shalt  }
0x57: {  	_ =	shalt  }
0x58: {  	_ =	shalt  }
0x59: {  	_ =	shalt  }
0x5a: {  	_ =	shalt  }
0x5b: {  	_ =	shalt  }
0x5c: {  	_ =	shalt  }
0x5d: {  	_ =	shalt  }
0x5e: {  	_ =	shalt  }
0x5f: {  	_ =	shalt  }
0x60: {  	_ =	shalt  }
0x61: {  	_ =	shalt  }
0x62: {  	_ =	shalt  }
0x63: {  	_ =	shalt  }
0x64: {  	_ =	shalt  }
0x65: {  	_ =	shalt  }
0x66: {  	_ =	shalt  }
0x67: {  	_ =	shalt  }
0x68: {  	_ =	shalt  }
0x69: {  	_ =	shalt  }
0x6a: {  	_ =	shalt  }
0x6b: {  	_ =	shalt  }
0x6c: {  	_ =	shalt  }
0x6d: {  	_ =	shalt  }
0x6e: {  	_ =	shalt  }
0x6f: {  	_ =	shalt  }
0x70: {  	_ =	shalt  }
0x71: {  	_ =	shalt  }
0x72: {  	_ =	shalt  }
0x73: {  	_ =	shalt  }
0x74: {  	_ =	shalt  }
0x75: {  	_ =	shalt  }
0x76: {  	_ =	shalt  }
0x77: {  	_ =	shalt  }
0x78: {  	_ =	shalt  }
0x79: {  	_ =	shalt  }
0x7a: {  	_ =	shalt  }
0x7b: {  	_ =	shalt  }
0x7c: {  	_ =	shalt  }
0x7d: {  	_ =	shalt  }
0x7e: {  	_ =	shalt  }
0x7f: {  	_ =	shalt  }
0x80: {  	_ =	shalt  }
0x81: {  	_ =	shalt  }
0x82: {  	_ =	shalt  }
0x83: {  	_ =	shalt  }
0x84: {  	_ =	shalt  }
0x85: {  	_ =	shalt  }
0x86: {  	_ =	shalt  }
0x87: {  	_ =	shalt  }
.Lfunc_end0:
.L_simem_size_0:
called_computation_lowered:
.L_overlay_start_0:
0x88: {  	s2 =	sld [smem:$0x3FD9]  }
0x89: {  	s3 =	sld [smem:$0x3FFE];
	_ =	sdelay $0x1  }
0x8a: {  	s1 =	srdreg.scid  }
0x8b: {  	s0 =	sand.u32 $0x1, s1  }
0x8c: {  	s16 =	sshll.u32 s0, $0xA;
	s2 =	sadd.s32 s3, s2  }
0x8d: {  	s2 =	sadd.s32 s2, s16  }
0x8e: {  	[smem:$0x3FC5] =	sst s2  }
0x8f: {  	_ = 	snop  }
0x90: {  	(tm) =	ssettm $0x1  }
0x91: {  	s17 =	sld [smem:$0x3FFB];
	_ =	sdelay $0x3  }
0x92: {  	_ =	strace s17  }
0x93: {  	s2 =	sld [smem:$0x3FFC];
	_ =	sdelay $0x3  }
0x94: {  	_ =	strace s2  }
0x95: {  	s2 =	sld [smem:$0x3FFD];
	_ =	sdelay $0x3  }
0x96: {  	_ =	strace s2  }
0x97: {  	_ =	strace $0x8FFFFFFF  }
0x98: {  	s18 =	sld [smem:$0x3FDB];
	_ =	sdelay $0x1  }
0x99: {  	s19 =	simm.s32 $_scs_section_size  }
0x9a: {  	s4 =	simm.s32 $_size__tile_overlayer_lowered;
	s5 =	simm.s32 $_tile_overlayer_lowered  }
0x9b: {  	s22 =	simm.s32 $0x1BFF;
	s21 =	sshll.u32 s5, $0x1;
	s2 =	sadd.s32 s19, s18  }
0x9c: {  	s6 =	simm.s32 $0x0;
	s20 =	sshll.u32 s4, $0x1;
	s4 =	sadd.s32 s21, s2  }
0x9d: {  	[timem:s6], [sflag:s22] =	dma.local [hbm:s4], s20  }
0x9e: {  	_ =	swait.ge [sflag:s22], s20  }
0x9f: {  	s3 =	ssub.s32 $0x0, s20;
	[sflag:s22] =	ssyncset.done $0x0  }
0xa0: {  	[sflag:s22] =	ssyncadd.s32 s3;
	_ =	sdelay $0x1  }
0xa1: {  	s23 =	simm.s32 $0x1B8B  }
0xa2: {  	_ =	swait.ge [sflag:s23], $0x1  }
0xa3: {  	[sflag:s23] =	ssyncset.done $0x0  }
0xa4: {  	s25 =	simm.s32 $0x1B8E;
	s24 =	sld [smem:$0x3FFE];
	[sflag:s23] =	ssyncadd.s32 $0xFFFFFFFF  }
0xa5: {  	s26 =	simm.s32 $execute0_lowered;
	[smem:$0x3FD2] =	sst s25  }
0xa6: {  	s4 =	sshll.u32 s26, $0x1;
	_ =	strace $0x80000046;
	[dreg:$0x1] =	wrdreg $0xFFFFFFFF  }
0xa7: {  	s28 =	simm.s32 $_size_execute0_lowered;
	s2 =	sadd.s32 s2, s4;
	[dreg:$0x0] =	wrdreg $0x0  }
0xa8: {  	s4 =	sshll.u32 s28, $0x1;
	[dreg:$0x2] =	wrdreg s2  }
0xa9: {  	[dreg:$0x3] =	wrdreg s4  }
0xaa: {  	[dreg:$0x4] =	wrdreg $0xC0  }
0xab: {  	_ =	task [dreg:s6], $0x5FFFF  }
0xac: {  	[dreg:$0x1] =	wrdreg $0xFFFFFFFF  }
0xad: {  	[dreg:$0x0] =	wrdreg $0x60  }
0xae: {  	[dreg:$0x2] =	wrdreg s24  }
0xaf: {  	[dreg:$0x3] =	wrdreg $0x0  }
0xb0: {  	[dreg:$0x4] =	wrdreg $0x1BE000  }
0xb1: {  	[dreg:$0x5] =	wrdreg $0x9  }
0xb2: {  	_ =	task.clear_ibuf [dreg:s6], $0x6FFFF;
	_ =	strace $0x90000046  }
0xb3: {  	s29 =	simm.s32 $0x9;
	_ =	strace $0x80000048  }
0xb4: {  	_ =	swait.ge [sflag:s29], $0x1  }
0xb5: {  	[sflag:s29] =	ssyncadd.s32 $0xFFFFFFFF  }
0xb6: {  	_ =	strace $0x90000048  }
0xb7: {  	_ =	sfence  }
0xb8: {  	s30 =	sld [smem:$0x0];
	_ =	sdelay $0x2  }
0xb9: {  	s31 =	sshll.u32 s1, $0xD;
	s1 =	sshrl.u32 s1, $0x2  }
0xba: {  	s3 =	sand.u32 $0x4000, s31;
	s1 =	sadd.s32 s1, s30  }
0xbb: {  	s0 =	sor.u32 s3, s0;
	s1 =	sshll.u32 s1, $0x11  }
0xbc: {  	s0 =	sor.u32 s1, s0  }
0xbd: {  	s0 =	sadd.s32 $0x8F2B, s0  }
0xbe: {  	[sflag:s0] =	ssyncadd.remote.s32 $0x1  }
0xbf: {  	_ =	sfence.sel $0xFFFF  }
0xc0: {  	[dreg:$0x0] =	wrdreg $0xFFFFFFFF;
	(pc) =	sbr.abs _section_cstart, $3  }
0xc1: {  	[dreg:$0x1] =	wrdreg $0xFFFFFFFF  }
0xc2: {  	_ =	task.clear_ibuf [dreg:s6], $0x2FFFF;
	_ =	strace $0x9FFFFFFF  }
0xc3: {  	(tm) =	ssettm $0x7FFFFFFF  }
tec
execute0_lowered:
.L_overlay_start_1:
0x0: {  	(tag) =	ssettag $0x1  }
0x1: {  	s0 =	rddreg [dreg:$0x0]  }
0x2: {  	s1 =	srdreg.scid;
	s2 =	rddreg [dreg:$0x1]  }
0x3: {  	s25 =	stileid.u32;
	s3 =	rddreg [dreg:$0x2]  }
0x4: {  	s4 =	simm.s32 $0x0;
	s28 =	simm.s32 $0x1DEA8;
	s29 =	simm.s32 $0x18C00  }
0x5: {  	s30 =	simm.s32 $0x18C80;
	s31 =	simm.s32 $0x18D00;
	s7 =	sand.u32 $0x1, s1  }
0x6: {  	s5 =	smul.u32 $0xC400, s25;
	[smem:$0x7FF] =	sst s4;
	s12 =	sadd.s32 $0x63C00, s0  }
0x7: {  	s13 =	sor.u32 $0x10, s25;
	s16 =	sor.u32 $0x20, s25;
	s1 =	smul.u32 $0xC4000, s7  }
0x8: {  	s17 =	sor.u32 $0x30, s25;
	s18 =	sor.u32 $0x40, s25;
	s11 =	smul.u32 $0x186A00, s7  }
0x9: {  	s19 =	sor.u32 $0x50, s25;
	p0 =	sgt.u32 s25, $0x3;
	s15 =	smul.u32 $0x186A0, s7  }
0xa: {  	_ =	strace $0x80000047;
	s8 =	ssub.s32 $0x2, s7;
	s7 =	smul.u32 $0x3E80, s16  }
0xb: {  	s9 =	sshrl.u32 s8, $0x1;
	s1 =	sadd.s32 s5, s1;
	s5 =	smul.u32 $0x3E80, s25  }
0xc: {  	s24 =	sadd.s32 s11, s7;
	s7 =	sadd.s32 s7, s2;
	s1 =	sshrl.u32 s1, $0x3  }
0xd: {  	s20 =	sshrl.u32 s24, $0x3;
	s7 =	sshrl.u32 s7, $0x3;
	s6 =	sadd.s32 s5, s11  }
0xe: {  	s14 =	sadd.s32 s1, s0;
	s1 =	ssub.s32 s8, s9;
	s9 =	smul.u32 $0x3E80, s18  }
0xf: {  	s20 =	sadd.s32 s12, s20;
	s10 =	sshrl.u32 s6, $0x3;
	s6 =	smul.u32 $0x3E80, s13  }
0x10: {  	s18 =	smul.u32 $0x3E8, s18;
	s5 =	sadd.s32 s5, s2;
	[dreg:$0x1b] =	wrdreg s7  }
0x11: {  	[dreg:$0x9] =	wrdreg s20;
	s1 =	smax.u32 s1, $0x1;
	s22 =	sadd.s32 s11, s6  }
0x12: {  	s21 =	sadd.s32 s12, s10;
	[dreg:$0x16] =	wrdreg s1;
	s23 =	sshrl.u32 s22, $0x3  }
0x13: {  	s10 =	smul.u32 $0x3E80, s19;
	[dreg:$0x7] =	wrdreg s21;
	s8 =	sadd.s32 s12, s23  }
0x14: {  	s7 =	simm.s32 $0x18D80;
	[dreg:$0x8] =	wrdreg s8;
	s8 =	smul.u32 $0x3E80, s17  }
0x15: {  	s6 =	sadd.s32 s6, s2;
	s22 =	sadd.s32 s11, s9;
	s9 =	sadd.s32 s9, s2  }
0x16: {  	s23 =	sadd.s32 s11, s10;
	s22 =	sshrl.u32 s22, $0x3;
	s21 =	sadd.s32 s11, s8  }
0x17: {  	s10 =	sadd.s32 s10, s2;
	s26 =	sshrl.u32 s21, $0x3;
	s21 =	sor.u32 $0x60, s25  }
0x18: {  	s8 =	sadd.s32 s8, s2;
	s24 =	smul.u32 $0x3E80, s21;
	s20 =	sadd.s32 s12, s26  }
0x19: {  	s26 =	sshrl.u32 s23, $0x3;
	[dreg:$0xa] =	wrdreg s20;
	s20 =	sadd.s32 s12, s22  }
0x1a: {  	s21 =	smul.u32 $0x3E8, s21;
	s23 =	sadd.s32 s12, s26;
	[dreg:$0xb] =	wrdreg s20  }
0x1b: {  	s26 =	sadd.s32 $0x32C00, s14;
	[dreg:$0xc] =	wrdreg s23;
	s11 =	sadd.s32 s11, s24  }
0x1c: {  	s20 =	smul.u32 $0x3E8, s25;
	[dreg:$0x4] =	wrdreg s26;
	s11 =	sshrl.u32 s11, $0x3  }
0x1d: {  	s11 =	sadd.s32 s12, s11;
	s12 =	smul.u32 $0x3E8, s16;
	s16 =	sadd.s32 $0x1C00, s14  }
0x1e: {  	s22 =	sadd.s32 s20, s15;
	[dreg:$0xd] =	wrdreg s11;
	s11 =	smul.u32 $0x3E8, s13  }
0x1f: {  	[dreg:$0x5] =	wrdreg s16;
	s13 =	sshrl.u32 s22, $0x3;
	s22 =	sadd.s32 $0xC5800, s0  }
0x20: {  	s16 =	smul.u32 $0x3E8, s17;
	s26 =	sadd.s32 s15, s12;
	s13 =	sadd.s32 s22, s13  }
0x21: {  	s12 =	sadd.s32 s12, s3;
	s23 =	sadd.s32 s15, s11;
	s17 =	sshrl.u32 s26, $0x3  }
0x22: {  	[dreg:$0xe] =	wrdreg s13;
	s13 =	smul.u32 $0x3E8, s19;
	s26 =	sadd.s32 s15, s18  }
0x23: {  	s11 =	sadd.s32 s11, s3;
	s14 =	sshrl.u32 s23, $0x3;
	s17 =	sadd.s32 s22, s17  }
0x24: {  	s23 =	sadd.s32 s15, s16;
	s14 =	sadd.s32 s22, s14;
	[dreg:$0x10] =	wrdreg s17  }
0x25: {  	s17 =	sshrl.u32 s26, $0x3;
	s26 =	smul.u32 $0x61E0, s25;
	[dreg:$0xf] =	wrdreg s14  }
0x26: {  	s14 =	sshrl.u32 s23, $0x3;
	s19 =	sadd.s32 s22, s17;
	s23 =	sadd.s32 s15, s13  }
0x27: {  	s15 =	sadd.s32 s15, s21;
	s13 =	sadd.s32 s13, s3;
	s17 =	sadd.s32 s24, s2  }
0x28: {  	s14 =	sadd.s32 s22, s14;
	[dreg:$0x12] =	wrdreg s19;
	s26 =	sshrl.u32 s26, $0x2  }
0x29: {  	s24 =	sshrl.u32 s13, $0x3;
	[dreg:$0x11] =	wrdreg s14;
	s14 =	sshrl.u32 s23, $0x3  }
0x2a: {  	s23 =	simm.s32 $0x18800;
	[smem:$0x7F9] =	sst s24;
	s14 =	sadd.s32 s22, s14  }
0x2b: {  	[dreg:$0x6] =	wrdreg s23;
	s23 =	sadd.s32 s26, s3;
	s26 =	sadd.s32 s18, s3  }
0x2c: {  	s18 =	sadd.s32 s21, s3;
	s21 =	sshrl.u32 s10, $0x3;
	[dreg:$0x13] =	wrdreg s14  }
0x2d: {  	s19 =	sshrl.u32 s15, $0x3;
	s13 =	simm.s32 $0x0;
	[smem:$0x7F8] =	sst s21  }
0x2e: {  	s24 =	simm.s32 $0x18900;
	s14 =	sadd.s32 s22, s19;
	[dreg:$0x15] =	wrdreg s23  }
0x2f: {  	s19 =	sadd.s32 $0x188600, s0;
	s0 =	sshrl.u32 s5, $0x3;
	[dreg:$0x14] =	wrdreg s14  }
0x30: {  	s22 =	smul.u32 $0x61E00, s25;
	s5 =	sshrl.u32 s6, $0x3;
	[dreg:$0x17] =	wrdreg s0  }
0x31: {  	s6 =	sshrl.u32 s11, $0x3;
	s11 =	sshrl.u32 s12, $0x3;
	[dreg:$0x19] =	wrdreg s5  }
0x32: {  	s12 =	sshrl.u32 s8, $0x3;
	s25 =	sadd.s32 $0x828, s23;
	[dreg:$0x1a] =	wrdreg s6  }
0x33: {  	s21 =	simm.s32 $0x18880;
	s8 =	simm.s32 $0x18E80;
	[dreg:$0x1c] =	wrdreg s11  }
0x34: {  	s14 =	sadd.s32 s20, s3;
	s20 =	sadd.s32 s16, s3;
	[dreg:$0x1d] =	wrdreg s12  }
0x35: {  	s0 =	sshrl.u32 @!p0 s17, $0x3;
	[smem:$0x7FC] =	sst s25;
	s11 =	simm.s32 $0x1AF80  }
0x36: {  	s12 =	simm.s32 $0x2;
	s16 =	simm.s32 $0x80;
	s17 =	simm.s32 $0x18F80  }
0x37: {  	s25 =	simm.s32 $0x1A780;
	s5 =	simm.s32 $0x18A80;
	s6 =	simm.s32 $0x18B00  }
0x38: {  	s15 =	sshrl.u32 s22, $0x2;
	s1 =	sshrl.u32 s14, $0x3;
	[smem:$0x7FA] =	sst s0  }
0x39: {  	s14 =	sshrl.u32 s20, $0x3;
	s20 =	sshrl.u32 s26, $0x3;
	[dreg:$0x18] =	wrdreg s1  }
0x3a: {  	s0 =	sshrl.u32 @!p0 s18, $0x3;
	s26 =	sadd.s32 $0x1050, s23;
	[dreg:$0x1e] =	wrdreg s14  }
0x3b: {  	s18 =	simm.s32 $0x19780;
	s23 =	simm.s32 $0x19F80;
	[smem:$0x7F7] =	sst s20  }
0x3c: {  	s22 =	sadd.s32 s15, s2;
	s15 =	sshrl.u32 s9, $0x3;
	[smem:$0x7FB] =	sst s0  }
0x3d: {  	[smem:$0x7FD] =	sst s26;
	s14 =	simm.s32 $0x18780;
	s26 =	simm.s32 $0x1  }
0x3e: {  	s1 =	simm.s32 $0x18980;
	s0 =	simm.s32 $0x18A00;
	s20 =	simm.s32 $0x18E00  }
0x3f: {  	v0 =	vimm.f32 $0.0e+00;
	v1 =	vimm.f32 $1.000000000e+00;
	s9 =	simm.s32 $0x18F00;
	[dreg:$0x1f] =	wrdreg s15;
	s15 =	simm.s32 $0x18B80  }
.LBB2_1:
0x40: {  	[smem:$0x7F6] =	sst s13;
	s13 =	simm.s32 $0x40;
	s10 =	simm.s32 $0x0  }
.LBB2_2:
0x41: {  	p1 =	sne.s32 s13, $0x39C0;
	[tilespmem:s10+$0x1AF80] =	vst v0;
	s10 =	smov.u32 s13;
	s13 =	sadd.s32 $0x40, s13  }
.Ltmp0:
0x42: {  	(pc) =	sbr.rel @p1 .LBB2_2-.Ltmp0, $2  }
0x43: {  	_ =	sdelay $0x2  }
0x44: {  	s10 =	sshra.s32 s10, $0x2  }
0x45: {  	[tilespmem:s10+$0x1AF80] =	vst v0;
	s13 =	sadd.s32 $0x0, s22  }
0x46: {  	[spmem:s13] =	stream.linear.scatter [tilespmem:s11], [sflag:$0x2], $0xE80, $0x38;
	[tilespmem:$0x1DF28] =	vst v63  }
0x47: {  	s13 =	simm.s32 $0x3A00;
	_ =	swait.ge [sflag:s12], $0xE80  }
.LBB2_4:
0x48: {  	s10 =	sshra.s32 s13, $0x2;
	[sflag:s12] =	ssyncset.done $0x0;
	p1 =	sne.s32 s13, $0x5E400  }
.Ltmp1:
0x49: {  	s10 =	sadd.s32 s10, s22;
	[sflag:s12] =	ssyncadd.s32 $0xFFFFF180;
	(pc) =	sbr.rel @p1 .LBB2_4-.Ltmp1, $3  }
0x4a: {  	[spmem:s10] =	stream.linear.scatter [tilespmem:s11], [sflag:$0x2], $0xE80, $0x38;
	[tilespmem:$0x1DF28] =	vst v63  }
0x4b: {  	s13 =	sadd.s32 $0x3A00, s13;
	_ =	sdelay $0x1  }
0x4c: {  	_ =	swait.ge [sflag:s12], $0xE80  }
0x4d: {  	[sflag:s12] =	ssyncset.done $0x0  }
0x4e: {  	s13 =	simm.s32 $0x40;
	s10 =	simm.s32 $0x0;
	[sflag:s12] =	ssyncadd.s32 $0xFFFFF180  }
.LBB2_6:
0x4f: {  	p1 =	sne.s32 s13, $0x2080;
	[tilespmem:s10+$0x1D678] =	vst v0;
	s10 =	smov.u32 s13;
	s13 =	sadd.s32 $0x40, s13  }
.Ltmp2:
0x50: {  	(pc) =	sbr.rel @p1 .LBB2_6-.Ltmp2, $2  }
0x51: {  	_ =	sdelay $0x2  }
0x52: {  	s10 =	sshra.s32 s10, $0x2  }
0x53: {  	[tilespmem:s10+$0x1D678] =	vst v0;
	s13 =	rddreg [dreg:$0x15];
	s11 =	simm.s32 $0x1D678  }
0x54: {  	[spmem:s13] =	stream.linear.scatter [tilespmem:s11], [sflag:$0x2], $0x828, $0x38;
	[tilespmem:$0x1DF28] =	vst v63  }
0x55: {  	_ =	swait.ge [sflag:s12], $0x828  }
0x56: {  	s13 =	sld [smem:$0x7FC]  }
0x57: {  	[sflag:s12] =	ssyncset.done $0x0  }
0x58: {  	[sflag:s12] =	ssyncadd.s32 $0xFFFFF7D8  }
0x59: {  	[spmem:s13] =	stream.linear.scatter [tilespmem:s11], [sflag:$0x2], $0x828, $0x38;
	[tilespmem:$0x1DF28] =	vst v63  }
0x5a: {  	_ =	swait.ge [sflag:s12], $0x828  }
0x5b: {  	s13 =	sld [smem:$0x7FD]  }
0x5c: {  	[sflag:s12] =	ssyncset.done $0x0  }
0x5d: {  	[sflag:s12] =	ssyncadd.s32 $0xFFFFF7D8  }
0x5e: {  	[spmem:s13] =	stream.linear.scatter [tilespmem:s11], [sflag:$0x2], $0x828, $0x38;
	[tilespmem:$0x1DF28] =	vst v63  }
0x5f: {  	_ =	swait.ge [sflag:s12], $0x828  }
0x60: {  	[sflag:s12] =	ssyncset.done $0x0  }
0x61: {  	[sflag:s12] =	ssyncadd.s32 $0xFFFFF7D8  }
0x62: {  	[tilespmem:$0x1DEA8] =	vst v1  }
0x63: {  	[tilespmem:$0x1DEB8] =	vst v1  }
0x64: {  	[tilespmem:$0x1DEC8] =	vst v1  }
0x65: {  	[tilespmem:$0x1DED8] =	vst v1  }
0x66: {  	[tilespmem:$0x1DEE8] =	vst v1  }
0x67: {  	[tilespmem:$0x1DEF8] =	vst v1  }
0x68: {  	[tilespmem:$0x1DF08] =	vst v1  }
0x69: {  	[tilespmem:$0x1DF18] =	vst v1  }
0x6a: {  	[bflag:$0x0] =	sbarrier.arrive $0xFFFF  }
0x6b: {  	s13 =	rddreg [dreg:$0x5]  }
0x6c: {  	s10 =	sadd.s32 $0x0, s13  }
0x6d: {  	[tilespmem:s14], [sflag:$0x2] =	stream.linear.gather [hbm4b:s10+s4], $0x400, $0x38;
	[tilespmem:$0x1DF28] =	vst v63  }
0x6e: {  	_ =	swait.ge [sflag:s12], $0x400  }
0x6f: {  	s11 =	rddreg [dreg:$0x4];
	[sflag:s12] =	ssyncset.done $0x0  }
0x70: {  	[sflag:s12] =	ssyncadd.s32 $0xFFFFFC00;
	s10 =	sadd.s32 $0x0, s11  }
0x71: {  	[tilespmem:s15], [sflag:$0x2] =	stream.linear.gather [hbm4b:s10+s4], $0x400, $0x38;
	[tilespmem:$0x1DF28] =	vst v63  }
0x72: {  	_ =	swait.ge [sflag:s12], $0x400  }
0x73: {  	[sflag:s12] =	ssyncset.done $0x0  }
0x74: {  	[sflag:s12] =	ssyncadd.s32 $0xFFFFFC00  }
0x75: {  	[tilespmem:s17], [sflag:$0x1] =	stream.indirect.gather [hbm4b:s19+s16], $0x10, s14, s16, $0xb8;
	[tilespmem:$0x1DF28] =	vst v63  }
0x76: {  	s13 =	rddreg [dreg:$0x6]  }
0x77: {  	[tilespmem:s18], [sflag:$0x1] =	stream.indirect.gather [hbm4b:s19+s16], $0x10, s13, s16, $0xb8;
	[tilespmem:$0x1DF28] =	vst v63  }
0x78: {  	_ = 	snop  }
0x79: {  	[tilespmem:s23], [sflag:$0x1] =	stream.indirect.gather [hbm4b:s19+s16], $0x10, s21, s16, $0xb8;
	[tilespmem:$0x1DF28] =	vst v63  }
0x7a: {  	_ = 	snop  }
0x7b: {  	[tilespmem:s25], [sflag:$0x1] =	stream.indirect.gather [hbm4b:s19+s16], $0x10, s24, s16, $0xb8;
	[tilespmem:$0x1DF28] =	vst v63  }
0x7c: {  	_ =	swait.ge [sflag:s26], $0x800  }
0x7d: {  	[sflag:s26] =	ssyncset.done $0x0  }
0x7e: {  	[sflag:s26] =	ssyncadd.s32 $0xFFFFF800  }
0x7f: {  	_ =	swait.ge [sflag:s26], $0x800  }
0x80: {  	[sflag:s26] =	ssyncset.done $0x0  }
0x81: {  	[sflag:s26] =	ssyncadd.s32 $0xFFFFF800  }
0x82: {  	_ =	swait.ge [sflag:s26], $0x800  }
0x83: {  	[sflag:s26] =	ssyncset.done $0x0  }
0x84: {  	[sflag:s26] =	ssyncadd.s32 $0xFFFFF800  }
0x85: {  	_ =	swait.ge [sflag:s26], $0x800  }
0x86: {  	[sflag:s26] =	ssyncset.done $0x0  }
0x87: {  	[sflag:s26] =	ssyncadd.s32 $0xFFFFF800  }
0x88: {  	[spmem:s2] =	stream.indirect.scatter.add.f32 [tilespmem:s17], [sflag:$0x2], $0x10, s15, s16, $0xb8;
	[tilespmem:$0x1DF28] =	vst v63  }
0x89: {  	_ =	swait.ge [sflag:s12], $0x800  }
0x8a: {  	[sflag:s12] =	ssyncset.done $0x0  }
0x8b: {  	[sflag:s12] =	ssyncadd.s32 $0xFFFFF800  }
0x8c: {  	[spmem:s3] =	stream.indirect.scatter.add.f32 [tilespmem:s28], [sflag:$0x2], $0x1, s15, s16, $0xb8;
	[tilespmem:$0x1DF28] =	vst v63  }
0x8d: {  	_ =	swait.ge [sflag:s12], $0x80  }
0x8e: {  	[sflag:s12] =	ssyncset.done $0x0  }
0x8f: {  	[sflag:s12] =	ssyncadd.s32 $0xFFFFFF80  }
0x90: {  	[spmem:s2] =	stream.indirect.scatter.add.f32 [tilespmem:s18], [sflag:$0x2], $0x10, s29, s16, $0xb8;
	[tilespmem:$0x1DF28] =	vst v63  }
0x91: {  	_ =	swait.ge [sflag:s12], $0x800  }
0x92: {  	[sflag:s12] =	ssyncset.done $0x0  }
0x93: {  	[sflag:s12] =	ssyncadd.s32 $0xFFFFF800  }
0x94: {  	[spmem:s3] =	stream.indirect.scatter.add.f32 [tilespmem:s28], [sflag:$0x2], $0x1, s29, s16, $0xb8;
	[tilespmem:$0x1DF28] =	vst v63  }
0x95: {  	_ =	swait.ge [sflag:s12], $0x80  }
0x96: {  	[sflag:s12] =	ssyncset.done $0x0  }
0x97: {  	[sflag:s12] =	ssyncadd.s32 $0xFFFFFF80  }
0x98: {  	[spmem:s2] =	stream.indirect.scatter.add.f32 [tilespmem:s23], [sflag:$0x2], $0x10, s30, s16, $0xb8;
	[tilespmem:$0x1DF28] =	vst v63  }
0x99: {  	_ =	swait.ge [sflag:s12], $0x800  }
0x9a: {  	[sflag:s12] =	ssyncset.done $0x0  }
0x9b: {  	[sflag:s12] =	ssyncadd.s32 $0xFFFFF800  }
0x9c: {  	[spmem:s3] =	stream.indirect.scatter.add.f32 [tilespmem:s28], [sflag:$0x2], $0x1, s30, s16, $0xb8;
	[tilespmem:$0x1DF28] =	vst v63  }
0x9d: {  	_ =	swait.ge [sflag:s12], $0x80  }
0x9e: {  	[sflag:s12] =	ssyncset.done $0x0  }
0x9f: {  	[sflag:s12] =	ssyncadd.s32 $0xFFFFFF80  }
0xa0: {  	[spmem:s2] =	stream.indirect.scatter.add.f32 [tilespmem:s25], [sflag:$0x2], $0x10, s31, s16, $0xb8;
	[tilespmem:$0x1DF28] =	vst v63  }
0xa1: {  	_ =	swait.ge [sflag:s12], $0x800  }
0xa2: {  	[sflag:s12] =	ssyncset.done $0x0  }
0xa3: {  	[sflag:s12] =	ssyncadd.s32 $0xFFFFF800  }
0xa4: {  	[spmem:s3] =	stream.indirect.scatter.add.f32 [tilespmem:s28], [sflag:$0x2], $0x1, s31, s16, $0xb8;
	[tilespmem:$0x1DF28] =	vst v63  }
0xa5: {  	_ =	swait.ge [sflag:s12], $0x80  }
0xa6: {  	[sflag:s12] =	ssyncset.done $0x0  }
0xa7: {  	[sflag:s12] =	ssyncadd.s32 $0xFFFFFF80  }
0xa8: {  	[tilespmem:s17], [sflag:$0x1] =	stream.indirect.gather [hbm4b:s19+s16], $0x10, s1, s16, $0xb8;
	[tilespmem:$0x1DF28] =	vst v63  }
0xa9: {  	_ = 	snop  }
0xaa: {  	[tilespmem:s18], [sflag:$0x1] =	stream.indirect.gather [hbm4b:s19+s16], $0x10, s0, s16, $0xb8;
	[tilespmem:$0x1DF28] =	vst v63  }
0xab: {  	_ = 	snop  }
0xac: {  	[tilespmem:s23], [sflag:$0x1] =	stream.indirect.gather [hbm4b:s19+s16], $0x10, s5, s16, $0xb8;
	[tilespmem:$0x1DF28] =	vst v63  }
0xad: {  	_ = 	snop  }
0xae: {  	[tilespmem:s25], [sflag:$0x1] =	stream.indirect.gather [hbm4b:s19+s16], $0x10, s6, s16, $0xb8;
	[tilespmem:$0x1DF28] =	vst v63  }
0xaf: {  	_ =	swait.ge [sflag:s26], $0x800  }
0xb0: {  	[sflag:s26] =	ssyncset.done $0x0  }
0xb1: {  	[sflag:s26] =	ssyncadd.s32 $0xFFFFF800  }
0xb2: {  	_ =	swait.ge [sflag:s26], $0x800  }
0xb3: {  	[sflag:s26] =	ssyncset.done $0x0  }
0xb4: {  	[sflag:s26] =	ssyncadd.s32 $0xFFFFF800  }
0xb5: {  	_ =	swait.ge [sflag:s26], $0x800  }
0xb6: {  	[sflag:s26] =	ssyncset.done $0x0  }
0xb7: {  	[sflag:s26] =	ssyncadd.s32 $0xFFFFF800  }
0xb8: {  	_ =	swait.ge [sflag:s26], $0x800  }
0xb9: {  	[sflag:s26] =	ssyncset.done $0x0  }
0xba: {  	[sflag:s26] =	ssyncadd.s32 $0xFFFFF800  }
0xbb: {  	[spmem:s2] =	stream.indirect.scatter.add.f32 [tilespmem:s17], [sflag:$0x2], $0x10, s7, s16, $0xb8;
	[tilespmem:$0x1DF28] =	vst v63  }
0xbc: {  	_ =	swait.ge [sflag:s12], $0x800  }
0xbd: {  	[sflag:s12] =	ssyncset.done $0x0  }
0xbe: {  	[sflag:s12] =	ssyncadd.s32 $0xFFFFF800  }
0xbf: {  	[spmem:s3] =	stream.indirect.scatter.add.f32 [tilespmem:s28], [sflag:$0x2], $0x1, s7, s16, $0xb8;
	[tilespmem:$0x1DF28] =	vst v63  }
0xc0: {  	_ =	swait.ge [sflag:s12], $0x80  }
0xc1: {  	[sflag:s12] =	ssyncset.done $0x0  }
0xc2: {  	[sflag:s12] =	ssyncadd.s32 $0xFFFFFF80  }
0xc3: {  	[spmem:s2] =	stream.indirect.scatter.add.f32 [tilespmem:s18], [sflag:$0x2], $0x10, s20, s16, $0xb8;
	[tilespmem:$0x1DF28] =	vst v63  }
0xc4: {  	_ =	swait.ge [sflag:s12], $0x800  }
0xc5: {  	[sflag:s12] =	ssyncset.done $0x0  }
0xc6: {  	[sflag:s12] =	ssyncadd.s32 $0xFFFFF800  }
0xc7: {  	[spmem:s3] =	stream.indirect.scatter.add.f32 [tilespmem:s28], [sflag:$0x2], $0x1, s20, s16, $0xb8;
	[tilespmem:$0x1DF28] =	vst v63  }
0xc8: {  	_ =	swait.ge [sflag:s12], $0x80  }
0xc9: {  	[sflag:s12] =	ssyncset.done $0x0  }
0xca: {  	[sflag:s12] =	ssyncadd.s32 $0xFFFFFF80  }
0xcb: {  	[spmem:s2] =	stream.indirect.scatter.add.f32 [tilespmem:s23], [sflag:$0x2], $0x10, s8, s16, $0xb8;
	[tilespmem:$0x1DF28] =	vst v63  }
0xcc: {  	_ =	swait.ge [sflag:s12], $0x800  }
0xcd: {  	[sflag:s12] =	ssyncset.done $0x0  }
0xce: {  	[sflag:s12] =	ssyncadd.s32 $0xFFFFF800  }
0xcf: {  	[spmem:s3] =	stream.indirect.scatter.add.f32 [tilespmem:s28], [sflag:$0x2], $0x1, s8, s16, $0xb8;
	[tilespmem:$0x1DF28] =	vst v63  }
0xd0: {  	_ =	swait.ge [sflag:s12], $0x80  }
0xd1: {  	[sflag:s12] =	ssyncset.done $0x0  }
0xd2: {  	[sflag:s12] =	ssyncadd.s32 $0xFFFFFF80  }
0xd3: {  	[spmem:s2] =	stream.indirect.scatter.add.f32 [tilespmem:s25], [sflag:$0x2], $0x10, s9, s16, $0xb8;
	[tilespmem:$0x1DF28] =	vst v63  }
0xd4: {  	_ =	swait.ge [sflag:s12], $0x800  }
0xd5: {  	[sflag:s12] =	ssyncset.done $0x0  }
0xd6: {  	[sflag:s12] =	ssyncadd.s32 $0xFFFFF800  }
0xd7: {  	[spmem:s3] =	stream.indirect.scatter.add.f32 [tilespmem:s28], [sflag:$0x2], $0x1, s9, s16, $0xb8;
	[tilespmem:$0x1DF28] =	vst v63  }
0xd8: {  	s13 =	simm.s32 $0x80;
	_ =	swait.ge [sflag:s12], $0x80  }
.LBB2_8:
0xd9: {  	s10 =	rddreg [dreg:$0x5];
	s11 =	smov.u32 s13;
	[sflag:s12] =	ssyncset.done $0x0  }
0xda: {  	s10 =	sadd.s32 s11, s10;
	[sflag:s12] =	ssyncadd.s32 $0xFFFFFF80  }
0xdb: {  	[tilespmem:s14], [sflag:$0x2] =	stream.linear.gather [hbm4b:s10+s4], $0x400, $0x38;
	[tilespmem:$0x1DF28] =	vst v63  }
0xdc: {  	_ =	swait.ge [sflag:s12], $0x400  }
0xdd: {  	s10 =	rddreg [dreg:$0x4];
	[sflag:s12] =	ssyncset.done $0x0  }
0xde: {  	[sflag:s12] =	ssyncadd.s32 $0xFFFFFC00;
	s10 =	sadd.s32 s11, s10  }
0xdf: {  	[tilespmem:s15], [sflag:$0x2] =	stream.linear.gather [hbm4b:s10+s4], $0x400, $0x38;
	[tilespmem:$0x1DF28] =	vst v63  }
0xe0: {  	_ =	swait.ge [sflag:s12], $0x400  }
0xe1: {  	[sflag:s12] =	ssyncset.done $0x0  }
0xe2: {  	[sflag:s12] =	ssyncadd.s32 $0xFFFFFC00  }
0xe3: {  	[tilespmem:s17], [sflag:$0x1] =	stream.indirect.gather [hbm4b:s19+s16], $0x10, s14, s16, $0xb8;
	[tilespmem:$0x1DF28] =	vst v63  }
0xe4: {  	s11 =	rddreg [dreg:$0x6]  }
0xe5: {  	[tilespmem:s18], [sflag:$0x1] =	stream.indirect.gather [hbm4b:s19+s16], $0x10, s11, s16, $0xb8;
	[tilespmem:$0x1DF28] =	vst v63  }
0xe6: {  	_ = 	snop  }
0xe7: {  	[tilespmem:s23], [sflag:$0x1] =	stream.indirect.gather [hbm4b:s19+s16], $0x10, s21, s16, $0xb8;
	[tilespmem:$0x1DF28] =	vst v63  }
0xe8: {  	_ = 	snop  }
0xe9: {  	[tilespmem:s25], [sflag:$0x1] =	stream.indirect.gather [hbm4b:s19+s16], $0x10, s24, s16, $0xb8;
	[tilespmem:$0x1DF28] =	vst v63  }
0xea: {  	_ =	swait.ge [sflag:s26], $0x800  }
0xeb: {  	[sflag:s26] =	ssyncset.done $0x0  }
0xec: {  	[sflag:s26] =	ssyncadd.s32 $0xFFFFF800  }
0xed: {  	_ =	swait.ge [sflag:s26], $0x800  }
0xee: {  	[sflag:s26] =	ssyncset.done $0x0  }
0xef: {  	[sflag:s26] =	ssyncadd.s32 $0xFFFFF800  }
0xf0: {  	_ =	swait.ge [sflag:s26], $0x800  }
0xf1: {  	[sflag:s26] =	ssyncset.done $0x0  }
0xf2: {  	[sflag:s26] =	ssyncadd.s32 $0xFFFFF800  }
0xf3: {  	_ =	swait.ge [sflag:s26], $0x800  }
0xf4: {  	[sflag:s26] =	ssyncset.done $0x0  }
0xf5: {  	[sflag:s26] =	ssyncadd.s32 $0xFFFFF800  }
0xf6: {  	[spmem:s2] =	stream.indirect.scatter.add.f32 [tilespmem:s17], [sflag:$0x2], $0x10, s15, s16, $0xb8;
	[tilespmem:$0x1DF28] =	vst v63  }
0xf7: {  	_ =	swait.ge [sflag:s12], $0x800  }
0xf8: {  	[sflag:s12] =	ssyncset.done $0x0  }
0xf9: {  	[sflag:s12] =	ssyncadd.s32 $0xFFFFF800  }
0xfa: {  	[spmem:s3] =	stream.indirect.scatter.add.f32 [tilespmem:s28], [sflag:$0x2], $0x1, s15, s16, $0xb8;
	[tilespmem:$0x1DF28] =	vst v63  }
0xfb: {  	_ =	swait.ge [sflag:s12], $0x80  }
0xfc: {  	[sflag:s12] =	ssyncset.done $0x0  }
0xfd: {  	[sflag:s12] =	ssyncadd.s32 $0xFFFFFF80  }
0xfe: {  	[spmem:s2] =	stream.indirect.scatter.add.f32 [tilespmem:s18], [sflag:$0x2], $0x10, s29, s16, $0xb8;
	[tilespmem:$0x1DF28] =	vst v63  }
0xff: {  	_ =	swait.ge [sflag:s12], $0x800  }
0x100: {  	[sflag:s12] =	ssyncset.done $0x0  }
0x101: {  	[sflag:s12] =	ssyncadd.s32 $0xFFFFF800  }
0x102: {  	[spmem:s3] =	stream.indirect.scatter.add.f32 [tilespmem:s28], [sflag:$0x2], $0x1, s29, s16, $0xb8;
	[tilespmem:$0x1DF28] =	vst v63  }
0x103: {  	_ =	swait.ge [sflag:s12], $0x80  }
0x104: {  	[sflag:s12] =	ssyncset.done $0x0  }
0x105: {  	[sflag:s12] =	ssyncadd.s32 $0xFFFFFF80  }
0x106: {  	[spmem:s2] =	stream.indirect.scatter.add.f32 [tilespmem:s23], [sflag:$0x2], $0x10, s30, s16, $0xb8;
	[tilespmem:$0x1DF28] =	vst v63  }
0x107: {  	_ =	swait.ge [sflag:s12], $0x800  }
0x108: {  	[sflag:s12] =	ssyncset.done $0x0  }
0x109: {  	[sflag:s12] =	ssyncadd.s32 $0xFFFFF800  }
0x10a: {  	[spmem:s3] =	stream.indirect.scatter.add.f32 [tilespmem:s28], [sflag:$0x2], $0x1, s30, s16, $0xb8;
	[tilespmem:$0x1DF28] =	vst v63  }
0x10b: {  	_ =	swait.ge [sflag:s12], $0x80  }
0x10c: {  	[sflag:s12] =	ssyncset.done $0x0  }
0x10d: {  	[sflag:s12] =	ssyncadd.s32 $0xFFFFFF80  }
0x10e: {  	[spmem:s2] =	stream.indirect.scatter.add.f32 [tilespmem:s25], [sflag:$0x2], $0x10, s31, s16, $0xb8;
	[tilespmem:$0x1DF28] =	vst v63  }
0x10f: {  	_ =	swait.ge [sflag:s12], $0x800  }
0x110: {  	[sflag:s12] =	ssyncset.done $0x0  }
0x111: {  	[sflag:s12] =	ssyncadd.s32 $0xFFFFF800  }
0x112: {  	[spmem:s3] =	stream.indirect.scatter.add.f32 [tilespmem:s28], [sflag:$0x2], $0x1, s31, s16, $0xb8;
	[tilespmem:$0x1DF28] =	vst v63  }
0x113: {  	_ =	swait.ge [sflag:s12], $0x80  }
0x114: {  	[sflag:s12] =	ssyncset.done $0x0  }
0x115: {  	[sflag:s12] =	ssyncadd.s32 $0xFFFFFF80  }
0x116: {  	[tilespmem:s17], [sflag:$0x1] =	stream.indirect.gather [hbm4b:s19+s16], $0x10, s1, s16, $0xb8;
	[tilespmem:$0x1DF28] =	vst v63  }
0x117: {  	_ = 	snop  }
0x118: {  	[tilespmem:s18], [sflag:$0x1] =	stream.indirect.gather [hbm4b:s19+s16], $0x10, s0, s16, $0xb8;
	[tilespmem:$0x1DF28] =	vst v63  }
0x119: {  	_ = 	snop  }
0x11a: {  	[tilespmem:s23], [sflag:$0x1] =	stream.indirect.gather [hbm4b:s19+s16], $0x10, s5, s16, $0xb8;
	[tilespmem:$0x1DF28] =	vst v63  }
0x11b: {  	_ = 	snop  }
0x11c: {  	[tilespmem:s25], [sflag:$0x1] =	stream.indirect.gather [hbm4b:s19+s16], $0x10, s6, s16, $0xb8;
	[tilespmem:$0x1DF28] =	vst v63  }
0x11d: {  	_ =	swait.ge [sflag:s26], $0x800  }
0x11e: {  	[sflag:s26] =	ssyncset.done $0x0  }
0x11f: {  	[sflag:s26] =	ssyncadd.s32 $0xFFFFF800  }
0x120: {  	_ =	swait.ge [sflag:s26], $0x800  }
0x121: {  	[sflag:s26] =	ssyncset.done $0x0  }
0x122: {  	[sflag:s26] =	ssyncadd.s32 $0xFFFFF800  }
0x123: {  	_ =	swait.ge [sflag:s26], $0x800  }
0x124: {  	[sflag:s26] =	ssyncset.done $0x0  }
0x125: {  	[sflag:s26] =	ssyncadd.s32 $0xFFFFF800  }
0x126: {  	_ =	swait.ge [sflag:s26], $0x800  }
0x127: {  	[sflag:s26] =	ssyncset.done $0x0  }
0x128: {  	[sflag:s26] =	ssyncadd.s32 $0xFFFFF800  }
0x129: {  	[spmem:s2] =	stream.indirect.scatter.add.f32 [tilespmem:s17], [sflag:$0x2], $0x10, s7, s16, $0xb8;
	[tilespmem:$0x1DF28] =	vst v63  }
0x12a: {  	_ =	swait.ge [sflag:s12], $0x800  }
0x12b: {  	[sflag:s12] =	ssyncset.done $0x0  }
0x12c: {  	[sflag:s12] =	ssyncadd.s32 $0xFFFFF800  }
0x12d: {  	[spmem:s3] =	stream.indirect.scatter.add.f32 [tilespmem:s28], [sflag:$0x2], $0x1, s7, s16, $0xb8;
	[tilespmem:$0x1DF28] =	vst v63  }
0x12e: {  	_ =	swait.ge [sflag:s12], $0x80  }
0x12f: {  	[sflag:s12] =	ssyncset.done $0x0  }
0x130: {  	[sflag:s12] =	ssyncadd.s32 $0xFFFFFF80  }
0x131: {  	[spmem:s2] =	stream.indirect.scatter.add.f32 [tilespmem:s18], [sflag:$0x2], $0x10, s20, s16, $0xb8;
	[tilespmem:$0x1DF28] =	vst v63  }
0x132: {  	_ =	swait.ge [sflag:s12], $0x800  }
0x133: {  	[sflag:s12] =	ssyncset.done $0x0  }
0x134: {  	[sflag:s12] =	ssyncadd.s32 $0xFFFFF800  }
0x135: {  	[spmem:s3] =	stream.indirect.scatter.add.f32 [tilespmem:s28], [sflag:$0x2], $0x1, s20, s16, $0xb8;
	[tilespmem:$0x1DF28] =	vst v63  }
0x136: {  	_ =	swait.ge [sflag:s12], $0x80  }
0x137: {  	[sflag:s12] =	ssyncset.done $0x0  }
0x138: {  	[sflag:s12] =	ssyncadd.s32 $0xFFFFFF80  }
0x139: {  	[spmem:s2] =	stream.indirect.scatter.add.f32 [tilespmem:s23], [sflag:$0x2], $0x10, s8, s16, $0xb8;
	[tilespmem:$0x1DF28] =	vst v63  }
0x13a: {  	_ =	swait.ge [sflag:s12], $0x800  }
0x13b: {  	[sflag:s12] =	ssyncset.done $0x0  }
0x13c: {  	[sflag:s12] =	ssyncadd.s32 $0xFFFFF800  }
0x13d: {  	[spmem:s3] =	stream.indirect.scatter.add.f32 [tilespmem:s28], [sflag:$0x2], $0x1, s8, s16, $0xb8;
	[tilespmem:$0x1DF28] =	vst v63  }
0x13e: {  	_ =	swait.ge [sflag:s12], $0x80  }
0x13f: {  	[sflag:s12] =	ssyncset.done $0x0  }
0x140: {  	p1 =	sne.s32 s13, $0x1800;
	[sflag:s12] =	ssyncadd.s32 $0xFFFFFF80  }
0x141: {  	[spmem:s2] =	stream.indirect.scatter.add.f32 [tilespmem:s25], [sflag:$0x2], $0x10, s9, s16, $0xb8;
	[tilespmem:$0x1DF28] =	vst v63  }
.Ltmp3:
0x142: {  	_ =	swait.ge [sflag:s12], $0x800;
	(pc) =	sbr.rel @p1 .LBB2_8-.Ltmp3, $4  }
0x143: {  	[sflag:s12] =	ssyncset.done $0x0  }
0x144: {  	[sflag:s12] =	ssyncadd.s32 $0xFFFFF800  }
0x145: {  	[spmem:s3] =	stream.indirect.scatter.add.f32 [tilespmem:s28], [sflag:$0x2], $0x1, s9, s16, $0xb8;
	[tilespmem:$0x1DF28] =	vst v63  }
0x146: {  	s13 =	sadd.s32 $0x80, s13;
	_ =	swait.ge [sflag:s12], $0x80  }
0x147: {  	[sflag:s12] =	ssyncset.done $0x0  }
0x148: {  	[sflag:s12] =	ssyncadd.s32 $0xFFFFFF80  }
0x149: {  	s10 =	stileid.u32;
	[bflag:$0x0] =	sbarrier.arrive $0xFFFF  }
0x14a: {  	s10 =	sshll.u32 s10, $0x6;
	s11 =	rddreg [dreg:$0x7]  }
0x14b: {  	s10 =	sor.u32 $0x1C02, s10;
	s13 =	rddreg [dreg:$0x17]  }
0x14c: {  	[hbm:s11], [sflag:s10] =	dma.local [spmem:s13], $0x7D0  }
0x14d: {  	_ =	swait.ge [sflag:s12], $0x7D0  }
0x14e: {  	[sflag:s12] =	ssyncset.done $0x0;
	s11 =	rddreg [dreg:$0xe]  }
0x14f: {  	s13 =	rddreg [dreg:$0x18];
	[sflag:s12] =	ssyncadd.s32 $0xFFFFF830  }
0x150: {  	[hbm:s11], [sflag:s10] =	dma.local [spmem:s13], $0x7D  }
0x151: {  	_ =	swait.ge [sflag:s12], $0x7D  }
0x152: {  	[sflag:s12] =	ssyncset.done $0x0;
	s11 =	rddreg [dreg:$0x8]  }
0x153: {  	s13 =	rddreg [dreg:$0x19];
	[sflag:s12] =	ssyncadd.s32 $0xFFFFFF83  }
0x154: {  	[hbm:s11], [sflag:s10] =	dma.local [spmem:s13], $0x7D0  }
0x155: {  	_ =	swait.ge [sflag:s12], $0x7D0  }
0x156: {  	[sflag:s12] =	ssyncset.done $0x0;
	s11 =	rddreg [dreg:$0xf]  }
0x157: {  	s13 =	rddreg [dreg:$0x1a];
	[sflag:s12] =	ssyncadd.s32 $0xFFFFF830  }
0x158: {  	[hbm:s11], [sflag:s10] =	dma.local [spmem:s13], $0x7D  }
0x159: {  	_ =	swait.ge [sflag:s12], $0x7D  }
0x15a: {  	[sflag:s12] =	ssyncset.done $0x0;
	s11 =	rddreg [dreg:$0x9]  }
0x15b: {  	s13 =	rddreg [dreg:$0x1b];
	[sflag:s12] =	ssyncadd.s32 $0xFFFFFF83  }
0x15c: {  	[hbm:s11], [sflag:s10] =	dma.local [spmem:s13], $0x7D0  }
0x15d: {  	_ =	swait.ge [sflag:s12], $0x7D0  }
0x15e: {  	[sflag:s12] =	ssyncset.done $0x0;
	s11 =	rddreg [dreg:$0x10]  }
0x15f: {  	s13 =	rddreg [dreg:$0x1c];
	[sflag:s12] =	ssyncadd.s32 $0xFFFFF830  }
0x160: {  	[hbm:s11], [sflag:s10] =	dma.local [spmem:s13], $0x7D  }
0x161: {  	_ =	swait.ge [sflag:s12], $0x7D  }
0x162: {  	[sflag:s12] =	ssyncset.done $0x0;
	s11 =	rddreg [dreg:$0xa]  }
0x163: {  	s13 =	rddreg [dreg:$0x1d];
	[sflag:s12] =	ssyncadd.s32 $0xFFFFFF83  }
0x164: {  	[hbm:s11], [sflag:s10] =	dma.local [spmem:s13], $0x7D0  }
0x165: {  	_ =	swait.ge [sflag:s12], $0x7D0  }
0x166: {  	[sflag:s12] =	ssyncset.done $0x0;
	s11 =	rddreg [dreg:$0x11]  }
0x167: {  	s13 =	rddreg [dreg:$0x1e];
	[sflag:s12] =	ssyncadd.s32 $0xFFFFF830  }
0x168: {  	[hbm:s11], [sflag:s10] =	dma.local [spmem:s13], $0x7D  }
0x169: {  	_ =	swait.ge [sflag:s12], $0x7D  }
0x16a: {  	[sflag:s12] =	ssyncset.done $0x0;
	s11 =	rddreg [dreg:$0xb]  }
0x16b: {  	s13 =	rddreg [dreg:$0x1f];
	[sflag:s12] =	ssyncadd.s32 $0xFFFFFF83  }
0x16c: {  	[hbm:s11], [sflag:s10] =	dma.local [spmem:s13], $0x7D0  }
0x16d: {  	_ =	swait.ge [sflag:s12], $0x7D0  }
0x16e: {  	s13 =	sld [smem:$0x7F7]  }
0x16f: {  	[sflag:s12] =	ssyncset.done $0x0  }
0x170: {  	s11 =	rddreg [dreg:$0x12];
	[sflag:s12] =	ssyncadd.s32 $0xFFFFF830  }
0x171: {  	[hbm:s11], [sflag:s10] =	dma.local [spmem:s13], $0x7D  }
0x172: {  	_ =	swait.ge [sflag:s12], $0x7D  }
0x173: {  	s13 =	sld [smem:$0x7F8]  }
0x174: {  	[sflag:s12] =	ssyncset.done $0x0  }
0x175: {  	s11 =	rddreg [dreg:$0xc];
	[sflag:s12] =	ssyncadd.s32 $0xFFFFFF83  }
0x176: {  	[hbm:s11], [sflag:s10] =	dma.local [spmem:s13], $0x7D0  }
0x177: {  	_ =	swait.ge [sflag:s12], $0x7D0  }
0x178: {  	s13 =	sld [smem:$0x7F9]  }
0x179: {  	[sflag:s12] =	ssyncset.done $0x0  }
0x17a: {  	s11 =	rddreg [dreg:$0x13];
	[sflag:s12] =	ssyncadd.s32 $0xFFFFF830  }
0x17b: {  	[hbm:s11], [sflag:s10] =	dma.local [spmem:s13], $0x7D  }
0x17c: {  	_ =	swait.ge [sflag:s12], $0x7D  }
0x17d: {  	s13 =	sld [smem:$0x7FA]  }
0x17e: {  	[sflag:s12] =	ssyncset.done $0x0  }
0x17f: {  	s11 =	rddreg [dreg:$0xd];
	[sflag:s12] =	ssyncadd.s32 $0xFFFFFF83  }
0x180: {  	[hbm:s11], [sflag:s10] =	dma.local @!p0 [spmem:s13], $0x7D0  }
0x181: {  	s11 =	simm.s32 @!p0 $0x2  }
0x182: {  	_ =	swait.ge @!p0 [sflag:s11], $0x7D0  }
0x183: {  	[sflag:s11] =	ssyncset.done @!p0 $0x0  }
0x184: {  	[sflag:s11] =	ssyncadd.s32 @!p0 $0xFFFFF830;
	s11 =	sld [smem:$0x7FB];
	_ =	sdelay $0x1  }
0x185: {  	s13 =	rddreg [dreg:$0x14]  }
0x186: {  	[hbm:s13], [sflag:s10] =	dma.local @!p0 [spmem:s11], $0x7D  }
0x187: {  	s10 =	simm.s32 @!p0 $0x2  }
0x188: {  	_ =	swait.ge @!p0 [sflag:s10], $0x7D  }
0x189: {  	s11 =	sld [smem:$0x7F6];
	_ =	sdelay $0x2  }
0x18a: {  	[sflag:s10] =	ssyncset.done @!p0 $0x0;
	s10 =	rddreg [dreg:$0x16];
	s13 =	sadd.s32 $0x1, s11  }
0x18b: {  	p1 =	sne.s32 s13, s10  }
.Ltmp4:
0x18c: {  	_ = 	snop;
	(pc) =	sbr.rel @p1 .LBB2_1-.Ltmp4, $3  }
0x18d: {  	_ =	sdelay $0x1  }
0x18e: {  	s11 =	simm.s32 @!p0 $0x2  }
0x18f: {  	[sflag:s11] =	ssyncadd.s32 @!p0 $0xFFFFFF83;
	s11 =	simm.s32 $0x1AF80  }
0x190: {  	_ =	sfence.sel $0x180000  }
0x191: {  	[bflag:$0x0] =	sbarrier.arrive $0xFFFF  }
0x192: {  	_ =	strace $0x90000047  }
0x193: {  	s0 =	stileid.u32;
	[bflag:$0x2] =	sbarrier.arrive $0xFFFF  }
0x194: {  	p0 =	sne.s32 s0, $0x0;
	s0 =	rddreg [dreg:$0x3]  }
0x195: {  	s0 =	sadd.s32 @!p0 $0x100000, s0  }
0x196: {  	[sflag:s0] =	ssyncadd.tile.s32 @!p0 $0x1;
	_ =	shalt  }
.Lfunc_end2:
_tile_overlayer_lowered:
.L_overlay_start_2:
0x197: {  	(tag) =	ssettag $0x2  }
0x198: {  	s0 =	rddreg [dreg:$0x0];
	s2 =	stileid.u32  }
0x199: {  	s1 =	rddreg [dreg:$0x1];
	p0 =	sne.s32 s2, $0x0  }
0x19a: {  	s3 =	rddreg [dreg:$0x2];
	[bflag:$0x3] =	sbarrier.arrive $0xFFFF;
	s2 =	simm.s32 @!p0 $0x1C02  }
0x19b: {  	[timem:s3], [sflag:s2] =	dma.local @!p0 [hbm:s0], s1  }
0x19c: {  	s0 =	simm.s32 @!p0 $0x2  }
0x19d: {  	_ =	swait.ge @!p0 [sflag:s0], s1  }
0x19e: {  	s1 =	ssub.s32 @!p0 $0x0, s1;
	[sflag:s0] =	ssyncset.done @!p0 $0x0  }
0x19f: {  	[sflag:s0] =	ssyncadd.s32 @!p0 s1  }
0x1a0: {  	[bflag:$0x3] =	sbarrier.arrive $0xFFFF  }
0x1a1: {  	_ =	shalt  }

</sc_bundles>
